<compile_context>
chip_gen: v7x
topology: tpu7x:2x2x1
jax: 0.10.2.dev20260603
libtpu: 0.0.44.dev20260713+nightly
codegen_flags: <defaults>
</compile_context>

<pallas_src>
import functools

import jax
import jax.numpy as jnp
from jax import lax
from jax.experimental import pallas as pl
from jax.experimental.pallas import tpu as pltpu
from jax.experimental.pallas import tpu_sc as plsc

_VOCAB = 1000
_EMB = 32
_SBLK = 4
_H = 5


def _make_gather(n_tokens: int):
    info = plsc.get_sparse_core_info()
    nw = info.num_cores * info.num_subcores
    per_w = n_tokens // nw
    assert n_tokens % (8 * nw) == 0
    chunk = per_w // 20
    n_chunks = per_w // chunk
    assert per_w % (2 * chunk) == 0 and chunk % 8 == 0
    mesh = plsc.VectorSubcoreMesh(core_axis_name="c", subcore_axis_name="s")

    @functools.partial(
        pl.kernel,
        mesh=mesh,
        out_type=jax.ShapeDtypeStruct((n_tokens, _EMB), jnp.float32),
        scratch_types=[
            pltpu.VMEM((per_w,), jnp.int32),
            pltpu.VMEM((chunk, _EMB), jnp.float32),
            pltpu.VMEM((chunk, _EMB), jnp.float32),
            pltpu.SemaphoreType.DMA,
            pltpu.SemaphoreType.DMA,
            pltpu.SemaphoreType.DMA,
            pltpu.SemaphoreType.DMA,
        ],
        compiler_params=pltpu.CompilerParams(use_tc_tiling_on_sc=False),
    )
    def gather_k(emb_hbm, idx_hbm, out_hbm, idx_v, buf0, buf1,
                 gsem0, gsem1, wsem0, wsem1):
        wid = lax.axis_index("s") * info.num_cores + lax.axis_index("c")
        base = wid * per_w
        pltpu.sync_copy(idx_hbm.at[pl.ds(base, per_w)], idx_v)

        def start_gather(g, buf, sem):
            off = pl.multiple_of(g * chunk, 8)
            pltpu.async_copy(emb_hbm.at[idx_v.at[pl.ds(off, chunk)]],
                             buf, sem)

        def wait_gather(buf, sem):
            pltpu.make_async_copy(emb_hbm.at[pl.ds(0, chunk)], buf,
                                  sem).wait()

        def start_write(g, buf, sem):
            off = pl.multiple_of(g * chunk, 8)
            pltpu.async_copy(buf, out_hbm.at[pl.ds(base + off, chunk)], sem)

        def wait_write(buf, sem):
            pltpu.make_async_copy(buf, out_hbm.at[pl.ds(base, chunk)],
                                  sem).wait()

        start_gather(0, buf0, gsem0)
        start_gather(1, buf1, gsem1)

        def body(k, _):
            wait_gather(buf0, gsem0)
            start_write(2 * k, buf0, wsem0)
            wait_gather(buf1, gsem1)
            start_write(2 * k + 1, buf1, wsem1)

            @pl.when(k + 1 < n_chunks // 2)
            def _():
                wait_write(buf0, wsem0)
                start_gather(2 * k + 2, buf0, gsem0)
                wait_write(buf1, wsem1)
                start_gather(2 * k + 3, buf1, gsem1)
            return _

        lax.fori_loop(0, n_chunks // 2, body, None)
        wait_write(buf0, wsem0)
        wait_write(buf1, wsem1)

    return gather_k


def _proj_first(x_ref, w_ref, b_ref, out_ref):
    for s in range(_SBLK):
        for j in range(4):
            out_ref[s, :, 256 * j:256 * (j + 1)] = lax.dot_general(
                w_ref[...], x_ref[s, :, 32 * j:32 * (j + 1)],
                dimension_numbers=(((1,), (1,)), ((), ())),
                preferred_element_type=jnp.float32,
            ) + b_ref[...]


def _proj_next(buf_ref, x_ref, w_ref, b_ref, out_ref):
    del buf_ref
    _proj_first(x_ref, w_ref, b_ref, out_ref)


def kernel(idx, emb, W, b):
    bsz, seq = idx.shape
    s_per = seq // _H
    n_h = bsz * s_per
    gather = _make_gather(n_h)
    b_col = b.reshape(_VOCAB, 1)

    out_shape = jax.ShapeDtypeStruct((seq, _VOCAB, bsz), jnp.float32)
    x_spec = pl.BlockSpec((_SBLK, bsz // 4, 4 * _EMB), lambda i: (i, 0, 0))
    w_spec = pl.BlockSpec((_VOCAB, _EMB), lambda i: (0, 0))
    b_spec = pl.BlockSpec((_VOCAB, 1), lambda i: (0, 0))
    params = pltpu.CompilerParams(dimension_semantics=("arbitrary",),
                                  vmem_limit_bytes=100 * 1024 * 1024)

    perm = (jnp.arange(bsz) % 4) * (bsz // 4) + jnp.arange(bsz) // 4
    idx_p = idx[perm, :]

    out = None
    for h in range(_H):
        flat_idx = idx_p[:, h * s_per:(h + 1) * s_per].T.reshape(n_h)
        x = gather(emb, flat_idx).reshape(s_per, bsz // 4, 4 * _EMB)

        off = h * (s_per // _SBLK)
        out_spec = pl.BlockSpec((_SBLK, _VOCAB, bsz),
                                lambda i, o=off: (o + i, 0, 0))
        if h == 0:
            out = pl.pallas_call(
                _proj_first,
                grid=(s_per // _SBLK,),
                in_specs=[x_spec, w_spec, b_spec],
                out_specs=out_spec,
                out_shape=out_shape,
                compiler_params=params,
            )(x, W, b_col)
        else:
            out = pl.pallas_call(
                _proj_next,
                grid=(s_per // _SBLK,),
                in_specs=[pl.BlockSpec(memory_space=pl.ANY),
                          x_spec, w_spec, b_spec],
                out_specs=out_spec,
                out_shape=out_shape,
                input_output_aliases={0: 0},
                compiler_params=params,
            )(out, x, W, b_col)

    return jnp.transpose(out, (2, 0, 1))

# --- scband reference (transcript-rebuilt; emitter-appended) ---
"""Pipeline reference for scband-ognjen-aimodel-88622355185894 (READ-ONLY COPY).

The authoritative reference and input builder live on the scoring server;
editing this copy changes nothing except your own understanding.
"""

import jax, jax.numpy as jnp
import numpy as np

VOCAB = 1000
EMB_DIM = 32
BATCH = 1024
SEQ = 200

def setup_inputs(seed: int = 0) -> dict:
    key = jax.random.key(seed)
    k1, k2, k3, k4 = jax.random.split(key, 4)
    idx = jax.random.randint(k1, (BATCH, SEQ), 0, VOCAB, dtype=jnp.int64 if jax.config.jax_enable_x64 else jnp.int32).astype(jnp.int32)
    emb = jax.random.normal(k2, (VOCAB, EMB_DIM), dtype=jnp.float32)
    W = jax.random.normal(k3, (VOCAB, EMB_DIM), dtype=jnp.float32) * 0.1  # torch Linear weight [out, in]
    b = jax.random.normal(k4, (VOCAB,), dtype=jnp.float32) * 0.01
    return {"idx": idx, "emb": emb, "W": W, "b": b}

def reference(idx, emb, W, b):
    # token_embedding_table(idx): gather rows from embedding table
    x = jnp.take(emb, idx, axis=0)          # [B, S, 32]
    # lm_head: Linear(32 -> vocab), y = x @ W.T + b
    logits = x @ W.T + b                     # [B, S, vocab]
    return logits

if __name__ == "__main__":
    import jax
    _d = setup_inputs()
    print(jax.jit(kernel)(*tuple(_d.values())))

</pallas_src>

<mosaic_0001>
#map = affine_map<(d0, d1) -> (0, 0)>
#map1 = affine_map<(d0, d1) -> (0)>
module attributes {stable_mosaic.version = 14 : i64} {
  func.func @gather_k(%arg0: i32, %arg1: i32, %arg2: memref<1000x32xf32, #tpu.memory_space<hbm>>, %arg3: memref<40960xi32, #tpu.memory_space<hbm>>, %arg4: memref<40960x32xf32, #tpu.memory_space<hbm>>, %arg5: memref<1280xi32, #tpu.memory_space<vmem>>, %arg6: memref<64x32xf32, #tpu.memory_space<vmem>>, %arg7: memref<64x32xf32, #tpu.memory_space<vmem>>, %arg8: memref<!tpu.dma_semaphore, #tpu.memory_space<semaphore_mem>>, %arg9: memref<!tpu.dma_semaphore, #tpu.memory_space<semaphore_mem>>, %arg10: memref<!tpu.dma_semaphore, #tpu.memory_space<semaphore_mem>>, %arg11: memref<!tpu.dma_semaphore, #tpu.memory_space<semaphore_mem>>) attributes {dimension_semantics = [#tpu.dimension_semantics<core_parallel>, #tpu.dimension_semantics<subcore_parallel>], iteration_bounds = array<i64: 2, 16>, scalar_prefetch = 0 : i64, scratch_operands = 7 : i64, tpu.core_type = #tpu.core_type<sc_vector_subcore>, window_params = [{transform_indices = #map}, {transform_indices = #map1}, {transform_indices = #map}]} {
    %mul3A = arith.constant 2 : i32
    %mul3A_0 = arith.muli %arg1, %mul3A : i32
    %add3A = arith.addi %mul3A_0, %arg0 : i32
    %mul3A_1 = arith.constant 1280 : i32
    %mul3A_2 = arith.muli %add3A, %mul3A_1 : i32
    "tpu.region"() ({
      %run_scoped3A = tpu.sem_alloc : memref<!tpu.dma_semaphore, #tpu.memory_space<semaphore_mem>>
      %dma_start3A_24 = tpu.memref_slice %arg3[%mul3A_2] : memref<40960xi32, #tpu.memory_space<hbm>> -> memref<1280xi32, #tpu.memory_space<hbm>>
      %dma_start3A_25 = tpu.memref_slice %arg3[%mul3A_2] : memref<40960xi32, #tpu.memory_space<hbm>> -> memref<1280xi32, #tpu.memory_space<hbm>>
      tpu.enqueue_dma source(%dma_start3A_25 : memref<1280xi32, #tpu.memory_space<hbm>>) target(%arg5 : memref<1280xi32, #tpu.memory_space<vmem>>) target_semaphore(%run_scoped3A : memref<!tpu.dma_semaphore, #tpu.memory_space<semaphore_mem>>)
      %dma_wait3A_26 = tpu.memref_slice %arg3[%mul3A_2] : memref<40960xi32, #tpu.memory_space<hbm>> -> memref<1280xi32, #tpu.memory_space<hbm>>
      %dma_wait3A_27 = tpu.memref_slice %arg3[%mul3A_2] : memref<40960xi32, #tpu.memory_space<hbm>> -> memref<1280xi32, #tpu.memory_space<hbm>>
      tpu.wait_dma2 semaphore(%run_scoped3A : memref<!tpu.dma_semaphore, #tpu.memory_space<semaphore_mem>>) src(%dma_wait3A_27 : memref<1280xi32, #tpu.memory_space<hbm>>) dst(%arg5 : memref<1280xi32, #tpu.memory_space<vmem>>)
      tpu.yield
    }) : () -> ()
    %multiple_of3A = arith.constant 0 : i32
    %multiple_of3A_3 = tpu.assume_multiple %multiple_of3A, 8 : i32
    %dma_start3A = tpu.memref_slice %arg5[%multiple_of3A_3] : memref<1280xi32, #tpu.memory_space<vmem>> -> memref<64xi32, #tpu.memory_space<vmem>>
    %dma_start3A_4 = arith.constant 0 : i32
    %dma_start3A_5 = arith.constant 0 : i32
    %dma_start3A_6 = tpu.memref_slice %arg2[%dma_start3A_4, %dma_start3A_5] : memref<1000x32xf32, #tpu.memory_space<hbm>> -> memref<1000x32xf32, #tpu.memory_space<hbm>>
    tpu.enqueue_indirect_dma source(%dma_start3A_6 : memref<1000x32xf32, #tpu.memory_space<hbm>>) target(%arg6 : memref<64x32xf32, #tpu.memory_space<vmem>>) offsets(%dma_start3A : memref<64xi32, #tpu.memory_space<vmem>>) semaphore(%arg8 : memref<!tpu.dma_semaphore, #tpu.memory_space<semaphore_mem>>)
    %multiple_of3A_7 = arith.constant 64 : i32
    %multiple_of3A_8 = tpu.assume_multiple %multiple_of3A_7, 8 : i32
    %dma_start3A_9 = tpu.memref_slice %arg5[%multiple_of3A_8] : memref<1280xi32, #tpu.memory_space<vmem>> -> memref<64xi32, #tpu.memory_space<vmem>>
    %dma_start3A_10 = arith.constant 0 : i32
    %dma_start3A_11 = arith.constant 0 : i32
    %dma_start3A_12 = tpu.memref_slice %arg2[%dma_start3A_10, %dma_start3A_11] : memref<1000x32xf32, #tpu.memory_space<hbm>> -> memref<1000x32xf32, #tpu.memory_space<hbm>>
    tpu.enqueue_indirect_dma source(%dma_start3A_12 : memref<1000x32xf32, #tpu.memory_space<hbm>>) target(%arg7 : memref<64x32xf32, #tpu.memory_space<vmem>>) offsets(%dma_start3A_9 : memref<64xi32, #tpu.memory_space<vmem>>) semaphore(%arg9 : memref<!tpu.dma_semaphore, #tpu.memory_space<semaphore_mem>>)
    %scan3A = arith.constant 0 : i32
    %scan3A_13 = arith.constant 10 : i32
    %scan3A_14 = arith.addi %scan3A, %scan3A_13 : i32
    %scan3A_15 = arith.constant 1 : i32
    scf.for %scan3A_24 = %scan3A to %scan3A_14 step %scan3A_15  : i32 {
      %dma_wait3A_25 = arith.constant 0 : i32
      %dma_wait3A_26 = arith.constant 0 : i32
      %dma_wait3A_27 = tpu.memref_slice %arg2[%dma_wait3A_25, %dma_wait3A_26] : memref<1000x32xf32, #tpu.memory_space<hbm>> -> memref<64x32xf32, #tpu.memory_space<hbm>>
      %dma_wait3A_28 = arith.constant 0 : i32
      %dma_wait3A_29 = arith.constant 0 : i32
      %dma_wait3A_30 = tpu.memref_slice %arg2[%dma_wait3A_28, %dma_wait3A_29] : memref<1000x32xf32, #tpu.memory_space<hbm>> -> memref<64x32xf32, #tpu.memory_space<hbm>>
      tpu.wait_dma2 semaphore(%arg8 : memref<!tpu.dma_semaphore, #tpu.memory_space<semaphore_mem>>) src(%dma_wait3A_30 : memref<64x32xf32, #tpu.memory_space<hbm>>) dst(%arg6 : memref<64x32xf32, #tpu.memory_space<vmem>>)
      %mul3A_31 = arith.constant 2 : i32
      %mul3A_32 = arith.muli %mul3A_31, %scan3A_24 : i32
      %mul3A_33 = arith.constant 64 : i32
      %mul3A_34 = arith.muli %mul3A_32, %mul3A_33 : i32
      %multiple_of3A_35 = tpu.assume_multiple %mul3A_34, 8 : i32
      %add3A_36 = arith.addi %mul3A_2, %multiple_of3A_35 : i32
      %dma_start3A_37 = arith.constant 0 : i32
      %dma_start3A_38 = tpu.memref_slice %arg4[%add3A_36, %dma_start3A_37] : memref<40960x32xf32, #tpu.memory_space<hbm>> -> memref<64x32xf32, #tpu.memory_space<hbm>>
      %dma_start3A_39 = arith.constant 0 : i32
      %dma_start3A_40 = tpu.memref_slice %arg4[%add3A_36, %dma_start3A_39] : memref<40960x32xf32, #tpu.memory_space<hbm>> -> memref<64x32xf32, #tpu.memory_space<hbm>>
      tpu.enqueue_dma source(%arg6 : memref<64x32xf32, #tpu.memory_space<vmem>>) target(%dma_start3A_40 : memref<64x32xf32, #tpu.memory_space<hbm>>) target_semaphore(%arg10 : memref<!tpu.dma_semaphore, #tpu.memory_space<semaphore_mem>>)
      %dma_wait3A_41 = arith.constant 0 : i32
      %dma_wait3A_42 = arith.constant 0 : i32
      %dma_wait3A_43 = tpu.memref_slice %arg2[%dma_wait3A_41, %dma_wait3A_42] : memref<1000x32xf32, #tpu.memory_space<hbm>> -> memref<64x32xf32, #tpu.memory_space<hbm>>
      %dma_wait3A_44 = arith.constant 0 : i32
      %dma_wait3A_45 = arith.constant 0 : i32
      %dma_wait3A_46 = tpu.memref_slice %arg2[%dma_wait3A_44, %dma_wait3A_45] : memref<1000x32xf32, #tpu.memory_space<hbm>> -> memref<64x32xf32, #tpu.memory_space<hbm>>
      tpu.wait_dma2 semaphore(%arg9 : memref<!tpu.dma_semaphore, #tpu.memory_space<semaphore_mem>>) src(%dma_wait3A_46 : memref<64x32xf32, #tpu.memory_space<hbm>>) dst(%arg7 : memref<64x32xf32, #tpu.memory_space<vmem>>)
      %mul3A_47 = arith.constant 2 : i32
      %mul3A_48 = arith.muli %mul3A_47, %scan3A_24 : i32
      %add3A_49 = arith.constant 1 : i32
      %add3A_50 = arith.addi %mul3A_48, %add3A_49 : i32
      %mul3A_51 = arith.constant 64 : i32
      %mul3A_52 = arith.muli %add3A_50, %mul3A_51 : i32
      %multiple_of3A_53 = tpu.assume_multiple %mul3A_52, 8 : i32
      %add3A_54 = arith.addi %mul3A_2, %multiple_of3A_53 : i32
      %dma_start3A_55 = arith.constant 0 : i32
      %dma_start3A_56 = tpu.memref_slice %arg4[%add3A_54, %dma_start3A_55] : memref<40960x32xf32, #tpu.memory_space<hbm>> -> memref<64x32xf32, #tpu.memory_space<hbm>>
      %dma_start3A_57 = arith.constant 0 : i32
      %dma_start3A_58 = tpu.memref_slice %arg4[%add3A_54, %dma_start3A_57] : memref<40960x32xf32, #tpu.memory_space<hbm>> -> memref<64x32xf32, #tpu.memory_space<hbm>>
      tpu.enqueue_dma source(%arg7 : memref<64x32xf32, #tpu.memory_space<vmem>>) target(%dma_start3A_58 : memref<64x32xf32, #tpu.memory_space<hbm>>) target_semaphore(%arg11 : memref<!tpu.dma_semaphore, #tpu.memory_space<semaphore_mem>>)
      %add3A_59 = arith.constant 1 : i32
      %add3A_60 = arith.addi %scan3A_24, %add3A_59 : i32
      %lt3A = arith.constant 10 : i32
      %lt3A_61 = arith.cmpi slt, %add3A_60, %lt3A : i32
      %convert_element_type3A = arith.extui %lt3A_61 : i1 to i32
      %cond3A = arith.constant 0 : i32
      %cond3A_62 = arith.cmpi ne, %convert_element_type3A, %cond3A : i32
      scf.if %cond3A_62 {
        %dma_wait3A_63 = arith.constant 0 : i32
        %dma_wait3A_64 = tpu.memref_slice %arg4[%mul3A_2, %dma_wait3A_63] : memref<40960x32xf32, #tpu.memory_space<hbm>> -> memref<64x32xf32, #tpu.memory_space<hbm>>
        %dma_wait3A_65 = arith.constant 0 : i32
        %dma_wait3A_66 = tpu.memref_slice %arg4[%mul3A_2, %dma_wait3A_65] : memref<40960x32xf32, #tpu.memory_space<hbm>> -> memref<64x32xf32, #tpu.memory_space<hbm>>
        tpu.wait_dma2 semaphore(%arg10 : memref<!tpu.dma_semaphore, #tpu.memory_space<semaphore_mem>>) src(%arg6 : memref<64x32xf32, #tpu.memory_space<vmem>>) dst(%dma_wait3A_66 : memref<64x32xf32, #tpu.memory_space<hbm>>)
        %mul3A_67 = arith.constant 2 : i32
        %mul3A_68 = arith.muli %mul3A_67, %scan3A_24 : i32
        %add3A_69 = arith.constant 2 : i32
        %add3A_70 = arith.addi %mul3A_68, %add3A_69 : i32
        %mul3A_71 = arith.constant 64 : i32
        %mul3A_72 = arith.muli %add3A_70, %mul3A_71 : i32
        %multiple_of3A_73 = tpu.assume_multiple %mul3A_72, 8 : i32
        %dma_start3A_74 = tpu.memref_slice %arg5[%multiple_of3A_73] : memref<1280xi32, #tpu.memory_space<vmem>> -> memref<64xi32, #tpu.memory_space<vmem>>
        %dma_start3A_75 = arith.constant 0 : i32
        %dma_start3A_76 = arith.constant 0 : i32
        %dma_start3A_77 = tpu.memref_slice %arg2[%dma_start3A_75, %dma_start3A_76] : memref<1000x32xf32, #tpu.memory_space<hbm>> -> memref<1000x32xf32, #tpu.memory_space<hbm>>
        tpu.enqueue_indirect_dma source(%dma_start3A_77 : memref<1000x32xf32, #tpu.memory_space<hbm>>) target(%arg6 : memref<64x32xf32, #tpu.memory_space<vmem>>) offsets(%dma_start3A_74 : memref<64xi32, #tpu.memory_space<vmem>>) semaphore(%arg8 : memref<!tpu.dma_semaphore, #tpu.memory_space<semaphore_mem>>)
        %dma_wait3A_78 = arith.constant 0 : i32
        %dma_wait3A_79 = tpu.memref_slice %arg4[%mul3A_2, %dma_wait3A_78] : memref<40960x32xf32, #tpu.memory_space<hbm>> -> memref<64x32xf32, #tpu.memory_space<hbm>>
        %dma_wait3A_80 = arith.constant 0 : i32
        %dma_wait3A_81 = tpu.memref_slice %arg4[%mul3A_2, %dma_wait3A_80] : memref<40960x32xf32, #tpu.memory_space<hbm>> -> memref<64x32xf32, #tpu.memory_space<hbm>>
        tpu.wait_dma2 semaphore(%arg11 : memref<!tpu.dma_semaphore, #tpu.memory_space<semaphore_mem>>) src(%arg7 : memref<64x32xf32, #tpu.memory_space<vmem>>) dst(%dma_wait3A_81 : memref<64x32xf32, #tpu.memory_space<hbm>>)
        %mul3A_82 = arith.constant 2 : i32
        %mul3A_83 = arith.muli %mul3A_82, %scan3A_24 : i32
        %add3A_84 = arith.constant 3 : i32
        %add3A_85 = arith.addi %mul3A_83, %add3A_84 : i32
        %mul3A_86 = arith.constant 64 : i32
        %mul3A_87 = arith.muli %add3A_85, %mul3A_86 : i32
        %multiple_of3A_88 = tpu.assume_multiple %mul3A_87, 8 : i32
        %dma_start3A_89 = tpu.memref_slice %arg5[%multiple_of3A_88] : memref<1280xi32, #tpu.memory_space<vmem>> -> memref<64xi32, #tpu.memory_space<vmem>>
        %dma_start3A_90 = arith.constant 0 : i32
        %dma_start3A_91 = arith.constant 0 : i32
        %dma_start3A_92 = tpu.memref_slice %arg2[%dma_start3A_90, %dma_start3A_91] : memref<1000x32xf32, #tpu.memory_space<hbm>> -> memref<1000x32xf32, #tpu.memory_space<hbm>>
        tpu.enqueue_indirect_dma source(%dma_start3A_92 : memref<1000x32xf32, #tpu.memory_space<hbm>>) target(%arg7 : memref<64x32xf32, #tpu.memory_space<vmem>>) offsets(%dma_start3A_89 : memref<64xi32, #tpu.memory_space<vmem>>) semaphore(%arg9 : memref<!tpu.dma_semaphore, #tpu.memory_space<semaphore_mem>>)
      } else {
      }
    }
    %scan3A_16 = arith.constant 10 : i32
    %dma_wait3A = arith.constant 0 : i32
    %dma_wait3A_17 = tpu.memref_slice %arg4[%mul3A_2, %dma_wait3A] : memref<40960x32xf32, #tpu.memory_space<hbm>> -> memref<64x32xf32, #tpu.memory_space<hbm>>
    %dma_wait3A_18 = arith.constant 0 : i32
    %dma_wait3A_19 = tpu.memref_slice %arg4[%mul3A_2, %dma_wait3A_18] : memref<40960x32xf32, #tpu.memory_space<hbm>> -> memref<64x32xf32, #tpu.memory_space<hbm>>
    tpu.wait_dma2 semaphore(%arg10 : memref<!tpu.dma_semaphore, #tpu.memory_space<semaphore_mem>>) src(%arg6 : memref<64x32xf32, #tpu.memory_space<vmem>>) dst(%dma_wait3A_19 : memref<64x32xf32, #tpu.memory_space<hbm>>)
    %dma_wait3A_20 = arith.constant 0 : i32
    %dma_wait3A_21 = tpu.memref_slice %arg4[%mul3A_2, %dma_wait3A_20] : memref<40960x32xf32, #tpu.memory_space<hbm>> -> memref<64x32xf32, #tpu.memory_space<hbm>>
    %dma_wait3A_22 = arith.constant 0 : i32
    %dma_wait3A_23 = tpu.memref_slice %arg4[%mul3A_2, %dma_wait3A_22] : memref<40960x32xf32, #tpu.memory_space<hbm>> -> memref<64x32xf32, #tpu.memory_space<hbm>>
    tpu.wait_dma2 semaphore(%arg11 : memref<!tpu.dma_semaphore, #tpu.memory_space<semaphore_mem>>) src(%arg7 : memref<64x32xf32, #tpu.memory_space<vmem>>) dst(%dma_wait3A_23 : memref<64x32xf32, #tpu.memory_space<hbm>>)
    return
  }
}

#map = affine_map<(d0, d1) -> (0, 0)>
#map1 = affine_map<(d0, d1) -> (0)>
module attributes {stable_mosaic.version = 14 : i64} {
  func.func @gather_k(%arg0: i32, %arg1: i32, %arg2: memref<1000x32xf32, #tpu.memory_space<hbm>>, %arg3: memref<40960xi32, #tpu.memory_space<hbm>>, %arg4: memref<40960x32xf32, #tpu.memory_space<hbm>>, %arg5: memref<1280xi32, #tpu.memory_space<vmem>>, %arg6: memref<64x32xf32, #tpu.memory_space<vmem>>, %arg7: memref<64x32xf32, #tpu.memory_space<vmem>>, %arg8: memref<!tpu.dma_semaphore, #tpu.memory_space<semaphore_mem>>, %arg9: memref<!tpu.dma_semaphore, #tpu.memory_space<semaphore_mem>>, %arg10: memref<!tpu.dma_semaphore, #tpu.memory_space<semaphore_mem>>, %arg11: memref<!tpu.dma_semaphore, #tpu.memory_space<semaphore_mem>>) attributes {dimension_semantics = [#tpu.dimension_semantics<core_parallel>, #tpu.dimension_semantics<subcore_parallel>], iteration_bounds = array<i64: 2, 16>, scalar_prefetch = 0 : i64, scratch_operands = 7 : i64, tpu.core_type = #tpu.core_type<sc_vector_subcore>, window_params = [{transform_indices = #map}, {transform_indices = #map1}, {transform_indices = #map}]} {
    %mul3A = arith.constant 2 : i32
    %mul3A_0 = arith.muli %arg1, %mul3A : i32
    %add3A = arith.addi %mul3A_0, %arg0 : i32
    %mul3A_1 = arith.constant 1280 : i32
    %mul3A_2 = arith.muli %add3A, %mul3A_1 : i32
    "tpu.region"() ({
      %run_scoped3A = tpu.sem_alloc : memref<!tpu.dma_semaphore, #tpu.memory_space<semaphore_mem>>
      %dma_start3A_24 = tpu.memref_slice %arg3[%mul3A_2] : memref<40960xi32, #tpu.memory_space<hbm>> -> memref<1280xi32, #tpu.memory_space<hbm>>
      %dma_start3A_25 = tpu.memref_slice %arg3[%mul3A_2] : memref<40960xi32, #tpu.memory_space<hbm>> -> memref<1280xi32, #tpu.memory_space<hbm>>
      tpu.enqueue_dma source(%dma_start3A_25 : memref<1280xi32, #tpu.memory_space<hbm>>) target(%arg5 : memref<1280xi32, #tpu.memory_space<vmem>>) target_semaphore(%run_scoped3A : memref<!tpu.dma_semaphore, #tpu.memory_space<semaphore_mem>>)
      %dma_wait3A_26 = tpu.memref_slice %arg3[%mul3A_2] : memref<40960xi32, #tpu.memory_space<hbm>> -> memref<1280xi32, #tpu.memory_space<hbm>>
      %dma_wait3A_27 = tpu.memref_slice %arg3[%mul3A_2] : memref<40960xi32, #tpu.memory_space<hbm>> -> memref<1280xi32, #tpu.memory_space<hbm>>
      tpu.wait_dma2 semaphore(%run_scoped3A : memref<!tpu.dma_semaphore, #tpu.memory_space<semaphore_mem>>) src(%dma_wait3A_27 : memref<1280xi32, #tpu.memory_space<hbm>>) dst(%arg5 : memref<1280xi32, #tpu.memory_space<vmem>>)
      tpu.yield
    }) : () -> ()
    %multiple_of3A = arith.constant 0 : i32
    %multiple_of3A_3 = tpu.assume_multiple %multiple_of3A, 8 : i32
    %dma_start3A = tpu.memref_slice %arg5[%multiple_of3A_3] : memref<1280xi32, #tpu.memory_space<vmem>> -> memref<64xi32, #tpu.memory_space<vmem>>
    %dma_start3A_4 = arith.constant 0 : i32
    %dma_start3A_5 = arith.constant 0 : i32
    %dma_start3A_6 = tpu.memref_slice %arg2[%dma_start3A_4, %dma_start3A_5] : memref<1000x32xf32, #tpu.memory_space<hbm>> -> memref<1000x32xf32, #tpu.memory_space<hbm>>
    tpu.enqueue_indirect_dma source(%dma_start3A_6 : memref<1000x32xf32, #tpu.memory_space<hbm>>) target(%arg6 : memref<64x32xf32, #tpu.memory_space<vmem>>) offsets(%dma_start3A : memref<64xi32, #tpu.memory_space<vmem>>) semaphore(%arg8 : memref<!tpu.dma_semaphore, #tpu.memory_space<semaphore_mem>>)
    %multiple_of3A_7 = arith.constant 64 : i32
    %multiple_of3A_8 = tpu.assume_multiple %multiple_of3A_7, 8 : i32
    %dma_start3A_9 = tpu.memref_slice %arg5[%multiple_of3A_8] : memref<1280xi32, #tpu.memory_space<vmem>> -> memref<64xi32, #tpu.memory_space<vmem>>
    %dma_start3A_10 = arith.constant 0 : i32
    %dma_start3A_11 = arith.constant 0 : i32
    %dma_start3A_12 = tpu.memref_slice %arg2[%dma_start3A_10, %dma_start3A_11] : memref<1000x32xf32, #tpu.memory_space<hbm>> -> memref<1000x32xf32, #tpu.memory_space<hbm>>
    tpu.enqueue_indirect_dma source(%dma_start3A_12 : memref<1000x32xf32, #tpu.memory_space<hbm>>) target(%arg7 : memref<64x32xf32, #tpu.memory_space<vmem>>) offsets(%dma_start3A_9 : memref<64xi32, #tpu.memory_space<vmem>>) semaphore(%arg9 : memref<!tpu.dma_semaphore, #tpu.memory_space<semaphore_mem>>)
    %scan3A = arith.constant 0 : i32
    %scan3A_13 = arith.constant 10 : i32
    %scan3A_14 = arith.addi %scan3A, %scan3A_13 : i32
    %scan3A_15 = arith.constant 1 : i32
    scf.for %scan3A_24 = %scan3A to %scan3A_14 step %scan3A_15  : i32 {
      %dma_wait3A_25 = arith.constant 0 : i32
      %dma_wait3A_26 = arith.constant 0 : i32
      %dma_wait3A_27 = tpu.memref_slice %arg2[%dma_wait3A_25, %dma_wait3A_26] : memref<1000x32xf32, #tpu.memory_space<hbm>> -> memref<64x32xf32, #tpu.memory_space<hbm>>
      %dma_wait3A_28 = arith.constant 0 : i32
      %dma_wait3A_29 = arith.constant 0 : i32
      %dma_wait3A_30 = tpu.memref_slice %arg2[%dma_wait3A_28, %dma_wait3A_29] : memref<1000x32xf32, #tpu.memory_space<hbm>> -> memref<64x32xf32, #tpu.memory_space<hbm>>
      tpu.wait_dma2 semaphore(%arg8 : memref<!tpu.dma_semaphore, #tpu.memory_space<semaphore_mem>>) src(%dma_wait3A_30 : memref<64x32xf32, #tpu.memory_space<hbm>>) dst(%arg6 : memref<64x32xf32, #tpu.memory_space<vmem>>)
      %mul3A_31 = arith.constant 2 : i32
      %mul3A_32 = arith.muli %mul3A_31, %scan3A_24 : i32
      %mul3A_33 = arith.constant 64 : i32
      %mul3A_34 = arith.muli %mul3A_32, %mul3A_33 : i32
      %multiple_of3A_35 = tpu.assume_multiple %mul3A_34, 8 : i32
      %add3A_36 = arith.addi %mul3A_2, %multiple_of3A_35 : i32
      %dma_start3A_37 = arith.constant 0 : i32
      %dma_start3A_38 = tpu.memref_slice %arg4[%add3A_36, %dma_start3A_37] : memref<40960x32xf32, #tpu.memory_space<hbm>> -> memref<64x32xf32, #tpu.memory_space<hbm>>
      %dma_start3A_39 = arith.constant 0 : i32
      %dma_start3A_40 = tpu.memref_slice %arg4[%add3A_36, %dma_start3A_39] : memref<40960x32xf32, #tpu.memory_space<hbm>> -> memref<64x32xf32, #tpu.memory_space<hbm>>
      tpu.enqueue_dma source(%arg6 : memref<64x32xf32, #tpu.memory_space<vmem>>) target(%dma_start3A_40 : memref<64x32xf32, #tpu.memory_space<hbm>>) target_semaphore(%arg10 : memref<!tpu.dma_semaphore, #tpu.memory_space<semaphore_mem>>)
      %dma_wait3A_41 = arith.constant 0 : i32
      %dma_wait3A_42 = arith.constant 0 : i32
      %dma_wait3A_43 = tpu.memref_slice %arg2[%dma_wait3A_41, %dma_wait3A_42] : memref<1000x32xf32, #tpu.memory_space<hbm>> -> memref<64x32xf32, #tpu.memory_space<hbm>>
      %dma_wait3A_44 = arith.constant 0 : i32
      %dma_wait3A_45 = arith.constant 0 : i32
      %dma_wait3A_46 = tpu.memref_slice %arg2[%dma_wait3A_44, %dma_wait3A_45] : memref<1000x32xf32, #tpu.memory_space<hbm>> -> memref<64x32xf32, #tpu.memory_space<hbm>>
      tpu.wait_dma2 semaphore(%arg9 : memref<!tpu.dma_semaphore, #tpu.memory_space<semaphore_mem>>) src(%dma_wait3A_46 : memref<64x32xf32, #tpu.memory_space<hbm>>) dst(%arg7 : memref<64x32xf32, #tpu.memory_space<vmem>>)
      %mul3A_47 = arith.constant 2 : i32
      %mul3A_48 = arith.muli %mul3A_47, %scan3A_24 : i32
      %add3A_49 = arith.constant 1 : i32
      %add3A_50 = arith.addi %mul3A_48, %add3A_49 : i32
      %mul3A_51 = arith.constant 64 : i32
      %mul3A_52 = arith.muli %add3A_50, %mul3A_51 : i32
      %multiple_of3A_53 = tpu.assume_multiple %mul3A_52, 8 : i32
      %add3A_54 = arith.addi %mul3A_2, %multiple_of3A_53 : i32
      %dma_start3A_55 = arith.constant 0 : i32
      %dma_start3A_56 = tpu.memref_slice %arg4[%add3A_54, %dma_start3A_55] : memref<40960x32xf32, #tpu.memory_space<hbm>> -> memref<64x32xf32, #tpu.memory_space<hbm>>
      %dma_start3A_57 = arith.constant 0 : i32
      %dma_start3A_58 = tpu.memref_slice %arg4[%add3A_54, %dma_start3A_57] : memref<40960x32xf32, #tpu.memory_space<hbm>> -> memref<64x32xf32, #tpu.memory_space<hbm>>
      tpu.enqueue_dma source(%arg7 : memref<64x32xf32, #tpu.memory_space<vmem>>) target(%dma_start3A_58 : memref<64x32xf32, #tpu.memory_space<hbm>>) target_semaphore(%arg11 : memref<!tpu.dma_semaphore, #tpu.memory_space<semaphore_mem>>)
      %add3A_59 = arith.constant 1 : i32
      %add3A_60 = arith.addi %scan3A_24, %add3A_59 : i32
      %lt3A = arith.constant 10 : i32
      %lt3A_61 = arith.cmpi slt, %add3A_60, %lt3A : i32
      %convert_element_type3A = arith.extui %lt3A_61 : i1 to i32
      %cond3A = arith.constant 0 : i32
      %cond3A_62 = arith.cmpi ne, %convert_element_type3A, %cond3A : i32
      scf.if %cond3A_62 {
        %dma_wait3A_63 = arith.constant 0 : i32
        %dma_wait3A_64 = tpu.memref_slice %arg4[%mul3A_2, %dma_wait3A_63] : memref<40960x32xf32, #tpu.memory_space<hbm>> -> memref<64x32xf32, #tpu.memory_space<hbm>>
        %dma_wait3A_65 = arith.constant 0 : i32
        %dma_wait3A_66 = tpu.memref_slice %arg4[%mul3A_2, %dma_wait3A_65] : memref<40960x32xf32, #tpu.memory_space<hbm>> -> memref<64x32xf32, #tpu.memory_space<hbm>>
        tpu.wait_dma2 semaphore(%arg10 : memref<!tpu.dma_semaphore, #tpu.memory_space<semaphore_mem>>) src(%arg6 : memref<64x32xf32, #tpu.memory_space<vmem>>) dst(%dma_wait3A_66 : memref<64x32xf32, #tpu.memory_space<hbm>>)
        %mul3A_67 = arith.constant 2 : i32
        %mul3A_68 = arith.muli %mul3A_67, %scan3A_24 : i32
        %add3A_69 = arith.constant 2 : i32
        %add3A_70 = arith.addi %mul3A_68, %add3A_69 : i32
        %mul3A_71 = arith.constant 64 : i32
        %mul3A_72 = arith.muli %add3A_70, %mul3A_71 : i32
        %multiple_of3A_73 = tpu.assume_multiple %mul3A_72, 8 : i32
        %dma_start3A_74 = tpu.memref_slice %arg5[%multiple_of3A_73] : memref<1280xi32, #tpu.memory_space<vmem>> -> memref<64xi32, #tpu.memory_space<vmem>>
        %dma_start3A_75 = arith.constant 0 : i32
        %dma_start3A_76 = arith.constant 0 : i32
        %dma_start3A_77 = tpu.memref_slice %arg2[%dma_start3A_75, %dma_start3A_76] : memref<1000x32xf32, #tpu.memory_space<hbm>> -> memref<1000x32xf32, #tpu.memory_space<hbm>>
        tpu.enqueue_indirect_dma source(%dma_start3A_77 : memref<1000x32xf32, #tpu.memory_space<hbm>>) target(%arg6 : memref<64x32xf32, #tpu.memory_space<vmem>>) offsets(%dma_start3A_74 : memref<64xi32, #tpu.memory_space<vmem>>) semaphore(%arg8 : memref<!tpu.dma_semaphore, #tpu.memory_space<semaphore_mem>>)
        %dma_wait3A_78 = arith.constant 0 : i32
        %dma_wait3A_79 = tpu.memref_slice %arg4[%mul3A_2, %dma_wait3A_78] : memref<40960x32xf32, #tpu.memory_space<hbm>> -> memref<64x32xf32, #tpu.memory_space<hbm>>
        %dma_wait3A_80 = arith.constant 0 : i32
        %dma_wait3A_81 = tpu.memref_slice %arg4[%mul3A_2, %dma_wait3A_80] : memref<40960x32xf32, #tpu.memory_space<hbm>> -> memref<64x32xf32, #tpu.memory_space<hbm>>
        tpu.wait_dma2 semaphore(%arg11 : memref<!tpu.dma_semaphore, #tpu.memory_space<semaphore_mem>>) src(%arg7 : memref<64x32xf32, #tpu.memory_space<vmem>>) dst(%dma_wait3A_81 : memref<64x32xf32, #tpu.memory_space<hbm>>)
        %mul3A_82 = arith.constant 2 : i32
        %mul3A_83 = arith.muli %mul3A_82, %scan3A_24 : i32
        %add3A_84 = arith.constant 3 : i32
        %add3A_85 = arith.addi %mul3A_83, %add3A_84 : i32
        %mul3A_86 = arith.constant 64 : i32
        %mul3A_87 = arith.muli %add3A_85, %mul3A_86 : i32
        %multiple_of3A_88 = tpu.assume_multiple %mul3A_87, 8 : i32
        %dma_start3A_89 = tpu.memref_slice %arg5[%multiple_of3A_88] : memref<1280xi32, #tpu.memory_space<vmem>> -> memref<64xi32, #tpu.memory_space<vmem>>
        %dma_start3A_90 = arith.constant 0 : i32
        %dma_start3A_91 = arith.constant 0 : i32
        %dma_start3A_92 = tpu.memref_slice %arg2[%dma_start3A_90, %dma_start3A_91] : memref<1000x32xf32, #tpu.memory_space<hbm>> -> memref<1000x32xf32, #tpu.memory_space<hbm>>
        tpu.enqueue_indirect_dma source(%dma_start3A_92 : memref<1000x32xf32, #tpu.memory_space<hbm>>) target(%arg7 : memref<64x32xf32, #tpu.memory_space<vmem>>) offsets(%dma_start3A_89 : memref<64xi32, #tpu.memory_space<vmem>>) semaphore(%arg9 : memref<!tpu.dma_semaphore, #tpu.memory_space<semaphore_mem>>)
      } else {
      }
    }
    %scan3A_16 = arith.constant 10 : i32
    %dma_wait3A = arith.constant 0 : i32
    %dma_wait3A_17 = tpu.memref_slice %arg4[%mul3A_2, %dma_wait3A] : memref<40960x32xf32, #tpu.memory_space<hbm>> -> memref<64x32xf32, #tpu.memory_space<hbm>>
    %dma_wait3A_18 = arith.constant 0 : i32
    %dma_wait3A_19 = tpu.memref_slice %arg4[%mul3A_2, %dma_wait3A_18] : memref<40960x32xf32, #tpu.memory_space<hbm>> -> memref<64x32xf32, #tpu.memory_space<hbm>>
    tpu.wait_dma2 semaphore(%arg10 : memref<!tpu.dma_semaphore, #tpu.memory_space<semaphore_mem>>) src(%arg6 : memref<64x32xf32, #tpu.memory_space<vmem>>) dst(%dma_wait3A_19 : memref<64x32xf32, #tpu.memory_space<hbm>>)
    %dma_wait3A_20 = arith.constant 0 : i32
    %dma_wait3A_21 = tpu.memref_slice %arg4[%mul3A_2, %dma_wait3A_20] : memref<40960x32xf32, #tpu.memory_space<hbm>> -> memref<64x32xf32, #tpu.memory_space<hbm>>
    %dma_wait3A_22 = arith.constant 0 : i32
    %dma_wait3A_23 = tpu.memref_slice %arg4[%mul3A_2, %dma_wait3A_22] : memref<40960x32xf32, #tpu.memory_space<hbm>> -> memref<64x32xf32, #tpu.memory_space<hbm>>
    tpu.wait_dma2 semaphore(%arg11 : memref<!tpu.dma_semaphore, #tpu.memory_space<semaphore_mem>>) src(%arg7 : memref<64x32xf32, #tpu.memory_space<vmem>>) dst(%dma_wait3A_23 : memref<64x32xf32, #tpu.memory_space<hbm>>)
    return
  }
}

#map = affine_map<(d0, d1) -> (0, 0)>
#map1 = affine_map<(d0, d1) -> (0)>
module attributes {stable_mosaic.version = 14 : i64} {
  func.func @gather_k(%arg0: i32, %arg1: i32, %arg2: memref<1000x32xf32, #tpu.memory_space<hbm>>, %arg3: memref<40960xi32, #tpu.memory_space<hbm>>, %arg4: memref<40960x32xf32, #tpu.memory_space<hbm>>, %arg5: memref<1280xi32, #tpu.memory_space<vmem>>, %arg6: memref<64x32xf32, #tpu.memory_space<vmem>>, %arg7: memref<64x32xf32, #tpu.memory_space<vmem>>, %arg8: memref<!tpu.dma_semaphore, #tpu.memory_space<semaphore_mem>>, %arg9: memref<!tpu.dma_semaphore, #tpu.memory_space<semaphore_mem>>, %arg10: memref<!tpu.dma_semaphore, #tpu.memory_space<semaphore_mem>>, %arg11: memref<!tpu.dma_semaphore, #tpu.memory_space<semaphore_mem>>) attributes {dimension_semantics = [#tpu.dimension_semantics<core_parallel>, #tpu.dimension_semantics<subcore_parallel>], iteration_bounds = array<i64: 2, 16>, scalar_prefetch = 0 : i64, scratch_operands = 7 : i64, tpu.core_type = #tpu.core_type<sc_vector_subcore>, window_params = [{transform_indices = #map}, {transform_indices = #map1}, {transform_indices = #map}]} {
    %mul3A = arith.constant 2 : i32
    %mul3A_0 = arith.muli %arg1, %mul3A : i32
    %add3A = arith.addi %mul3A_0, %arg0 : i32
    %mul3A_1 = arith.constant 1280 : i32
    %mul3A_2 = arith.muli %add3A, %mul3A_1 : i32
    "tpu.region"() ({
      %run_scoped3A = tpu.sem_alloc : memref<!tpu.dma_semaphore, #tpu.memory_space<semaphore_mem>>
      %dma_start3A_24 = tpu.memref_slice %arg3[%mul3A_2] : memref<40960xi32, #tpu.memory_space<hbm>> -> memref<1280xi32, #tpu.memory_space<hbm>>
      %dma_start3A_25 = tpu.memref_slice %arg3[%mul3A_2] : memref<40960xi32, #tpu.memory_space<hbm>> -> memref<1280xi32, #tpu.memory_space<hbm>>
      tpu.enqueue_dma source(%dma_start3A_25 : memref<1280xi32, #tpu.memory_space<hbm>>) target(%arg5 : memref<1280xi32, #tpu.memory_space<vmem>>) target_semaphore(%run_scoped3A : memref<!tpu.dma_semaphore, #tpu.memory_space<semaphore_mem>>)
      %dma_wait3A_26 = tpu.memref_slice %arg3[%mul3A_2] : memref<40960xi32, #tpu.memory_space<hbm>> -> memref<1280xi32, #tpu.memory_space<hbm>>
      %dma_wait3A_27 = tpu.memref_slice %arg3[%mul3A_2] : memref<40960xi32, #tpu.memory_space<hbm>> -> memref<1280xi32, #tpu.memory_space<hbm>>
      tpu.wait_dma2 semaphore(%run_scoped3A : memref<!tpu.dma_semaphore, #tpu.memory_space<semaphore_mem>>) src(%dma_wait3A_27 : memref<1280xi32, #tpu.memory_space<hbm>>) dst(%arg5 : memref<1280xi32, #tpu.memory_space<vmem>>)
      tpu.yield
    }) : () -> ()
    %multiple_of3A = arith.constant 0 : i32
    %multiple_of3A_3 = tpu.assume_multiple %multiple_of3A, 8 : i32
    %dma_start3A = tpu.memref_slice %arg5[%multiple_of3A_3] : memref<1280xi32, #tpu.memory_space<vmem>> -> memref<64xi32, #tpu.memory_space<vmem>>
    %dma_start3A_4 = arith.constant 0 : i32
    %dma_start3A_5 = arith.constant 0 : i32
    %dma_start3A_6 = tpu.memref_slice %arg2[%dma_start3A_4, %dma_start3A_5] : memref<1000x32xf32, #tpu.memory_space<hbm>> -> memref<1000x32xf32, #tpu.memory_space<hbm>>
    tpu.enqueue_indirect_dma source(%dma_start3A_6 : memref<1000x32xf32, #tpu.memory_space<hbm>>) target(%arg6 : memref<64x32xf32, #tpu.memory_space<vmem>>) offsets(%dma_start3A : memref<64xi32, #tpu.memory_space<vmem>>) semaphore(%arg8 : memref<!tpu.dma_semaphore, #tpu.memory_space<semaphore_mem>>)
    %multiple_of3A_7 = arith.constant 64 : i32
    %multiple_of3A_8 = tpu.assume_multiple %multiple_of3A_7, 8 : i32
    %dma_start3A_9 = tpu.memref_slice %arg5[%multiple_of3A_8] : memref<1280xi32, #tpu.memory_space<vmem>> -> memref<64xi32, #tpu.memory_space<vmem>>
    %dma_start3A_10 = arith.constant 0 : i32
    %dma_start3A_11 = arith.constant 0 : i32
    %dma_start3A_12 = tpu.memref_slice %arg2[%dma_start3A_10, %dma_start3A_11] : memref<1000x32xf32, #tpu.memory_space<hbm>> -> memref<1000x32xf32, #tpu.memory_space<hbm>>
    tpu.enqueue_indirect_dma source(%dma_start3A_12 : memref<1000x32xf32, #tpu.memory_space<hbm>>) target(%arg7 : memref<64x32xf32, #tpu.memory_space<vmem>>) offsets(%dma_start3A_9 : memref<64xi32, #tpu.memory_space<vmem>>) semaphore(%arg9 : memref<!tpu.dma_semaphore, #tpu.memory_space<semaphore_mem>>)
    %scan3A = arith.constant 0 : i32
    %scan3A_13 = arith.constant 10 : i32
    %scan3A_14 = arith.addi %scan3A, %scan3A_13 : i32
    %scan3A_15 = arith.constant 1 : i32
    scf.for %scan3A_24 = %scan3A to %scan3A_14 step %scan3A_15  : i32 {
      %dma_wait3A_25 = arith.constant 0 : i32
      %dma_wait3A_26 = arith.constant 0 : i32
      %dma_wait3A_27 = tpu.memref_slice %arg2[%dma_wait3A_25, %dma_wait3A_26] : memref<1000x32xf32, #tpu.memory_space<hbm>> -> memref<64x32xf32, #tpu.memory_space<hbm>>
      %dma_wait3A_28 = arith.constant 0 : i32
      %dma_wait3A_29 = arith.constant 0 : i32
      %dma_wait3A_30 = tpu.memref_slice %arg2[%dma_wait3A_28, %dma_wait3A_29] : memref<1000x32xf32, #tpu.memory_space<hbm>> -> memref<64x32xf32, #tpu.memory_space<hbm>>
      tpu.wait_dma2 semaphore(%arg8 : memref<!tpu.dma_semaphore, #tpu.memory_space<semaphore_mem>>) src(%dma_wait3A_30 : memref<64x32xf32, #tpu.memory_space<hbm>>) dst(%arg6 : memref<64x32xf32, #tpu.memory_space<vmem>>)
      %mul3A_31 = arith.constant 2 : i32
      %mul3A_32 = arith.muli %mul3A_31, %scan3A_24 : i32
      %mul3A_33 = arith.constant 64 : i32
      %mul3A_34 = arith.muli %mul3A_32, %mul3A_33 : i32
      %multiple_of3A_35 = tpu.assume_multiple %mul3A_34, 8 : i32
      %add3A_36 = arith.addi %mul3A_2, %multiple_of3A_35 : i32
      %dma_start3A_37 = arith.constant 0 : i32
      %dma_start3A_38 = tpu.memref_slice %arg4[%add3A_36, %dma_start3A_37] : memref<40960x32xf32, #tpu.memory_space<hbm>> -> memref<64x32xf32, #tpu.memory_space<hbm>>
      %dma_start3A_39 = arith.constant 0 : i32
      %dma_start3A_40 = tpu.memref_slice %arg4[%add3A_36, %dma_start3A_39] : memref<40960x32xf32, #tpu.memory_space<hbm>> -> memref<64x32xf32, #tpu.memory_space<hbm>>
      tpu.enqueue_dma source(%arg6 : memref<64x32xf32, #tpu.memory_space<vmem>>) target(%dma_start3A_40 : memref<64x32xf32, #tpu.memory_space<hbm>>) target_semaphore(%arg10 : memref<!tpu.dma_semaphore, #tpu.memory_space<semaphore_mem>>)
      %dma_wait3A_41 = arith.constant 0 : i32
      %dma_wait3A_42 = arith.constant 0 : i32
      %dma_wait3A_43 = tpu.memref_slice %arg2[%dma_wait3A_41, %dma_wait3A_42] : memref<1000x32xf32, #tpu.memory_space<hbm>> -> memref<64x32xf32, #tpu.memory_space<hbm>>
      %dma_wait3A_44 = arith.constant 0 : i32
      %dma_wait3A_45 = arith.constant 0 : i32
      %dma_wait3A_46 = tpu.memref_slice %arg2[%dma_wait3A_44, %dma_wait3A_45] : memref<1000x32xf32, #tpu.memory_space<hbm>> -> memref<64x32xf32, #tpu.memory_space<hbm>>
      tpu.wait_dma2 semaphore(%arg9 : memref<!tpu.dma_semaphore, #tpu.memory_space<semaphore_mem>>) src(%dma_wait3A_46 : memref<64x32xf32, #tpu.memory_space<hbm>>) dst(%arg7 : memref<64x32xf32, #tpu.memory_space<vmem>>)
      %mul3A_47 = arith.constant 2 : i32
      %mul3A_48 = arith.muli %mul3A_47, %scan3A_24 : i32
      %add3A_49 = arith.constant 1 : i32
      %add3A_50 = arith.addi %mul3A_48, %add3A_49 : i32
      %mul3A_51 = arith.constant 64 : i32
      %mul3A_52 = arith.muli %add3A_50, %mul3A_51 : i32
      %multiple_of3A_53 = tpu.assume_multiple %mul3A_52, 8 : i32
      %add3A_54 = arith.addi %mul3A_2, %multiple_of3A_53 : i32
      %dma_start3A_55 = arith.constant 0 : i32
      %dma_start3A_56 = tpu.memref_slice %arg4[%add3A_54, %dma_start3A_55] : memref<40960x32xf32, #tpu.memory_space<hbm>> -> memref<64x32xf32, #tpu.memory_space<hbm>>
      %dma_start3A_57 = arith.constant 0 : i32
      %dma_start3A_58 = tpu.memref_slice %arg4[%add3A_54, %dma_start3A_57] : memref<40960x32xf32, #tpu.memory_space<hbm>> -> memref<64x32xf32, #tpu.memory_space<hbm>>
      tpu.enqueue_dma source(%arg7 : memref<64x32xf32, #tpu.memory_space<vmem>>) target(%dma_start3A_58 : memref<64x32xf32, #tpu.memory_space<hbm>>) target_semaphore(%arg11 : memref<!tpu.dma_semaphore, #tpu.memory_space<semaphore_mem>>)
      %add3A_59 = arith.constant 1 : i32
      %add3A_60 = arith.addi %scan3A_24, %add3A_59 : i32
      %lt3A = arith.constant 10 : i32
      %lt3A_61 = arith.cmpi slt, %add3A_60, %lt3A : i32
      %convert_element_type3A = arith.extui %lt3A_61 : i1 to i32
      %cond3A = arith.constant 0 : i32
      %cond3A_62 = arith.cmpi ne, %convert_element_type3A, %cond3A : i32
      scf.if %cond3A_62 {
        %dma_wait3A_63 = arith.constant 0 : i32
        %dma_wait3A_64 = tpu.memref_slice %arg4[%mul3A_2, %dma_wait3A_63] : memref<40960x32xf32, #tpu.memory_space<hbm>> -> memref<64x32xf32, #tpu.memory_space<hbm>>
        %dma_wait3A_65 = arith.constant 0 : i32
        %dma_wait3A_66 = tpu.memref_slice %arg4[%mul3A_2, %dma_wait3A_65] : memref<40960x32xf32, #tpu.memory_space<hbm>> -> memref<64x32xf32, #tpu.memory_space<hbm>>
        tpu.wait_dma2 semaphore(%arg10 : memref<!tpu.dma_semaphore, #tpu.memory_space<semaphore_mem>>) src(%arg6 : memref<64x32xf32, #tpu.memory_space<vmem>>) dst(%dma_wait3A_66 : memref<64x32xf32, #tpu.memory_space<hbm>>)
        %mul3A_67 = arith.constant 2 : i32
        %mul3A_68 = arith.muli %mul3A_67, %scan3A_24 : i32
        %add3A_69 = arith.constant 2 : i32
        %add3A_70 = arith.addi %mul3A_68, %add3A_69 : i32
        %mul3A_71 = arith.constant 64 : i32
        %mul3A_72 = arith.muli %add3A_70, %mul3A_71 : i32
        %multiple_of3A_73 = tpu.assume_multiple %mul3A_72, 8 : i32
        %dma_start3A_74 = tpu.memref_slice %arg5[%multiple_of3A_73] : memref<1280xi32, #tpu.memory_space<vmem>> -> memref<64xi32, #tpu.memory_space<vmem>>
        %dma_start3A_75 = arith.constant 0 : i32
        %dma_start3A_76 = arith.constant 0 : i32
        %dma_start3A_77 = tpu.memref_slice %arg2[%dma_start3A_75, %dma_start3A_76] : memref<1000x32xf32, #tpu.memory_space<hbm>> -> memref<1000x32xf32, #tpu.memory_space<hbm>>
        tpu.enqueue_indirect_dma source(%dma_start3A_77 : memref<1000x32xf32, #tpu.memory_space<hbm>>) target(%arg6 : memref<64x32xf32, #tpu.memory_space<vmem>>) offsets(%dma_start3A_74 : memref<64xi32, #tpu.memory_space<vmem>>) semaphore(%arg8 : memref<!tpu.dma_semaphore, #tpu.memory_space<semaphore_mem>>)
        %dma_wait3A_78 = arith.constant 0 : i32
        %dma_wait3A_79 = tpu.memref_slice %arg4[%mul3A_2, %dma_wait3A_78] : memref<40960x32xf32, #tpu.memory_space<hbm>> -> memref<64x32xf32, #tpu.memory_space<hbm>>
        %dma_wait3A_80 = arith.constant 0 : i32
        %dma_wait3A_81 = tpu.memref_slice %arg4[%mul3A_2, %dma_wait3A_80] : memref<40960x32xf32, #tpu.memory_space<hbm>> -> memref<64x32xf32, #tpu.memory_space<hbm>>
        tpu.wait_dma2 semaphore(%arg11 : memref<!tpu.dma_semaphore, #tpu.memory_space<semaphore_mem>>) src(%arg7 : memref<64x32xf32, #tpu.memory_space<vmem>>) dst(%dma_wait3A_81 : memref<64x32xf32, #tpu.memory_space<hbm>>)
        %mul3A_82 = arith.constant 2 : i32
        %mul3A_83 = arith.muli %mul3A_82, %scan3A_24 : i32
        %add3A_84 = arith.constant 3 : i32
        %add3A_85 = arith.addi %mul3A_83, %add3A_84 : i32
        %mul3A_86 = arith.constant 64 : i32
        %mul3A_87 = arith.muli %add3A_85, %mul3A_86 : i32
        %multiple_of3A_88 = tpu.assume_multiple %mul3A_87, 8 : i32
        %dma_start3A_89 = tpu.memref_slice %arg5[%multiple_of3A_88] : memref<1280xi32, #tpu.memory_space<vmem>> -> memref<64xi32, #tpu.memory_space<vmem>>
        %dma_start3A_90 = arith.constant 0 : i32
        %dma_start3A_91 = arith.constant 0 : i32
        %dma_start3A_92 = tpu.memref_slice %arg2[%dma_start3A_90, %dma_start3A_91] : memref<1000x32xf32, #tpu.memory_space<hbm>> -> memref<1000x32xf32, #tpu.memory_space<hbm>>
        tpu.enqueue_indirect_dma source(%dma_start3A_92 : memref<1000x32xf32, #tpu.memory_space<hbm>>) target(%arg7 : memref<64x32xf32, #tpu.memory_space<vmem>>) offsets(%dma_start3A_89 : memref<64xi32, #tpu.memory_space<vmem>>) semaphore(%arg9 : memref<!tpu.dma_semaphore, #tpu.memory_space<semaphore_mem>>)
      } else {
      }
    }
    %scan3A_16 = arith.constant 10 : i32
    %dma_wait3A = arith.constant 0 : i32
    %dma_wait3A_17 = tpu.memref_slice %arg4[%mul3A_2, %dma_wait3A] : memref<40960x32xf32, #tpu.memory_space<hbm>> -> memref<64x32xf32, #tpu.memory_space<hbm>>
    %dma_wait3A_18 = arith.constant 0 : i32
    %dma_wait3A_19 = tpu.memref_slice %arg4[%mul3A_2, %dma_wait3A_18] : memref<40960x32xf32, #tpu.memory_space<hbm>> -> memref<64x32xf32, #tpu.memory_space<hbm>>
    tpu.wait_dma2 semaphore(%arg10 : memref<!tpu.dma_semaphore, #tpu.memory_space<semaphore_mem>>) src(%arg6 : memref<64x32xf32, #tpu.memory_space<vmem>>) dst(%dma_wait3A_19 : memref<64x32xf32, #tpu.memory_space<hbm>>)
    %dma_wait3A_20 = arith.constant 0 : i32
    %dma_wait3A_21 = tpu.memref_slice %arg4[%mul3A_2, %dma_wait3A_20] : memref<40960x32xf32, #tpu.memory_space<hbm>> -> memref<64x32xf32, #tpu.memory_space<hbm>>
    %dma_wait3A_22 = arith.constant 0 : i32
    %dma_wait3A_23 = tpu.memref_slice %arg4[%mul3A_2, %dma_wait3A_22] : memref<40960x32xf32, #tpu.memory_space<hbm>> -> memref<64x32xf32, #tpu.memory_space<hbm>>
    tpu.wait_dma2 semaphore(%arg11 : memref<!tpu.dma_semaphore, #tpu.memory_space<semaphore_mem>>) src(%arg7 : memref<64x32xf32, #tpu.memory_space<vmem>>) dst(%dma_wait3A_23 : memref<64x32xf32, #tpu.memory_space<hbm>>)
    return
  }
}

#map = affine_map<(d0, d1) -> (0, 0)>
#map1 = affine_map<(d0, d1) -> (0)>
module attributes {stable_mosaic.version = 14 : i64} {
  func.func @gather_k(%arg0: i32, %arg1: i32, %arg2: memref<1000x32xf32, #tpu.memory_space<hbm>>, %arg3: memref<40960xi32, #tpu.memory_space<hbm>>, %arg4: memref<40960x32xf32, #tpu.memory_space<hbm>>, %arg5: memref<1280xi32, #tpu.memory_space<vmem>>, %arg6: memref<64x32xf32, #tpu.memory_space<vmem>>, %arg7: memref<64x32xf32, #tpu.memory_space<vmem>>, %arg8: memref<!tpu.dma_semaphore, #tpu.memory_space<semaphore_mem>>, %arg9: memref<!tpu.dma_semaphore, #tpu.memory_space<semaphore_mem>>, %arg10: memref<!tpu.dma_semaphore, #tpu.memory_space<semaphore_mem>>, %arg11: memref<!tpu.dma_semaphore, #tpu.memory_space<semaphore_mem>>) attributes {dimension_semantics = [#tpu.dimension_semantics<core_parallel>, #tpu.dimension_semantics<subcore_parallel>], iteration_bounds = array<i64: 2, 16>, scalar_prefetch = 0 : i64, scratch_operands = 7 : i64, tpu.core_type = #tpu.core_type<sc_vector_subcore>, window_params = [{transform_indices = #map}, {transform_indices = #map1}, {transform_indices = #map}]} {
    %mul3A = arith.constant 2 : i32
    %mul3A_0 = arith.muli %arg1, %mul3A : i32
    %add3A = arith.addi %mul3A_0, %arg0 : i32
    %mul3A_1 = arith.constant 1280 : i32
    %mul3A_2 = arith.muli %add3A, %mul3A_1 : i32
    "tpu.region"() ({
      %run_scoped3A = tpu.sem_alloc : memref<!tpu.dma_semaphore, #tpu.memory_space<semaphore_mem>>
      %dma_start3A_24 = tpu.memref_slice %arg3[%mul3A_2] : memref<40960xi32, #tpu.memory_space<hbm>> -> memref<1280xi32, #tpu.memory_space<hbm>>
      %dma_start3A_25 = tpu.memref_slice %arg3[%mul3A_2] : memref<40960xi32, #tpu.memory_space<hbm>> -> memref<1280xi32, #tpu.memory_space<hbm>>
      tpu.enqueue_dma source(%dma_start3A_25 : memref<1280xi32, #tpu.memory_space<hbm>>) target(%arg5 : memref<1280xi32, #tpu.memory_space<vmem>>) target_semaphore(%run_scoped3A : memref<!tpu.dma_semaphore, #tpu.memory_space<semaphore_mem>>)
      %dma_wait3A_26 = tpu.memref_slice %arg3[%mul3A_2] : memref<40960xi32, #tpu.memory_space<hbm>> -> memref<1280xi32, #tpu.memory_space<hbm>>
      %dma_wait3A_27 = tpu.memref_slice %arg3[%mul3A_2] : memref<40960xi32, #tpu.memory_space<hbm>> -> memref<1280xi32, #tpu.memory_space<hbm>>
      tpu.wait_dma2 semaphore(%run_scoped3A : memref<!tpu.dma_semaphore, #tpu.memory_space<semaphore_mem>>) src(%dma_wait3A_27 : memref<1280xi32, #tpu.memory_space<hbm>>) dst(%arg5 : memref<1280xi32, #tpu.memory_space<vmem>>)
      tpu.yield
    }) : () -> ()
    %multiple_of3A = arith.constant 0 : i32
    %multiple_of3A_3 = tpu.assume_multiple %multiple_of3A, 8 : i32
    %dma_start3A = tpu.memref_slice %arg5[%multiple_of3A_3] : memref<1280xi32, #tpu.memory_space<vmem>> -> memref<64xi32, #tpu.memory_space<vmem>>
    %dma_start3A_4 = arith.constant 0 : i32
    %dma_start3A_5 = arith.constant 0 : i32
    %dma_start3A_6 = tpu.memref_slice %arg2[%dma_start3A_4, %dma_start3A_5] : memref<1000x32xf32, #tpu.memory_space<hbm>> -> memref<1000x32xf32, #tpu.memory_space<hbm>>
    tpu.enqueue_indirect_dma source(%dma_start3A_6 : memref<1000x32xf32, #tpu.memory_space<hbm>>) target(%arg6 : memref<64x32xf32, #tpu.memory_space<vmem>>) offsets(%dma_start3A : memref<64xi32, #tpu.memory_space<vmem>>) semaphore(%arg8 : memref<!tpu.dma_semaphore, #tpu.memory_space<semaphore_mem>>)
    %multiple_of3A_7 = arith.constant 64 : i32
    %multiple_of3A_8 = tpu.assume_multiple %multiple_of3A_7, 8 : i32
    %dma_start3A_9 = tpu.memref_slice %arg5[%multiple_of3A_8] : memref<1280xi32, #tpu.memory_space<vmem>> -> memref<64xi32, #tpu.memory_space<vmem>>
    %dma_start3A_10 = arith.constant 0 : i32
    %dma_start3A_11 = arith.constant 0 : i32
    %dma_start3A_12 = tpu.memref_slice %arg2[%dma_start3A_10, %dma_start3A_11] : memref<1000x32xf32, #tpu.memory_space<hbm>> -> memref<1000x32xf32, #tpu.memory_space<hbm>>
    tpu.enqueue_indirect_dma source(%dma_start3A_12 : memref<1000x32xf32, #tpu.memory_space<hbm>>) target(%arg7 : memref<64x32xf32, #tpu.memory_space<vmem>>) offsets(%dma_start3A_9 : memref<64xi32, #tpu.memory_space<vmem>>) semaphore(%arg9 : memref<!tpu.dma_semaphore, #tpu.memory_space<semaphore_mem>>)
    %scan3A = arith.constant 0 : i32
    %scan3A_13 = arith.constant 10 : i32
    %scan3A_14 = arith.addi %scan3A, %scan3A_13 : i32
    %scan3A_15 = arith.constant 1 : i32
    scf.for %scan3A_24 = %scan3A to %scan3A_14 step %scan3A_15  : i32 {
      %dma_wait3A_25 = arith.constant 0 : i32
      %dma_wait3A_26 = arith.constant 0 : i32
      %dma_wait3A_27 = tpu.memref_slice %arg2[%dma_wait3A_25, %dma_wait3A_26] : memref<1000x32xf32, #tpu.memory_space<hbm>> -> memref<64x32xf32, #tpu.memory_space<hbm>>
      %dma_wait3A_28 = arith.constant 0 : i32
      %dma_wait3A_29 = arith.constant 0 : i32
      %dma_wait3A_30 = tpu.memref_slice %arg2[%dma_wait3A_28, %dma_wait3A_29] : memref<1000x32xf32, #tpu.memory_space<hbm>> -> memref<64x32xf32, #tpu.memory_space<hbm>>
      tpu.wait_dma2 semaphore(%arg8 : memref<!tpu.dma_semaphore, #tpu.memory_space<semaphore_mem>>) src(%dma_wait3A_30 : memref<64x32xf32, #tpu.memory_space<hbm>>) dst(%arg6 : memref<64x32xf32, #tpu.memory_space<vmem>>)
      %mul3A_31 = arith.constant 2 : i32
      %mul3A_32 = arith.muli %mul3A_31, %scan3A_24 : i32
      %mul3A_33 = arith.constant 64 : i32
      %mul3A_34 = arith.muli %mul3A_32, %mul3A_33 : i32
      %multiple_of3A_35 = tpu.assume_multiple %mul3A_34, 8 : i32
      %add3A_36 = arith.addi %mul3A_2, %multiple_of3A_35 : i32
      %dma_start3A_37 = arith.constant 0 : i32
      %dma_start3A_38 = tpu.memref_slice %arg4[%add3A_36, %dma_start3A_37] : memref<40960x32xf32, #tpu.memory_space<hbm>> -> memref<64x32xf32, #tpu.memory_space<hbm>>
      %dma_start3A_39 = arith.constant 0 : i32
      %dma_start3A_40 = tpu.memref_slice %arg4[%add3A_36, %dma_start3A_39] : memref<40960x32xf32, #tpu.memory_space<hbm>> -> memref<64x32xf32, #tpu.memory_space<hbm>>
      tpu.enqueue_dma source(%arg6 : memref<64x32xf32, #tpu.memory_space<vmem>>) target(%dma_start3A_40 : memref<64x32xf32, #tpu.memory_space<hbm>>) target_semaphore(%arg10 : memref<!tpu.dma_semaphore, #tpu.memory_space<semaphore_mem>>)
      %dma_wait3A_41 = arith.constant 0 : i32
      %dma_wait3A_42 = arith.constant 0 : i32
      %dma_wait3A_43 = tpu.memref_slice %arg2[%dma_wait3A_41, %dma_wait3A_42] : memref<1000x32xf32, #tpu.memory_space<hbm>> -> memref<64x32xf32, #tpu.memory_space<hbm>>
      %dma_wait3A_44 = arith.constant 0 : i32
      %dma_wait3A_45 = arith.constant 0 : i32
      %dma_wait3A_46 = tpu.memref_slice %arg2[%dma_wait3A_44, %dma_wait3A_45] : memref<1000x32xf32, #tpu.memory_space<hbm>> -> memref<64x32xf32, #tpu.memory_space<hbm>>
      tpu.wait_dma2 semaphore(%arg9 : memref<!tpu.dma_semaphore, #tpu.memory_space<semaphore_mem>>) src(%dma_wait3A_46 : memref<64x32xf32, #tpu.memory_space<hbm>>) dst(%arg7 : memref<64x32xf32, #tpu.memory_space<vmem>>)
      %mul3A_47 = arith.constant 2 : i32
      %mul3A_48 = arith.muli %mul3A_47, %scan3A_24 : i32
      %add3A_49 = arith.constant 1 : i32
      %add3A_50 = arith.addi %mul3A_48, %add3A_49 : i32
      %mul3A_51 = arith.constant 64 : i32
      %mul3A_52 = arith.muli %add3A_50, %mul3A_51 : i32
      %multiple_of3A_53 = tpu.assume_multiple %mul3A_52, 8 : i32
      %add3A_54 = arith.addi %mul3A_2, %multiple_of3A_53 : i32
      %dma_start3A_55 = arith.constant 0 : i32
      %dma_start3A_56 = tpu.memref_slice %arg4[%add3A_54, %dma_start3A_55] : memref<40960x32xf32, #tpu.memory_space<hbm>> -> memref<64x32xf32, #tpu.memory_space<hbm>>
      %dma_start3A_57 = arith.constant 0 : i32
      %dma_start3A_58 = tpu.memref_slice %arg4[%add3A_54, %dma_start3A_57] : memref<40960x32xf32, #tpu.memory_space<hbm>> -> memref<64x32xf32, #tpu.memory_space<hbm>>
      tpu.enqueue_dma source(%arg7 : memref<64x32xf32, #tpu.memory_space<vmem>>) target(%dma_start3A_58 : memref<64x32xf32, #tpu.memory_space<hbm>>) target_semaphore(%arg11 : memref<!tpu.dma_semaphore, #tpu.memory_space<semaphore_mem>>)
      %add3A_59 = arith.constant 1 : i32
      %add3A_60 = arith.addi %scan3A_24, %add3A_59 : i32
      %lt3A = arith.constant 10 : i32
      %lt3A_61 = arith.cmpi slt, %add3A_60, %lt3A : i32
      %convert_element_type3A = arith.extui %lt3A_61 : i1 to i32
      %cond3A = arith.constant 0 : i32
      %cond3A_62 = arith.cmpi ne, %convert_element_type3A, %cond3A : i32
      scf.if %cond3A_62 {
        %dma_wait3A_63 = arith.constant 0 : i32
        %dma_wait3A_64 = tpu.memref_slice %arg4[%mul3A_2, %dma_wait3A_63] : memref<40960x32xf32, #tpu.memory_space<hbm>> -> memref<64x32xf32, #tpu.memory_space<hbm>>
        %dma_wait3A_65 = arith.constant 0 : i32
        %dma_wait3A_66 = tpu.memref_slice %arg4[%mul3A_2, %dma_wait3A_65] : memref<40960x32xf32, #tpu.memory_space<hbm>> -> memref<64x32xf32, #tpu.memory_space<hbm>>
        tpu.wait_dma2 semaphore(%arg10 : memref<!tpu.dma_semaphore, #tpu.memory_space<semaphore_mem>>) src(%arg6 : memref<64x32xf32, #tpu.memory_space<vmem>>) dst(%dma_wait3A_66 : memref<64x32xf32, #tpu.memory_space<hbm>>)
        %mul3A_67 = arith.constant 2 : i32
        %mul3A_68 = arith.muli %mul3A_67, %scan3A_24 : i32
        %add3A_69 = arith.constant 2 : i32
        %add3A_70 = arith.addi %mul3A_68, %add3A_69 : i32
        %mul3A_71 = arith.constant 64 : i32
        %mul3A_72 = arith.muli %add3A_70, %mul3A_71 : i32
        %multiple_of3A_73 = tpu.assume_multiple %mul3A_72, 8 : i32
        %dma_start3A_74 = tpu.memref_slice %arg5[%multiple_of3A_73] : memref<1280xi32, #tpu.memory_space<vmem>> -> memref<64xi32, #tpu.memory_space<vmem>>
        %dma_start3A_75 = arith.constant 0 : i32
        %dma_start3A_76 = arith.constant 0 : i32
        %dma_start3A_77 = tpu.memref_slice %arg2[%dma_start3A_75, %dma_start3A_76] : memref<1000x32xf32, #tpu.memory_space<hbm>> -> memref<1000x32xf32, #tpu.memory_space<hbm>>
        tpu.enqueue_indirect_dma source(%dma_start3A_77 : memref<1000x32xf32, #tpu.memory_space<hbm>>) target(%arg6 : memref<64x32xf32, #tpu.memory_space<vmem>>) offsets(%dma_start3A_74 : memref<64xi32, #tpu.memory_space<vmem>>) semaphore(%arg8 : memref<!tpu.dma_semaphore, #tpu.memory_space<semaphore_mem>>)
        %dma_wait3A_78 = arith.constant 0 : i32
        %dma_wait3A_79 = tpu.memref_slice %arg4[%mul3A_2, %dma_wait3A_78] : memref<40960x32xf32, #tpu.memory_space<hbm>> -> memref<64x32xf32, #tpu.memory_space<hbm>>
        %dma_wait3A_80 = arith.constant 0 : i32
        %dma_wait3A_81 = tpu.memref_slice %arg4[%mul3A_2, %dma_wait3A_80] : memref<40960x32xf32, #tpu.memory_space<hbm>> -> memref<64x32xf32, #tpu.memory_space<hbm>>
        tpu.wait_dma2 semaphore(%arg11 : memref<!tpu.dma_semaphore, #tpu.memory_space<semaphore_mem>>) src(%arg7 : memref<64x32xf32, #tpu.memory_space<vmem>>) dst(%dma_wait3A_81 : memref<64x32xf32, #tpu.memory_space<hbm>>)
        %mul3A_82 = arith.constant 2 : i32
        %mul3A_83 = arith.muli %mul3A_82, %scan3A_24 : i32
        %add3A_84 = arith.constant 3 : i32
        %add3A_85 = arith.addi %mul3A_83, %add3A_84 : i32
        %mul3A_86 = arith.constant 64 : i32
        %mul3A_87 = arith.muli %add3A_85, %mul3A_86 : i32
        %multiple_of3A_88 = tpu.assume_multiple %mul3A_87, 8 : i32
        %dma_start3A_89 = tpu.memref_slice %arg5[%multiple_of3A_88] : memref<1280xi32, #tpu.memory_space<vmem>> -> memref<64xi32, #tpu.memory_space<vmem>>
        %dma_start3A_90 = arith.constant 0 : i32
        %dma_start3A_91 = arith.constant 0 : i32
        %dma_start3A_92 = tpu.memref_slice %arg2[%dma_start3A_90, %dma_start3A_91] : memref<1000x32xf32, #tpu.memory_space<hbm>> -> memref<1000x32xf32, #tpu.memory_space<hbm>>
        tpu.enqueue_indirect_dma source(%dma_start3A_92 : memref<1000x32xf32, #tpu.memory_space<hbm>>) target(%arg7 : memref<64x32xf32, #tpu.memory_space<vmem>>) offsets(%dma_start3A_89 : memref<64xi32, #tpu.memory_space<vmem>>) semaphore(%arg9 : memref<!tpu.dma_semaphore, #tpu.memory_space<semaphore_mem>>)
      } else {
      }
    }
    %scan3A_16 = arith.constant 10 : i32
    %dma_wait3A = arith.constant 0 : i32
    %dma_wait3A_17 = tpu.memref_slice %arg4[%mul3A_2, %dma_wait3A] : memref<40960x32xf32, #tpu.memory_space<hbm>> -> memref<64x32xf32, #tpu.memory_space<hbm>>
    %dma_wait3A_18 = arith.constant 0 : i32
    %dma_wait3A_19 = tpu.memref_slice %arg4[%mul3A_2, %dma_wait3A_18] : memref<40960x32xf32, #tpu.memory_space<hbm>> -> memref<64x32xf32, #tpu.memory_space<hbm>>
    tpu.wait_dma2 semaphore(%arg10 : memref<!tpu.dma_semaphore, #tpu.memory_space<semaphore_mem>>) src(%arg6 : memref<64x32xf32, #tpu.memory_space<vmem>>) dst(%dma_wait3A_19 : memref<64x32xf32, #tpu.memory_space<hbm>>)
    %dma_wait3A_20 = arith.constant 0 : i32
    %dma_wait3A_21 = tpu.memref_slice %arg4[%mul3A_2, %dma_wait3A_20] : memref<40960x32xf32, #tpu.memory_space<hbm>> -> memref<64x32xf32, #tpu.memory_space<hbm>>
    %dma_wait3A_22 = arith.constant 0 : i32
    %dma_wait3A_23 = tpu.memref_slice %arg4[%mul3A_2, %dma_wait3A_22] : memref<40960x32xf32, #tpu.memory_space<hbm>> -> memref<64x32xf32, #tpu.memory_space<hbm>>
    tpu.wait_dma2 semaphore(%arg11 : memref<!tpu.dma_semaphore, #tpu.memory_space<semaphore_mem>>) src(%arg7 : memref<64x32xf32, #tpu.memory_space<vmem>>) dst(%dma_wait3A_23 : memref<64x32xf32, #tpu.memory_space<hbm>>)
    return
  }
}

#map = affine_map<(d0, d1) -> (0, 0)>
#map1 = affine_map<(d0, d1) -> (0)>
module attributes {stable_mosaic.version = 14 : i64} {
  func.func @gather_k(%arg0: i32, %arg1: i32, %arg2: memref<1000x32xf32, #tpu.memory_space<hbm>>, %arg3: memref<40960xi32, #tpu.memory_space<hbm>>, %arg4: memref<40960x32xf32, #tpu.memory_space<hbm>>, %arg5: memref<1280xi32, #tpu.memory_space<vmem>>, %arg6: memref<64x32xf32, #tpu.memory_space<vmem>>, %arg7: memref<64x32xf32, #tpu.memory_space<vmem>>, %arg8: memref<!tpu.dma_semaphore, #tpu.memory_space<semaphore_mem>>, %arg9: memref<!tpu.dma_semaphore, #tpu.memory_space<semaphore_mem>>, %arg10: memref<!tpu.dma_semaphore, #tpu.memory_space<semaphore_mem>>, %arg11: memref<!tpu.dma_semaphore, #tpu.memory_space<semaphore_mem>>) attributes {dimension_semantics = [#tpu.dimension_semantics<core_parallel>, #tpu.dimension_semantics<subcore_parallel>], iteration_bounds = array<i64: 2, 16>, scalar_prefetch = 0 : i64, scratch_operands = 7 : i64, tpu.core_type = #tpu.core_type<sc_vector_subcore>, window_params = [{transform_indices = #map}, {transform_indices = #map1}, {transform_indices = #map}]} {
    %mul3A = arith.constant 2 : i32
    %mul3A_0 = arith.muli %arg1, %mul3A : i32
    %add3A = arith.addi %mul3A_0, %arg0 : i32
    %mul3A_1 = arith.constant 1280 : i32
    %mul3A_2 = arith.muli %add3A, %mul3A_1 : i32
    "tpu.region"() ({
      %run_scoped3A = tpu.sem_alloc : memref<!tpu.dma_semaphore, #tpu.memory_space<semaphore_mem>>
      %dma_start3A_24 = tpu.memref_slice %arg3[%mul3A_2] : memref<40960xi32, #tpu.memory_space<hbm>> -> memref<1280xi32, #tpu.memory_space<hbm>>
      %dma_start3A_25 = tpu.memref_slice %arg3[%mul3A_2] : memref<40960xi32, #tpu.memory_space<hbm>> -> memref<1280xi32, #tpu.memory_space<hbm>>
      tpu.enqueue_dma source(%dma_start3A_25 : memref<1280xi32, #tpu.memory_space<hbm>>) target(%arg5 : memref<1280xi32, #tpu.memory_space<vmem>>) target_semaphore(%run_scoped3A : memref<!tpu.dma_semaphore, #tpu.memory_space<semaphore_mem>>)
      %dma_wait3A_26 = tpu.memref_slice %arg3[%mul3A_2] : memref<40960xi32, #tpu.memory_space<hbm>> -> memref<1280xi32, #tpu.memory_space<hbm>>
      %dma_wait3A_27 = tpu.memref_slice %arg3[%mul3A_2] : memref<40960xi32, #tpu.memory_space<hbm>> -> memref<1280xi32, #tpu.memory_space<hbm>>
      tpu.wait_dma2 semaphore(%run_scoped3A : memref<!tpu.dma_semaphore, #tpu.memory_space<semaphore_mem>>) src(%dma_wait3A_27 : memref<1280xi32, #tpu.memory_space<hbm>>) dst(%arg5 : memref<1280xi32, #tpu.memory_space<vmem>>)
      tpu.yield
    }) : () -> ()
    %multiple_of3A = arith.constant 0 : i32
    %multiple_of3A_3 = tpu.assume_multiple %multiple_of3A, 8 : i32
    %dma_start3A = tpu.memref_slice %arg5[%multiple_of3A_3] : memref<1280xi32, #tpu.memory_space<vmem>> -> memref<64xi32, #tpu.memory_space<vmem>>
    %dma_start3A_4 = arith.constant 0 : i32
    %dma_start3A_5 = arith.constant 0 : i32
    %dma_start3A_6 = tpu.memref_slice %arg2[%dma_start3A_4, %dma_start3A_5] : memref<1000x32xf32, #tpu.memory_space<hbm>> -> memref<1000x32xf32, #tpu.memory_space<hbm>>
    tpu.enqueue_indirect_dma source(%dma_start3A_6 : memref<1000x32xf32, #tpu.memory_space<hbm>>) target(%arg6 : memref<64x32xf32, #tpu.memory_space<vmem>>) offsets(%dma_start3A : memref<64xi32, #tpu.memory_space<vmem>>) semaphore(%arg8 : memref<!tpu.dma_semaphore, #tpu.memory_space<semaphore_mem>>)
    %multiple_of3A_7 = arith.constant 64 : i32
    %multiple_of3A_8 = tpu.assume_multiple %multiple_of3A_7, 8 : i32
    %dma_start3A_9 = tpu.memref_slice %arg5[%multiple_of3A_8] : memref<1280xi32, #tpu.memory_space<vmem>> -> memref<64xi32, #tpu.memory_space<vmem>>
    %dma_start3A_10 = arith.constant 0 : i32
    %dma_start3A_11 = arith.constant 0 : i32
    %dma_start3A_12 = tpu.memref_slice %arg2[%dma_start3A_10, %dma_start3A_11] : memref<1000x32xf32, #tpu.memory_space<hbm>> -> memref<1000x32xf32, #tpu.memory_space<hbm>>
    tpu.enqueue_indirect_dma source(%dma_start3A_12 : memref<1000x32xf32, #tpu.memory_space<hbm>>) target(%arg7 : memref<64x32xf32, #tpu.memory_space<vmem>>) offsets(%dma_start3A_9 : memref<64xi32, #tpu.memory_space<vmem>>) semaphore(%arg9 : memref<!tpu.dma_semaphore, #tpu.memory_space<semaphore_mem>>)
    %scan3A = arith.constant 0 : i32
    %scan3A_13 = arith.constant 10 : i32
    %scan3A_14 = arith.addi %scan3A, %scan3A_13 : i32
    %scan3A_15 = arith.constant 1 : i32
    scf.for %scan3A_24 = %scan3A to %scan3A_14 step %scan3A_15  : i32 {
      %dma_wait3A_25 = arith.constant 0 : i32
      %dma_wait3A_26 = arith.constant 0 : i32
      %dma_wait3A_27 = tpu.memref_slice %arg2[%dma_wait3A_25, %dma_wait3A_26] : memref<1000x32xf32, #tpu.memory_space<hbm>> -> memref<64x32xf32, #tpu.memory_space<hbm>>
      %dma_wait3A_28 = arith.constant 0 : i32
      %dma_wait3A_29 = arith.constant 0 : i32
      %dma_wait3A_30 = tpu.memref_slice %arg2[%dma_wait3A_28, %dma_wait3A_29] : memref<1000x32xf32, #tpu.memory_space<hbm>> -> memref<64x32xf32, #tpu.memory_space<hbm>>
      tpu.wait_dma2 semaphore(%arg8 : memref<!tpu.dma_semaphore, #tpu.memory_space<semaphore_mem>>) src(%dma_wait3A_30 : memref<64x32xf32, #tpu.memory_space<hbm>>) dst(%arg6 : memref<64x32xf32, #tpu.memory_space<vmem>>)
      %mul3A_31 = arith.constant 2 : i32
      %mul3A_32 = arith.muli %mul3A_31, %scan3A_24 : i32
      %mul3A_33 = arith.constant 64 : i32
      %mul3A_34 = arith.muli %mul3A_32, %mul3A_33 : i32
      %multiple_of3A_35 = tpu.assume_multiple %mul3A_34, 8 : i32
      %add3A_36 = arith.addi %mul3A_2, %multiple_of3A_35 : i32
      %dma_start3A_37 = arith.constant 0 : i32
      %dma_start3A_38 = tpu.memref_slice %arg4[%add3A_36, %dma_start3A_37] : memref<40960x32xf32, #tpu.memory_space<hbm>> -> memref<64x32xf32, #tpu.memory_space<hbm>>
      %dma_start3A_39 = arith.constant 0 : i32
      %dma_start3A_40 = tpu.memref_slice %arg4[%add3A_36, %dma_start3A_39] : memref<40960x32xf32, #tpu.memory_space<hbm>> -> memref<64x32xf32, #tpu.memory_space<hbm>>
      tpu.enqueue_dma source(%arg6 : memref<64x32xf32, #tpu.memory_space<vmem>>) target(%dma_start3A_40 : memref<64x32xf32, #tpu.memory_space<hbm>>) target_semaphore(%arg10 : memref<!tpu.dma_semaphore, #tpu.memory_space<semaphore_mem>>)
      %dma_wait3A_41 = arith.constant 0 : i32
      %dma_wait3A_42 = arith.constant 0 : i32
      %dma_wait3A_43 = tpu.memref_slice %arg2[%dma_wait3A_41, %dma_wait3A_42] : memref<1000x32xf32, #tpu.memory_space<hbm>> -> memref<64x32xf32, #tpu.memory_space<hbm>>
      %dma_wait3A_44 = arith.constant 0 : i32
      %dma_wait3A_45 = arith.constant 0 : i32
      %dma_wait3A_46 = tpu.memref_slice %arg2[%dma_wait3A_44, %dma_wait3A_45] : memref<1000x32xf32, #tpu.memory_space<hbm>> -> memref<64x32xf32, #tpu.memory_space<hbm>>
      tpu.wait_dma2 semaphore(%arg9 : memref<!tpu.dma_semaphore, #tpu.memory_space<semaphore_mem>>) src(%dma_wait3A_46 : memref<64x32xf32, #tpu.memory_space<hbm>>) dst(%arg7 : memref<64x32xf32, #tpu.memory_space<vmem>>)
      %mul3A_47 = arith.constant 2 : i32
      %mul3A_48 = arith.muli %mul3A_47, %scan3A_24 : i32
      %add3A_49 = arith.constant 1 : i32
      %add3A_50 = arith.addi %mul3A_48, %add3A_49 : i32
      %mul3A_51 = arith.constant 64 : i32
      %mul3A_52 = arith.muli %add3A_50, %mul3A_51 : i32
      %multiple_of3A_53 = tpu.assume_multiple %mul3A_52, 8 : i32
      %add3A_54 = arith.addi %mul3A_2, %multiple_of3A_53 : i32
      %dma_start3A_55 = arith.constant 0 : i32
      %dma_start3A_56 = tpu.memref_slice %arg4[%add3A_54, %dma_start3A_55] : memref<40960x32xf32, #tpu.memory_space<hbm>> -> memref<64x32xf32, #tpu.memory_space<hbm>>
      %dma_start3A_57 = arith.constant 0 : i32
      %dma_start3A_58 = tpu.memref_slice %arg4[%add3A_54, %dma_start3A_57] : memref<40960x32xf32, #tpu.memory_space<hbm>> -> memref<64x32xf32, #tpu.memory_space<hbm>>
      tpu.enqueue_dma source(%arg7 : memref<64x32xf32, #tpu.memory_space<vmem>>) target(%dma_start3A_58 : memref<64x32xf32, #tpu.memory_space<hbm>>) target_semaphore(%arg11 : memref<!tpu.dma_semaphore, #tpu.memory_space<semaphore_mem>>)
      %add3A_59 = arith.constant 1 : i32
      %add3A_60 = arith.addi %scan3A_24, %add3A_59 : i32
      %lt3A = arith.constant 10 : i32
      %lt3A_61 = arith.cmpi slt, %add3A_60, %lt3A : i32
      %convert_element_type3A = arith.extui %lt3A_61 : i1 to i32
      %cond3A = arith.constant 0 : i32
      %cond3A_62 = arith.cmpi ne, %convert_element_type3A, %cond3A : i32
      scf.if %cond3A_62 {
        %dma_wait3A_63 = arith.constant 0 : i32
        %dma_wait3A_64 = tpu.memref_slice %arg4[%mul3A_2, %dma_wait3A_63] : memref<40960x32xf32, #tpu.memory_space<hbm>> -> memref<64x32xf32, #tpu.memory_space<hbm>>
        %dma_wait3A_65 = arith.constant 0 : i32
        %dma_wait3A_66 = tpu.memref_slice %arg4[%mul3A_2, %dma_wait3A_65] : memref<40960x32xf32, #tpu.memory_space<hbm>> -> memref<64x32xf32, #tpu.memory_space<hbm>>
        tpu.wait_dma2 semaphore(%arg10 : memref<!tpu.dma_semaphore, #tpu.memory_space<semaphore_mem>>) src(%arg6 : memref<64x32xf32, #tpu.memory_space<vmem>>) dst(%dma_wait3A_66 : memref<64x32xf32, #tpu.memory_space<hbm>>)
        %mul3A_67 = arith.constant 2 : i32
        %mul3A_68 = arith.muli %mul3A_67, %scan3A_24 : i32
        %add3A_69 = arith.constant 2 : i32
        %add3A_70 = arith.addi %mul3A_68, %add3A_69 : i32
        %mul3A_71 = arith.constant 64 : i32
        %mul3A_72 = arith.muli %add3A_70, %mul3A_71 : i32
        %multiple_of3A_73 = tpu.assume_multiple %mul3A_72, 8 : i32
        %dma_start3A_74 = tpu.memref_slice %arg5[%multiple_of3A_73] : memref<1280xi32, #tpu.memory_space<vmem>> -> memref<64xi32, #tpu.memory_space<vmem>>
        %dma_start3A_75 = arith.constant 0 : i32
        %dma_start3A_76 = arith.constant 0 : i32
        %dma_start3A_77 = tpu.memref_slice %arg2[%dma_start3A_75, %dma_start3A_76] : memref<1000x32xf32, #tpu.memory_space<hbm>> -> memref<1000x32xf32, #tpu.memory_space<hbm>>
        tpu.enqueue_indirect_dma source(%dma_start3A_77 : memref<1000x32xf32, #tpu.memory_space<hbm>>) target(%arg6 : memref<64x32xf32, #tpu.memory_space<vmem>>) offsets(%dma_start3A_74 : memref<64xi32, #tpu.memory_space<vmem>>) semaphore(%arg8 : memref<!tpu.dma_semaphore, #tpu.memory_space<semaphore_mem>>)
        %dma_wait3A_78 = arith.constant 0 : i32
        %dma_wait3A_79 = tpu.memref_slice %arg4[%mul3A_2, %dma_wait3A_78] : memref<40960x32xf32, #tpu.memory_space<hbm>> -> memref<64x32xf32, #tpu.memory_space<hbm>>
        %dma_wait3A_80 = arith.constant 0 : i32
        %dma_wait3A_81 = tpu.memref_slice %arg4[%mul3A_2, %dma_wait3A_80] : memref<40960x32xf32, #tpu.memory_space<hbm>> -> memref<64x32xf32, #tpu.memory_space<hbm>>
        tpu.wait_dma2 semaphore(%arg11 : memref<!tpu.dma_semaphore, #tpu.memory_space<semaphore_mem>>) src(%arg7 : memref<64x32xf32, #tpu.memory_space<vmem>>) dst(%dma_wait3A_81 : memref<64x32xf32, #tpu.memory_space<hbm>>)
        %mul3A_82 = arith.constant 2 : i32
        %mul3A_83 = arith.muli %mul3A_82, %scan3A_24 : i32
        %add3A_84 = arith.constant 3 : i32
        %add3A_85 = arith.addi %mul3A_83, %add3A_84 : i32
        %mul3A_86 = arith.constant 64 : i32
        %mul3A_87 = arith.muli %add3A_85, %mul3A_86 : i32
        %multiple_of3A_88 = tpu.assume_multiple %mul3A_87, 8 : i32
        %dma_start3A_89 = tpu.memref_slice %arg5[%multiple_of3A_88] : memref<1280xi32, #tpu.memory_space<vmem>> -> memref<64xi32, #tpu.memory_space<vmem>>
        %dma_start3A_90 = arith.constant 0 : i32
        %dma_start3A_91 = arith.constant 0 : i32
        %dma_start3A_92 = tpu.memref_slice %arg2[%dma_start3A_90, %dma_start3A_91] : memref<1000x32xf32, #tpu.memory_space<hbm>> -> memref<1000x32xf32, #tpu.memory_space<hbm>>
        tpu.enqueue_indirect_dma source(%dma_start3A_92 : memref<1000x32xf32, #tpu.memory_space<hbm>>) target(%arg7 : memref<64x32xf32, #tpu.memory_space<vmem>>) offsets(%dma_start3A_89 : memref<64xi32, #tpu.memory_space<vmem>>) semaphore(%arg9 : memref<!tpu.dma_semaphore, #tpu.memory_space<semaphore_mem>>)
      } else {
      }
    }
    %scan3A_16 = arith.constant 10 : i32
    %dma_wait3A = arith.constant 0 : i32
    %dma_wait3A_17 = tpu.memref_slice %arg4[%mul3A_2, %dma_wait3A] : memref<40960x32xf32, #tpu.memory_space<hbm>> -> memref<64x32xf32, #tpu.memory_space<hbm>>
    %dma_wait3A_18 = arith.constant 0 : i32
    %dma_wait3A_19 = tpu.memref_slice %arg4[%mul3A_2, %dma_wait3A_18] : memref<40960x32xf32, #tpu.memory_space<hbm>> -> memref<64x32xf32, #tpu.memory_space<hbm>>
    tpu.wait_dma2 semaphore(%arg10 : memref<!tpu.dma_semaphore, #tpu.memory_space<semaphore_mem>>) src(%arg6 : memref<64x32xf32, #tpu.memory_space<vmem>>) dst(%dma_wait3A_19 : memref<64x32xf32, #tpu.memory_space<hbm>>)
    %dma_wait3A_20 = arith.constant 0 : i32
    %dma_wait3A_21 = tpu.memref_slice %arg4[%mul3A_2, %dma_wait3A_20] : memref<40960x32xf32, #tpu.memory_space<hbm>> -> memref<64x32xf32, #tpu.memory_space<hbm>>
    %dma_wait3A_22 = arith.constant 0 : i32
    %dma_wait3A_23 = tpu.memref_slice %arg4[%mul3A_2, %dma_wait3A_22] : memref<40960x32xf32, #tpu.memory_space<hbm>> -> memref<64x32xf32, #tpu.memory_space<hbm>>
    tpu.wait_dma2 semaphore(%arg11 : memref<!tpu.dma_semaphore, #tpu.memory_space<semaphore_mem>>) src(%arg7 : memref<64x32xf32, #tpu.memory_space<vmem>>) dst(%dma_wait3A_23 : memref<64x32xf32, #tpu.memory_space<hbm>>)
    return
  }
}

module attributes {stable_mosaic.version = 14 : i64} {
  func.func @_proj_next(%arg0: i32, %arg1: memref<200x1000x1024xf32, #tpu.memory_space<any>>, %arg2: memref<4x256x128xf32, #tpu.memory_space<vmem>>, %arg3: memref<1000x32xf32, #tpu.memory_space<vmem>>, %arg4: memref<1000x1xf32, #tpu.memory_space<vmem>>, %arg5: memref<4x1000x1024xf32, #tpu.memory_space<vmem>>) attributes {dimension_semantics = [#tpu.dimension_semantics<arbitrary>], iteration_bounds = array<i64: 10>, scalar_prefetch = 0 : i64, scratch_operands = 0 : i64, tpu.core_type = #tpu.core_type<tc>, window_params = [{}, {transform_indices = @transform_1, window_bounds = array<i64: 4, 256, 128>}, {pipeline_mode = #tpu.pipeline_mode<synchronous>, transform_indices = @transform_2, window_bounds = array<i64: 1000, 32>}, {pipeline_mode = #tpu.pipeline_mode<synchronous>, transform_indices = @transform_3, window_bounds = array<i64: 1000, 1>}, {transform_indices = @transform_4, window_bounds = array<i64: 4, 1000, 1024>}]} {
    %get3A = arith.constant 0 : index
    %get3A_0 = arith.constant 0 : index
    %get3A_1 = vector.load %arg3[%get3A, %get3A_0] : memref<1000x32xf32, #tpu.memory_space<vmem>>, vector<1000x32xf32>
    %get3A_2 = arith.constant 0 : index
    %get3A_3 = arith.constant 0 : index
    %get3A_4 = arith.constant 0 : index
    %get3A_5 = vector.load %arg2[%get3A_2, %get3A_3, %get3A_4] : memref<4x256x128xf32, #tpu.memory_space<vmem>>, vector<1x256x32xf32>
    %get3A_6 = vector.shape_cast %get3A_5 : vector<1x256x32xf32> to vector<256x32xf32>
    %dot_general3A = arith.constant dense<0.000000e+00> : vector<1000x256xf32>
    %dot_general3A_7 = tpu.matmul %get3A_1, %get3A_6, %dot_general3A {dimension_numbers = #tpu.dot_dimension_numbers<[1], [1], [0], [0], [0, 0, 1, 0], [], []>, transpose_lhs_hint = false} : vector<1000x32xf32>, vector<256x32xf32>, vector<1000x256xf32> -> vector<1000x256xf32>
    %get3A_8 = arith.constant 0 : index
    %get3A_9 = arith.constant 0 : index
    %get3A_10 = vector.load %arg4[%get3A_8, %get3A_9] : memref<1000x1xf32, #tpu.memory_space<vmem>>, vector<1000x1xf32>
    %add3A = vector.broadcast %get3A_10 : vector<1000x1xf32> to vector<1000x256xf32>
    %add3A_11 = arith.addf %dot_general3A_7, %add3A : vector<1000x256xf32>
    %swap3A = arith.constant 0 : index
    %swap3A_12 = arith.constant 0 : index
    %swap3A_13 = arith.constant 0 : index
    %swap3A_14 = vector.load %arg5[%swap3A, %swap3A_12, %swap3A_13] : memref<4x1000x1024xf32, #tpu.memory_space<vmem>>, vector<1x1000x256xf32>
    %swap3A_15 = vector.shape_cast %swap3A_14 : vector<1x1000x256xf32> to vector<1000x256xf32>
    %swap3A_16 = vector.shape_cast %add3A_11 : vector<1000x256xf32> to vector<1x1000x256xf32>
    tpu.vector_store %arg5[%swap3A, %swap3A_12, %swap3A_13], %swap3A_16 {strides = array<i32>} : memref<4x1000x1024xf32, #tpu.memory_space<vmem>>, vector<1x1000x256xf32>,
    %get3A_17 = arith.constant 0 : index
    %get3A_18 = arith.constant 0 : index
    %get3A_19 = vector.load %arg3[%get3A_17, %get3A_18] : memref<1000x32xf32, #tpu.memory_space<vmem>>, vector<1000x32xf32>
    %get3A_20 = arith.constant 0 : index
    %get3A_21 = arith.constant 0 : index
    %get3A_22 = arith.constant 32 : index
    %get3A_23 = vector.load %arg2[%get3A_20, %get3A_21, %get3A_22] : memref<4x256x128xf32, #tpu.memory_space<vmem>>, vector<1x256x32xf32>
    %get3A_24 = vector.shape_cast %get3A_23 : vector<1x256x32xf32> to vector<256x32xf32>
    %dot_general3A_25 = arith.constant dense<0.000000e+00> : vector<1000x256xf32>
    %dot_general3A_26 = tpu.matmul %get3A_19, %get3A_24, %dot_general3A_25 {dimension_numbers = #tpu.dot_dimension_numbers<[1], [1], [0], [0], [0, 0, 1, 0], [], []>, transpose_lhs_hint = false} : vector<1000x32xf32>, vector<256x32xf32>, vector<1000x256xf32> -> vector<1000x256xf32>
    %get3A_27 = arith.constant 0 : index
    %get3A_28 = arith.constant 0 : index
    %get3A_29 = vector.load %arg4[%get3A_27, %get3A_28] : memref<1000x1xf32, #tpu.memory_space<vmem>>, vector<1000x1xf32>
    %add3A_30 = vector.broadcast %get3A_29 : vector<1000x1xf32> to vector<1000x256xf32>
    %add3A_31 = arith.addf %dot_general3A_26, %add3A_30 : vector<1000x256xf32>
    %swap3A_32 = arith.constant 0 : index
    %swap3A_33 = arith.constant 0 : index
    %swap3A_34 = arith.constant 256 : index
    %swap3A_35 = vector.load %arg5[%swap3A_32, %swap3A_33, %swap3A_34] : memref<4x1000x1024xf32, #tpu.memory_space<vmem>>, vector<1x1000x256xf32>
    %swap3A_36 = vector.shape_cast %swap3A_35 : vector<1x1000x256xf32> to vector<1000x256xf32>
    %swap3A_37 = vector.shape_cast %add3A_31 : vector<1000x256xf32> to vector<1x1000x256xf32>
    tpu.vector_store %arg5[%swap3A_32, %swap3A_33, %swap3A_34], %swap3A_37 {strides = array<i32>} : memref<4x1000x1024xf32, #tpu.memory_space<vmem>>, vector<1x1000x256xf32>,
    %get3A_38 = arith.constant 0 : index
    %get3A_39 = arith.constant 0 : index
    %get3A_40 = vector.load %arg3[%get3A_38, %get3A_39] : memref<1000x32xf32, #tpu.memory_space<vmem>>, vector<1000x32xf32>
    %get3A_41 = arith.constant 0 : index
    %get3A_42 = arith.constant 0 : index
    %get3A_43 = arith.constant 64 : index
    %get3A_44 = vector.load %arg2[%get3A_41, %get3A_42, %get3A_43] : memref<4x256x128xf32, #tpu.memory_space<vmem>>, vector<1x256x32xf32>
    %get3A_45 = vector.shape_cast %get3A_44 : vector<1x256x32xf32> to vector<256x32xf32>
    %dot_general3A_46 = arith.constant dense<0.000000e+00> : vector<1000x256xf32>
    %dot_general3A_47 = tpu.matmul %get3A_40, %get3A_45, %dot_general3A_46 {dimension_numbers = #tpu.dot_dimension_numbers<[1], [1], [0], [0], [0, 0, 1, 0], [], []>, transpose_lhs_hint = false} : vector<1000x32xf32>, vector<256x32xf32>, vector<1000x256xf32> -> vector<1000x256xf32>
    %get3A_48 = arith.constant 0 : index
    %get3A_49 = arith.constant 0 : index
    %get3A_50 = vector.load %arg4[%get3A_48, %get3A_49] : memref<1000x1xf32, #tpu.memory_space<vmem>>, vector<1000x1xf32>
    %add3A_51 = vector.broadcast %get3A_50 : vector<1000x1xf32> to vector<1000x256xf32>
    %add3A_52 = arith.addf %dot_general3A_47, %add3A_51 : vector<1000x256xf32>
    %swap3A_53 = arith.constant 0 : index
    %swap3A_54 = arith.constant 0 : index
    %swap3A_55 = arith.constant 512 : index
    %swap3A_56 = vector.load %arg5[%swap3A_53, %swap3A_54, %swap3A_55] : memref<4x1000x1024xf32, #tpu.memory_space<vmem>>, vector<1x1000x256xf32>
    %swap3A_57 = vector.shape_cast %swap3A_56 : vector<1x1000x256xf32> to vector<1000x256xf32>
    %swap3A_58 = vector.shape_cast %add3A_52 : vector<1000x256xf32> to vector<1x1000x256xf32>
    tpu.vector_store %arg5[%swap3A_53, %swap3A_54, %swap3A_55], %swap3A_58 {strides = array<i32>} : memref<4x1000x1024xf32, #tpu.memory_space<vmem>>, vector<1x1000x256xf32>,
    %get3A_59 = arith.constant 0 : index
    %get3A_60 = arith.constant 0 : index
    %get3A_61 = vector.load %arg3[%get3A_59, %get3A_60] : memref<1000x32xf32, #tpu.memory_space<vmem>>, vector<1000x32xf32>
    %get3A_62 = arith.constant 0 : index
    %get3A_63 = arith.constant 0 : index
    %get3A_64 = arith.constant 96 : index
    %get3A_65 = vector.load %arg2[%get3A_62, %get3A_63, %get3A_64] : memref<4x256x128xf32, #tpu.memory_space<vmem>>, vector<1x256x32xf32>
    %get3A_66 = vector.shape_cast %get3A_65 : vector<1x256x32xf32> to vector<256x32xf32>
    %dot_general3A_67 = arith.constant dense<0.000000e+00> : vector<1000x256xf32>
    %dot_general3A_68 = tpu.matmul %get3A_61, %get3A_66, %dot_general3A_67 {dimension_numbers = #tpu.dot_dimension_numbers<[1], [1], [0], [0], [0, 0, 1, 0], [], []>, transpose_lhs_hint = false} : vector<1000x32xf32>, vector<256x32xf32>, vector<1000x256xf32> -> vector<1000x256xf32>
    %get3A_69 = arith.constant 0 : index
    %get3A_70 = arith.constant 0 : index
    %get3A_71 = vector.load %arg4[%get3A_69, %get3A_70] : memref<1000x1xf32, #tpu.memory_space<vmem>>, vector<1000x1xf32>
    %add3A_72 = vector.broadcast %get3A_71 : vector<1000x1xf32> to vector<1000x256xf32>
    %add3A_73 = arith.addf %dot_general3A_68, %add3A_72 : vector<1000x256xf32>
    %swap3A_74 = arith.constant 0 : index
    %swap3A_75 = arith.constant 0 : index
    %swap3A_76 = arith.constant 768 : index
    %swap3A_77 = vector.load %arg5[%swap3A_74, %swap3A_75, %swap3A_76] : memref<4x1000x1024xf32, #tpu.memory_space<vmem>>, vector<1x1000x256xf32>
    %swap3A_78 = vector.shape_cast %swap3A_77 : vector<1x1000x256xf32> to vector<1000x256xf32>
    %swap3A_79 = vector.shape_cast %add3A_73 : vector<1000x256xf32> to vector<1x1000x256xf32>
    tpu.vector_store %arg5[%swap3A_74, %swap3A_75, %swap3A_76], %swap3A_79 {strides = array<i32>} : memref<4x1000x1024xf32, #tpu.memory_space<vmem>>, vector<1x1000x256xf32>,
    %get3A_80 = arith.constant 0 : index
    %get3A_81 = arith.constant 0 : index
    %get3A_82 = vector.load %arg3[%get3A_80, %get3A_81] : memref<1000x32xf32, #tpu.memory_space<vmem>>, vector<1000x32xf32>
    %get3A_83 = arith.constant 1 : index
    %get3A_84 = arith.constant 0 : index
    %get3A_85 = arith.constant 0 : index
    %get3A_86 = vector.load %arg2[%get3A_83, %get3A_84, %get3A_85] : memref<4x256x128xf32, #tpu.memory_space<vmem>>, vector<1x256x32xf32>
    %get3A_87 = vector.shape_cast %get3A_86 : vector<1x256x32xf32> to vector<256x32xf32>
    %dot_general3A_88 = arith.constant dense<0.000000e+00> : vector<1000x256xf32>
    %dot_general3A_89 = tpu.matmul %get3A_82, %get3A_87, %dot_general3A_88 {dimension_numbers = #tpu.dot_dimension_numbers<[1], [1], [0], [0], [0, 0, 1, 0], [], []>, transpose_lhs_hint = false} : vector<1000x32xf32>, vector<256x32xf32>, vector<1000x256xf32> -> vector<1000x256xf32>
    %get3A_90 = arith.constant 0 : index
    %get3A_91 = arith.constant 0 : index
    %get3A_92 = vector.load %arg4[%get3A_90, %get3A_91] : memref<1000x1xf32, #tpu.memory_space<vmem>>, vector<1000x1xf32>
    %add3A_93 = vector.broadcast %get3A_92 : vector<1000x1xf32> to vector<1000x256xf32>
    %add3A_94 = arith.addf %dot_general3A_89, %add3A_93 : vector<1000x256xf32>
    %swap3A_95 = arith.constant 1 : index
    %swap3A_96 = arith.constant 0 : index
    %swap3A_97 = arith.constant 0 : index
    %swap3A_98 = vector.load %arg5[%swap3A_95, %swap3A_96, %swap3A_97] : memref<4x1000x1024xf32, #tpu.memory_space<vmem>>, vector<1x1000x256xf32>
    %swap3A_99 = vector.shape_cast %swap3A_98 : vector<1x1000x256xf32> to vector<1000x256xf32>
    %swap3A_100 = vector.shape_cast %add3A_94 : vector<1000x256xf32> to vector<1x1000x256xf32>
    tpu.vector_store %arg5[%swap3A_95, %swap3A_96, %swap3A_97], %swap3A_100 {strides = array<i32>} : memref<4x1000x1024xf32, #tpu.memory_space<vmem>>, vector<1x1000x256xf32>,
    %get3A_101 = arith.constant 0 : index
    %get3A_102 = arith.constant 0 : index
    %get3A_103 = vector.load %arg3[%get3A_101, %get3A_102] : memref<1000x32xf32, #tpu.memory_space<vmem>>, vector<1000x32xf32>
    %get3A_104 = arith.constant 1 : index
    %get3A_105 = arith.constant 0 : index
    %get3A_106 = arith.constant 32 : index
    %get3A_107 = vector.load %arg2[%get3A_104, %get3A_105, %get3A_106] : memref<4x256x128xf32, #tpu.memory_space<vmem>>, vector<1x256x32xf32>
    %get3A_108 = vector.shape_cast %get3A_107 : vector<1x256x32xf32> to vector<256x32xf32>
    %dot_general3A_109 = arith.constant dense<0.000000e+00> : vector<1000x256xf32>
    %dot_general3A_110 = tpu.matmul %get3A_103, %get3A_108, %dot_general3A_109 {dimension_numbers = #tpu.dot_dimension_numbers<[1], [1], [0], [0], [0, 0, 1, 0], [], []>, transpose_lhs_hint = false} : vector<1000x32xf32>, vector<256x32xf32>, vector<1000x256xf32> -> vector<1000x256xf32>
    %get3A_111 = arith.constant 0 : index
    %get3A_112 = arith.constant 0 : index
    %get3A_113 = vector.load %arg4[%get3A_111, %get3A_112] : memref<1000x1xf32, #tpu.memory_space<vmem>>, vector<1000x1xf32>
    %add3A_114 = vector.broadcast %get3A_113 : vector<1000x1xf32> to vector<1000x256xf32>
    %add3A_115 = arith.addf %dot_general3A_110, %add3A_114 : vector<1000x256xf32>
    %swap3A_116 = arith.constant 1 : index
    %swap3A_117 = arith.constant 0 : index
    %swap3A_118 = arith.constant 256 : index
    %swap3A_119 = vector.load %arg5[%swap3A_116, %swap3A_117, %swap3A_118] : memref<4x1000x1024xf32, #tpu.memory_space<vmem>>, vector<1x1000x256xf32>
    %swap3A_120 = vector.shape_cast %swap3A_119 : vector<1x1000x256xf32> to vector<1000x256xf32>
    %swap3A_121 = vector.shape_cast %add3A_115 : vector<1000x256xf32> to vector<1x1000x256xf32>
    tpu.vector_store %arg5[%swap3A_116, %swap3A_117, %swap3A_118], %swap3A_121 {strides = array<i32>} : memref<4x1000x1024xf32, #tpu.memory_space<vmem>>, vector<1x1000x256xf32>,
    %get3A_122 = arith.constant 0 : index
    %get3A_123 = arith.constant 0 : index
    %get3A_124 = vector.load %arg3[%get3A_122, %get3A_123] : memref<1000x32xf32, #tpu.memory_space<vmem>>, vector<1000x32xf32>
    %get3A_125 = arith.constant 1 : index
    %get3A_126 = arith.constant 0 : index
    %get3A_127 = arith.constant 64 : index
    %get3A_128 = vector.load %arg2[%get3A_125, %get3A_126, %get3A_127] : memref<4x256x128xf32, #tpu.memory_space<vmem>>, vector<1x256x32xf32>
    %get3A_129 = vector.shape_cast %get3A_128 : vector<1x256x32xf32> to vector<256x32xf32>
    %dot_general3A_130 = arith.constant dense<0.000000e+00> : vector<1000x256xf32>
    %dot_general3A_131 = tpu.matmul %get3A_124, %get3A_129, %dot_general3A_130 {dimension_numbers = #tpu.dot_dimension_numbers<[1], [1], [0], [0], [0, 0, 1, 0], [], []>, transpose_lhs_hint = false} : vector<1000x32xf32>, vector<256x32xf32>, vector<1000x256xf32> -> vector<1000x256xf32>
    %get3A_132 = arith.constant 0 : index
    %get3A_133 = arith.constant 0 : index
    %get3A_134 = vector.load %arg4[%get3A_132, %get3A_133] : memref<1000x1xf32, #tpu.memory_space<vmem>>, vector<1000x1xf32>
    %add3A_135 = vector.broadcast %get3A_134 : vector<1000x1xf32> to vector<1000x256xf32>
    %add3A_136 = arith.addf %dot_general3A_131, %add3A_135 : vector<1000x256xf32>
    %swap3A_137 = arith.constant 1 : index
    %swap3A_138 = arith.constant 0 : index
    %swap3A_139 = arith.constant 512 : index
    %swap3A_140 = vector.load %arg5[%swap3A_137, %swap3A_138, %swap3A_139] : memref<4x1000x1024xf32, #tpu.memory_space<vmem>>, vector<1x1000x256xf32>
    %swap3A_141 = vector.shape_cast %swap3A_140 : vector<1x1000x256xf32> to vector<1000x256xf32>
    %swap3A_142 = vector.shape_cast %add3A_136 : vector<1000x256xf32> to vector<1x1000x256xf32>
    tpu.vector_store %arg5[%swap3A_137, %swap3A_138, %swap3A_139], %swap3A_142 {strides = array<i32>} : memref<4x1000x1024xf32, #tpu.memory_space<vmem>>, vector<1x1000x256xf32>,
    %get3A_143 = arith.constant 0 : index
    %get3A_144 = arith.constant 0 : index
    %get3A_145 = vector.load %arg3[%get3A_143, %get3A_144] : memref<1000x32xf32, #tpu.memory_space<vmem>>, vector<1000x32xf32>
    %get3A_146 = arith.constant 1 : index
    %get3A_147 = arith.constant 0 : index
    %get3A_148 = arith.constant 96 : index
    %get3A_149 = vector.load %arg2[%get3A_146, %get3A_147, %get3A_148] : memref<4x256x128xf32, #tpu.memory_space<vmem>>, vector<1x256x32xf32>
    %get3A_150 = vector.shape_cast %get3A_149 : vector<1x256x32xf32> to vector<256x32xf32>
    %dot_general3A_151 = arith.constant dense<0.000000e+00> : vector<1000x256xf32>
    %dot_general3A_152 = tpu.matmul %get3A_145, %get3A_150, %dot_general3A_151 {dimension_numbers = #tpu.dot_dimension_numbers<[1], [1], [0], [0], [0, 0, 1, 0], [], []>, transpose_lhs_hint = false} : vector<1000x32xf32>, vector<256x32xf32>, vector<1000x256xf32> -> vector<1000x256xf32>
    %get3A_153 = arith.constant 0 : index
    %get3A_154 = arith.constant 0 : index
    %get3A_155 = vector.load %arg4[%get3A_153, %get3A_154] : memref<1000x1xf32, #tpu.memory_space<vmem>>, vector<1000x1xf32>
    %add3A_156 = vector.broadcast %get3A_155 : vector<1000x1xf32> to vector<1000x256xf32>
    %add3A_157 = arith.addf %dot_general3A_152, %add3A_156 : vector<1000x256xf32>
    %swap3A_158 = arith.constant 1 : index
    %swap3A_159 = arith.constant 0 : index
    %swap3A_160 = arith.constant 768 : index
    %swap3A_161 = vector.load %arg5[%swap3A_158, %swap3A_159, %swap3A_160] : memref<4x1000x1024xf32, #tpu.memory_space<vmem>>, vector<1x1000x256xf32>
    %swap3A_162 = vector.shape_cast %swap3A_161 : vector<1x1000x256xf32> to vector<1000x256xf32>
    %swap3A_163 = vector.shape_cast %add3A_157 : vector<1000x256xf32> to vector<1x1000x256xf32>
    tpu.vector_store %arg5[%swap3A_158, %swap3A_159, %swap3A_160], %swap3A_163 {strides = array<i32>} : memref<4x1000x1024xf32, #tpu.memory_space<vmem>>, vector<1x1000x256xf32>,
    %get3A_164 = arith.constant 0 : index
    %get3A_165 = arith.constant 0 : index
    %get3A_166 = vector.load %arg3[%get3A_164, %get3A_165] : memref<1000x32xf32, #tpu.memory_space<vmem>>, vector<1000x32xf32>
    %get3A_167 = arith.constant 2 : index
    %get3A_168 = arith.constant 0 : index
    %get3A_169 = arith.constant 0 : index
    %get3A_170 = vector.load %arg2[%get3A_167, %get3A_168, %get3A_169] : memref<4x256x128xf32, #tpu.memory_space<vmem>>, vector<1x256x32xf32>
    %get3A_171 = vector.shape_cast %get3A_170 : vector<1x256x32xf32> to vector<256x32xf32>
    %dot_general3A_172 = arith.constant dense<0.000000e+00> : vector<1000x256xf32>
    %dot_general3A_173 = tpu.matmul %get3A_166, %get3A_171, %dot_general3A_172 {dimension_numbers = #tpu.dot_dimension_numbers<[1], [1], [0], [0], [0, 0, 1, 0], [], []>, transpose_lhs_hint = false} : vector<1000x32xf32>, vector<256x32xf32>, vector<1000x256xf32> -> vector<1000x256xf32>
    %get3A_174 = arith.constant 0 : index
    %get3A_175 = arith.constant 0 : index
    %get3A_176 = vector.load %arg4[%get3A_174, %get3A_175] : memref<1000x1xf32, #tpu.memory_space<vmem>>, vector<1000x1xf32>
    %add3A_177 = vector.broadcast %get3A_176 : vector<1000x1xf32> to vector<1000x256xf32>
    %add3A_178 = arith.addf %dot_general3A_173, %add3A_177 : vector<1000x256xf32>
    %swap3A_179 = arith.constant 2 : index
    %swap3A_180 = arith.constant 0 : index
    %swap3A_181 = arith.constant 0 : index
    %swap3A_182 = vector.load %arg5[%swap3A_179, %swap3A_180, %swap3A_181] : memref<4x1000x1024xf32, #tpu.memory_space<vmem>>, vector<1x1000x256xf32>
    %swap3A_183 = vector.shape_cast %swap3A_182 : vector<1x1000x256xf32> to vector<1000x256xf32>
    %swap3A_184 = vector.shape_cast %add3A_178 : vector<1000x256xf32> to vector<1x1000x256xf32>
    tpu.vector_store %arg5[%swap3A_179, %swap3A_180, %swap3A_181], %swap3A_184 {strides = array<i32>} : memref<4x1000x1024xf32, #tpu.memory_space<vmem>>, vector<1x1000x256xf32>,
    %get3A_185 = arith.constant 0 : index
    %get3A_186 = arith.constant 0 : index
    %get3A_187 = vector.load %arg3[%get3A_185, %get3A_186] : memref<1000x32xf32, #tpu.memory_space<vmem>>, vector<1000x32xf32>
    %get3A_188 = arith.constant 2 : index
    %get3A_189 = arith.constant 0 : index
    %get3A_190 = arith.constant 32 : index
    %get3A_191 = vector.load %arg2[%get3A_188, %get3A_189, %get3A_190] : memref<4x256x128xf32, #tpu.memory_space<vmem>>, vector<1x256x32xf32>
    %get3A_192 = vector.shape_cast %get3A_191 : vector<1x256x32xf32> to vector<256x32xf32>
    %dot_general3A_193 = arith.constant dense<0.000000e+00> : vector<1000x256xf32>
    %dot_general3A_194 = tpu.matmul %get3A_187, %get3A_192, %dot_general3A_193 {dimension_numbers = #tpu.dot_dimension_numbers<[1], [1], [0], [0], [0, 0, 1, 0], [], []>, transpose_lhs_hint = false} : vector<1000x32xf32>, vector<256x32xf32>, vector<1000x256xf32> -> vector<1000x256xf32>
    %get3A_195 = arith.constant 0 : index
    %get3A_196 = arith.constant 0 : index
    %get3A_197 = vector.load %arg4[%get3A_195, %get3A_196] : memref<1000x1xf32, #tpu.memory_space<vmem>>, vector<1000x1xf32>
    %add3A_198 = vector.broadcast %get3A_197 : vector<1000x1xf32> to vector<1000x256xf32>
    %add3A_199 = arith.addf %dot_general3A_194, %add3A_198 : vector<1000x256xf32>
    %swap3A_200 = arith.constant 2 : index
    %swap3A_201 = arith.constant 0 : index
    %swap3A_202 = arith.constant 256 : index
    %swap3A_203 = vector.load %arg5[%swap3A_200, %swap3A_201, %swap3A_202] : memref<4x1000x1024xf32, #tpu.memory_space<vmem>>, vector<1x1000x256xf32>
    %swap3A_204 = vector.shape_cast %swap3A_203 : vector<1x1000x256xf32> to vector<1000x256xf32>
    %swap3A_205 = vector.shape_cast %add3A_199 : vector<1000x256xf32> to vector<1x1000x256xf32>
    tpu.vector_store %arg5[%swap3A_200, %swap3A_201, %swap3A_202], %swap3A_205 {strides = array<i32>} : memref<4x1000x1024xf32, #tpu.memory_space<vmem>>, vector<1x1000x256xf32>,
    %get3A_206 = arith.constant 0 : index
    %get3A_207 = arith.constant 0 : index
    %get3A_208 = vector.load %arg3[%get3A_206, %get3A_207] : memref<1000x32xf32, #tpu.memory_space<vmem>>, vector<1000x32xf32>
    %get3A_209 = arith.constant 2 : index
    %get3A_210 = arith.constant 0 : index
    %get3A_211 = arith.constant 64 : index
    %get3A_212 = vector.load %arg2[%get3A_209, %get3A_210, %get3A_211] : memref<4x256x128xf32, #tpu.memory_space<vmem>>, vector<1x256x32xf32>
    %get3A_213 = vector.shape_cast %get3A_212 : vector<1x256x32xf32> to vector<256x32xf32>
    %dot_general3A_214 = arith.constant dense<0.000000e+00> : vector<1000x256xf32>
    %dot_general3A_215 = tpu.matmul %get3A_208, %get3A_213, %dot_general3A_214 {dimension_numbers = #tpu.dot_dimension_numbers<[1], [1], [0], [0], [0, 0, 1, 0], [], []>, transpose_lhs_hint = false} : vector<1000x32xf32>, vector<256x32xf32>, vector<1000x256xf32> -> vector<1000x256xf32>
    %get3A_216 = arith.constant 0 : index
    %get3A_217 = arith.constant 0 : index
    %get3A_218 = vector.load %arg4[%get3A_216, %get3A_217] : memref<1000x1xf32, #tpu.memory_space<vmem>>, vector<1000x1xf32>
    %add3A_219 = vector.broadcast %get3A_218 : vector<1000x1xf32> to vector<1000x256xf32>
    %add3A_220 = arith.addf %dot_general3A_215, %add3A_219 : vector<1000x256xf32>
    %swap3A_221 = arith.constant 2 : index
    %swap3A_222 = arith.constant 0 : index
    %swap3A_223 = arith.constant 512 : index
    %swap3A_224 = vector.load %arg5[%swap3A_221, %swap3A_222, %swap3A_223] : memref<4x1000x1024xf32, #tpu.memory_space<vmem>>, vector<1x1000x256xf32>
    %swap3A_225 = vector.shape_cast %swap3A_224 : vector<1x1000x256xf32> to vector<1000x256xf32>
    %swap3A_226 = vector.shape_cast %add3A_220 : vector<1000x256xf32> to vector<1x1000x256xf32>
    tpu.vector_store %arg5[%swap3A_221, %swap3A_222, %swap3A_223], %swap3A_226 {strides = array<i32>} : memref<4x1000x1024xf32, #tpu.memory_space<vmem>>, vector<1x1000x256xf32>,
    %get3A_227 = arith.constant 0 : index
    %get3A_228 = arith.constant 0 : index
    %get3A_229 = vector.load %arg3[%get3A_227, %get3A_228] : memref<1000x32xf32, #tpu.memory_space<vmem>>, vector<1000x32xf32>
    %get3A_230 = arith.constant 2 : index
    %get3A_231 = arith.constant 0 : index
    %get3A_232 = arith.constant 96 : index
    %get3A_233 = vector.load %arg2[%get3A_230, %get3A_231, %get3A_232] : memref<4x256x128xf32, #tpu.memory_space<vmem>>, vector<1x256x32xf32>
    %get3A_234 = vector.shape_cast %get3A_233 : vector<1x256x32xf32> to vector<256x32xf32>
    %dot_general3A_235 = arith.constant dense<0.000000e+00> : vector<1000x256xf32>
    %dot_general3A_236 = tpu.matmul %get3A_229, %get3A_234, %dot_general3A_235 {dimension_numbers = #tpu.dot_dimension_numbers<[1], [1], [0], [0], [0, 0, 1, 0], [], []>, transpose_lhs_hint = false} : vector<1000x32xf32>, vector<256x32xf32>, vector<1000x256xf32> -> vector<1000x256xf32>
    %get3A_237 = arith.constant 0 : index
    %get3A_238 = arith.constant 0 : index
    %get3A_239 = vector.load %arg4[%get3A_237, %get3A_238] : memref<1000x1xf32, #tpu.memory_space<vmem>>, vector<1000x1xf32>
    %add3A_240 = vector.broadcast %get3A_239 : vector<1000x1xf32> to vector<1000x256xf32>
    %add3A_241 = arith.addf %dot_general3A_236, %add3A_240 : vector<1000x256xf32>
    %swap3A_242 = arith.constant 2 : index
    %swap3A_243 = arith.constant 0 : index
    %swap3A_244 = arith.constant 768 : index
    %swap3A_245 = vector.load %arg5[%swap3A_242, %swap3A_243, %swap3A_244] : memref<4x1000x1024xf32, #tpu.memory_space<vmem>>, vector<1x1000x256xf32>
    %swap3A_246 = vector.shape_cast %swap3A_245 : vector<1x1000x256xf32> to vector<1000x256xf32>
    %swap3A_247 = vector.shape_cast %add3A_241 : vector<1000x256xf32> to vector<1x1000x256xf32>
    tpu.vector_store %arg5[%swap3A_242, %swap3A_243, %swap3A_244], %swap3A_247 {strides = array<i32>} : memref<4x1000x1024xf32, #tpu.memory_space<vmem>>, vector<1x1000x256xf32>,
    %get3A_248 = arith.constant 0 : index
    %get3A_249 = arith.constant 0 : index
    %get3A_250 = vector.load %arg3[%get3A_248, %get3A_249] : memref<1000x32xf32, #tpu.memory_space<vmem>>, vector<1000x32xf32>
    %get3A_251 = arith.constant 3 : index
    %get3A_252 = arith.constant 0 : index
    %get3A_253 = arith.constant 0 : index
    %get3A_254 = vector.load %arg2[%get3A_251, %get3A_252, %get3A_253] : memref<4x256x128xf32, #tpu.memory_space<vmem>>, vector<1x256x32xf32>
    %get3A_255 = vector.shape_cast %get3A_254 : vector<1x256x32xf32> to vector<256x32xf32>
    %dot_general3A_256 = arith.constant dense<0.000000e+00> : vector<1000x256xf32>
    %dot_general3A_257 = tpu.matmul %get3A_250, %get3A_255, %dot_general3A_256 {dimension_numbers = #tpu.dot_dimension_numbers<[1], [1], [0], [0], [0, 0, 1, 0], [], []>, transpose_lhs_hint = false} : vector<1000x32xf32>, vector<256x32xf32>, vector<1000x256xf32> -> vector<1000x256xf32>
    %get3A_258 = arith.constant 0 : index
    %get3A_259 = arith.constant 0 : index
    %get3A_260 = vector.load %arg4[%get3A_258, %get3A_259] : memref<1000x1xf32, #tpu.memory_space<vmem>>, vector<1000x1xf32>
    %add3A_261 = vector.broadcast %get3A_260 : vector<1000x1xf32> to vector<1000x256xf32>
    %add3A_262 = arith.addf %dot_general3A_257, %add3A_261 : vector<1000x256xf32>
    %swap3A_263 = arith.constant 3 : index
    %swap3A_264 = arith.constant 0 : index
    %swap3A_265 = arith.constant 0 : index
    %swap3A_266 = vector.load %arg5[%swap3A_263, %swap3A_264, %swap3A_265] : memref<4x1000x1024xf32, #tpu.memory_space<vmem>>, vector<1x1000x256xf32>
    %swap3A_267 = vector.shape_cast %swap3A_266 : vector<1x1000x256xf32> to vector<1000x256xf32>
    %swap3A_268 = vector.shape_cast %add3A_262 : vector<1000x256xf32> to vector<1x1000x256xf32>
    tpu.vector_store %arg5[%swap3A_263, %swap3A_264, %swap3A_265], %swap3A_268 {strides = array<i32>} : memref<4x1000x1024xf32, #tpu.memory_space<vmem>>, vector<1x1000x256xf32>,
    %get3A_269 = arith.constant 0 : index
    %get3A_270 = arith.constant 0 : index
    %get3A_271 = vector.load %arg3[%get3A_269, %get3A_270] : memref<1000x32xf32, #tpu.memory_space<vmem>>, vector<1000x32xf32>
    %get3A_272 = arith.constant 3 : index
    %get3A_273 = arith.constant 0 : index
    %get3A_274 = arith.constant 32 : index
    %get3A_275 = vector.load %arg2[%get3A_272, %get3A_273, %get3A_274] : memref<4x256x128xf32, #tpu.memory_space<vmem>>, vector<1x256x32xf32>
    %get3A_276 = vector.shape_cast %get3A_275 : vector<1x256x32xf32> to vector<256x32xf32>
    %dot_general3A_277 = arith.constant dense<0.000000e+00> : vector<1000x256xf32>
    %dot_general3A_278 = tpu.matmul %get3A_271, %get3A_276, %dot_general3A_277 {dimension_numbers = #tpu.dot_dimension_numbers<[1], [1], [0], [0], [0, 0, 1, 0], [], []>, transpose_lhs_hint = false} : vector<1000x32xf32>, vector<256x32xf32>, vector<1000x256xf32> -> vector<1000x256xf32>
    %get3A_279 = arith.constant 0 : index
    %get3A_280 = arith.constant 0 : index
    %get3A_281 = vector.load %arg4[%get3A_279, %get3A_280] : memref<1000x1xf32, #tpu.memory_space<vmem>>, vector<1000x1xf32>
    %add3A_282 = vector.broadcast %get3A_281 : vector<1000x1xf32> to vector<1000x256xf32>
    %add3A_283 = arith.addf %dot_general3A_278, %add3A_282 : vector<1000x256xf32>
    %swap3A_284 = arith.constant 3 : index
    %swap3A_285 = arith.constant 0 : index
    %swap3A_286 = arith.constant 256 : index
    %swap3A_287 = vector.load %arg5[%swap3A_284, %swap3A_285, %swap3A_286] : memref<4x1000x1024xf32, #tpu.memory_space<vmem>>, vector<1x1000x256xf32>
    %swap3A_288 = vector.shape_cast %swap3A_287 : vector<1x1000x256xf32> to vector<1000x256xf32>
    %swap3A_289 = vector.shape_cast %add3A_283 : vector<1000x256xf32> to vector<1x1000x256xf32>
    tpu.vector_store %arg5[%swap3A_284, %swap3A_285, %swap3A_286], %swap3A_289 {strides = array<i32>} : memref<4x1000x1024xf32, #tpu.memory_space<vmem>>, vector<1x1000x256xf32>,
    %get3A_290 = arith.constant 0 : index
    %get3A_291 = arith.constant 0 : index
    %get3A_292 = vector.load %arg3[%get3A_290, %get3A_291] : memref<1000x32xf32, #tpu.memory_space<vmem>>, vector<1000x32xf32>
    %get3A_293 = arith.constant 3 : index
    %get3A_294 = arith.constant 0 : index
    %get3A_295 = arith.constant 64 : index
    %get3A_296 = vector.load %arg2[%get3A_293, %get3A_294, %get3A_295] : memref<4x256x128xf32, #tpu.memory_space<vmem>>, vector<1x256x32xf32>
    %get3A_297 = vector.shape_cast %get3A_296 : vector<1x256x32xf32> to vector<256x32xf32>
    %dot_general3A_298 = arith.constant dense<0.000000e+00> : vector<1000x256xf32>
    %dot_general3A_299 = tpu.matmul %get3A_292, %get3A_297, %dot_general3A_298 {dimension_numbers = #tpu.dot_dimension_numbers<[1], [1], [0], [0], [0, 0, 1, 0], [], []>, transpose_lhs_hint = false} : vector<1000x32xf32>, vector<256x32xf32>, vector<1000x256xf32> -> vector<1000x256xf32>
    %get3A_300 = arith.constant 0 : index
    %get3A_301 = arith.constant 0 : index
    %get3A_302 = vector.load %arg4[%get3A_300, %get3A_301] : memref<1000x1xf32, #tpu.memory_space<vmem>>, vector<1000x1xf32>
    %add3A_303 = vector.broadcast %get3A_302 : vector<1000x1xf32> to vector<1000x256xf32>
    %add3A_304 = arith.addf %dot_general3A_299, %add3A_303 : vector<1000x256xf32>
    %swap3A_305 = arith.constant 3 : index
    %swap3A_306 = arith.constant 0 : index
    %swap3A_307 = arith.constant 512 : index
    %swap3A_308 = vector.load %arg5[%swap3A_305, %swap3A_306, %swap3A_307] : memref<4x1000x1024xf32, #tpu.memory_space<vmem>>, vector<1x1000x256xf32>
    %swap3A_309 = vector.shape_cast %swap3A_308 : vector<1x1000x256xf32> to vector<1000x256xf32>
    %swap3A_310 = vector.shape_cast %add3A_304 : vector<1000x256xf32> to vector<1x1000x256xf32>
    tpu.vector_store %arg5[%swap3A_305, %swap3A_306, %swap3A_307], %swap3A_310 {strides = array<i32>} : memref<4x1000x1024xf32, #tpu.memory_space<vmem>>, vector<1x1000x256xf32>,
    %get3A_311 = arith.constant 0 : index
    %get3A_312 = arith.constant 0 : index
    %get3A_313 = vector.load %arg3[%get3A_311, %get3A_312] : memref<1000x32xf32, #tpu.memory_space<vmem>>, vector<1000x32xf32>
    %get3A_314 = arith.constant 3 : index
    %get3A_315 = arith.constant 0 : index
    %get3A_316 = arith.constant 96 : index
    %get3A_317 = vector.load %arg2[%get3A_314, %get3A_315, %get3A_316] : memref<4x256x128xf32, #tpu.memory_space<vmem>>, vector<1x256x32xf32>
    %get3A_318 = vector.shape_cast %get3A_317 : vector<1x256x32xf32> to vector<256x32xf32>
    %dot_general3A_319 = arith.constant dense<0.000000e+00> : vector<1000x256xf32>
    %dot_general3A_320 = tpu.matmul %get3A_313, %get3A_318, %dot_general3A_319 {dimension_numbers = #tpu.dot_dimension_numbers<[1], [1], [0], [0], [0, 0, 1, 0], [], []>, transpose_lhs_hint = false} : vector<1000x32xf32>, vector<256x32xf32>, vector<1000x256xf32> -> vector<1000x256xf32>
    %get3A_321 = arith.constant 0 : index
    %get3A_322 = arith.constant 0 : index
    %get3A_323 = vector.load %arg4[%get3A_321, %get3A_322] : memref<1000x1xf32, #tpu.memory_space<vmem>>, vector<1000x1xf32>
    %add3A_324 = vector.broadcast %get3A_323 : vector<1000x1xf32> to vector<1000x256xf32>
    %add3A_325 = arith.addf %dot_general3A_320, %add3A_324 : vector<1000x256xf32>
    %swap3A_326 = arith.constant 3 : index
    %swap3A_327 = arith.constant 0 : index
    %swap3A_328 = arith.constant 768 : index
    %swap3A_329 = vector.load %arg5[%swap3A_326, %swap3A_327, %swap3A_328] : memref<4x1000x1024xf32, #tpu.memory_space<vmem>>, vector<1x1000x256xf32>
    %swap3A_330 = vector.shape_cast %swap3A_329 : vector<1x1000x256xf32> to vector<1000x256xf32>
    %swap3A_331 = vector.shape_cast %add3A_325 : vector<1000x256xf32> to vector<1x1000x256xf32>
    tpu.vector_store %arg5[%swap3A_326, %swap3A_327, %swap3A_328], %swap3A_331 {strides = array<i32>} : memref<4x1000x1024xf32, #tpu.memory_space<vmem>>, vector<1x1000x256xf32>,
    return
  }
  func.func @transform_1(%arg0: i32) -> (i32, i32, i32) {
    %c0_i32 = arith.constant 0 : i32
    %c0_i32_0 = arith.constant 0 : i32
    %c0_i32_1 = arith.constant 0 : i32
    return %arg0, %c0_i32, %c0_i32_0 : i32, i32, i32
  }
  func.func @transform_2(%arg0: i32) -> (i32, i32) {
    %c0_i32 = arith.constant 0 : i32
    %c0_i32_0 = arith.constant 0 : i32
    %c0_i32_1 = arith.constant 0 : i32
    return %c0_i32, %c0_i32_0 : i32, i32
  }
  func.func @transform_3(%arg0: i32) -> (i32, i32) {
    %c0_i32 = arith.constant 0 : i32
    %c0_i32_0 = arith.constant 0 : i32
    %c0_i32_1 = arith.constant 0 : i32
    return %c0_i32, %c0_i32_0 : i32, i32
  }
  func.func @transform_4(%arg0: i32) -> (i32, i32, i32) {
    %add3A = arith.constant 10 : i32
    %add3A_0 = arith.addi %add3A, %arg0 : i32
    %c0_i32 = arith.constant 0 : i32
    %c0_i32_1 = arith.constant 0 : i32
    %c0_i32_2 = arith.constant 0 : i32
    return %add3A_0, %c0_i32, %c0_i32_1 : i32, i32, i32
  }
}

module attributes {stable_mosaic.version = 14 : i64} {
  func.func @_proj_first(%arg0: i32, %arg1: memref<4x256x128xf32, #tpu.memory_space<vmem>>, %arg2: memref<1000x32xf32, #tpu.memory_space<vmem>>, %arg3: memref<1000x1xf32, #tpu.memory_space<vmem>>, %arg4: memref<4x1000x1024xf32, #tpu.memory_space<vmem>>) attributes {dimension_semantics = [#tpu.dimension_semantics<arbitrary>], iteration_bounds = array<i64: 10>, scalar_prefetch = 0 : i64, scratch_operands = 0 : i64, tpu.core_type = #tpu.core_type<tc>, window_params = [{transform_indices = @transform_0, window_bounds = array<i64: 4, 256, 128>}, {pipeline_mode = #tpu.pipeline_mode<synchronous>, transform_indices = @transform_1, window_bounds = array<i64: 1000, 32>}, {pipeline_mode = #tpu.pipeline_mode<synchronous>, transform_indices = @transform_2, window_bounds = array<i64: 1000, 1>}, {transform_indices = @transform_3, window_bounds = array<i64: 4, 1000, 1024>}]} {
    %get3A = arith.constant 0 : index
    %get3A_0 = arith.constant 0 : index
    %get3A_1 = vector.load %arg2[%get3A, %get3A_0] : memref<1000x32xf32, #tpu.memory_space<vmem>>, vector<1000x32xf32>
    %get3A_2 = arith.constant 0 : index
    %get3A_3 = arith.constant 0 : index
    %get3A_4 = arith.constant 0 : index
    %get3A_5 = vector.load %arg1[%get3A_2, %get3A_3, %get3A_4] : memref<4x256x128xf32, #tpu.memory_space<vmem>>, vector<1x256x32xf32>
    %get3A_6 = vector.shape_cast %get3A_5 : vector<1x256x32xf32> to vector<256x32xf32>
    %dot_general3A = arith.constant dense<0.000000e+00> : vector<1000x256xf32>
    %dot_general3A_7 = tpu.matmul %get3A_1, %get3A_6, %dot_general3A {dimension_numbers = #tpu.dot_dimension_numbers<[1], [1], [0], [0], [0, 0, 1, 0], [], []>, transpose_lhs_hint = false} : vector<1000x32xf32>, vector<256x32xf32>, vector<1000x256xf32> -> vector<1000x256xf32>
    %get3A_8 = arith.constant 0 : index
    %get3A_9 = arith.constant 0 : index
    %get3A_10 = vector.load %arg3[%get3A_8, %get3A_9] : memref<1000x1xf32, #tpu.memory_space<vmem>>, vector<1000x1xf32>
    %add3A = vector.broadcast %get3A_10 : vector<1000x1xf32> to vector<1000x256xf32>
    %add3A_11 = arith.addf %dot_general3A_7, %add3A : vector<1000x256xf32>
    %swap3A = arith.constant 0 : index
    %swap3A_12 = arith.constant 0 : index
    %swap3A_13 = arith.constant 0 : index
    %swap3A_14 = vector.load %arg4[%swap3A, %swap3A_12, %swap3A_13] : memref<4x1000x1024xf32, #tpu.memory_space<vmem>>, vector<1x1000x256xf32>
    %swap3A_15 = vector.shape_cast %swap3A_14 : vector<1x1000x256xf32> to vector<1000x256xf32>
    %swap3A_16 = vector.shape_cast %add3A_11 : vector<1000x256xf32> to vector<1x1000x256xf32>
    tpu.vector_store %arg4[%swap3A, %swap3A_12, %swap3A_13], %swap3A_16 {strides = array<i32>} : memref<4x1000x1024xf32, #tpu.memory_space<vmem>>, vector<1x1000x256xf32>,
    %get3A_17 = arith.constant 0 : index
    %get3A_18 = arith.constant 0 : index
    %get3A_19 = vector.load %arg2[%get3A_17, %get3A_18] : memref<1000x32xf32, #tpu.memory_space<vmem>>, vector<1000x32xf32>
    %get3A_20 = arith.constant 0 : index
    %get3A_21 = arith.constant 0 : index
    %get3A_22 = arith.constant 32 : index
    %get3A_23 = vector.load %arg1[%get3A_20, %get3A_21, %get3A_22] : memref<4x256x128xf32, #tpu.memory_space<vmem>>, vector<1x256x32xf32>
    %get3A_24 = vector.shape_cast %get3A_23 : vector<1x256x32xf32> to vector<256x32xf32>
    %dot_general3A_25 = arith.constant dense<0.000000e+00> : vector<1000x256xf32>
    %dot_general3A_26 = tpu.matmul %get3A_19, %get3A_24, %dot_general3A_25 {dimension_numbers = #tpu.dot_dimension_numbers<[1], [1], [0], [0], [0, 0, 1, 0], [], []>, transpose_lhs_hint = false} : vector<1000x32xf32>, vector<256x32xf32>, vector<1000x256xf32> -> vector<1000x256xf32>
    %get3A_27 = arith.constant 0 : index
    %get3A_28 = arith.constant 0 : index
    %get3A_29 = vector.load %arg3[%get3A_27, %get3A_28] : memref<1000x1xf32, #tpu.memory_space<vmem>>, vector<1000x1xf32>
    %add3A_30 = vector.broadcast %get3A_29 : vector<1000x1xf32> to vector<1000x256xf32>
    %add3A_31 = arith.addf %dot_general3A_26, %add3A_30 : vector<1000x256xf32>
    %swap3A_32 = arith.constant 0 : index
    %swap3A_33 = arith.constant 0 : index
    %swap3A_34 = arith.constant 256 : index
    %swap3A_35 = vector.load %arg4[%swap3A_32, %swap3A_33, %swap3A_34] : memref<4x1000x1024xf32, #tpu.memory_space<vmem>>, vector<1x1000x256xf32>
    %swap3A_36 = vector.shape_cast %swap3A_35 : vector<1x1000x256xf32> to vector<1000x256xf32>
    %swap3A_37 = vector.shape_cast %add3A_31 : vector<1000x256xf32> to vector<1x1000x256xf32>
    tpu.vector_store %arg4[%swap3A_32, %swap3A_33, %swap3A_34], %swap3A_37 {strides = array<i32>} : memref<4x1000x1024xf32, #tpu.memory_space<vmem>>, vector<1x1000x256xf32>,
    %get3A_38 = arith.constant 0 : index
    %get3A_39 = arith.constant 0 : index
    %get3A_40 = vector.load %arg2[%get3A_38, %get3A_39] : memref<1000x32xf32, #tpu.memory_space<vmem>>, vector<1000x32xf32>
    %get3A_41 = arith.constant 0 : index
    %get3A_42 = arith.constant 0 : index
    %get3A_43 = arith.constant 64 : index
    %get3A_44 = vector.load %arg1[%get3A_41, %get3A_42, %get3A_43] : memref<4x256x128xf32, #tpu.memory_space<vmem>>, vector<1x256x32xf32>
    %get3A_45 = vector.shape_cast %get3A_44 : vector<1x256x32xf32> to vector<256x32xf32>
    %dot_general3A_46 = arith.constant dense<0.000000e+00> : vector<1000x256xf32>
    %dot_general3A_47 = tpu.matmul %get3A_40, %get3A_45, %dot_general3A_46 {dimension_numbers = #tpu.dot_dimension_numbers<[1], [1], [0], [0], [0, 0, 1, 0], [], []>, transpose_lhs_hint = false} : vector<1000x32xf32>, vector<256x32xf32>, vector<1000x256xf32> -> vector<1000x256xf32>
    %get3A_48 = arith.constant 0 : index
    %get3A_49 = arith.constant 0 : index
    %get3A_50 = vector.load %arg3[%get3A_48, %get3A_49] : memref<1000x1xf32, #tpu.memory_space<vmem>>, vector<1000x1xf32>
    %add3A_51 = vector.broadcast %get3A_50 : vector<1000x1xf32> to vector<1000x256xf32>
    %add3A_52 = arith.addf %dot_general3A_47, %add3A_51 : vector<1000x256xf32>
    %swap3A_53 = arith.constant 0 : index
    %swap3A_54 = arith.constant 0 : index
    %swap3A_55 = arith.constant 512 : index
    %swap3A_56 = vector.load %arg4[%swap3A_53, %swap3A_54, %swap3A_55] : memref<4x1000x1024xf32, #tpu.memory_space<vmem>>, vector<1x1000x256xf32>
    %swap3A_57 = vector.shape_cast %swap3A_56 : vector<1x1000x256xf32> to vector<1000x256xf32>
    %swap3A_58 = vector.shape_cast %add3A_52 : vector<1000x256xf32> to vector<1x1000x256xf32>
    tpu.vector_store %arg4[%swap3A_53, %swap3A_54, %swap3A_55], %swap3A_58 {strides = array<i32>} : memref<4x1000x1024xf32, #tpu.memory_space<vmem>>, vector<1x1000x256xf32>,
    %get3A_59 = arith.constant 0 : index
    %get3A_60 = arith.constant 0 : index
    %get3A_61 = vector.load %arg2[%get3A_59, %get3A_60] : memref<1000x32xf32, #tpu.memory_space<vmem>>, vector<1000x32xf32>
    %get3A_62 = arith.constant 0 : index
    %get3A_63 = arith.constant 0 : index
    %get3A_64 = arith.constant 96 : index
    %get3A_65 = vector.load %arg1[%get3A_62, %get3A_63, %get3A_64] : memref<4x256x128xf32, #tpu.memory_space<vmem>>, vector<1x256x32xf32>
    %get3A_66 = vector.shape_cast %get3A_65 : vector<1x256x32xf32> to vector<256x32xf32>
    %dot_general3A_67 = arith.constant dense<0.000000e+00> : vector<1000x256xf32>
    %dot_general3A_68 = tpu.matmul %get3A_61, %get3A_66, %dot_general3A_67 {dimension_numbers = #tpu.dot_dimension_numbers<[1], [1], [0], [0], [0, 0, 1, 0], [], []>, transpose_lhs_hint = false} : vector<1000x32xf32>, vector<256x32xf32>, vector<1000x256xf32> -> vector<1000x256xf32>
    %get3A_69 = arith.constant 0 : index
    %get3A_70 = arith.constant 0 : index
    %get3A_71 = vector.load %arg3[%get3A_69, %get3A_70] : memref<1000x1xf32, #tpu.memory_space<vmem>>, vector<1000x1xf32>
    %add3A_72 = vector.broadcast %get3A_71 : vector<1000x1xf32> to vector<1000x256xf32>
    %add3A_73 = arith.addf %dot_general3A_68, %add3A_72 : vector<1000x256xf32>
    %swap3A_74 = arith.constant 0 : index
    %swap3A_75 = arith.constant 0 : index
    %swap3A_76 = arith.constant 768 : index
    %swap3A_77 = vector.load %arg4[%swap3A_74, %swap3A_75, %swap3A_76] : memref<4x1000x1024xf32, #tpu.memory_space<vmem>>, vector<1x1000x256xf32>
    %swap3A_78 = vector.shape_cast %swap3A_77 : vector<1x1000x256xf32> to vector<1000x256xf32>
    %swap3A_79 = vector.shape_cast %add3A_73 : vector<1000x256xf32> to vector<1x1000x256xf32>
    tpu.vector_store %arg4[%swap3A_74, %swap3A_75, %swap3A_76], %swap3A_79 {strides = array<i32>} : memref<4x1000x1024xf32, #tpu.memory_space<vmem>>, vector<1x1000x256xf32>,
    %get3A_80 = arith.constant 0 : index
    %get3A_81 = arith.constant 0 : index
    %get3A_82 = vector.load %arg2[%get3A_80, %get3A_81] : memref<1000x32xf32, #tpu.memory_space<vmem>>, vector<1000x32xf32>
    %get3A_83 = arith.constant 1 : index
    %get3A_84 = arith.constant 0 : index
    %get3A_85 = arith.constant 0 : index
    %get3A_86 = vector.load %arg1[%get3A_83, %get3A_84, %get3A_85] : memref<4x256x128xf32, #tpu.memory_space<vmem>>, vector<1x256x32xf32>
    %get3A_87 = vector.shape_cast %get3A_86 : vector<1x256x32xf32> to vector<256x32xf32>
    %dot_general3A_88 = arith.constant dense<0.000000e+00> : vector<1000x256xf32>
    %dot_general3A_89 = tpu.matmul %get3A_82, %get3A_87, %dot_general3A_88 {dimension_numbers = #tpu.dot_dimension_numbers<[1], [1], [0], [0], [0, 0, 1, 0], [], []>, transpose_lhs_hint = false} : vector<1000x32xf32>, vector<256x32xf32>, vector<1000x256xf32> -> vector<1000x256xf32>
    %get3A_90 = arith.constant 0 : index
    %get3A_91 = arith.constant 0 : index
    %get3A_92 = vector.load %arg3[%get3A_90, %get3A_91] : memref<1000x1xf32, #tpu.memory_space<vmem>>, vector<1000x1xf32>
    %add3A_93 = vector.broadcast %get3A_92 : vector<1000x1xf32> to vector<1000x256xf32>
    %add3A_94 = arith.addf %dot_general3A_89, %add3A_93 : vector<1000x256xf32>
    %swap3A_95 = arith.constant 1 : index
    %swap3A_96 = arith.constant 0 : index
    %swap3A_97 = arith.constant 0 : index
    %swap3A_98 = vector.load %arg4[%swap3A_95, %swap3A_96, %swap3A_97] : memref<4x1000x1024xf32, #tpu.memory_space<vmem>>, vector<1x1000x256xf32>
    %swap3A_99 = vector.shape_cast %swap3A_98 : vector<1x1000x256xf32> to vector<1000x256xf32>
    %swap3A_100 = vector.shape_cast %add3A_94 : vector<1000x256xf32> to vector<1x1000x256xf32>
    tpu.vector_store %arg4[%swap3A_95, %swap3A_96, %swap3A_97], %swap3A_100 {strides = array<i32>} : memref<4x1000x1024xf32, #tpu.memory_space<vmem>>, vector<1x1000x256xf32>,
    %get3A_101 = arith.constant 0 : index
    %get3A_102 = arith.constant 0 : index
    %get3A_103 = vector.load %arg2[%get3A_101, %get3A_102] : memref<1000x32xf32, #tpu.memory_space<vmem>>, vector<1000x32xf32>
    %get3A_104 = arith.constant 1 : index
    %get3A_105 = arith.constant 0 : index
    %get3A_106 = arith.constant 32 : index
    %get3A_107 = vector.load %arg1[%get3A_104, %get3A_105, %get3A_106] : memref<4x256x128xf32, #tpu.memory_space<vmem>>, vector<1x256x32xf32>
    %get3A_108 = vector.shape_cast %get3A_107 : vector<1x256x32xf32> to vector<256x32xf32>
    %dot_general3A_109 = arith.constant dense<0.000000e+00> : vector<1000x256xf32>
    %dot_general3A_110 = tpu.matmul %get3A_103, %get3A_108, %dot_general3A_109 {dimension_numbers = #tpu.dot_dimension_numbers<[1], [1], [0], [0], [0, 0, 1, 0], [], []>, transpose_lhs_hint = false} : vector<1000x32xf32>, vector<256x32xf32>, vector<1000x256xf32> -> vector<1000x256xf32>
    %get3A_111 = arith.constant 0 : index
    %get3A_112 = arith.constant 0 : index
    %get3A_113 = vector.load %arg3[%get3A_111, %get3A_112] : memref<1000x1xf32, #tpu.memory_space<vmem>>, vector<1000x1xf32>
    %add3A_114 = vector.broadcast %get3A_113 : vector<1000x1xf32> to vector<1000x256xf32>
    %add3A_115 = arith.addf %dot_general3A_110, %add3A_114 : vector<1000x256xf32>
    %swap3A_116 = arith.constant 1 : index
    %swap3A_117 = arith.constant 0 : index
    %swap3A_118 = arith.constant 256 : index
    %swap3A_119 = vector.load %arg4[%swap3A_116, %swap3A_117, %swap3A_118] : memref<4x1000x1024xf32, #tpu.memory_space<vmem>>, vector<1x1000x256xf32>
    %swap3A_120 = vector.shape_cast %swap3A_119 : vector<1x1000x256xf32> to vector<1000x256xf32>
    %swap3A_121 = vector.shape_cast %add3A_115 : vector<1000x256xf32> to vector<1x1000x256xf32>
    tpu.vector_store %arg4[%swap3A_116, %swap3A_117, %swap3A_118], %swap3A_121 {strides = array<i32>} : memref<4x1000x1024xf32, #tpu.memory_space<vmem>>, vector<1x1000x256xf32>,
    %get3A_122 = arith.constant 0 : index
    %get3A_123 = arith.constant 0 : index
    %get3A_124 = vector.load %arg2[%get3A_122, %get3A_123] : memref<1000x32xf32, #tpu.memory_space<vmem>>, vector<1000x32xf32>
    %get3A_125 = arith.constant 1 : index
    %get3A_126 = arith.constant 0 : index
    %get3A_127 = arith.constant 64 : index
    %get3A_128 = vector.load %arg1[%get3A_125, %get3A_126, %get3A_127] : memref<4x256x128xf32, #tpu.memory_space<vmem>>, vector<1x256x32xf32>
    %get3A_129 = vector.shape_cast %get3A_128 : vector<1x256x32xf32> to vector<256x32xf32>
    %dot_general3A_130 = arith.constant dense<0.000000e+00> : vector<1000x256xf32>
    %dot_general3A_131 = tpu.matmul %get3A_124, %get3A_129, %dot_general3A_130 {dimension_numbers = #tpu.dot_dimension_numbers<[1], [1], [0], [0], [0, 0, 1, 0], [], []>, transpose_lhs_hint = false} : vector<1000x32xf32>, vector<256x32xf32>, vector<1000x256xf32> -> vector<1000x256xf32>
    %get3A_132 = arith.constant 0 : index
    %get3A_133 = arith.constant 0 : index
    %get3A_134 = vector.load %arg3[%get3A_132, %get3A_133] : memref<1000x1xf32, #tpu.memory_space<vmem>>, vector<1000x1xf32>
    %add3A_135 = vector.broadcast %get3A_134 : vector<1000x1xf32> to vector<1000x256xf32>
    %add3A_136 = arith.addf %dot_general3A_131, %add3A_135 : vector<1000x256xf32>
    %swap3A_137 = arith.constant 1 : index
    %swap3A_138 = arith.constant 0 : index
    %swap3A_139 = arith.constant 512 : index
    %swap3A_140 = vector.load %arg4[%swap3A_137, %swap3A_138, %swap3A_139] : memref<4x1000x1024xf32, #tpu.memory_space<vmem>>, vector<1x1000x256xf32>
    %swap3A_141 = vector.shape_cast %swap3A_140 : vector<1x1000x256xf32> to vector<1000x256xf32>
    %swap3A_142 = vector.shape_cast %add3A_136 : vector<1000x256xf32> to vector<1x1000x256xf32>
    tpu.vector_store %arg4[%swap3A_137, %swap3A_138, %swap3A_139], %swap3A_142 {strides = array<i32>} : memref<4x1000x1024xf32, #tpu.memory_space<vmem>>, vector<1x1000x256xf32>,
    %get3A_143 = arith.constant 0 : index
    %get3A_144 = arith.constant 0 : index
    %get3A_145 = vector.load %arg2[%get3A_143, %get3A_144] : memref<1000x32xf32, #tpu.memory_space<vmem>>, vector<1000x32xf32>
    %get3A_146 = arith.constant 1 : index
    %get3A_147 = arith.constant 0 : index
    %get3A_148 = arith.constant 96 : index
    %get3A_149 = vector.load %arg1[%get3A_146, %get3A_147, %get3A_148] : memref<4x256x128xf32, #tpu.memory_space<vmem>>, vector<1x256x32xf32>
    %get3A_150 = vector.shape_cast %get3A_149 : vector<1x256x32xf32> to vector<256x32xf32>
    %dot_general3A_151 = arith.constant dense<0.000000e+00> : vector<1000x256xf32>
    %dot_general3A_152 = tpu.matmul %get3A_145, %get3A_150, %dot_general3A_151 {dimension_numbers = #tpu.dot_dimension_numbers<[1], [1], [0], [0], [0, 0, 1, 0], [], []>, transpose_lhs_hint = false} : vector<1000x32xf32>, vector<256x32xf32>, vector<1000x256xf32> -> vector<1000x256xf32>
    %get3A_153 = arith.constant 0 : index
    %get3A_154 = arith.constant 0 : index
    %get3A_155 = vector.load %arg3[%get3A_153, %get3A_154] : memref<1000x1xf32, #tpu.memory_space<vmem>>, vector<1000x1xf32>
    %add3A_156 = vector.broadcast %get3A_155 : vector<1000x1xf32> to vector<1000x256xf32>
    %add3A_157 = arith.addf %dot_general3A_152, %add3A_156 : vector<1000x256xf32>
    %swap3A_158 = arith.constant 1 : index
    %swap3A_159 = arith.constant 0 : index
    %swap3A_160 = arith.constant 768 : index
    %swap3A_161 = vector.load %arg4[%swap3A_158, %swap3A_159, %swap3A_160] : memref<4x1000x1024xf32, #tpu.memory_space<vmem>>, vector<1x1000x256xf32>
    %swap3A_162 = vector.shape_cast %swap3A_161 : vector<1x1000x256xf32> to vector<1000x256xf32>
    %swap3A_163 = vector.shape_cast %add3A_157 : vector<1000x256xf32> to vector<1x1000x256xf32>
    tpu.vector_store %arg4[%swap3A_158, %swap3A_159, %swap3A_160], %swap3A_163 {strides = array<i32>} : memref<4x1000x1024xf32, #tpu.memory_space<vmem>>, vector<1x1000x256xf32>,
    %get3A_164 = arith.constant 0 : index
    %get3A_165 = arith.constant 0 : index
    %get3A_166 = vector.load %arg2[%get3A_164, %get3A_165] : memref<1000x32xf32, #tpu.memory_space<vmem>>, vector<1000x32xf32>
    %get3A_167 = arith.constant 2 : index
    %get3A_168 = arith.constant 0 : index
    %get3A_169 = arith.constant 0 : index
    %get3A_170 = vector.load %arg1[%get3A_167, %get3A_168, %get3A_169] : memref<4x256x128xf32, #tpu.memory_space<vmem>>, vector<1x256x32xf32>
    %get3A_171 = vector.shape_cast %get3A_170 : vector<1x256x32xf32> to vector<256x32xf32>
    %dot_general3A_172 = arith.constant dense<0.000000e+00> : vector<1000x256xf32>
    %dot_general3A_173 = tpu.matmul %get3A_166, %get3A_171, %dot_general3A_172 {dimension_numbers = #tpu.dot_dimension_numbers<[1], [1], [0], [0], [0, 0, 1, 0], [], []>, transpose_lhs_hint = false} : vector<1000x32xf32>, vector<256x32xf32>, vector<1000x256xf32> -> vector<1000x256xf32>
    %get3A_174 = arith.constant 0 : index
    %get3A_175 = arith.constant 0 : index
    %get3A_176 = vector.load %arg3[%get3A_174, %get3A_175] : memref<1000x1xf32, #tpu.memory_space<vmem>>, vector<1000x1xf32>
    %add3A_177 = vector.broadcast %get3A_176 : vector<1000x1xf32> to vector<1000x256xf32>
    %add3A_178 = arith.addf %dot_general3A_173, %add3A_177 : vector<1000x256xf32>
    %swap3A_179 = arith.constant 2 : index
    %swap3A_180 = arith.constant 0 : index
    %swap3A_181 = arith.constant 0 : index
    %swap3A_182 = vector.load %arg4[%swap3A_179, %swap3A_180, %swap3A_181] : memref<4x1000x1024xf32, #tpu.memory_space<vmem>>, vector<1x1000x256xf32>
    %swap3A_183 = vector.shape_cast %swap3A_182 : vector<1x1000x256xf32> to vector<1000x256xf32>
    %swap3A_184 = vector.shape_cast %add3A_178 : vector<1000x256xf32> to vector<1x1000x256xf32>
    tpu.vector_store %arg4[%swap3A_179, %swap3A_180, %swap3A_181], %swap3A_184 {strides = array<i32>} : memref<4x1000x1024xf32, #tpu.memory_space<vmem>>, vector<1x1000x256xf32>,
    %get3A_185 = arith.constant 0 : index
    %get3A_186 = arith.constant 0 : index
    %get3A_187 = vector.load %arg2[%get3A_185, %get3A_186] : memref<1000x32xf32, #tpu.memory_space<vmem>>, vector<1000x32xf32>
    %get3A_188 = arith.constant 2 : index
    %get3A_189 = arith.constant 0 : index
    %get3A_190 = arith.constant 32 : index
    %get3A_191 = vector.load %arg1[%get3A_188, %get3A_189, %get3A_190] : memref<4x256x128xf32, #tpu.memory_space<vmem>>, vector<1x256x32xf32>
    %get3A_192 = vector.shape_cast %get3A_191 : vector<1x256x32xf32> to vector<256x32xf32>
    %dot_general3A_193 = arith.constant dense<0.000000e+00> : vector<1000x256xf32>
    %dot_general3A_194 = tpu.matmul %get3A_187, %get3A_192, %dot_general3A_193 {dimension_numbers = #tpu.dot_dimension_numbers<[1], [1], [0], [0], [0, 0, 1, 0], [], []>, transpose_lhs_hint = false} : vector<1000x32xf32>, vector<256x32xf32>, vector<1000x256xf32> -> vector<1000x256xf32>
    %get3A_195 = arith.constant 0 : index
    %get3A_196 = arith.constant 0 : index
    %get3A_197 = vector.load %arg3[%get3A_195, %get3A_196] : memref<1000x1xf32, #tpu.memory_space<vmem>>, vector<1000x1xf32>
    %add3A_198 = vector.broadcast %get3A_197 : vector<1000x1xf32> to vector<1000x256xf32>
    %add3A_199 = arith.addf %dot_general3A_194, %add3A_198 : vector<1000x256xf32>
    %swap3A_200 = arith.constant 2 : index
    %swap3A_201 = arith.constant 0 : index
    %swap3A_202 = arith.constant 256 : index
    %swap3A_203 = vector.load %arg4[%swap3A_200, %swap3A_201, %swap3A_202] : memref<4x1000x1024xf32, #tpu.memory_space<vmem>>, vector<1x1000x256xf32>
    %swap3A_204 = vector.shape_cast %swap3A_203 : vector<1x1000x256xf32> to vector<1000x256xf32>
    %swap3A_205 = vector.shape_cast %add3A_199 : vector<1000x256xf32> to vector<1x1000x256xf32>
    tpu.vector_store %arg4[%swap3A_200, %swap3A_201, %swap3A_202], %swap3A_205 {strides = array<i32>} : memref<4x1000x1024xf32, #tpu.memory_space<vmem>>, vector<1x1000x256xf32>,
    %get3A_206 = arith.constant 0 : index
    %get3A_207 = arith.constant 0 : index
    %get3A_208 = vector.load %arg2[%get3A_206, %get3A_207] : memref<1000x32xf32, #tpu.memory_space<vmem>>, vector<1000x32xf32>
    %get3A_209 = arith.constant 2 : index
    %get3A_210 = arith.constant 0 : index
    %get3A_211 = arith.constant 64 : index
    %get3A_212 = vector.load %arg1[%get3A_209, %get3A_210, %get3A_211] : memref<4x256x128xf32, #tpu.memory_space<vmem>>, vector<1x256x32xf32>
    %get3A_213 = vector.shape_cast %get3A_212 : vector<1x256x32xf32> to vector<256x32xf32>
    %dot_general3A_214 = arith.constant dense<0.000000e+00> : vector<1000x256xf32>
    %dot_general3A_215 = tpu.matmul %get3A_208, %get3A_213, %dot_general3A_214 {dimension_numbers = #tpu.dot_dimension_numbers<[1], [1], [0], [0], [0, 0, 1, 0], [], []>, transpose_lhs_hint = false} : vector<1000x32xf32>, vector<256x32xf32>, vector<1000x256xf32> -> vector<1000x256xf32>
    %get3A_216 = arith.constant 0 : index
    %get3A_217 = arith.constant 0 : index
    %get3A_218 = vector.load %arg3[%get3A_216, %get3A_217] : memref<1000x1xf32, #tpu.memory_space<vmem>>, vector<1000x1xf32>
    %add3A_219 = vector.broadcast %get3A_218 : vector<1000x1xf32> to vector<1000x256xf32>
    %add3A_220 = arith.addf %dot_general3A_215, %add3A_219 : vector<1000x256xf32>
    %swap3A_221 = arith.constant 2 : index
    %swap3A_222 = arith.constant 0 : index
    %swap3A_223 = arith.constant 512 : index
    %swap3A_224 = vector.load %arg4[%swap3A_221, %swap3A_222, %swap3A_223] : memref<4x1000x1024xf32, #tpu.memory_space<vmem>>, vector<1x1000x256xf32>
    %swap3A_225 = vector.shape_cast %swap3A_224 : vector<1x1000x256xf32> to vector<1000x256xf32>
    %swap3A_226 = vector.shape_cast %add3A_220 : vector<1000x256xf32> to vector<1x1000x256xf32>
    tpu.vector_store %arg4[%swap3A_221, %swap3A_222, %swap3A_223], %swap3A_226 {strides = array<i32>} : memref<4x1000x1024xf32, #tpu.memory_space<vmem>>, vector<1x1000x256xf32>,
    %get3A_227 = arith.constant 0 : index
    %get3A_228 = arith.constant 0 : index
    %get3A_229 = vector.load %arg2[%get3A_227, %get3A_228] : memref<1000x32xf32, #tpu.memory_space<vmem>>, vector<1000x32xf32>
    %get3A_230 = arith.constant 2 : index
    %get3A_231 = arith.constant 0 : index
    %get3A_232 = arith.constant 96 : index
    %get3A_233 = vector.load %arg1[%get3A_230, %get3A_231, %get3A_232] : memref<4x256x128xf32, #tpu.memory_space<vmem>>, vector<1x256x32xf32>
    %get3A_234 = vector.shape_cast %get3A_233 : vector<1x256x32xf32> to vector<256x32xf32>
    %dot_general3A_235 = arith.constant dense<0.000000e+00> : vector<1000x256xf32>
    %dot_general3A_236 = tpu.matmul %get3A_229, %get3A_234, %dot_general3A_235 {dimension_numbers = #tpu.dot_dimension_numbers<[1], [1], [0], [0], [0, 0, 1, 0], [], []>, transpose_lhs_hint = false} : vector<1000x32xf32>, vector<256x32xf32>, vector<1000x256xf32> -> vector<1000x256xf32>
    %get3A_237 = arith.constant 0 : index
    %get3A_238 = arith.constant 0 : index
    %get3A_239 = vector.load %arg3[%get3A_237, %get3A_238] : memref<1000x1xf32, #tpu.memory_space<vmem>>, vector<1000x1xf32>
    %add3A_240 = vector.broadcast %get3A_239 : vector<1000x1xf32> to vector<1000x256xf32>
    %add3A_241 = arith.addf %dot_general3A_236, %add3A_240 : vector<1000x256xf32>
    %swap3A_242 = arith.constant 2 : index
    %swap3A_243 = arith.constant 0 : index
    %swap3A_244 = arith.constant 768 : index
    %swap3A_245 = vector.load %arg4[%swap3A_242, %swap3A_243, %swap3A_244] : memref<4x1000x1024xf32, #tpu.memory_space<vmem>>, vector<1x1000x256xf32>
    %swap3A_246 = vector.shape_cast %swap3A_245 : vector<1x1000x256xf32> to vector<1000x256xf32>
    %swap3A_247 = vector.shape_cast %add3A_241 : vector<1000x256xf32> to vector<1x1000x256xf32>
    tpu.vector_store %arg4[%swap3A_242, %swap3A_243, %swap3A_244], %swap3A_247 {strides = array<i32>} : memref<4x1000x1024xf32, #tpu.memory_space<vmem>>, vector<1x1000x256xf32>,
    %get3A_248 = arith.constant 0 : index
    %get3A_249 = arith.constant 0 : index
    %get3A_250 = vector.load %arg2[%get3A_248, %get3A_249] : memref<1000x32xf32, #tpu.memory_space<vmem>>, vector<1000x32xf32>
    %get3A_251 = arith.constant 3 : index
    %get3A_252 = arith.constant 0 : index
    %get3A_253 = arith.constant 0 : index
    %get3A_254 = vector.load %arg1[%get3A_251, %get3A_252, %get3A_253] : memref<4x256x128xf32, #tpu.memory_space<vmem>>, vector<1x256x32xf32>
    %get3A_255 = vector.shape_cast %get3A_254 : vector<1x256x32xf32> to vector<256x32xf32>
    %dot_general3A_256 = arith.constant dense<0.000000e+00> : vector<1000x256xf32>
    %dot_general3A_257 = tpu.matmul %get3A_250, %get3A_255, %dot_general3A_256 {dimension_numbers = #tpu.dot_dimension_numbers<[1], [1], [0], [0], [0, 0, 1, 0], [], []>, transpose_lhs_hint = false} : vector<1000x32xf32>, vector<256x32xf32>, vector<1000x256xf32> -> vector<1000x256xf32>
    %get3A_258 = arith.constant 0 : index
    %get3A_259 = arith.constant 0 : index
    %get3A_260 = vector.load %arg3[%get3A_258, %get3A_259] : memref<1000x1xf32, #tpu.memory_space<vmem>>, vector<1000x1xf32>
    %add3A_261 = vector.broadcast %get3A_260 : vector<1000x1xf32> to vector<1000x256xf32>
    %add3A_262 = arith.addf %dot_general3A_257, %add3A_261 : vector<1000x256xf32>
    %swap3A_263 = arith.constant 3 : index
    %swap3A_264 = arith.constant 0 : index
    %swap3A_265 = arith.constant 0 : index
    %swap3A_266 = vector.load %arg4[%swap3A_263, %swap3A_264, %swap3A_265] : memref<4x1000x1024xf32, #tpu.memory_space<vmem>>, vector<1x1000x256xf32>
    %swap3A_267 = vector.shape_cast %swap3A_266 : vector<1x1000x256xf32> to vector<1000x256xf32>
    %swap3A_268 = vector.shape_cast %add3A_262 : vector<1000x256xf32> to vector<1x1000x256xf32>
    tpu.vector_store %arg4[%swap3A_263, %swap3A_264, %swap3A_265], %swap3A_268 {strides = array<i32>} : memref<4x1000x1024xf32, #tpu.memory_space<vmem>>, vector<1x1000x256xf32>,
    %get3A_269 = arith.constant 0 : index
    %get3A_270 = arith.constant 0 : index
    %get3A_271 = vector.load %arg2[%get3A_269, %get3A_270] : memref<1000x32xf32, #tpu.memory_space<vmem>>, vector<1000x32xf32>
    %get3A_272 = arith.constant 3 : index
    %get3A_273 = arith.constant 0 : index
    %get3A_274 = arith.constant 32 : index
    %get3A_275 = vector.load %arg1[%get3A_272, %get3A_273, %get3A_274] : memref<4x256x128xf32, #tpu.memory_space<vmem>>, vector<1x256x32xf32>
    %get3A_276 = vector.shape_cast %get3A_275 : vector<1x256x32xf32> to vector<256x32xf32>
    %dot_general3A_277 = arith.constant dense<0.000000e+00> : vector<1000x256xf32>
    %dot_general3A_278 = tpu.matmul %get3A_271, %get3A_276, %dot_general3A_277 {dimension_numbers = #tpu.dot_dimension_numbers<[1], [1], [0], [0], [0, 0, 1, 0], [], []>, transpose_lhs_hint = false} : vector<1000x32xf32>, vector<256x32xf32>, vector<1000x256xf32> -> vector<1000x256xf32>
    %get3A_279 = arith.constant 0 : index
    %get3A_280 = arith.constant 0 : index
    %get3A_281 = vector.load %arg3[%get3A_279, %get3A_280] : memref<1000x1xf32, #tpu.memory_space<vmem>>, vector<1000x1xf32>
    %add3A_282 = vector.broadcast %get3A_281 : vector<1000x1xf32> to vector<1000x256xf32>
    %add3A_283 = arith.addf %dot_general3A_278, %add3A_282 : vector<1000x256xf32>
    %swap3A_284 = arith.constant 3 : index
    %swap3A_285 = arith.constant 0 : index
    %swap3A_286 = arith.constant 256 : index
    %swap3A_287 = vector.load %arg4[%swap3A_284, %swap3A_285, %swap3A_286] : memref<4x1000x1024xf32, #tpu.memory_space<vmem>>, vector<1x1000x256xf32>
    %swap3A_288 = vector.shape_cast %swap3A_287 : vector<1x1000x256xf32> to vector<1000x256xf32>
    %swap3A_289 = vector.shape_cast %add3A_283 : vector<1000x256xf32> to vector<1x1000x256xf32>
    tpu.vector_store %arg4[%swap3A_284, %swap3A_285, %swap3A_286], %swap3A_289 {strides = array<i32>} : memref<4x1000x1024xf32, #tpu.memory_space<vmem>>, vector<1x1000x256xf32>,
    %get3A_290 = arith.constant 0 : index
    %get3A_291 = arith.constant 0 : index
    %get3A_292 = vector.load %arg2[%get3A_290, %get3A_291] : memref<1000x32xf32, #tpu.memory_space<vmem>>, vector<1000x32xf32>
    %get3A_293 = arith.constant 3 : index
    %get3A_294 = arith.constant 0 : index
    %get3A_295 = arith.constant 64 : index
    %get3A_296 = vector.load %arg1[%get3A_293, %get3A_294, %get3A_295] : memref<4x256x128xf32, #tpu.memory_space<vmem>>, vector<1x256x32xf32>
    %get3A_297 = vector.shape_cast %get3A_296 : vector<1x256x32xf32> to vector<256x32xf32>
    %dot_general3A_298 = arith.constant dense<0.000000e+00> : vector<1000x256xf32>
    %dot_general3A_299 = tpu.matmul %get3A_292, %get3A_297, %dot_general3A_298 {dimension_numbers = #tpu.dot_dimension_numbers<[1], [1], [0], [0], [0, 0, 1, 0], [], []>, transpose_lhs_hint = false} : vector<1000x32xf32>, vector<256x32xf32>, vector<1000x256xf32> -> vector<1000x256xf32>
    %get3A_300 = arith.constant 0 : index
    %get3A_301 = arith.constant 0 : index
    %get3A_302 = vector.load %arg3[%get3A_300, %get3A_301] : memref<1000x1xf32, #tpu.memory_space<vmem>>, vector<1000x1xf32>
    %add3A_303 = vector.broadcast %get3A_302 : vector<1000x1xf32> to vector<1000x256xf32>
    %add3A_304 = arith.addf %dot_general3A_299, %add3A_303 : vector<1000x256xf32>
    %swap3A_305 = arith.constant 3 : index
    %swap3A_306 = arith.constant 0 : index
    %swap3A_307 = arith.constant 512 : index
    %swap3A_308 = vector.load %arg4[%swap3A_305, %swap3A_306, %swap3A_307] : memref<4x1000x1024xf32, #tpu.memory_space<vmem>>, vector<1x1000x256xf32>
    %swap3A_309 = vector.shape_cast %swap3A_308 : vector<1x1000x256xf32> to vector<1000x256xf32>
    %swap3A_310 = vector.shape_cast %add3A_304 : vector<1000x256xf32> to vector<1x1000x256xf32>
    tpu.vector_store %arg4[%swap3A_305, %swap3A_306, %swap3A_307], %swap3A_310 {strides = array<i32>} : memref<4x1000x1024xf32, #tpu.memory_space<vmem>>, vector<1x1000x256xf32>,
    %get3A_311 = arith.constant 0 : index
    %get3A_312 = arith.constant 0 : index
    %get3A_313 = vector.load %arg2[%get3A_311, %get3A_312] : memref<1000x32xf32, #tpu.memory_space<vmem>>, vector<1000x32xf32>
    %get3A_314 = arith.constant 3 : index
    %get3A_315 = arith.constant 0 : index
    %get3A_316 = arith.constant 96 : index
    %get3A_317 = vector.load %arg1[%get3A_314, %get3A_315, %get3A_316] : memref<4x256x128xf32, #tpu.memory_space<vmem>>, vector<1x256x32xf32>
    %get3A_318 = vector.shape_cast %get3A_317 : vector<1x256x32xf32> to vector<256x32xf32>
    %dot_general3A_319 = arith.constant dense<0.000000e+00> : vector<1000x256xf32>
    %dot_general3A_320 = tpu.matmul %get3A_313, %get3A_318, %dot_general3A_319 {dimension_numbers = #tpu.dot_dimension_numbers<[1], [1], [0], [0], [0, 0, 1, 0], [], []>, transpose_lhs_hint = false} : vector<1000x32xf32>, vector<256x32xf32>, vector<1000x256xf32> -> vector<1000x256xf32>
    %get3A_321 = arith.constant 0 : index
    %get3A_322 = arith.constant 0 : index
    %get3A_323 = vector.load %arg3[%get3A_321, %get3A_322] : memref<1000x1xf32, #tpu.memory_space<vmem>>, vector<1000x1xf32>
    %add3A_324 = vector.broadcast %get3A_323 : vector<1000x1xf32> to vector<1000x256xf32>
    %add3A_325 = arith.addf %dot_general3A_320, %add3A_324 : vector<1000x256xf32>
    %swap3A_326 = arith.constant 3 : index
    %swap3A_327 = arith.constant 0 : index
    %swap3A_328 = arith.constant 768 : index
    %swap3A_329 = vector.load %arg4[%swap3A_326, %swap3A_327, %swap3A_328] : memref<4x1000x1024xf32, #tpu.memory_space<vmem>>, vector<1x1000x256xf32>
    %swap3A_330 = vector.shape_cast %swap3A_329 : vector<1x1000x256xf32> to vector<1000x256xf32>
    %swap3A_331 = vector.shape_cast %add3A_325 : vector<1000x256xf32> to vector<1x1000x256xf32>
    tpu.vector_store %arg4[%swap3A_326, %swap3A_327, %swap3A_328], %swap3A_331 {strides = array<i32>} : memref<4x1000x1024xf32, #tpu.memory_space<vmem>>, vector<1x1000x256xf32>,
    return
  }
  func.func @transform_0(%arg0: i32) -> (i32, i32, i32) {
    %c0_i32 = arith.constant 0 : i32
    %c0_i32_0 = arith.constant 0 : i32
    %c0_i32_1 = arith.constant 0 : i32
    return %arg0, %c0_i32, %c0_i32_0 : i32, i32, i32
  }
  func.func @transform_1(%arg0: i32) -> (i32, i32) {
    %c0_i32 = arith.constant 0 : i32
    %c0_i32_0 = arith.constant 0 : i32
    %c0_i32_1 = arith.constant 0 : i32
    return %c0_i32, %c0_i32_0 : i32, i32
  }
  func.func @transform_2(%arg0: i32) -> (i32, i32) {
    %c0_i32 = arith.constant 0 : i32
    %c0_i32_0 = arith.constant 0 : i32
    %c0_i32_1 = arith.constant 0 : i32
    return %c0_i32, %c0_i32_0 : i32, i32
  }
  func.func @transform_3(%arg0: i32) -> (i32, i32, i32) {
    %add3A = arith.constant 0 : i32
    %add3A_0 = arith.addi %add3A, %arg0 : i32
    %c0_i32 = arith.constant 0 : i32
    %c0_i32_1 = arith.constant 0 : i32
    %c0_i32_2 = arith.constant 0 : i32
    return %add3A_0, %c0_i32, %c0_i32_1 : i32, i32, i32
  }
}

module attributes {stable_mosaic.version = 14 : i64} {
  func.func @_proj_next(%arg0: i32, %arg1: memref<200x1000x1024xf32, #tpu.memory_space<any>>, %arg2: memref<4x256x128xf32, #tpu.memory_space<vmem>>, %arg3: memref<1000x32xf32, #tpu.memory_space<vmem>>, %arg4: memref<1000x1xf32, #tpu.memory_space<vmem>>, %arg5: memref<4x1000x1024xf32, #tpu.memory_space<vmem>>) attributes {dimension_semantics = [#tpu.dimension_semantics<arbitrary>], iteration_bounds = array<i64: 10>, scalar_prefetch = 0 : i64, scratch_operands = 0 : i64, tpu.core_type = #tpu.core_type<tc>, window_params = [{}, {transform_indices = @transform_1, window_bounds = array<i64: 4, 256, 128>}, {pipeline_mode = #tpu.pipeline_mode<synchronous>, transform_indices = @transform_2, window_bounds = array<i64: 1000, 32>}, {pipeline_mode = #tpu.pipeline_mode<synchronous>, transform_indices = @transform_3, window_bounds = array<i64: 1000, 1>}, {transform_indices = @transform_4, window_bounds = array<i64: 4, 1000, 1024>}]} {
    %get3A = arith.constant 0 : index
    %get3A_0 = arith.constant 0 : index
    %get3A_1 = vector.load %arg3[%get3A, %get3A_0] : memref<1000x32xf32, #tpu.memory_space<vmem>>, vector<1000x32xf32>
    %get3A_2 = arith.constant 0 : index
    %get3A_3 = arith.constant 0 : index
    %get3A_4 = arith.constant 0 : index
    %get3A_5 = vector.load %arg2[%get3A_2, %get3A_3, %get3A_4] : memref<4x256x128xf32, #tpu.memory_space<vmem>>, vector<1x256x32xf32>
    %get3A_6 = vector.shape_cast %get3A_5 : vector<1x256x32xf32> to vector<256x32xf32>
    %dot_general3A = arith.constant dense<0.000000e+00> : vector<1000x256xf32>
    %dot_general3A_7 = tpu.matmul %get3A_1, %get3A_6, %dot_general3A {dimension_numbers = #tpu.dot_dimension_numbers<[1], [1], [0], [0], [0, 0, 1, 0], [], []>, transpose_lhs_hint = false} : vector<1000x32xf32>, vector<256x32xf32>, vector<1000x256xf32> -> vector<1000x256xf32>
    %get3A_8 = arith.constant 0 : index
    %get3A_9 = arith.constant 0 : index
    %get3A_10 = vector.load %arg4[%get3A_8, %get3A_9] : memref<1000x1xf32, #tpu.memory_space<vmem>>, vector<1000x1xf32>
    %add3A = vector.broadcast %get3A_10 : vector<1000x1xf32> to vector<1000x256xf32>
    %add3A_11 = arith.addf %dot_general3A_7, %add3A : vector<1000x256xf32>
    %swap3A = arith.constant 0 : index
    %swap3A_12 = arith.constant 0 : index
    %swap3A_13 = arith.constant 0 : index
    %swap3A_14 = vector.load %arg5[%swap3A, %swap3A_12, %swap3A_13] : memref<4x1000x1024xf32, #tpu.memory_space<vmem>>, vector<1x1000x256xf32>
    %swap3A_15 = vector.shape_cast %swap3A_14 : vector<1x1000x256xf32> to vector<1000x256xf32>
    %swap3A_16 = vector.shape_cast %add3A_11 : vector<1000x256xf32> to vector<1x1000x256xf32>
    tpu.vector_store %arg5[%swap3A, %swap3A_12, %swap3A_13], %swap3A_16 {strides = array<i32>} : memref<4x1000x1024xf32, #tpu.memory_space<vmem>>, vector<1x1000x256xf32>,
    %get3A_17 = arith.constant 0 : index
    %get3A_18 = arith.constant 0 : index
    %get3A_19 = vector.load %arg3[%get3A_17, %get3A_18] : memref<1000x32xf32, #tpu.memory_space<vmem>>, vector<1000x32xf32>
    %get3A_20 = arith.constant 0 : index
    %get3A_21 = arith.constant 0 : index
    %get3A_22 = arith.constant 32 : index
    %get3A_23 = vector.load %arg2[%get3A_20, %get3A_21, %get3A_22] : memref<4x256x128xf32, #tpu.memory_space<vmem>>, vector<1x256x32xf32>
    %get3A_24 = vector.shape_cast %get3A_23 : vector<1x256x32xf32> to vector<256x32xf32>
    %dot_general3A_25 = arith.constant dense<0.000000e+00> : vector<1000x256xf32>
    %dot_general3A_26 = tpu.matmul %get3A_19, %get3A_24, %dot_general3A_25 {dimension_numbers = #tpu.dot_dimension_numbers<[1], [1], [0], [0], [0, 0, 1, 0], [], []>, transpose_lhs_hint = false} : vector<1000x32xf32>, vector<256x32xf32>, vector<1000x256xf32> -> vector<1000x256xf32>
    %get3A_27 = arith.constant 0 : index
    %get3A_28 = arith.constant 0 : index
    %get3A_29 = vector.load %arg4[%get3A_27, %get3A_28] : memref<1000x1xf32, #tpu.memory_space<vmem>>, vector<1000x1xf32>
    %add3A_30 = vector.broadcast %get3A_29 : vector<1000x1xf32> to vector<1000x256xf32>
    %add3A_31 = arith.addf %dot_general3A_26, %add3A_30 : vector<1000x256xf32>
    %swap3A_32 = arith.constant 0 : index
    %swap3A_33 = arith.constant 0 : index
    %swap3A_34 = arith.constant 256 : index
    %swap3A_35 = vector.load %arg5[%swap3A_32, %swap3A_33, %swap3A_34] : memref<4x1000x1024xf32, #tpu.memory_space<vmem>>, vector<1x1000x256xf32>
    %swap3A_36 = vector.shape_cast %swap3A_35 : vector<1x1000x256xf32> to vector<1000x256xf32>
    %swap3A_37 = vector.shape_cast %add3A_31 : vector<1000x256xf32> to vector<1x1000x256xf32>
    tpu.vector_store %arg5[%swap3A_32, %swap3A_33, %swap3A_34], %swap3A_37 {strides = array<i32>} : memref<4x1000x1024xf32, #tpu.memory_space<vmem>>, vector<1x1000x256xf32>,
    %get3A_38 = arith.constant 0 : index
    %get3A_39 = arith.constant 0 : index
    %get3A_40 = vector.load %arg3[%get3A_38, %get3A_39] : memref<1000x32xf32, #tpu.memory_space<vmem>>, vector<1000x32xf32>
    %get3A_41 = arith.constant 0 : index
    %get3A_42 = arith.constant 0 : index
    %get3A_43 = arith.constant 64 : index
    %get3A_44 = vector.load %arg2[%get3A_41, %get3A_42, %get3A_43] : memref<4x256x128xf32, #tpu.memory_space<vmem>>, vector<1x256x32xf32>
    %get3A_45 = vector.shape_cast %get3A_44 : vector<1x256x32xf32> to vector<256x32xf32>
    %dot_general3A_46 = arith.constant dense<0.000000e+00> : vector<1000x256xf32>
    %dot_general3A_47 = tpu.matmul %get3A_40, %get3A_45, %dot_general3A_46 {dimension_numbers = #tpu.dot_dimension_numbers<[1], [1], [0], [0], [0, 0, 1, 0], [], []>, transpose_lhs_hint = false} : vector<1000x32xf32>, vector<256x32xf32>, vector<1000x256xf32> -> vector<1000x256xf32>
    %get3A_48 = arith.constant 0 : index
    %get3A_49 = arith.constant 0 : index
    %get3A_50 = vector.load %arg4[%get3A_48, %get3A_49] : memref<1000x1xf32, #tpu.memory_space<vmem>>, vector<1000x1xf32>
    %add3A_51 = vector.broadcast %get3A_50 : vector<1000x1xf32> to vector<1000x256xf32>
    %add3A_52 = arith.addf %dot_general3A_47, %add3A_51 : vector<1000x256xf32>
    %swap3A_53 = arith.constant 0 : index
    %swap3A_54 = arith.constant 0 : index
    %swap3A_55 = arith.constant 512 : index
    %swap3A_56 = vector.load %arg5[%swap3A_53, %swap3A_54, %swap3A_55] : memref<4x1000x1024xf32, #tpu.memory_space<vmem>>, vector<1x1000x256xf32>
    %swap3A_57 = vector.shape_cast %swap3A_56 : vector<1x1000x256xf32> to vector<1000x256xf32>
    %swap3A_58 = vector.shape_cast %add3A_52 : vector<1000x256xf32> to vector<1x1000x256xf32>
    tpu.vector_store %arg5[%swap3A_53, %swap3A_54, %swap3A_55], %swap3A_58 {strides = array<i32>} : memref<4x1000x1024xf32, #tpu.memory_space<vmem>>, vector<1x1000x256xf32>,
    %get3A_59 = arith.constant 0 : index
    %get3A_60 = arith.constant 0 : index
    %get3A_61 = vector.load %arg3[%get3A_59, %get3A_60] : memref<1000x32xf32, #tpu.memory_space<vmem>>, vector<1000x32xf32>
    %get3A_62 = arith.constant 0 : index
    %get3A_63 = arith.constant 0 : index
    %get3A_64 = arith.constant 96 : index
    %get3A_65 = vector.load %arg2[%get3A_62, %get3A_63, %get3A_64] : memref<4x256x128xf32, #tpu.memory_space<vmem>>, vector<1x256x32xf32>
    %get3A_66 = vector.shape_cast %get3A_65 : vector<1x256x32xf32> to vector<256x32xf32>
    %dot_general3A_67 = arith.constant dense<0.000000e+00> : vector<1000x256xf32>
    %dot_general3A_68 = tpu.matmul %get3A_61, %get3A_66, %dot_general3A_67 {dimension_numbers = #tpu.dot_dimension_numbers<[1], [1], [0], [0], [0, 0, 1, 0], [], []>, transpose_lhs_hint = false} : vector<1000x32xf32>, vector<256x32xf32>, vector<1000x256xf32> -> vector<1000x256xf32>
    %get3A_69 = arith.constant 0 : index
    %get3A_70 = arith.constant 0 : index
    %get3A_71 = vector.load %arg4[%get3A_69, %get3A_70] : memref<1000x1xf32, #tpu.memory_space<vmem>>, vector<1000x1xf32>
    %add3A_72 = vector.broadcast %get3A_71 : vector<1000x1xf32> to vector<1000x256xf32>
    %add3A_73 = arith.addf %dot_general3A_68, %add3A_72 : vector<1000x256xf32>
    %swap3A_74 = arith.constant 0 : index
    %swap3A_75 = arith.constant 0 : index
    %swap3A_76 = arith.constant 768 : index
    %swap3A_77 = vector.load %arg5[%swap3A_74, %swap3A_75, %swap3A_76] : memref<4x1000x1024xf32, #tpu.memory_space<vmem>>, vector<1x1000x256xf32>
    %swap3A_78 = vector.shape_cast %swap3A_77 : vector<1x1000x256xf32> to vector<1000x256xf32>
    %swap3A_79 = vector.shape_cast %add3A_73 : vector<1000x256xf32> to vector<1x1000x256xf32>
    tpu.vector_store %arg5[%swap3A_74, %swap3A_75, %swap3A_76], %swap3A_79 {strides = array<i32>} : memref<4x1000x1024xf32, #tpu.memory_space<vmem>>, vector<1x1000x256xf32>,
    %get3A_80 = arith.constant 0 : index
    %get3A_81 = arith.constant 0 : index
    %get3A_82 = vector.load %arg3[%get3A_80, %get3A_81] : memref<1000x32xf32, #tpu.memory_space<vmem>>, vector<1000x32xf32>
    %get3A_83 = arith.constant 1 : index
    %get3A_84 = arith.constant 0 : index
    %get3A_85 = arith.constant 0 : index
    %get3A_86 = vector.load %arg2[%get3A_83, %get3A_84, %get3A_85] : memref<4x256x128xf32, #tpu.memory_space<vmem>>, vector<1x256x32xf32>
    %get3A_87 = vector.shape_cast %get3A_86 : vector<1x256x32xf32> to vector<256x32xf32>
    %dot_general3A_88 = arith.constant dense<0.000000e+00> : vector<1000x256xf32>
    %dot_general3A_89 = tpu.matmul %get3A_82, %get3A_87, %dot_general3A_88 {dimension_numbers = #tpu.dot_dimension_numbers<[1], [1], [0], [0], [0, 0, 1, 0], [], []>, transpose_lhs_hint = false} : vector<1000x32xf32>, vector<256x32xf32>, vector<1000x256xf32> -> vector<1000x256xf32>
    %get3A_90 = arith.constant 0 : index
    %get3A_91 = arith.constant 0 : index
    %get3A_92 = vector.load %arg4[%get3A_90, %get3A_91] : memref<1000x1xf32, #tpu.memory_space<vmem>>, vector<1000x1xf32>
    %add3A_93 = vector.broadcast %get3A_92 : vector<1000x1xf32> to vector<1000x256xf32>
    %add3A_94 = arith.addf %dot_general3A_89, %add3A_93 : vector<1000x256xf32>
    %swap3A_95 = arith.constant 1 : index
    %swap3A_96 = arith.constant 0 : index
    %swap3A_97 = arith.constant 0 : index
    %swap3A_98 = vector.load %arg5[%swap3A_95, %swap3A_96, %swap3A_97] : memref<4x1000x1024xf32, #tpu.memory_space<vmem>>, vector<1x1000x256xf32>
    %swap3A_99 = vector.shape_cast %swap3A_98 : vector<1x1000x256xf32> to vector<1000x256xf32>
    %swap3A_100 = vector.shape_cast %add3A_94 : vector<1000x256xf32> to vector<1x1000x256xf32>
    tpu.vector_store %arg5[%swap3A_95, %swap3A_96, %swap3A_97], %swap3A_100 {strides = array<i32>} : memref<4x1000x1024xf32, #tpu.memory_space<vmem>>, vector<1x1000x256xf32>,
    %get3A_101 = arith.constant 0 : index
    %get3A_102 = arith.constant 0 : index
    %get3A_103 = vector.load %arg3[%get3A_101, %get3A_102] : memref<1000x32xf32, #tpu.memory_space<vmem>>, vector<1000x32xf32>
    %get3A_104 = arith.constant 1 : index
    %get3A_105 = arith.constant 0 : index
    %get3A_106 = arith.constant 32 : index
    %get3A_107 = vector.load %arg2[%get3A_104, %get3A_105, %get3A_106] : memref<4x256x128xf32, #tpu.memory_space<vmem>>, vector<1x256x32xf32>
    %get3A_108 = vector.shape_cast %get3A_107 : vector<1x256x32xf32> to vector<256x32xf32>
    %dot_general3A_109 = arith.constant dense<0.000000e+00> : vector<1000x256xf32>
    %dot_general3A_110 = tpu.matmul %get3A_103, %get3A_108, %dot_general3A_109 {dimension_numbers = #tpu.dot_dimension_numbers<[1], [1], [0], [0], [0, 0, 1, 0], [], []>, transpose_lhs_hint = false} : vector<1000x32xf32>, vector<256x32xf32>, vector<1000x256xf32> -> vector<1000x256xf32>
    %get3A_111 = arith.constant 0 : index
    %get3A_112 = arith.constant 0 : index
    %get3A_113 = vector.load %arg4[%get3A_111, %get3A_112] : memref<1000x1xf32, #tpu.memory_space<vmem>>, vector<1000x1xf32>
    %add3A_114 = vector.broadcast %get3A_113 : vector<1000x1xf32> to vector<1000x256xf32>
    %add3A_115 = arith.addf %dot_general3A_110, %add3A_114 : vector<1000x256xf32>
    %swap3A_116 = arith.constant 1 : index
    %swap3A_117 = arith.constant 0 : index
    %swap3A_118 = arith.constant 256 : index
    %swap3A_119 = vector.load %arg5[%swap3A_116, %swap3A_117, %swap3A_118] : memref<4x1000x1024xf32, #tpu.memory_space<vmem>>, vector<1x1000x256xf32>
    %swap3A_120 = vector.shape_cast %swap3A_119 : vector<1x1000x256xf32> to vector<1000x256xf32>
    %swap3A_121 = vector.shape_cast %add3A_115 : vector<1000x256xf32> to vector<1x1000x256xf32>
    tpu.vector_store %arg5[%swap3A_116, %swap3A_117, %swap3A_118], %swap3A_121 {strides = array<i32>} : memref<4x1000x1024xf32, #tpu.memory_space<vmem>>, vector<1x1000x256xf32>,
    %get3A_122 = arith.constant 0 : index
    %get3A_123 = arith.constant 0 : index
    %get3A_124 = vector.load %arg3[%get3A_122, %get3A_123] : memref<1000x32xf32, #tpu.memory_space<vmem>>, vector<1000x32xf32>
    %get3A_125 = arith.constant 1 : index
    %get3A_126 = arith.constant 0 : index
    %get3A_127 = arith.constant 64 : index
    %get3A_128 = vector.load %arg2[%get3A_125, %get3A_126, %get3A_127] : memref<4x256x128xf32, #tpu.memory_space<vmem>>, vector<1x256x32xf32>
    %get3A_129 = vector.shape_cast %get3A_128 : vector<1x256x32xf32> to vector<256x32xf32>
    %dot_general3A_130 = arith.constant dense<0.000000e+00> : vector<1000x256xf32>
    %dot_general3A_131 = tpu.matmul %get3A_124, %get3A_129, %dot_general3A_130 {dimension_numbers = #tpu.dot_dimension_numbers<[1], [1], [0], [0], [0, 0, 1, 0], [], []>, transpose_lhs_hint = false} : vector<1000x32xf32>, vector<256x32xf32>, vector<1000x256xf32> -> vector<1000x256xf32>
    %get3A_132 = arith.constant 0 : index
    %get3A_133 = arith.constant 0 : index
    %get3A_134 = vector.load %arg4[%get3A_132, %get3A_133] : memref<1000x1xf32, #tpu.memory_space<vmem>>, vector<1000x1xf32>
    %add3A_135 = vector.broadcast %get3A_134 : vector<1000x1xf32> to vector<1000x256xf32>
    %add3A_136 = arith.addf %dot_general3A_131, %add3A_135 : vector<1000x256xf32>
    %swap3A_137 = arith.constant 1 : index
    %swap3A_138 = arith.constant 0 : index
    %swap3A_139 = arith.constant 512 : index
    %swap3A_140 = vector.load %arg5[%swap3A_137, %swap3A_138, %swap3A_139] : memref<4x1000x1024xf32, #tpu.memory_space<vmem>>, vector<1x1000x256xf32>
    %swap3A_141 = vector.shape_cast %swap3A_140 : vector<1x1000x256xf32> to vector<1000x256xf32>
    %swap3A_142 = vector.shape_cast %add3A_136 : vector<1000x256xf32> to vector<1x1000x256xf32>
    tpu.vector_store %arg5[%swap3A_137, %swap3A_138, %swap3A_139], %swap3A_142 {strides = array<i32>} : memref<4x1000x1024xf32, #tpu.memory_space<vmem>>, vector<1x1000x256xf32>,
    %get3A_143 = arith.constant 0 : index
    %get3A_144 = arith.constant 0 : index
    %get3A_145 = vector.load %arg3[%get3A_143, %get3A_144] : memref<1000x32xf32, #tpu.memory_space<vmem>>, vector<1000x32xf32>
    %get3A_146 = arith.constant 1 : index
    %get3A_147 = arith.constant 0 : index
    %get3A_148 = arith.constant 96 : index
    %get3A_149 = vector.load %arg2[%get3A_146, %get3A_147, %get3A_148] : memref<4x256x128xf32, #tpu.memory_space<vmem>>, vector<1x256x32xf32>
    %get3A_150 = vector.shape_cast %get3A_149 : vector<1x256x32xf32> to vector<256x32xf32>
    %dot_general3A_151 = arith.constant dense<0.000000e+00> : vector<1000x256xf32>
    %dot_general3A_152 = tpu.matmul %get3A_145, %get3A_150, %dot_general3A_151 {dimension_numbers = #tpu.dot_dimension_numbers<[1], [1], [0], [0], [0, 0, 1, 0], [], []>, transpose_lhs_hint = false} : vector<1000x32xf32>, vector<256x32xf32>, vector<1000x256xf32> -> vector<1000x256xf32>
    %get3A_153 = arith.constant 0 : index
    %get3A_154 = arith.constant 0 : index
    %get3A_155 = vector.load %arg4[%get3A_153, %get3A_154] : memref<1000x1xf32, #tpu.memory_space<vmem>>, vector<1000x1xf32>
    %add3A_156 = vector.broadcast %get3A_155 : vector<1000x1xf32> to vector<1000x256xf32>
    %add3A_157 = arith.addf %dot_general3A_152, %add3A_156 : vector<1000x256xf32>
    %swap3A_158 = arith.constant 1 : index
    %swap3A_159 = arith.constant 0 : index
    %swap3A_160 = arith.constant 768 : index
    %swap3A_161 = vector.load %arg5[%swap3A_158, %swap3A_159, %swap3A_160] : memref<4x1000x1024xf32, #tpu.memory_space<vmem>>, vector<1x1000x256xf32>
    %swap3A_162 = vector.shape_cast %swap3A_161 : vector<1x1000x256xf32> to vector<1000x256xf32>
    %swap3A_163 = vector.shape_cast %add3A_157 : vector<1000x256xf32> to vector<1x1000x256xf32>
    tpu.vector_store %arg5[%swap3A_158, %swap3A_159, %swap3A_160], %swap3A_163 {strides = array<i32>} : memref<4x1000x1024xf32, #tpu.memory_space<vmem>>, vector<1x1000x256xf32>,
    %get3A_164 = arith.constant 0 : index
    %get3A_165 = arith.constant 0 : index
    %get3A_166 = vector.load %arg3[%get3A_164, %get3A_165] : memref<1000x32xf32, #tpu.memory_space<vmem>>, vector<1000x32xf32>
    %get3A_167 = arith.constant 2 : index
    %get3A_168 = arith.constant 0 : index
    %get3A_169 = arith.constant 0 : index
    %get3A_170 = vector.load %arg2[%get3A_167, %get3A_168, %get3A_169] : memref<4x256x128xf32, #tpu.memory_space<vmem>>, vector<1x256x32xf32>
    %get3A_171 = vector.shape_cast %get3A_170 : vector<1x256x32xf32> to vector<256x32xf32>
    %dot_general3A_172 = arith.constant dense<0.000000e+00> : vector<1000x256xf32>
    %dot_general3A_173 = tpu.matmul %get3A_166, %get3A_171, %dot_general3A_172 {dimension_numbers = #tpu.dot_dimension_numbers<[1], [1], [0], [0], [0, 0, 1, 0], [], []>, transpose_lhs_hint = false} : vector<1000x32xf32>, vector<256x32xf32>, vector<1000x256xf32> -> vector<1000x256xf32>
    %get3A_174 = arith.constant 0 : index
    %get3A_175 = arith.constant 0 : index
    %get3A_176 = vector.load %arg4[%get3A_174, %get3A_175] : memref<1000x1xf32, #tpu.memory_space<vmem>>, vector<1000x1xf32>
    %add3A_177 = vector.broadcast %get3A_176 : vector<1000x1xf32> to vector<1000x256xf32>
    %add3A_178 = arith.addf %dot_general3A_173, %add3A_177 : vector<1000x256xf32>
    %swap3A_179 = arith.constant 2 : index
    %swap3A_180 = arith.constant 0 : index
    %swap3A_181 = arith.constant 0 : index
    %swap3A_182 = vector.load %arg5[%swap3A_179, %swap3A_180, %swap3A_181] : memref<4x1000x1024xf32, #tpu.memory_space<vmem>>, vector<1x1000x256xf32>
    %swap3A_183 = vector.shape_cast %swap3A_182 : vector<1x1000x256xf32> to vector<1000x256xf32>
    %swap3A_184 = vector.shape_cast %add3A_178 : vector<1000x256xf32> to vector<1x1000x256xf32>
    tpu.vector_store %arg5[%swap3A_179, %swap3A_180, %swap3A_181], %swap3A_184 {strides = array<i32>} : memref<4x1000x1024xf32, #tpu.memory_space<vmem>>, vector<1x1000x256xf32>,
    %get3A_185 = arith.constant 0 : index
    %get3A_186 = arith.constant 0 : index
    %get3A_187 = vector.load %arg3[%get3A_185, %get3A_186] : memref<1000x32xf32, #tpu.memory_space<vmem>>, vector<1000x32xf32>
    %get3A_188 = arith.constant 2 : index
    %get3A_189 = arith.constant 0 : index
    %get3A_190 = arith.constant 32 : index
    %get3A_191 = vector.load %arg2[%get3A_188, %get3A_189, %get3A_190] : memref<4x256x128xf32, #tpu.memory_space<vmem>>, vector<1x256x32xf32>
    %get3A_192 = vector.shape_cast %get3A_191 : vector<1x256x32xf32> to vector<256x32xf32>
    %dot_general3A_193 = arith.constant dense<0.000000e+00> : vector<1000x256xf32>
    %dot_general3A_194 = tpu.matmul %get3A_187, %get3A_192, %dot_general3A_193 {dimension_numbers = #tpu.dot_dimension_numbers<[1], [1], [0], [0], [0, 0, 1, 0], [], []>, transpose_lhs_hint = false} : vector<1000x32xf32>, vector<256x32xf32>, vector<1000x256xf32> -> vector<1000x256xf32>
    %get3A_195 = arith.constant 0 : index
    %get3A_196 = arith.constant 0 : index
    %get3A_197 = vector.load %arg4[%get3A_195, %get3A_196] : memref<1000x1xf32, #tpu.memory_space<vmem>>, vector<1000x1xf32>
    %add3A_198 = vector.broadcast %get3A_197 : vector<1000x1xf32> to vector<1000x256xf32>
    %add3A_199 = arith.addf %dot_general3A_194, %add3A_198 : vector<1000x256xf32>
    %swap3A_200 = arith.constant 2 : index
    %swap3A_201 = arith.constant 0 : index
    %swap3A_202 = arith.constant 256 : index
    %swap3A_203 = vector.load %arg5[%swap3A_200, %swap3A_201, %swap3A_202] : memref<4x1000x1024xf32, #tpu.memory_space<vmem>>, vector<1x1000x256xf32>
    %swap3A_204 = vector.shape_cast %swap3A_203 : vector<1x1000x256xf32> to vector<1000x256xf32>
    %swap3A_205 = vector.shape_cast %add3A_199 : vector<1000x256xf32> to vector<1x1000x256xf32>
    tpu.vector_store %arg5[%swap3A_200, %swap3A_201, %swap3A_202], %swap3A_205 {strides = array<i32>} : memref<4x1000x1024xf32, #tpu.memory_space<vmem>>, vector<1x1000x256xf32>,
    %get3A_206 = arith.constant 0 : index
    %get3A_207 = arith.constant 0 : index
    %get3A_208 = vector.load %arg3[%get3A_206, %get3A_207] : memref<1000x32xf32, #tpu.memory_space<vmem>>, vector<1000x32xf32>
    %get3A_209 = arith.constant 2 : index
    %get3A_210 = arith.constant 0 : index
    %get3A_211 = arith.constant 64 : index
    %get3A_212 = vector.load %arg2[%get3A_209, %get3A_210, %get3A_211] : memref<4x256x128xf32, #tpu.memory_space<vmem>>, vector<1x256x32xf32>
    %get3A_213 = vector.shape_cast %get3A_212 : vector<1x256x32xf32> to vector<256x32xf32>
    %dot_general3A_214 = arith.constant dense<0.000000e+00> : vector<1000x256xf32>
    %dot_general3A_215 = tpu.matmul %get3A_208, %get3A_213, %dot_general3A_214 {dimension_numbers = #tpu.dot_dimension_numbers<[1], [1], [0], [0], [0, 0, 1, 0], [], []>, transpose_lhs_hint = false} : vector<1000x32xf32>, vector<256x32xf32>, vector<1000x256xf32> -> vector<1000x256xf32>
    %get3A_216 = arith.constant 0 : index
    %get3A_217 = arith.constant 0 : index
    %get3A_218 = vector.load %arg4[%get3A_216, %get3A_217] : memref<1000x1xf32, #tpu.memory_space<vmem>>, vector<1000x1xf32>
    %add3A_219 = vector.broadcast %get3A_218 : vector<1000x1xf32> to vector<1000x256xf32>
    %add3A_220 = arith.addf %dot_general3A_215, %add3A_219 : vector<1000x256xf32>
    %swap3A_221 = arith.constant 2 : index
    %swap3A_222 = arith.constant 0 : index
    %swap3A_223 = arith.constant 512 : index
    %swap3A_224 = vector.load %arg5[%swap3A_221, %swap3A_222, %swap3A_223] : memref<4x1000x1024xf32, #tpu.memory_space<vmem>>, vector<1x1000x256xf32>
    %swap3A_225 = vector.shape_cast %swap3A_224 : vector<1x1000x256xf32> to vector<1000x256xf32>
    %swap3A_226 = vector.shape_cast %add3A_220 : vector<1000x256xf32> to vector<1x1000x256xf32>
    tpu.vector_store %arg5[%swap3A_221, %swap3A_222, %swap3A_223], %swap3A_226 {strides = array<i32>} : memref<4x1000x1024xf32, #tpu.memory_space<vmem>>, vector<1x1000x256xf32>,
    %get3A_227 = arith.constant 0 : index
    %get3A_228 = arith.constant 0 : index
    %get3A_229 = vector.load %arg3[%get3A_227, %get3A_228] : memref<1000x32xf32, #tpu.memory_space<vmem>>, vector<1000x32xf32>
    %get3A_230 = arith.constant 2 : index
    %get3A_231 = arith.constant 0 : index
    %get3A_232 = arith.constant 96 : index
    %get3A_233 = vector.load %arg2[%get3A_230, %get3A_231, %get3A_232] : memref<4x256x128xf32, #tpu.memory_space<vmem>>, vector<1x256x32xf32>
    %get3A_234 = vector.shape_cast %get3A_233 : vector<1x256x32xf32> to vector<256x32xf32>
    %dot_general3A_235 = arith.constant dense<0.000000e+00> : vector<1000x256xf32>
    %dot_general3A_236 = tpu.matmul %get3A_229, %get3A_234, %dot_general3A_235 {dimension_numbers = #tpu.dot_dimension_numbers<[1], [1], [0], [0], [0, 0, 1, 0], [], []>, transpose_lhs_hint = false} : vector<1000x32xf32>, vector<256x32xf32>, vector<1000x256xf32> -> vector<1000x256xf32>
    %get3A_237 = arith.constant 0 : index
    %get3A_238 = arith.constant 0 : index
    %get3A_239 = vector.load %arg4[%get3A_237, %get3A_238] : memref<1000x1xf32, #tpu.memory_space<vmem>>, vector<1000x1xf32>
    %add3A_240 = vector.broadcast %get3A_239 : vector<1000x1xf32> to vector<1000x256xf32>
    %add3A_241 = arith.addf %dot_general3A_236, %add3A_240 : vector<1000x256xf32>
    %swap3A_242 = arith.constant 2 : index
    %swap3A_243 = arith.constant 0 : index
    %swap3A_244 = arith.constant 768 : index
    %swap3A_245 = vector.load %arg5[%swap3A_242, %swap3A_243, %swap3A_244] : memref<4x1000x1024xf32, #tpu.memory_space<vmem>>, vector<1x1000x256xf32>
    %swap3A_246 = vector.shape_cast %swap3A_245 : vector<1x1000x256xf32> to vector<1000x256xf32>
    %swap3A_247 = vector.shape_cast %add3A_241 : vector<1000x256xf32> to vector<1x1000x256xf32>
    tpu.vector_store %arg5[%swap3A_242, %swap3A_243, %swap3A_244], %swap3A_247 {strides = array<i32>} : memref<4x1000x1024xf32, #tpu.memory_space<vmem>>, vector<1x1000x256xf32>,
    %get3A_248 = arith.constant 0 : index
    %get3A_249 = arith.constant 0 : index
    %get3A_250 = vector.load %arg3[%get3A_248, %get3A_249] : memref<1000x32xf32, #tpu.memory_space<vmem>>, vector<1000x32xf32>
    %get3A_251 = arith.constant 3 : index
    %get3A_252 = arith.constant 0 : index
    %get3A_253 = arith.constant 0 : index
    %get3A_254 = vector.load %arg2[%get3A_251, %get3A_252, %get3A_253] : memref<4x256x128xf32, #tpu.memory_space<vmem>>, vector<1x256x32xf32>
    %get3A_255 = vector.shape_cast %get3A_254 : vector<1x256x32xf32> to vector<256x32xf32>
    %dot_general3A_256 = arith.constant dense<0.000000e+00> : vector<1000x256xf32>
    %dot_general3A_257 = tpu.matmul %get3A_250, %get3A_255, %dot_general3A_256 {dimension_numbers = #tpu.dot_dimension_numbers<[1], [1], [0], [0], [0, 0, 1, 0], [], []>, transpose_lhs_hint = false} : vector<1000x32xf32>, vector<256x32xf32>, vector<1000x256xf32> -> vector<1000x256xf32>
    %get3A_258 = arith.constant 0 : index
    %get3A_259 = arith.constant 0 : index
    %get3A_260 = vector.load %arg4[%get3A_258, %get3A_259] : memref<1000x1xf32, #tpu.memory_space<vmem>>, vector<1000x1xf32>
    %add3A_261 = vector.broadcast %get3A_260 : vector<1000x1xf32> to vector<1000x256xf32>
    %add3A_262 = arith.addf %dot_general3A_257, %add3A_261 : vector<1000x256xf32>
    %swap3A_263 = arith.constant 3 : index
    %swap3A_264 = arith.constant 0 : index
    %swap3A_265 = arith.constant 0 : index
    %swap3A_266 = vector.load %arg5[%swap3A_263, %swap3A_264, %swap3A_265] : memref<4x1000x1024xf32, #tpu.memory_space<vmem>>, vector<1x1000x256xf32>
    %swap3A_267 = vector.shape_cast %swap3A_266 : vector<1x1000x256xf32> to vector<1000x256xf32>
    %swap3A_268 = vector.shape_cast %add3A_262 : vector<1000x256xf32> to vector<1x1000x256xf32>
    tpu.vector_store %arg5[%swap3A_263, %swap3A_264, %swap3A_265], %swap3A_268 {strides = array<i32>} : memref<4x1000x1024xf32, #tpu.memory_space<vmem>>, vector<1x1000x256xf32>,
    %get3A_269 = arith.constant 0 : index
    %get3A_270 = arith.constant 0 : index
    %get3A_271 = vector.load %arg3[%get3A_269, %get3A_270] : memref<1000x32xf32, #tpu.memory_space<vmem>>, vector<1000x32xf32>
    %get3A_272 = arith.constant 3 : index
    %get3A_273 = arith.constant 0 : index
    %get3A_274 = arith.constant 32 : index
    %get3A_275 = vector.load %arg2[%get3A_272, %get3A_273, %get3A_274] : memref<4x256x128xf32, #tpu.memory_space<vmem>>, vector<1x256x32xf32>
    %get3A_276 = vector.shape_cast %get3A_275 : vector<1x256x32xf32> to vector<256x32xf32>
    %dot_general3A_277 = arith.constant dense<0.000000e+00> : vector<1000x256xf32>
    %dot_general3A_278 = tpu.matmul %get3A_271, %get3A_276, %dot_general3A_277 {dimension_numbers = #tpu.dot_dimension_numbers<[1], [1], [0], [0], [0, 0, 1, 0], [], []>, transpose_lhs_hint = false} : vector<1000x32xf32>, vector<256x32xf32>, vector<1000x256xf32> -> vector<1000x256xf32>
    %get3A_279 = arith.constant 0 : index
    %get3A_280 = arith.constant 0 : index
    %get3A_281 = vector.load %arg4[%get3A_279, %get3A_280] : memref<1000x1xf32, #tpu.memory_space<vmem>>, vector<1000x1xf32>
    %add3A_282 = vector.broadcast %get3A_281 : vector<1000x1xf32> to vector<1000x256xf32>
    %add3A_283 = arith.addf %dot_general3A_278, %add3A_282 : vector<1000x256xf32>
    %swap3A_284 = arith.constant 3 : index
    %swap3A_285 = arith.constant 0 : index
    %swap3A_286 = arith.constant 256 : index
    %swap3A_287 = vector.load %arg5[%swap3A_284, %swap3A_285, %swap3A_286] : memref<4x1000x1024xf32, #tpu.memory_space<vmem>>, vector<1x1000x256xf32>
    %swap3A_288 = vector.shape_cast %swap3A_287 : vector<1x1000x256xf32> to vector<1000x256xf32>
    %swap3A_289 = vector.shape_cast %add3A_283 : vector<1000x256xf32> to vector<1x1000x256xf32>
    tpu.vector_store %arg5[%swap3A_284, %swap3A_285, %swap3A_286], %swap3A_289 {strides = array<i32>} : memref<4x1000x1024xf32, #tpu.memory_space<vmem>>, vector<1x1000x256xf32>,
    %get3A_290 = arith.constant 0 : index
    %get3A_291 = arith.constant 0 : index
    %get3A_292 = vector.load %arg3[%get3A_290, %get3A_291] : memref<1000x32xf32, #tpu.memory_space<vmem>>, vector<1000x32xf32>
    %get3A_293 = arith.constant 3 : index
    %get3A_294 = arith.constant 0 : index
    %get3A_295 = arith.constant 64 : index
    %get3A_296 = vector.load %arg2[%get3A_293, %get3A_294, %get3A_295] : memref<4x256x128xf32, #tpu.memory_space<vmem>>, vector<1x256x32xf32>
    %get3A_297 = vector.shape_cast %get3A_296 : vector<1x256x32xf32> to vector<256x32xf32>
    %dot_general3A_298 = arith.constant dense<0.000000e+00> : vector<1000x256xf32>
    %dot_general3A_299 = tpu.matmul %get3A_292, %get3A_297, %dot_general3A_298 {dimension_numbers = #tpu.dot_dimension_numbers<[1], [1], [0], [0], [0, 0, 1, 0], [], []>, transpose_lhs_hint = false} : vector<1000x32xf32>, vector<256x32xf32>, vector<1000x256xf32> -> vector<1000x256xf32>
    %get3A_300 = arith.constant 0 : index
    %get3A_301 = arith.constant 0 : index
    %get3A_302 = vector.load %arg4[%get3A_300, %get3A_301] : memref<1000x1xf32, #tpu.memory_space<vmem>>, vector<1000x1xf32>
    %add3A_303 = vector.broadcast %get3A_302 : vector<1000x1xf32> to vector<1000x256xf32>
    %add3A_304 = arith.addf %dot_general3A_299, %add3A_303 : vector<1000x256xf32>
    %swap3A_305 = arith.constant 3 : index
    %swap3A_306 = arith.constant 0 : index
    %swap3A_307 = arith.constant 512 : index
    %swap3A_308 = vector.load %arg5[%swap3A_305, %swap3A_306, %swap3A_307] : memref<4x1000x1024xf32, #tpu.memory_space<vmem>>, vector<1x1000x256xf32>
    %swap3A_309 = vector.shape_cast %swap3A_308 : vector<1x1000x256xf32> to vector<1000x256xf32>
    %swap3A_310 = vector.shape_cast %add3A_304 : vector<1000x256xf32> to vector<1x1000x256xf32>
    tpu.vector_store %arg5[%swap3A_305, %swap3A_306, %swap3A_307], %swap3A_310 {strides = array<i32>} : memref<4x1000x1024xf32, #tpu.memory_space<vmem>>, vector<1x1000x256xf32>,
    %get3A_311 = arith.constant 0 : index
    %get3A_312 = arith.constant 0 : index
    %get3A_313 = vector.load %arg3[%get3A_311, %get3A_312] : memref<1000x32xf32, #tpu.memory_space<vmem>>, vector<1000x32xf32>
    %get3A_314 = arith.constant 3 : index
    %get3A_315 = arith.constant 0 : index
    %get3A_316 = arith.constant 96 : index
    %get3A_317 = vector.load %arg2[%get3A_314, %get3A_315, %get3A_316] : memref<4x256x128xf32, #tpu.memory_space<vmem>>, vector<1x256x32xf32>
    %get3A_318 = vector.shape_cast %get3A_317 : vector<1x256x32xf32> to vector<256x32xf32>
    %dot_general3A_319 = arith.constant dense<0.000000e+00> : vector<1000x256xf32>
    %dot_general3A_320 = tpu.matmul %get3A_313, %get3A_318, %dot_general3A_319 {dimension_numbers = #tpu.dot_dimension_numbers<[1], [1], [0], [0], [0, 0, 1, 0], [], []>, transpose_lhs_hint = false} : vector<1000x32xf32>, vector<256x32xf32>, vector<1000x256xf32> -> vector<1000x256xf32>
    %get3A_321 = arith.constant 0 : index
    %get3A_322 = arith.constant 0 : index
    %get3A_323 = vector.load %arg4[%get3A_321, %get3A_322] : memref<1000x1xf32, #tpu.memory_space<vmem>>, vector<1000x1xf32>
    %add3A_324 = vector.broadcast %get3A_323 : vector<1000x1xf32> to vector<1000x256xf32>
    %add3A_325 = arith.addf %dot_general3A_320, %add3A_324 : vector<1000x256xf32>
    %swap3A_326 = arith.constant 3 : index
    %swap3A_327 = arith.constant 0 : index
    %swap3A_328 = arith.constant 768 : index
    %swap3A_329 = vector.load %arg5[%swap3A_326, %swap3A_327, %swap3A_328] : memref<4x1000x1024xf32, #tpu.memory_space<vmem>>, vector<1x1000x256xf32>
    %swap3A_330 = vector.shape_cast %swap3A_329 : vector<1x1000x256xf32> to vector<1000x256xf32>
    %swap3A_331 = vector.shape_cast %add3A_325 : vector<1000x256xf32> to vector<1x1000x256xf32>
    tpu.vector_store %arg5[%swap3A_326, %swap3A_327, %swap3A_328], %swap3A_331 {strides = array<i32>} : memref<4x1000x1024xf32, #tpu.memory_space<vmem>>, vector<1x1000x256xf32>,
    return
  }
  func.func @transform_1(%arg0: i32) -> (i32, i32, i32) {
    %c0_i32 = arith.constant 0 : i32
    %c0_i32_0 = arith.constant 0 : i32
    %c0_i32_1 = arith.constant 0 : i32
    return %arg0, %c0_i32, %c0_i32_0 : i32, i32, i32
  }
  func.func @transform_2(%arg0: i32) -> (i32, i32) {
    %c0_i32 = arith.constant 0 : i32
    %c0_i32_0 = arith.constant 0 : i32
    %c0_i32_1 = arith.constant 0 : i32
    return %c0_i32, %c0_i32_0 : i32, i32
  }
  func.func @transform_3(%arg0: i32) -> (i32, i32) {
    %c0_i32 = arith.constant 0 : i32
    %c0_i32_0 = arith.constant 0 : i32
    %c0_i32_1 = arith.constant 0 : i32
    return %c0_i32, %c0_i32_0 : i32, i32
  }
  func.func @transform_4(%arg0: i32) -> (i32, i32, i32) {
    %add3A = arith.constant 20 : i32
    %add3A_0 = arith.addi %add3A, %arg0 : i32
    %c0_i32 = arith.constant 0 : i32
    %c0_i32_1 = arith.constant 0 : i32
    %c0_i32_2 = arith.constant 0 : i32
    return %add3A_0, %c0_i32, %c0_i32_1 : i32, i32, i32
  }
}

module attributes {stable_mosaic.version = 14 : i64} {
  func.func @_proj_next(%arg0: i32, %arg1: memref<200x1000x1024xf32, #tpu.memory_space<any>>, %arg2: memref<4x256x128xf32, #tpu.memory_space<vmem>>, %arg3: memref<1000x32xf32, #tpu.memory_space<vmem>>, %arg4: memref<1000x1xf32, #tpu.memory_space<vmem>>, %arg5: memref<4x1000x1024xf32, #tpu.memory_space<vmem>>) attributes {dimension_semantics = [#tpu.dimension_semantics<arbitrary>], iteration_bounds = array<i64: 10>, scalar_prefetch = 0 : i64, scratch_operands = 0 : i64, tpu.core_type = #tpu.core_type<tc>, window_params = [{}, {transform_indices = @transform_1, window_bounds = array<i64: 4, 256, 128>}, {pipeline_mode = #tpu.pipeline_mode<synchronous>, transform_indices = @transform_2, window_bounds = array<i64: 1000, 32>}, {pipeline_mode = #tpu.pipeline_mode<synchronous>, transform_indices = @transform_3, window_bounds = array<i64: 1000, 1>}, {transform_indices = @transform_4, window_bounds = array<i64: 4, 1000, 1024>}]} {
    %get3A = arith.constant 0 : index
    %get3A_0 = arith.constant 0 : index
    %get3A_1 = vector.load %arg3[%get3A, %get3A_0] : memref<1000x32xf32, #tpu.memory_space<vmem>>, vector<1000x32xf32>
    %get3A_2 = arith.constant 0 : index
    %get3A_3 = arith.constant 0 : index
    %get3A_4 = arith.constant 0 : index
    %get3A_5 = vector.load %arg2[%get3A_2, %get3A_3, %get3A_4] : memref<4x256x128xf32, #tpu.memory_space<vmem>>, vector<1x256x32xf32>
    %get3A_6 = vector.shape_cast %get3A_5 : vector<1x256x32xf32> to vector<256x32xf32>
    %dot_general3A = arith.constant dense<0.000000e+00> : vector<1000x256xf32>
    %dot_general3A_7 = tpu.matmul %get3A_1, %get3A_6, %dot_general3A {dimension_numbers = #tpu.dot_dimension_numbers<[1], [1], [0], [0], [0, 0, 1, 0], [], []>, transpose_lhs_hint = false} : vector<1000x32xf32>, vector<256x32xf32>, vector<1000x256xf32> -> vector<1000x256xf32>
    %get3A_8 = arith.constant 0 : index
    %get3A_9 = arith.constant 0 : index
    %get3A_10 = vector.load %arg4[%get3A_8, %get3A_9] : memref<1000x1xf32, #tpu.memory_space<vmem>>, vector<1000x1xf32>
    %add3A = vector.broadcast %get3A_10 : vector<1000x1xf32> to vector<1000x256xf32>
    %add3A_11 = arith.addf %dot_general3A_7, %add3A : vector<1000x256xf32>
    %swap3A = arith.constant 0 : index
    %swap3A_12 = arith.constant 0 : index
    %swap3A_13 = arith.constant 0 : index
    %swap3A_14 = vector.load %arg5[%swap3A, %swap3A_12, %swap3A_13] : memref<4x1000x1024xf32, #tpu.memory_space<vmem>>, vector<1x1000x256xf32>
    %swap3A_15 = vector.shape_cast %swap3A_14 : vector<1x1000x256xf32> to vector<1000x256xf32>
    %swap3A_16 = vector.shape_cast %add3A_11 : vector<1000x256xf32> to vector<1x1000x256xf32>
    tpu.vector_store %arg5[%swap3A, %swap3A_12, %swap3A_13], %swap3A_16 {strides = array<i32>} : memref<4x1000x1024xf32, #tpu.memory_space<vmem>>, vector<1x1000x256xf32>,
    %get3A_17 = arith.constant 0 : index
    %get3A_18 = arith.constant 0 : index
    %get3A_19 = vector.load %arg3[%get3A_17, %get3A_18] : memref<1000x32xf32, #tpu.memory_space<vmem>>, vector<1000x32xf32>
    %get3A_20 = arith.constant 0 : index
    %get3A_21 = arith.constant 0 : index
    %get3A_22 = arith.constant 32 : index
    %get3A_23 = vector.load %arg2[%get3A_20, %get3A_21, %get3A_22] : memref<4x256x128xf32, #tpu.memory_space<vmem>>, vector<1x256x32xf32>
    %get3A_24 = vector.shape_cast %get3A_23 : vector<1x256x32xf32> to vector<256x32xf32>
    %dot_general3A_25 = arith.constant dense<0.000000e+00> : vector<1000x256xf32>
    %dot_general3A_26 = tpu.matmul %get3A_19, %get3A_24, %dot_general3A_25 {dimension_numbers = #tpu.dot_dimension_numbers<[1], [1], [0], [0], [0, 0, 1, 0], [], []>, transpose_lhs_hint = false} : vector<1000x32xf32>, vector<256x32xf32>, vector<1000x256xf32> -> vector<1000x256xf32>
    %get3A_27 = arith.constant 0 : index
    %get3A_28 = arith.constant 0 : index
    %get3A_29 = vector.load %arg4[%get3A_27, %get3A_28] : memref<1000x1xf32, #tpu.memory_space<vmem>>, vector<1000x1xf32>
    %add3A_30 = vector.broadcast %get3A_29 : vector<1000x1xf32> to vector<1000x256xf32>
    %add3A_31 = arith.addf %dot_general3A_26, %add3A_30 : vector<1000x256xf32>
    %swap3A_32 = arith.constant 0 : index
    %swap3A_33 = arith.constant 0 : index
    %swap3A_34 = arith.constant 256 : index
    %swap3A_35 = vector.load %arg5[%swap3A_32, %swap3A_33, %swap3A_34] : memref<4x1000x1024xf32, #tpu.memory_space<vmem>>, vector<1x1000x256xf32>
    %swap3A_36 = vector.shape_cast %swap3A_35 : vector<1x1000x256xf32> to vector<1000x256xf32>
    %swap3A_37 = vector.shape_cast %add3A_31 : vector<1000x256xf32> to vector<1x1000x256xf32>
    tpu.vector_store %arg5[%swap3A_32, %swap3A_33, %swap3A_34], %swap3A_37 {strides = array<i32>} : memref<4x1000x1024xf32, #tpu.memory_space<vmem>>, vector<1x1000x256xf32>,
    %get3A_38 = arith.constant 0 : index
    %get3A_39 = arith.constant 0 : index
    %get3A_40 = vector.load %arg3[%get3A_38, %get3A_39] : memref<1000x32xf32, #tpu.memory_space<vmem>>, vector<1000x32xf32>
    %get3A_41 = arith.constant 0 : index
    %get3A_42 = arith.constant 0 : index
    %get3A_43 = arith.constant 64 : index
    %get3A_44 = vector.load %arg2[%get3A_41, %get3A_42, %get3A_43] : memref<4x256x128xf32, #tpu.memory_space<vmem>>, vector<1x256x32xf32>
    %get3A_45 = vector.shape_cast %get3A_44 : vector<1x256x32xf32> to vector<256x32xf32>
    %dot_general3A_46 = arith.constant dense<0.000000e+00> : vector<1000x256xf32>
    %dot_general3A_47 = tpu.matmul %get3A_40, %get3A_45, %dot_general3A_46 {dimension_numbers = #tpu.dot_dimension_numbers<[1], [1], [0], [0], [0, 0, 1, 0], [], []>, transpose_lhs_hint = false} : vector<1000x32xf32>, vector<256x32xf32>, vector<1000x256xf32> -> vector<1000x256xf32>
    %get3A_48 = arith.constant 0 : index
    %get3A_49 = arith.constant 0 : index
    %get3A_50 = vector.load %arg4[%get3A_48, %get3A_49] : memref<1000x1xf32, #tpu.memory_space<vmem>>, vector<1000x1xf32>
    %add3A_51 = vector.broadcast %get3A_50 : vector<1000x1xf32> to vector<1000x256xf32>
    %add3A_52 = arith.addf %dot_general3A_47, %add3A_51 : vector<1000x256xf32>
    %swap3A_53 = arith.constant 0 : index
    %swap3A_54 = arith.constant 0 : index
    %swap3A_55 = arith.constant 512 : index
    %swap3A_56 = vector.load %arg5[%swap3A_53, %swap3A_54, %swap3A_55] : memref<4x1000x1024xf32, #tpu.memory_space<vmem>>, vector<1x1000x256xf32>
    %swap3A_57 = vector.shape_cast %swap3A_56 : vector<1x1000x256xf32> to vector<1000x256xf32>
    %swap3A_58 = vector.shape_cast %add3A_52 : vector<1000x256xf32> to vector<1x1000x256xf32>
    tpu.vector_store %arg5[%swap3A_53, %swap3A_54, %swap3A_55], %swap3A_58 {strides = array<i32>} : memref<4x1000x1024xf32, #tpu.memory_space<vmem>>, vector<1x1000x256xf32>,
    %get3A_59 = arith.constant 0 : index
    %get3A_60 = arith.constant 0 : index
    %get3A_61 = vector.load %arg3[%get3A_59, %get3A_60] : memref<1000x32xf32, #tpu.memory_space<vmem>>, vector<1000x32xf32>
    %get3A_62 = arith.constant 0 : index
    %get3A_63 = arith.constant 0 : index
    %get3A_64 = arith.constant 96 : index
    %get3A_65 = vector.load %arg2[%get3A_62, %get3A_63, %get3A_64] : memref<4x256x128xf32, #tpu.memory_space<vmem>>, vector<1x256x32xf32>
    %get3A_66 = vector.shape_cast %get3A_65 : vector<1x256x32xf32> to vector<256x32xf32>
    %dot_general3A_67 = arith.constant dense<0.000000e+00> : vector<1000x256xf32>
    %dot_general3A_68 = tpu.matmul %get3A_61, %get3A_66, %dot_general3A_67 {dimension_numbers = #tpu.dot_dimension_numbers<[1], [1], [0], [0], [0, 0, 1, 0], [], []>, transpose_lhs_hint = false} : vector<1000x32xf32>, vector<256x32xf32>, vector<1000x256xf32> -> vector<1000x256xf32>
    %get3A_69 = arith.constant 0 : index
    %get3A_70 = arith.constant 0 : index
    %get3A_71 = vector.load %arg4[%get3A_69, %get3A_70] : memref<1000x1xf32, #tpu.memory_space<vmem>>, vector<1000x1xf32>
    %add3A_72 = vector.broadcast %get3A_71 : vector<1000x1xf32> to vector<1000x256xf32>
    %add3A_73 = arith.addf %dot_general3A_68, %add3A_72 : vector<1000x256xf32>
    %swap3A_74 = arith.constant 0 : index
    %swap3A_75 = arith.constant 0 : index
    %swap3A_76 = arith.constant 768 : index
    %swap3A_77 = vector.load %arg5[%swap3A_74, %swap3A_75, %swap3A_76] : memref<4x1000x1024xf32, #tpu.memory_space<vmem>>, vector<1x1000x256xf32>
    %swap3A_78 = vector.shape_cast %swap3A_77 : vector<1x1000x256xf32> to vector<1000x256xf32>
    %swap3A_79 = vector.shape_cast %add3A_73 : vector<1000x256xf32> to vector<1x1000x256xf32>
    tpu.vector_store %arg5[%swap3A_74, %swap3A_75, %swap3A_76], %swap3A_79 {strides = array<i32>} : memref<4x1000x1024xf32, #tpu.memory_space<vmem>>, vector<1x1000x256xf32>,
    %get3A_80 = arith.constant 0 : index
    %get3A_81 = arith.constant 0 : index
    %get3A_82 = vector.load %arg3[%get3A_80, %get3A_81] : memref<1000x32xf32, #tpu.memory_space<vmem>>, vector<1000x32xf32>
    %get3A_83 = arith.constant 1 : index
    %get3A_84 = arith.constant 0 : index
    %get3A_85 = arith.constant 0 : index
    %get3A_86 = vector.load %arg2[%get3A_83, %get3A_84, %get3A_85] : memref<4x256x128xf32, #tpu.memory_space<vmem>>, vector<1x256x32xf32>
    %get3A_87 = vector.shape_cast %get3A_86 : vector<1x256x32xf32> to vector<256x32xf32>
    %dot_general3A_88 = arith.constant dense<0.000000e+00> : vector<1000x256xf32>
    %dot_general3A_89 = tpu.matmul %get3A_82, %get3A_87, %dot_general3A_88 {dimension_numbers = #tpu.dot_dimension_numbers<[1], [1], [0], [0], [0, 0, 1, 0], [], []>, transpose_lhs_hint = false} : vector<1000x32xf32>, vector<256x32xf32>, vector<1000x256xf32> -> vector<1000x256xf32>
    %get3A_90 = arith.constant 0 : index
    %get3A_91 = arith.constant 0 : index
    %get3A_92 = vector.load %arg4[%get3A_90, %get3A_91] : memref<1000x1xf32, #tpu.memory_space<vmem>>, vector<1000x1xf32>
    %add3A_93 = vector.broadcast %get3A_92 : vector<1000x1xf32> to vector<1000x256xf32>
    %add3A_94 = arith.addf %dot_general3A_89, %add3A_93 : vector<1000x256xf32>
    %swap3A_95 = arith.constant 1 : index
    %swap3A_96 = arith.constant 0 : index
    %swap3A_97 = arith.constant 0 : index
    %swap3A_98 = vector.load %arg5[%swap3A_95, %swap3A_96, %swap3A_97] : memref<4x1000x1024xf32, #tpu.memory_space<vmem>>, vector<1x1000x256xf32>
    %swap3A_99 = vector.shape_cast %swap3A_98 : vector<1x1000x256xf32> to vector<1000x256xf32>
    %swap3A_100 = vector.shape_cast %add3A_94 : vector<1000x256xf32> to vector<1x1000x256xf32>
    tpu.vector_store %arg5[%swap3A_95, %swap3A_96, %swap3A_97], %swap3A_100 {strides = array<i32>} : memref<4x1000x1024xf32, #tpu.memory_space<vmem>>, vector<1x1000x256xf32>,
    %get3A_101 = arith.constant 0 : index
    %get3A_102 = arith.constant 0 : index
    %get3A_103 = vector.load %arg3[%get3A_101, %get3A_102] : memref<1000x32xf32, #tpu.memory_space<vmem>>, vector<1000x32xf32>
    %get3A_104 = arith.constant 1 : index
    %get3A_105 = arith.constant 0 : index
    %get3A_106 = arith.constant 32 : index
    %get3A_107 = vector.load %arg2[%get3A_104, %get3A_105, %get3A_106] : memref<4x256x128xf32, #tpu.memory_space<vmem>>, vector<1x256x32xf32>
    %get3A_108 = vector.shape_cast %get3A_107 : vector<1x256x32xf32> to vector<256x32xf32>
    %dot_general3A_109 = arith.constant dense<0.000000e+00> : vector<1000x256xf32>
    %dot_general3A_110 = tpu.matmul %get3A_103, %get3A_108, %dot_general3A_109 {dimension_numbers = #tpu.dot_dimension_numbers<[1], [1], [0], [0], [0, 0, 1, 0], [], []>, transpose_lhs_hint = false} : vector<1000x32xf32>, vector<256x32xf32>, vector<1000x256xf32> -> vector<1000x256xf32>
    %get3A_111 = arith.constant 0 : index
    %get3A_112 = arith.constant 0 : index
    %get3A_113 = vector.load %arg4[%get3A_111, %get3A_112] : memref<1000x1xf32, #tpu.memory_space<vmem>>, vector<1000x1xf32>
    %add3A_114 = vector.broadcast %get3A_113 : vector<1000x1xf32> to vector<1000x256xf32>
    %add3A_115 = arith.addf %dot_general3A_110, %add3A_114 : vector<1000x256xf32>
    %swap3A_116 = arith.constant 1 : index
    %swap3A_117 = arith.constant 0 : index
    %swap3A_118 = arith.constant 256 : index
    %swap3A_119 = vector.load %arg5[%swap3A_116, %swap3A_117, %swap3A_118] : memref<4x1000x1024xf32, #tpu.memory_space<vmem>>, vector<1x1000x256xf32>
    %swap3A_120 = vector.shape_cast %swap3A_119 : vector<1x1000x256xf32> to vector<1000x256xf32>
    %swap3A_121 = vector.shape_cast %add3A_115 : vector<1000x256xf32> to vector<1x1000x256xf32>
    tpu.vector_store %arg5[%swap3A_116, %swap3A_117, %swap3A_118], %swap3A_121 {strides = array<i32>} : memref<4x1000x1024xf32, #tpu.memory_space<vmem>>, vector<1x1000x256xf32>,
    %get3A_122 = arith.constant 0 : index
    %get3A_123 = arith.constant 0 : index
    %get3A_124 = vector.load %arg3[%get3A_122, %get3A_123] : memref<1000x32xf32, #tpu.memory_space<vmem>>, vector<1000x32xf32>
    %get3A_125 = arith.constant 1 : index
    %get3A_126 = arith.constant 0 : index
    %get3A_127 = arith.constant 64 : index
    %get3A_128 = vector.load %arg2[%get3A_125, %get3A_126, %get3A_127] : memref<4x256x128xf32, #tpu.memory_space<vmem>>, vector<1x256x32xf32>
    %get3A_129 = vector.shape_cast %get3A_128 : vector<1x256x32xf32> to vector<256x32xf32>
    %dot_general3A_130 = arith.constant dense<0.000000e+00> : vector<1000x256xf32>
    %dot_general3A_131 = tpu.matmul %get3A_124, %get3A_129, %dot_general3A_130 {dimension_numbers = #tpu.dot_dimension_numbers<[1], [1], [0], [0], [0, 0, 1, 0], [], []>, transpose_lhs_hint = false} : vector<1000x32xf32>, vector<256x32xf32>, vector<1000x256xf32> -> vector<1000x256xf32>
    %get3A_132 = arith.constant 0 : index
    %get3A_133 = arith.constant 0 : index
    %get3A_134 = vector.load %arg4[%get3A_132, %get3A_133] : memref<1000x1xf32, #tpu.memory_space<vmem>>, vector<1000x1xf32>
    %add3A_135 = vector.broadcast %get3A_134 : vector<1000x1xf32> to vector<1000x256xf32>
    %add3A_136 = arith.addf %dot_general3A_131, %add3A_135 : vector<1000x256xf32>
    %swap3A_137 = arith.constant 1 : index
    %swap3A_138 = arith.constant 0 : index
    %swap3A_139 = arith.constant 512 : index
    %swap3A_140 = vector.load %arg5[%swap3A_137, %swap3A_138, %swap3A_139] : memref<4x1000x1024xf32, #tpu.memory_space<vmem>>, vector<1x1000x256xf32>
    %swap3A_141 = vector.shape_cast %swap3A_140 : vector<1x1000x256xf32> to vector<1000x256xf32>
    %swap3A_142 = vector.shape_cast %add3A_136 : vector<1000x256xf32> to vector<1x1000x256xf32>
    tpu.vector_store %arg5[%swap3A_137, %swap3A_138, %swap3A_139], %swap3A_142 {strides = array<i32>} : memref<4x1000x1024xf32, #tpu.memory_space<vmem>>, vector<1x1000x256xf32>,
    %get3A_143 = arith.constant 0 : index
    %get3A_144 = arith.constant 0 : index
    %get3A_145 = vector.load %arg3[%get3A_143, %get3A_144] : memref<1000x32xf32, #tpu.memory_space<vmem>>, vector<1000x32xf32>
    %get3A_146 = arith.constant 1 : index
    %get3A_147 = arith.constant 0 : index
    %get3A_148 = arith.constant 96 : index
    %get3A_149 = vector.load %arg2[%get3A_146, %get3A_147, %get3A_148] : memref<4x256x128xf32, #tpu.memory_space<vmem>>, vector<1x256x32xf32>
    %get3A_150 = vector.shape_cast %get3A_149 : vector<1x256x32xf32> to vector<256x32xf32>
    %dot_general3A_151 = arith.constant dense<0.000000e+00> : vector<1000x256xf32>
    %dot_general3A_152 = tpu.matmul %get3A_145, %get3A_150, %dot_general3A_151 {dimension_numbers = #tpu.dot_dimension_numbers<[1], [1], [0], [0], [0, 0, 1, 0], [], []>, transpose_lhs_hint = false} : vector<1000x32xf32>, vector<256x32xf32>, vector<1000x256xf32> -> vector<1000x256xf32>
    %get3A_153 = arith.constant 0 : index
    %get3A_154 = arith.constant 0 : index
    %get3A_155 = vector.load %arg4[%get3A_153, %get3A_154] : memref<1000x1xf32, #tpu.memory_space<vmem>>, vector<1000x1xf32>
    %add3A_156 = vector.broadcast %get3A_155 : vector<1000x1xf32> to vector<1000x256xf32>
    %add3A_157 = arith.addf %dot_general3A_152, %add3A_156 : vector<1000x256xf32>
    %swap3A_158 = arith.constant 1 : index
    %swap3A_159 = arith.constant 0 : index
    %swap3A_160 = arith.constant 768 : index
    %swap3A_161 = vector.load %arg5[%swap3A_158, %swap3A_159, %swap3A_160] : memref<4x1000x1024xf32, #tpu.memory_space<vmem>>, vector<1x1000x256xf32>
    %swap3A_162 = vector.shape_cast %swap3A_161 : vector<1x1000x256xf32> to vector<1000x256xf32>
    %swap3A_163 = vector.shape_cast %add3A_157 : vector<1000x256xf32> to vector<1x1000x256xf32>
    tpu.vector_store %arg5[%swap3A_158, %swap3A_159, %swap3A_160], %swap3A_163 {strides = array<i32>} : memref<4x1000x1024xf32, #tpu.memory_space<vmem>>, vector<1x1000x256xf32>,
    %get3A_164 = arith.constant 0 : index
    %get3A_165 = arith.constant 0 : index
    %get3A_166 = vector.load %arg3[%get3A_164, %get3A_165] : memref<1000x32xf32, #tpu.memory_space<vmem>>, vector<1000x32xf32>
    %get3A_167 = arith.constant 2 : index
    %get3A_168 = arith.constant 0 : index
    %get3A_169 = arith.constant 0 : index
    %get3A_170 = vector.load %arg2[%get3A_167, %get3A_168, %get3A_169] : memref<4x256x128xf32, #tpu.memory_space<vmem>>, vector<1x256x32xf32>
    %get3A_171 = vector.shape_cast %get3A_170 : vector<1x256x32xf32> to vector<256x32xf32>
    %dot_general3A_172 = arith.constant dense<0.000000e+00> : vector<1000x256xf32>
    %dot_general3A_173 = tpu.matmul %get3A_166, %get3A_171, %dot_general3A_172 {dimension_numbers = #tpu.dot_dimension_numbers<[1], [1], [0], [0], [0, 0, 1, 0], [], []>, transpose_lhs_hint = false} : vector<1000x32xf32>, vector<256x32xf32>, vector<1000x256xf32> -> vector<1000x256xf32>
    %get3A_174 = arith.constant 0 : index
    %get3A_175 = arith.constant 0 : index
    %get3A_176 = vector.load %arg4[%get3A_174, %get3A_175] : memref<1000x1xf32, #tpu.memory_space<vmem>>, vector<1000x1xf32>
    %add3A_177 = vector.broadcast %get3A_176 : vector<1000x1xf32> to vector<1000x256xf32>
    %add3A_178 = arith.addf %dot_general3A_173, %add3A_177 : vector<1000x256xf32>
    %swap3A_179 = arith.constant 2 : index
    %swap3A_180 = arith.constant 0 : index
    %swap3A_181 = arith.constant 0 : index
    %swap3A_182 = vector.load %arg5[%swap3A_179, %swap3A_180, %swap3A_181] : memref<4x1000x1024xf32, #tpu.memory_space<vmem>>, vector<1x1000x256xf32>
    %swap3A_183 = vector.shape_cast %swap3A_182 : vector<1x1000x256xf32> to vector<1000x256xf32>
    %swap3A_184 = vector.shape_cast %add3A_178 : vector<1000x256xf32> to vector<1x1000x256xf32>
    tpu.vector_store %arg5[%swap3A_179, %swap3A_180, %swap3A_181], %swap3A_184 {strides = array<i32>} : memref<4x1000x1024xf32, #tpu.memory_space<vmem>>, vector<1x1000x256xf32>,
    %get3A_185 = arith.constant 0 : index
    %get3A_186 = arith.constant 0 : index
    %get3A_187 = vector.load %arg3[%get3A_185, %get3A_186] : memref<1000x32xf32, #tpu.memory_space<vmem>>, vector<1000x32xf32>
    %get3A_188 = arith.constant 2 : index
    %get3A_189 = arith.constant 0 : index
    %get3A_190 = arith.constant 32 : index
    %get3A_191 = vector.load %arg2[%get3A_188, %get3A_189, %get3A_190] : memref<4x256x128xf32, #tpu.memory_space<vmem>>, vector<1x256x32xf32>
    %get3A_192 = vector.shape_cast %get3A_191 : vector<1x256x32xf32> to vector<256x32xf32>
    %dot_general3A_193 = arith.constant dense<0.000000e+00> : vector<1000x256xf32>
    %dot_general3A_194 = tpu.matmul %get3A_187, %get3A_192, %dot_general3A_193 {dimension_numbers = #tpu.dot_dimension_numbers<[1], [1], [0], [0], [0, 0, 1, 0], [], []>, transpose_lhs_hint = false} : vector<1000x32xf32>, vector<256x32xf32>, vector<1000x256xf32> -> vector<1000x256xf32>
    %get3A_195 = arith.constant 0 : index
    %get3A_196 = arith.constant 0 : index
    %get3A_197 = vector.load %arg4[%get3A_195, %get3A_196] : memref<1000x1xf32, #tpu.memory_space<vmem>>, vector<1000x1xf32>
    %add3A_198 = vector.broadcast %get3A_197 : vector<1000x1xf32> to vector<1000x256xf32>
    %add3A_199 = arith.addf %dot_general3A_194, %add3A_198 : vector<1000x256xf32>
    %swap3A_200 = arith.constant 2 : index
    %swap3A_201 = arith.constant 0 : index
    %swap3A_202 = arith.constant 256 : index
    %swap3A_203 = vector.load %arg5[%swap3A_200, %swap3A_201, %swap3A_202] : memref<4x1000x1024xf32, #tpu.memory_space<vmem>>, vector<1x1000x256xf32>
    %swap3A_204 = vector.shape_cast %swap3A_203 : vector<1x1000x256xf32> to vector<1000x256xf32>
    %swap3A_205 = vector.shape_cast %add3A_199 : vector<1000x256xf32> to vector<1x1000x256xf32>
    tpu.vector_store %arg5[%swap3A_200, %swap3A_201, %swap3A_202], %swap3A_205 {strides = array<i32>} : memref<4x1000x1024xf32, #tpu.memory_space<vmem>>, vector<1x1000x256xf32>,
    %get3A_206 = arith.constant 0 : index
    %get3A_207 = arith.constant 0 : index
    %get3A_208 = vector.load %arg3[%get3A_206, %get3A_207] : memref<1000x32xf32, #tpu.memory_space<vmem>>, vector<1000x32xf32>
    %get3A_209 = arith.constant 2 : index
    %get3A_210 = arith.constant 0 : index
    %get3A_211 = arith.constant 64 : index
    %get3A_212 = vector.load %arg2[%get3A_209, %get3A_210, %get3A_211] : memref<4x256x128xf32, #tpu.memory_space<vmem>>, vector<1x256x32xf32>
    %get3A_213 = vector.shape_cast %get3A_212 : vector<1x256x32xf32> to vector<256x32xf32>
    %dot_general3A_214 = arith.constant dense<0.000000e+00> : vector<1000x256xf32>
    %dot_general3A_215 = tpu.matmul %get3A_208, %get3A_213, %dot_general3A_214 {dimension_numbers = #tpu.dot_dimension_numbers<[1], [1], [0], [0], [0, 0, 1, 0], [], []>, transpose_lhs_hint = false} : vector<1000x32xf32>, vector<256x32xf32>, vector<1000x256xf32> -> vector<1000x256xf32>
    %get3A_216 = arith.constant 0 : index
    %get3A_217 = arith.constant 0 : index
    %get3A_218 = vector.load %arg4[%get3A_216, %get3A_217] : memref<1000x1xf32, #tpu.memory_space<vmem>>, vector<1000x1xf32>
    %add3A_219 = vector.broadcast %get3A_218 : vector<1000x1xf32> to vector<1000x256xf32>
    %add3A_220 = arith.addf %dot_general3A_215, %add3A_219 : vector<1000x256xf32>
    %swap3A_221 = arith.constant 2 : index
    %swap3A_222 = arith.constant 0 : index
    %swap3A_223 = arith.constant 512 : index
    %swap3A_224 = vector.load %arg5[%swap3A_221, %swap3A_222, %swap3A_223] : memref<4x1000x1024xf32, #tpu.memory_space<vmem>>, vector<1x1000x256xf32>
    %swap3A_225 = vector.shape_cast %swap3A_224 : vector<1x1000x256xf32> to vector<1000x256xf32>
    %swap3A_226 = vector.shape_cast %add3A_220 : vector<1000x256xf32> to vector<1x1000x256xf32>
    tpu.vector_store %arg5[%swap3A_221, %swap3A_222, %swap3A_223], %swap3A_226 {strides = array<i32>} : memref<4x1000x1024xf32, #tpu.memory_space<vmem>>, vector<1x1000x256xf32>,
    %get3A_227 = arith.constant 0 : index
    %get3A_228 = arith.constant 0 : index
    %get3A_229 = vector.load %arg3[%get3A_227, %get3A_228] : memref<1000x32xf32, #tpu.memory_space<vmem>>, vector<1000x32xf32>
    %get3A_230 = arith.constant 2 : index
    %get3A_231 = arith.constant 0 : index
    %get3A_232 = arith.constant 96 : index
    %get3A_233 = vector.load %arg2[%get3A_230, %get3A_231, %get3A_232] : memref<4x256x128xf32, #tpu.memory_space<vmem>>, vector<1x256x32xf32>
    %get3A_234 = vector.shape_cast %get3A_233 : vector<1x256x32xf32> to vector<256x32xf32>
    %dot_general3A_235 = arith.constant dense<0.000000e+00> : vector<1000x256xf32>
    %dot_general3A_236 = tpu.matmul %get3A_229, %get3A_234, %dot_general3A_235 {dimension_numbers = #tpu.dot_dimension_numbers<[1], [1], [0], [0], [0, 0, 1, 0], [], []>, transpose_lhs_hint = false} : vector<1000x32xf32>, vector<256x32xf32>, vector<1000x256xf32> -> vector<1000x256xf32>
    %get3A_237 = arith.constant 0 : index
    %get3A_238 = arith.constant 0 : index
    %get3A_239 = vector.load %arg4[%get3A_237, %get3A_238] : memref<1000x1xf32, #tpu.memory_space<vmem>>, vector<1000x1xf32>
    %add3A_240 = vector.broadcast %get3A_239 : vector<1000x1xf32> to vector<1000x256xf32>
    %add3A_241 = arith.addf %dot_general3A_236, %add3A_240 : vector<1000x256xf32>
    %swap3A_242 = arith.constant 2 : index
    %swap3A_243 = arith.constant 0 : index
    %swap3A_244 = arith.constant 768 : index
    %swap3A_245 = vector.load %arg5[%swap3A_242, %swap3A_243, %swap3A_244] : memref<4x1000x1024xf32, #tpu.memory_space<vmem>>, vector<1x1000x256xf32>
    %swap3A_246 = vector.shape_cast %swap3A_245 : vector<1x1000x256xf32> to vector<1000x256xf32>
    %swap3A_247 = vector.shape_cast %add3A_241 : vector<1000x256xf32> to vector<1x1000x256xf32>
    tpu.vector_store %arg5[%swap3A_242, %swap3A_243, %swap3A_244], %swap3A_247 {strides = array<i32>} : memref<4x1000x1024xf32, #tpu.memory_space<vmem>>, vector<1x1000x256xf32>,
    %get3A_248 = arith.constant 0 : index
    %get3A_249 = arith.constant 0 : index
    %get3A_250 = vector.load %arg3[%get3A_248, %get3A_249] : memref<1000x32xf32, #tpu.memory_space<vmem>>, vector<1000x32xf32>
    %get3A_251 = arith.constant 3 : index
    %get3A_252 = arith.constant 0 : index
    %get3A_253 = arith.constant 0 : index
    %get3A_254 = vector.load %arg2[%get3A_251, %get3A_252, %get3A_253] : memref<4x256x128xf32, #tpu.memory_space<vmem>>, vector<1x256x32xf32>
    %get3A_255 = vector.shape_cast %get3A_254 : vector<1x256x32xf32> to vector<256x32xf32>
    %dot_general3A_256 = arith.constant dense<0.000000e+00> : vector<1000x256xf32>
    %dot_general3A_257 = tpu.matmul %get3A_250, %get3A_255, %dot_general3A_256 {dimension_numbers = #tpu.dot_dimension_numbers<[1], [1], [0], [0], [0, 0, 1, 0], [], []>, transpose_lhs_hint = false} : vector<1000x32xf32>, vector<256x32xf32>, vector<1000x256xf32> -> vector<1000x256xf32>
    %get3A_258 = arith.constant 0 : index
    %get3A_259 = arith.constant 0 : index
    %get3A_260 = vector.load %arg4[%get3A_258, %get3A_259] : memref<1000x1xf32, #tpu.memory_space<vmem>>, vector<1000x1xf32>
    %add3A_261 = vector.broadcast %get3A_260 : vector<1000x1xf32> to vector<1000x256xf32>
    %add3A_262 = arith.addf %dot_general3A_257, %add3A_261 : vector<1000x256xf32>
    %swap3A_263 = arith.constant 3 : index
    %swap3A_264 = arith.constant 0 : index
    %swap3A_265 = arith.constant 0 : index
    %swap3A_266 = vector.load %arg5[%swap3A_263, %swap3A_264, %swap3A_265] : memref<4x1000x1024xf32, #tpu.memory_space<vmem>>, vector<1x1000x256xf32>
    %swap3A_267 = vector.shape_cast %swap3A_266 : vector<1x1000x256xf32> to vector<1000x256xf32>
    %swap3A_268 = vector.shape_cast %add3A_262 : vector<1000x256xf32> to vector<1x1000x256xf32>
    tpu.vector_store %arg5[%swap3A_263, %swap3A_264, %swap3A_265], %swap3A_268 {strides = array<i32>} : memref<4x1000x1024xf32, #tpu.memory_space<vmem>>, vector<1x1000x256xf32>,
    %get3A_269 = arith.constant 0 : index
    %get3A_270 = arith.constant 0 : index
    %get3A_271 = vector.load %arg3[%get3A_269, %get3A_270] : memref<1000x32xf32, #tpu.memory_space<vmem>>, vector<1000x32xf32>
    %get3A_272 = arith.constant 3 : index
    %get3A_273 = arith.constant 0 : index
    %get3A_274 = arith.constant 32 : index
    %get3A_275 = vector.load %arg2[%get3A_272, %get3A_273, %get3A_274] : memref<4x256x128xf32, #tpu.memory_space<vmem>>, vector<1x256x32xf32>
    %get3A_276 = vector.shape_cast %get3A_275 : vector<1x256x32xf32> to vector<256x32xf32>
    %dot_general3A_277 = arith.constant dense<0.000000e+00> : vector<1000x256xf32>
    %dot_general3A_278 = tpu.matmul %get3A_271, %get3A_276, %dot_general3A_277 {dimension_numbers = #tpu.dot_dimension_numbers<[1], [1], [0], [0], [0, 0, 1, 0], [], []>, transpose_lhs_hint = false} : vector<1000x32xf32>, vector<256x32xf32>, vector<1000x256xf32> -> vector<1000x256xf32>
    %get3A_279 = arith.constant 0 : index
    %get3A_280 = arith.constant 0 : index
    %get3A_281 = vector.load %arg4[%get3A_279, %get3A_280] : memref<1000x1xf32, #tpu.memory_space<vmem>>, vector<1000x1xf32>
    %add3A_282 = vector.broadcast %get3A_281 : vector<1000x1xf32> to vector<1000x256xf32>
    %add3A_283 = arith.addf %dot_general3A_278, %add3A_282 : vector<1000x256xf32>
    %swap3A_284 = arith.constant 3 : index
    %swap3A_285 = arith.constant 0 : index
    %swap3A_286 = arith.constant 256 : index
    %swap3A_287 = vector.load %arg5[%swap3A_284, %swap3A_285, %swap3A_286] : memref<4x1000x1024xf32, #tpu.memory_space<vmem>>, vector<1x1000x256xf32>
    %swap3A_288 = vector.shape_cast %swap3A_287 : vector<1x1000x256xf32> to vector<1000x256xf32>
    %swap3A_289 = vector.shape_cast %add3A_283 : vector<1000x256xf32> to vector<1x1000x256xf32>
    tpu.vector_store %arg5[%swap3A_284, %swap3A_285, %swap3A_286], %swap3A_289 {strides = array<i32>} : memref<4x1000x1024xf32, #tpu.memory_space<vmem>>, vector<1x1000x256xf32>,
    %get3A_290 = arith.constant 0 : index
    %get3A_291 = arith.constant 0 : index
    %get3A_292 = vector.load %arg3[%get3A_290, %get3A_291] : memref<1000x32xf32, #tpu.memory_space<vmem>>, vector<1000x32xf32>
    %get3A_293 = arith.constant 3 : index
    %get3A_294 = arith.constant 0 : index
    %get3A_295 = arith.constant 64 : index
    %get3A_296 = vector.load %arg2[%get3A_293, %get3A_294, %get3A_295] : memref<4x256x128xf32, #tpu.memory_space<vmem>>, vector<1x256x32xf32>
    %get3A_297 = vector.shape_cast %get3A_296 : vector<1x256x32xf32> to vector<256x32xf32>
    %dot_general3A_298 = arith.constant dense<0.000000e+00> : vector<1000x256xf32>
    %dot_general3A_299 = tpu.matmul %get3A_292, %get3A_297, %dot_general3A_298 {dimension_numbers = #tpu.dot_dimension_numbers<[1], [1], [0], [0], [0, 0, 1, 0], [], []>, transpose_lhs_hint = false} : vector<1000x32xf32>, vector<256x32xf32>, vector<1000x256xf32> -> vector<1000x256xf32>
    %get3A_300 = arith.constant 0 : index
    %get3A_301 = arith.constant 0 : index
    %get3A_302 = vector.load %arg4[%get3A_300, %get3A_301] : memref<1000x1xf32, #tpu.memory_space<vmem>>, vector<1000x1xf32>
    %add3A_303 = vector.broadcast %get3A_302 : vector<1000x1xf32> to vector<1000x256xf32>
    %add3A_304 = arith.addf %dot_general3A_299, %add3A_303 : vector<1000x256xf32>
    %swap3A_305 = arith.constant 3 : index
    %swap3A_306 = arith.constant 0 : index
    %swap3A_307 = arith.constant 512 : index
    %swap3A_308 = vector.load %arg5[%swap3A_305, %swap3A_306, %swap3A_307] : memref<4x1000x1024xf32, #tpu.memory_space<vmem>>, vector<1x1000x256xf32>
    %swap3A_309 = vector.shape_cast %swap3A_308 : vector<1x1000x256xf32> to vector<1000x256xf32>
    %swap3A_310 = vector.shape_cast %add3A_304 : vector<1000x256xf32> to vector<1x1000x256xf32>
    tpu.vector_store %arg5[%swap3A_305, %swap3A_306, %swap3A_307], %swap3A_310 {strides = array<i32>} : memref<4x1000x1024xf32, #tpu.memory_space<vmem>>, vector<1x1000x256xf32>,
    %get3A_311 = arith.constant 0 : index
    %get3A_312 = arith.constant 0 : index
    %get3A_313 = vector.load %arg3[%get3A_311, %get3A_312] : memref<1000x32xf32, #tpu.memory_space<vmem>>, vector<1000x32xf32>
    %get3A_314 = arith.constant 3 : index
    %get3A_315 = arith.constant 0 : index
    %get3A_316 = arith.constant 96 : index
    %get3A_317 = vector.load %arg2[%get3A_314, %get3A_315, %get3A_316] : memref<4x256x128xf32, #tpu.memory_space<vmem>>, vector<1x256x32xf32>
    %get3A_318 = vector.shape_cast %get3A_317 : vector<1x256x32xf32> to vector<256x32xf32>
    %dot_general3A_319 = arith.constant dense<0.000000e+00> : vector<1000x256xf32>
    %dot_general3A_320 = tpu.matmul %get3A_313, %get3A_318, %dot_general3A_319 {dimension_numbers = #tpu.dot_dimension_numbers<[1], [1], [0], [0], [0, 0, 1, 0], [], []>, transpose_lhs_hint = false} : vector<1000x32xf32>, vector<256x32xf32>, vector<1000x256xf32> -> vector<1000x256xf32>
    %get3A_321 = arith.constant 0 : index
    %get3A_322 = arith.constant 0 : index
    %get3A_323 = vector.load %arg4[%get3A_321, %get3A_322] : memref<1000x1xf32, #tpu.memory_space<vmem>>, vector<1000x1xf32>
    %add3A_324 = vector.broadcast %get3A_323 : vector<1000x1xf32> to vector<1000x256xf32>
    %add3A_325 = arith.addf %dot_general3A_320, %add3A_324 : vector<1000x256xf32>
    %swap3A_326 = arith.constant 3 : index
    %swap3A_327 = arith.constant 0 : index
    %swap3A_328 = arith.constant 768 : index
    %swap3A_329 = vector.load %arg5[%swap3A_326, %swap3A_327, %swap3A_328] : memref<4x1000x1024xf32, #tpu.memory_space<vmem>>, vector<1x1000x256xf32>
    %swap3A_330 = vector.shape_cast %swap3A_329 : vector<1x1000x256xf32> to vector<1000x256xf32>
    %swap3A_331 = vector.shape_cast %add3A_325 : vector<1000x256xf32> to vector<1x1000x256xf32>
    tpu.vector_store %arg5[%swap3A_326, %swap3A_327, %swap3A_328], %swap3A_331 {strides = array<i32>} : memref<4x1000x1024xf32, #tpu.memory_space<vmem>>, vector<1x1000x256xf32>,
    return
  }
  func.func @transform_1(%arg0: i32) -> (i32, i32, i32) {
    %c0_i32 = arith.constant 0 : i32
    %c0_i32_0 = arith.constant 0 : i32
    %c0_i32_1 = arith.constant 0 : i32
    return %arg0, %c0_i32, %c0_i32_0 : i32, i32, i32
  }
  func.func @transform_2(%arg0: i32) -> (i32, i32) {
    %c0_i32 = arith.constant 0 : i32
    %c0_i32_0 = arith.constant 0 : i32
    %c0_i32_1 = arith.constant 0 : i32
    return %c0_i32, %c0_i32_0 : i32, i32
  }
  func.func @transform_3(%arg0: i32) -> (i32, i32) {
    %c0_i32 = arith.constant 0 : i32
    %c0_i32_0 = arith.constant 0 : i32
    %c0_i32_1 = arith.constant 0 : i32
    return %c0_i32, %c0_i32_0 : i32, i32
  }
  func.func @transform_4(%arg0: i32) -> (i32, i32, i32) {
    %add3A = arith.constant 30 : i32
    %add3A_0 = arith.addi %add3A, %arg0 : i32
    %c0_i32 = arith.constant 0 : i32
    %c0_i32_1 = arith.constant 0 : i32
    %c0_i32_2 = arith.constant 0 : i32
    return %add3A_0, %c0_i32, %c0_i32_1 : i32, i32, i32
  }
}

module attributes {stable_mosaic.version = 14 : i64} {
  func.func @_proj_next(%arg0: i32, %arg1: memref<200x1000x1024xf32, #tpu.memory_space<any>>, %arg2: memref<4x256x128xf32, #tpu.memory_space<vmem>>, %arg3: memref<1000x32xf32, #tpu.memory_space<vmem>>, %arg4: memref<1000x1xf32, #tpu.memory_space<vmem>>, %arg5: memref<4x1000x1024xf32, #tpu.memory_space<vmem>>) attributes {dimension_semantics = [#tpu.dimension_semantics<arbitrary>], iteration_bounds = array<i64: 10>, scalar_prefetch = 0 : i64, scratch_operands = 0 : i64, tpu.core_type = #tpu.core_type<tc>, window_params = [{}, {transform_indices = @transform_1, window_bounds = array<i64: 4, 256, 128>}, {pipeline_mode = #tpu.pipeline_mode<synchronous>, transform_indices = @transform_2, window_bounds = array<i64: 1000, 32>}, {pipeline_mode = #tpu.pipeline_mode<synchronous>, transform_indices = @transform_3, window_bounds = array<i64: 1000, 1>}, {transform_indices = @transform_4, window_bounds = array<i64: 4, 1000, 1024>}]} {
    %get3A = arith.constant 0 : index
    %get3A_0 = arith.constant 0 : index
    %get3A_1 = vector.load %arg3[%get3A, %get3A_0] : memref<1000x32xf32, #tpu.memory_space<vmem>>, vector<1000x32xf32>
    %get3A_2 = arith.constant 0 : index
    %get3A_3 = arith.constant 0 : index
    %get3A_4 = arith.constant 0 : index
    %get3A_5 = vector.load %arg2[%get3A_2, %get3A_3, %get3A_4] : memref<4x256x128xf32, #tpu.memory_space<vmem>>, vector<1x256x32xf32>
    %get3A_6 = vector.shape_cast %get3A_5 : vector<1x256x32xf32> to vector<256x32xf32>
    %dot_general3A = arith.constant dense<0.000000e+00> : vector<1000x256xf32>
    %dot_general3A_7 = tpu.matmul %get3A_1, %get3A_6, %dot_general3A {dimension_numbers = #tpu.dot_dimension_numbers<[1], [1], [0], [0], [0, 0, 1, 0], [], []>, transpose_lhs_hint = false} : vector<1000x32xf32>, vector<256x32xf32>, vector<1000x256xf32> -> vector<1000x256xf32>
    %get3A_8 = arith.constant 0 : index
    %get3A_9 = arith.constant 0 : index
    %get3A_10 = vector.load %arg4[%get3A_8, %get3A_9] : memref<1000x1xf32, #tpu.memory_space<vmem>>, vector<1000x1xf32>
    %add3A = vector.broadcast %get3A_10 : vector<1000x1xf32> to vector<1000x256xf32>
    %add3A_11 = arith.addf %dot_general3A_7, %add3A : vector<1000x256xf32>
    %swap3A = arith.constant 0 : index
    %swap3A_12 = arith.constant 0 : index
    %swap3A_13 = arith.constant 0 : index
    %swap3A_14 = vector.load %arg5[%swap3A, %swap3A_12, %swap3A_13] : memref<4x1000x1024xf32, #tpu.memory_space<vmem>>, vector<1x1000x256xf32>
    %swap3A_15 = vector.shape_cast %swap3A_14 : vector<1x1000x256xf32> to vector<1000x256xf32>
    %swap3A_16 = vector.shape_cast %add3A_11 : vector<1000x256xf32> to vector<1x1000x256xf32>
    tpu.vector_store %arg5[%swap3A, %swap3A_12, %swap3A_13], %swap3A_16 {strides = array<i32>} : memref<4x1000x1024xf32, #tpu.memory_space<vmem>>, vector<1x1000x256xf32>,
    %get3A_17 = arith.constant 0 : index
    %get3A_18 = arith.constant 0 : index
    %get3A_19 = vector.load %arg3[%get3A_17, %get3A_18] : memref<1000x32xf32, #tpu.memory_space<vmem>>, vector<1000x32xf32>
    %get3A_20 = arith.constant 0 : index
    %get3A_21 = arith.constant 0 : index
    %get3A_22 = arith.constant 32 : index
    %get3A_23 = vector.load %arg2[%get3A_20, %get3A_21, %get3A_22] : memref<4x256x128xf32, #tpu.memory_space<vmem>>, vector<1x256x32xf32>
    %get3A_24 = vector.shape_cast %get3A_23 : vector<1x256x32xf32> to vector<256x32xf32>
    %dot_general3A_25 = arith.constant dense<0.000000e+00> : vector<1000x256xf32>
    %dot_general3A_26 = tpu.matmul %get3A_19, %get3A_24, %dot_general3A_25 {dimension_numbers = #tpu.dot_dimension_numbers<[1], [1], [0], [0], [0, 0, 1, 0], [], []>, transpose_lhs_hint = false} : vector<1000x32xf32>, vector<256x32xf32>, vector<1000x256xf32> -> vector<1000x256xf32>
    %get3A_27 = arith.constant 0 : index
    %get3A_28 = arith.constant 0 : index
    %get3A_29 = vector.load %arg4[%get3A_27, %get3A_28] : memref<1000x1xf32, #tpu.memory_space<vmem>>, vector<1000x1xf32>
    %add3A_30 = vector.broadcast %get3A_29 : vector<1000x1xf32> to vector<1000x256xf32>
    %add3A_31 = arith.addf %dot_general3A_26, %add3A_30 : vector<1000x256xf32>
    %swap3A_32 = arith.constant 0 : index
    %swap3A_33 = arith.constant 0 : index
    %swap3A_34 = arith.constant 256 : index
    %swap3A_35 = vector.load %arg5[%swap3A_32, %swap3A_33, %swap3A_34] : memref<4x1000x1024xf32, #tpu.memory_space<vmem>>, vector<1x1000x256xf32>
    %swap3A_36 = vector.shape_cast %swap3A_35 : vector<1x1000x256xf32> to vector<1000x256xf32>
    %swap3A_37 = vector.shape_cast %add3A_31 : vector<1000x256xf32> to vector<1x1000x256xf32>
    tpu.vector_store %arg5[%swap3A_32, %swap3A_33, %swap3A_34], %swap3A_37 {strides = array<i32>} : memref<4x1000x1024xf32, #tpu.memory_space<vmem>>, vector<1x1000x256xf32>,
    %get3A_38 = arith.constant 0 : index
    %get3A_39 = arith.constant 0 : index
    %get3A_40 = vector.load %arg3[%get3A_38, %get3A_39] : memref<1000x32xf32, #tpu.memory_space<vmem>>, vector<1000x32xf32>
    %get3A_41 = arith.constant 0 : index
    %get3A_42 = arith.constant 0 : index
    %get3A_43 = arith.constant 64 : index
    %get3A_44 = vector.load %arg2[%get3A_41, %get3A_42, %get3A_43] : memref<4x256x128xf32, #tpu.memory_space<vmem>>, vector<1x256x32xf32>
    %get3A_45 = vector.shape_cast %get3A_44 : vector<1x256x32xf32> to vector<256x32xf32>
    %dot_general3A_46 = arith.constant dense<0.000000e+00> : vector<1000x256xf32>
    %dot_general3A_47 = tpu.matmul %get3A_40, %get3A_45, %dot_general3A_46 {dimension_numbers = #tpu.dot_dimension_numbers<[1], [1], [0], [0], [0, 0, 1, 0], [], []>, transpose_lhs_hint = false} : vector<1000x32xf32>, vector<256x32xf32>, vector<1000x256xf32> -> vector<1000x256xf32>
    %get3A_48 = arith.constant 0 : index
    %get3A_49 = arith.constant 0 : index
    %get3A_50 = vector.load %arg4[%get3A_48, %get3A_49] : memref<1000x1xf32, #tpu.memory_space<vmem>>, vector<1000x1xf32>
    %add3A_51 = vector.broadcast %get3A_50 : vector<1000x1xf32> to vector<1000x256xf32>
    %add3A_52 = arith.addf %dot_general3A_47, %add3A_51 : vector<1000x256xf32>
    %swap3A_53 = arith.constant 0 : index
    %swap3A_54 = arith.constant 0 : index
    %swap3A_55 = arith.constant 512 : index
    %swap3A_56 = vector.load %arg5[%swap3A_53, %swap3A_54, %swap3A_55] : memref<4x1000x1024xf32, #tpu.memory_space<vmem>>, vector<1x1000x256xf32>
    %swap3A_57 = vector.shape_cast %swap3A_56 : vector<1x1000x256xf32> to vector<1000x256xf32>
    %swap3A_58 = vector.shape_cast %add3A_52 : vector<1000x256xf32> to vector<1x1000x256xf32>
    tpu.vector_store %arg5[%swap3A_53, %swap3A_54, %swap3A_55], %swap3A_58 {strides = array<i32>} : memref<4x1000x1024xf32, #tpu.memory_space<vmem>>, vector<1x1000x256xf32>,
    %get3A_59 = arith.constant 0 : index
    %get3A_60 = arith.constant 0 : index
    %get3A_61 = vector.load %arg3[%get3A_59, %get3A_60] : memref<1000x32xf32, #tpu.memory_space<vmem>>, vector<1000x32xf32>
    %get3A_62 = arith.constant 0 : index
    %get3A_63 = arith.constant 0 : index
    %get3A_64 = arith.constant 96 : index
    %get3A_65 = vector.load %arg2[%get3A_62, %get3A_63, %get3A_64] : memref<4x256x128xf32, #tpu.memory_space<vmem>>, vector<1x256x32xf32>
    %get3A_66 = vector.shape_cast %get3A_65 : vector<1x256x32xf32> to vector<256x32xf32>
    %dot_general3A_67 = arith.constant dense<0.000000e+00> : vector<1000x256xf32>
    %dot_general3A_68 = tpu.matmul %get3A_61, %get3A_66, %dot_general3A_67 {dimension_numbers = #tpu.dot_dimension_numbers<[1], [1], [0], [0], [0, 0, 1, 0], [], []>, transpose_lhs_hint = false} : vector<1000x32xf32>, vector<256x32xf32>, vector<1000x256xf32> -> vector<1000x256xf32>
    %get3A_69 = arith.constant 0 : index
    %get3A_70 = arith.constant 0 : index
    %get3A_71 = vector.load %arg4[%get3A_69, %get3A_70] : memref<1000x1xf32, #tpu.memory_space<vmem>>, vector<1000x1xf32>
    %add3A_72 = vector.broadcast %get3A_71 : vector<1000x1xf32> to vector<1000x256xf32>
    %add3A_73 = arith.addf %dot_general3A_68, %add3A_72 : vector<1000x256xf32>
    %swap3A_74 = arith.constant 0 : index
    %swap3A_75 = arith.constant 0 : index
    %swap3A_76 = arith.constant 768 : index
    %swap3A_77 = vector.load %arg5[%swap3A_74, %swap3A_75, %swap3A_76] : memref<4x1000x1024xf32, #tpu.memory_space<vmem>>, vector<1x1000x256xf32>
    %swap3A_78 = vector.shape_cast %swap3A_77 : vector<1x1000x256xf32> to vector<1000x256xf32>
    %swap3A_79 = vector.shape_cast %add3A_73 : vector<1000x256xf32> to vector<1x1000x256xf32>
    tpu.vector_store %arg5[%swap3A_74, %swap3A_75, %swap3A_76], %swap3A_79 {strides = array<i32>} : memref<4x1000x1024xf32, #tpu.memory_space<vmem>>, vector<1x1000x256xf32>,
    %get3A_80 = arith.constant 0 : index
    %get3A_81 = arith.constant 0 : index
    %get3A_82 = vector.load %arg3[%get3A_80, %get3A_81] : memref<1000x32xf32, #tpu.memory_space<vmem>>, vector<1000x32xf32>
    %get3A_83 = arith.constant 1 : index
    %get3A_84 = arith.constant 0 : index
    %get3A_85 = arith.constant 0 : index
    %get3A_86 = vector.load %arg2[%get3A_83, %get3A_84, %get3A_85] : memref<4x256x128xf32, #tpu.memory_space<vmem>>, vector<1x256x32xf32>
    %get3A_87 = vector.shape_cast %get3A_86 : vector<1x256x32xf32> to vector<256x32xf32>
    %dot_general3A_88 = arith.constant dense<0.000000e+00> : vector<1000x256xf32>
    %dot_general3A_89 = tpu.matmul %get3A_82, %get3A_87, %dot_general3A_88 {dimension_numbers = #tpu.dot_dimension_numbers<[1], [1], [0], [0], [0, 0, 1, 0], [], []>, transpose_lhs_hint = false} : vector<1000x32xf32>, vector<256x32xf32>, vector<1000x256xf32> -> vector<1000x256xf32>
    %get3A_90 = arith.constant 0 : index
    %get3A_91 = arith.constant 0 : index
    %get3A_92 = vector.load %arg4[%get3A_90, %get3A_91] : memref<1000x1xf32, #tpu.memory_space<vmem>>, vector<1000x1xf32>
    %add3A_93 = vector.broadcast %get3A_92 : vector<1000x1xf32> to vector<1000x256xf32>
    %add3A_94 = arith.addf %dot_general3A_89, %add3A_93 : vector<1000x256xf32>
    %swap3A_95 = arith.constant 1 : index
    %swap3A_96 = arith.constant 0 : index
    %swap3A_97 = arith.constant 0 : index
    %swap3A_98 = vector.load %arg5[%swap3A_95, %swap3A_96, %swap3A_97] : memref<4x1000x1024xf32, #tpu.memory_space<vmem>>, vector<1x1000x256xf32>
    %swap3A_99 = vector.shape_cast %swap3A_98 : vector<1x1000x256xf32> to vector<1000x256xf32>
    %swap3A_100 = vector.shape_cast %add3A_94 : vector<1000x256xf32> to vector<1x1000x256xf32>
    tpu.vector_store %arg5[%swap3A_95, %swap3A_96, %swap3A_97], %swap3A_100 {strides = array<i32>} : memref<4x1000x1024xf32, #tpu.memory_space<vmem>>, vector<1x1000x256xf32>,
    %get3A_101 = arith.constant 0 : index
    %get3A_102 = arith.constant 0 : index
    %get3A_103 = vector.load %arg3[%get3A_101, %get3A_102] : memref<1000x32xf32, #tpu.memory_space<vmem>>, vector<1000x32xf32>
    %get3A_104 = arith.constant 1 : index
    %get3A_105 = arith.constant 0 : index
    %get3A_106 = arith.constant 32 : index
    %get3A_107 = vector.load %arg2[%get3A_104, %get3A_105, %get3A_106] : memref<4x256x128xf32, #tpu.memory_space<vmem>>, vector<1x256x32xf32>
    %get3A_108 = vector.shape_cast %get3A_107 : vector<1x256x32xf32> to vector<256x32xf32>
    %dot_general3A_109 = arith.constant dense<0.000000e+00> : vector<1000x256xf32>
    %dot_general3A_110 = tpu.matmul %get3A_103, %get3A_108, %dot_general3A_109 {dimension_numbers = #tpu.dot_dimension_numbers<[1], [1], [0], [0], [0, 0, 1, 0], [], []>, transpose_lhs_hint = false} : vector<1000x32xf32>, vector<256x32xf32>, vector<1000x256xf32> -> vector<1000x256xf32>
    %get3A_111 = arith.constant 0 : index
    %get3A_112 = arith.constant 0 : index
    %get3A_113 = vector.load %arg4[%get3A_111, %get3A_112] : memref<1000x1xf32, #tpu.memory_space<vmem>>, vector<1000x1xf32>
    %add3A_114 = vector.broadcast %get3A_113 : vector<1000x1xf32> to vector<1000x256xf32>
    %add3A_115 = arith.addf %dot_general3A_110, %add3A_114 : vector<1000x256xf32>
    %swap3A_116 = arith.constant 1 : index
    %swap3A_117 = arith.constant 0 : index
    %swap3A_118 = arith.constant 256 : index
    %swap3A_119 = vector.load %arg5[%swap3A_116, %swap3A_117, %swap3A_118] : memref<4x1000x1024xf32, #tpu.memory_space<vmem>>, vector<1x1000x256xf32>
    %swap3A_120 = vector.shape_cast %swap3A_119 : vector<1x1000x256xf32> to vector<1000x256xf32>
    %swap3A_121 = vector.shape_cast %add3A_115 : vector<1000x256xf32> to vector<1x1000x256xf32>
    tpu.vector_store %arg5[%swap3A_116, %swap3A_117, %swap3A_118], %swap3A_121 {strides = array<i32>} : memref<4x1000x1024xf32, #tpu.memory_space<vmem>>, vector<1x1000x256xf32>,
    %get3A_122 = arith.constant 0 : index
    %get3A_123 = arith.constant 0 : index
    %get3A_124 = vector.load %arg3[%get3A_122, %get3A_123] : memref<1000x32xf32, #tpu.memory_space<vmem>>, vector<1000x32xf32>
    %get3A_125 = arith.constant 1 : index
    %get3A_126 = arith.constant 0 : index
    %get3A_127 = arith.constant 64 : index
    %get3A_128 = vector.load %arg2[%get3A_125, %get3A_126, %get3A_127] : memref<4x256x128xf32, #tpu.memory_space<vmem>>, vector<1x256x32xf32>
    %get3A_129 = vector.shape_cast %get3A_128 : vector<1x256x32xf32> to vector<256x32xf32>
    %dot_general3A_130 = arith.constant dense<0.000000e+00> : vector<1000x256xf32>
    %dot_general3A_131 = tpu.matmul %get3A_124, %get3A_129, %dot_general3A_130 {dimension_numbers = #tpu.dot_dimension_numbers<[1], [1], [0], [0], [0, 0, 1, 0], [], []>, transpose_lhs_hint = false} : vector<1000x32xf32>, vector<256x32xf32>, vector<1000x256xf32> -> vector<1000x256xf32>
    %get3A_132 = arith.constant 0 : index
    %get3A_133 = arith.constant 0 : index
    %get3A_134 = vector.load %arg4[%get3A_132, %get3A_133] : memref<1000x1xf32, #tpu.memory_space<vmem>>, vector<1000x1xf32>
    %add3A_135 = vector.broadcast %get3A_134 : vector<1000x1xf32> to vector<1000x256xf32>
    %add3A_136 = arith.addf %dot_general3A_131, %add3A_135 : vector<1000x256xf32>
    %swap3A_137 = arith.constant 1 : index
    %swap3A_138 = arith.constant 0 : index
    %swap3A_139 = arith.constant 512 : index
    %swap3A_140 = vector.load %arg5[%swap3A_137, %swap3A_138, %swap3A_139] : memref<4x1000x1024xf32, #tpu.memory_space<vmem>>, vector<1x1000x256xf32>
    %swap3A_141 = vector.shape_cast %swap3A_140 : vector<1x1000x256xf32> to vector<1000x256xf32>
    %swap3A_142 = vector.shape_cast %add3A_136 : vector<1000x256xf32> to vector<1x1000x256xf32>
    tpu.vector_store %arg5[%swap3A_137, %swap3A_138, %swap3A_139], %swap3A_142 {strides = array<i32>} : memref<4x1000x1024xf32, #tpu.memory_space<vmem>>, vector<1x1000x256xf32>,
    %get3A_143 = arith.constant 0 : index
    %get3A_144 = arith.constant 0 : index
    %get3A_145 = vector.load %arg3[%get3A_143, %get3A_144] : memref<1000x32xf32, #tpu.memory_space<vmem>>, vector<1000x32xf32>
    %get3A_146 = arith.constant 1 : index
    %get3A_147 = arith.constant 0 : index
    %get3A_148 = arith.constant 96 : index
    %get3A_149 = vector.load %arg2[%get3A_146, %get3A_147, %get3A_148] : memref<4x256x128xf32, #tpu.memory_space<vmem>>, vector<1x256x32xf32>
    %get3A_150 = vector.shape_cast %get3A_149 : vector<1x256x32xf32> to vector<256x32xf32>
    %dot_general3A_151 = arith.constant dense<0.000000e+00> : vector<1000x256xf32>
    %dot_general3A_152 = tpu.matmul %get3A_145, %get3A_150, %dot_general3A_151 {dimension_numbers = #tpu.dot_dimension_numbers<[1], [1], [0], [0], [0, 0, 1, 0], [], []>, transpose_lhs_hint = false} : vector<1000x32xf32>, vector<256x32xf32>, vector<1000x256xf32> -> vector<1000x256xf32>
    %get3A_153 = arith.constant 0 : index
    %get3A_154 = arith.constant 0 : index
    %get3A_155 = vector.load %arg4[%get3A_153, %get3A_154] : memref<1000x1xf32, #tpu.memory_space<vmem>>, vector<1000x1xf32>
    %add3A_156 = vector.broadcast %get3A_155 : vector<1000x1xf32> to vector<1000x256xf32>
    %add3A_157 = arith.addf %dot_general3A_152, %add3A_156 : vector<1000x256xf32>
    %swap3A_158 = arith.constant 1 : index
    %swap3A_159 = arith.constant 0 : index
    %swap3A_160 = arith.constant 768 : index
    %swap3A_161 = vector.load %arg5[%swap3A_158, %swap3A_159, %swap3A_160] : memref<4x1000x1024xf32, #tpu.memory_space<vmem>>, vector<1x1000x256xf32>
    %swap3A_162 = vector.shape_cast %swap3A_161 : vector<1x1000x256xf32> to vector<1000x256xf32>
    %swap3A_163 = vector.shape_cast %add3A_157 : vector<1000x256xf32> to vector<1x1000x256xf32>
    tpu.vector_store %arg5[%swap3A_158, %swap3A_159, %swap3A_160], %swap3A_163 {strides = array<i32>} : memref<4x1000x1024xf32, #tpu.memory_space<vmem>>, vector<1x1000x256xf32>,
    %get3A_164 = arith.constant 0 : index
    %get3A_165 = arith.constant 0 : index
    %get3A_166 = vector.load %arg3[%get3A_164, %get3A_165] : memref<1000x32xf32, #tpu.memory_space<vmem>>, vector<1000x32xf32>
    %get3A_167 = arith.constant 2 : index
    %get3A_168 = arith.constant 0 : index
    %get3A_169 = arith.constant 0 : index
    %get3A_170 = vector.load %arg2[%get3A_167, %get3A_168, %get3A_169] : memref<4x256x128xf32, #tpu.memory_space<vmem>>, vector<1x256x32xf32>
    %get3A_171 = vector.shape_cast %get3A_170 : vector<1x256x32xf32> to vector<256x32xf32>
    %dot_general3A_172 = arith.constant dense<0.000000e+00> : vector<1000x256xf32>
    %dot_general3A_173 = tpu.matmul %get3A_166, %get3A_171, %dot_general3A_172 {dimension_numbers = #tpu.dot_dimension_numbers<[1], [1], [0], [0], [0, 0, 1, 0], [], []>, transpose_lhs_hint = false} : vector<1000x32xf32>, vector<256x32xf32>, vector<1000x256xf32> -> vector<1000x256xf32>
    %get3A_174 = arith.constant 0 : index
    %get3A_175 = arith.constant 0 : index
    %get3A_176 = vector.load %arg4[%get3A_174, %get3A_175] : memref<1000x1xf32, #tpu.memory_space<vmem>>, vector<1000x1xf32>
    %add3A_177 = vector.broadcast %get3A_176 : vector<1000x1xf32> to vector<1000x256xf32>
    %add3A_178 = arith.addf %dot_general3A_173, %add3A_177 : vector<1000x256xf32>
    %swap3A_179 = arith.constant 2 : index
    %swap3A_180 = arith.constant 0 : index
    %swap3A_181 = arith.constant 0 : index
    %swap3A_182 = vector.load %arg5[%swap3A_179, %swap3A_180, %swap3A_181] : memref<4x1000x1024xf32, #tpu.memory_space<vmem>>, vector<1x1000x256xf32>
    %swap3A_183 = vector.shape_cast %swap3A_182 : vector<1x1000x256xf32> to vector<1000x256xf32>
    %swap3A_184 = vector.shape_cast %add3A_178 : vector<1000x256xf32> to vector<1x1000x256xf32>
    tpu.vector_store %arg5[%swap3A_179, %swap3A_180, %swap3A_181], %swap3A_184 {strides = array<i32>} : memref<4x1000x1024xf32, #tpu.memory_space<vmem>>, vector<1x1000x256xf32>,
    %get3A_185 = arith.constant 0 : index
    %get3A_186 = arith.constant 0 : index
    %get3A_187 = vector.load %arg3[%get3A_185, %get3A_186] : memref<1000x32xf32, #tpu.memory_space<vmem>>, vector<1000x32xf32>
    %get3A_188 = arith.constant 2 : index
    %get3A_189 = arith.constant 0 : index
    %get3A_190 = arith.constant 32 : index
    %get3A_191 = vector.load %arg2[%get3A_188, %get3A_189, %get3A_190] : memref<4x256x128xf32, #tpu.memory_space<vmem>>, vector<1x256x32xf32>
    %get3A_192 = vector.shape_cast %get3A_191 : vector<1x256x32xf32> to vector<256x32xf32>
    %dot_general3A_193 = arith.constant dense<0.000000e+00> : vector<1000x256xf32>
    %dot_general3A_194 = tpu.matmul %get3A_187, %get3A_192, %dot_general3A_193 {dimension_numbers = #tpu.dot_dimension_numbers<[1], [1], [0], [0], [0, 0, 1, 0], [], []>, transpose_lhs_hint = false} : vector<1000x32xf32>, vector<256x32xf32>, vector<1000x256xf32> -> vector<1000x256xf32>
    %get3A_195 = arith.constant 0 : index
    %get3A_196 = arith.constant 0 : index
    %get3A_197 = vector.load %arg4[%get3A_195, %get3A_196] : memref<1000x1xf32, #tpu.memory_space<vmem>>, vector<1000x1xf32>
    %add3A_198 = vector.broadcast %get3A_197 : vector<1000x1xf32> to vector<1000x256xf32>
    %add3A_199 = arith.addf %dot_general3A_194, %add3A_198 : vector<1000x256xf32>
    %swap3A_200 = arith.constant 2 : index
    %swap3A_201 = arith.constant 0 : index
    %swap3A_202 = arith.constant 256 : index
    %swap3A_203 = vector.load %arg5[%swap3A_200, %swap3A_201, %swap3A_202] : memref<4x1000x1024xf32, #tpu.memory_space<vmem>>, vector<1x1000x256xf32>
    %swap3A_204 = vector.shape_cast %swap3A_203 : vector<1x1000x256xf32> to vector<1000x256xf32>
    %swap3A_205 = vector.shape_cast %add3A_199 : vector<1000x256xf32> to vector<1x1000x256xf32>
    tpu.vector_store %arg5[%swap3A_200, %swap3A_201, %swap3A_202], %swap3A_205 {strides = array<i32>} : memref<4x1000x1024xf32, #tpu.memory_space<vmem>>, vector<1x1000x256xf32>,
    %get3A_206 = arith.constant 0 : index
    %get3A_207 = arith.constant 0 : index
    %get3A_208 = vector.load %arg3[%get3A_206, %get3A_207] : memref<1000x32xf32, #tpu.memory_space<vmem>>, vector<1000x32xf32>
    %get3A_209 = arith.constant 2 : index
    %get3A_210 = arith.constant 0 : index
    %get3A_211 = arith.constant 64 : index
    %get3A_212 = vector.load %arg2[%get3A_209, %get3A_210, %get3A_211] : memref<4x256x128xf32, #tpu.memory_space<vmem>>, vector<1x256x32xf32>
    %get3A_213 = vector.shape_cast %get3A_212 : vector<1x256x32xf32> to vector<256x32xf32>
    %dot_general3A_214 = arith.constant dense<0.000000e+00> : vector<1000x256xf32>
    %dot_general3A_215 = tpu.matmul %get3A_208, %get3A_213, %dot_general3A_214 {dimension_numbers = #tpu.dot_dimension_numbers<[1], [1], [0], [0], [0, 0, 1, 0], [], []>, transpose_lhs_hint = false} : vector<1000x32xf32>, vector<256x32xf32>, vector<1000x256xf32> -> vector<1000x256xf32>
    %get3A_216 = arith.constant 0 : index
    %get3A_217 = arith.constant 0 : index
    %get3A_218 = vector.load %arg4[%get3A_216, %get3A_217] : memref<1000x1xf32, #tpu.memory_space<vmem>>, vector<1000x1xf32>
    %add3A_219 = vector.broadcast %get3A_218 : vector<1000x1xf32> to vector<1000x256xf32>
    %add3A_220 = arith.addf %dot_general3A_215, %add3A_219 : vector<1000x256xf32>
    %swap3A_221 = arith.constant 2 : index
    %swap3A_222 = arith.constant 0 : index
    %swap3A_223 = arith.constant 512 : index
    %swap3A_224 = vector.load %arg5[%swap3A_221, %swap3A_222, %swap3A_223] : memref<4x1000x1024xf32, #tpu.memory_space<vmem>>, vector<1x1000x256xf32>
    %swap3A_225 = vector.shape_cast %swap3A_224 : vector<1x1000x256xf32> to vector<1000x256xf32>
    %swap3A_226 = vector.shape_cast %add3A_220 : vector<1000x256xf32> to vector<1x1000x256xf32>
    tpu.vector_store %arg5[%swap3A_221, %swap3A_222, %swap3A_223], %swap3A_226 {strides = array<i32>} : memref<4x1000x1024xf32, #tpu.memory_space<vmem>>, vector<1x1000x256xf32>,
    %get3A_227 = arith.constant 0 : index
    %get3A_228 = arith.constant 0 : index
    %get3A_229 = vector.load %arg3[%get3A_227, %get3A_228] : memref<1000x32xf32, #tpu.memory_space<vmem>>, vector<1000x32xf32>
    %get3A_230 = arith.constant 2 : index
    %get3A_231 = arith.constant 0 : index
    %get3A_232 = arith.constant 96 : index
    %get3A_233 = vector.load %arg2[%get3A_230, %get3A_231, %get3A_232] : memref<4x256x128xf32, #tpu.memory_space<vmem>>, vector<1x256x32xf32>
    %get3A_234 = vector.shape_cast %get3A_233 : vector<1x256x32xf32> to vector<256x32xf32>
    %dot_general3A_235 = arith.constant dense<0.000000e+00> : vector<1000x256xf32>
    %dot_general3A_236 = tpu.matmul %get3A_229, %get3A_234, %dot_general3A_235 {dimension_numbers = #tpu.dot_dimension_numbers<[1], [1], [0], [0], [0, 0, 1, 0], [], []>, transpose_lhs_hint = false} : vector<1000x32xf32>, vector<256x32xf32>, vector<1000x256xf32> -> vector<1000x256xf32>
    %get3A_237 = arith.constant 0 : index
    %get3A_238 = arith.constant 0 : index
    %get3A_239 = vector.load %arg4[%get3A_237, %get3A_238] : memref<1000x1xf32, #tpu.memory_space<vmem>>, vector<1000x1xf32>
    %add3A_240 = vector.broadcast %get3A_239 : vector<1000x1xf32> to vector<1000x256xf32>
    %add3A_241 = arith.addf %dot_general3A_236, %add3A_240 : vector<1000x256xf32>
    %swap3A_242 = arith.constant 2 : index
    %swap3A_243 = arith.constant 0 : index
    %swap3A_244 = arith.constant 768 : index
    %swap3A_245 = vector.load %arg5[%swap3A_242, %swap3A_243, %swap3A_244] : memref<4x1000x1024xf32, #tpu.memory_space<vmem>>, vector<1x1000x256xf32>
    %swap3A_246 = vector.shape_cast %swap3A_245 : vector<1x1000x256xf32> to vector<1000x256xf32>
    %swap3A_247 = vector.shape_cast %add3A_241 : vector<1000x256xf32> to vector<1x1000x256xf32>
    tpu.vector_store %arg5[%swap3A_242, %swap3A_243, %swap3A_244], %swap3A_247 {strides = array<i32>} : memref<4x1000x1024xf32, #tpu.memory_space<vmem>>, vector<1x1000x256xf32>,
    %get3A_248 = arith.constant 0 : index
    %get3A_249 = arith.constant 0 : index
    %get3A_250 = vector.load %arg3[%get3A_248, %get3A_249] : memref<1000x32xf32, #tpu.memory_space<vmem>>, vector<1000x32xf32>
    %get3A_251 = arith.constant 3 : index
    %get3A_252 = arith.constant 0 : index
    %get3A_253 = arith.constant 0 : index
    %get3A_254 = vector.load %arg2[%get3A_251, %get3A_252, %get3A_253] : memref<4x256x128xf32, #tpu.memory_space<vmem>>, vector<1x256x32xf32>
    %get3A_255 = vector.shape_cast %get3A_254 : vector<1x256x32xf32> to vector<256x32xf32>
    %dot_general3A_256 = arith.constant dense<0.000000e+00> : vector<1000x256xf32>
    %dot_general3A_257 = tpu.matmul %get3A_250, %get3A_255, %dot_general3A_256 {dimension_numbers = #tpu.dot_dimension_numbers<[1], [1], [0], [0], [0, 0, 1, 0], [], []>, transpose_lhs_hint = false} : vector<1000x32xf32>, vector<256x32xf32>, vector<1000x256xf32> -> vector<1000x256xf32>
    %get3A_258 = arith.constant 0 : index
    %get3A_259 = arith.constant 0 : index
    %get3A_260 = vector.load %arg4[%get3A_258, %get3A_259] : memref<1000x1xf32, #tpu.memory_space<vmem>>, vector<1000x1xf32>
    %add3A_261 = vector.broadcast %get3A_260 : vector<1000x1xf32> to vector<1000x256xf32>
    %add3A_262 = arith.addf %dot_general3A_257, %add3A_261 : vector<1000x256xf32>
    %swap3A_263 = arith.constant 3 : index
    %swap3A_264 = arith.constant 0 : index
    %swap3A_265 = arith.constant 0 : index
    %swap3A_266 = vector.load %arg5[%swap3A_263, %swap3A_264, %swap3A_265] : memref<4x1000x1024xf32, #tpu.memory_space<vmem>>, vector<1x1000x256xf32>
    %swap3A_267 = vector.shape_cast %swap3A_266 : vector<1x1000x256xf32> to vector<1000x256xf32>
    %swap3A_268 = vector.shape_cast %add3A_262 : vector<1000x256xf32> to vector<1x1000x256xf32>
    tpu.vector_store %arg5[%swap3A_263, %swap3A_264, %swap3A_265], %swap3A_268 {strides = array<i32>} : memref<4x1000x1024xf32, #tpu.memory_space<vmem>>, vector<1x1000x256xf32>,
    %get3A_269 = arith.constant 0 : index
    %get3A_270 = arith.constant 0 : index
    %get3A_271 = vector.load %arg3[%get3A_269, %get3A_270] : memref<1000x32xf32, #tpu.memory_space<vmem>>, vector<1000x32xf32>
    %get3A_272 = arith.constant 3 : index
    %get3A_273 = arith.constant 0 : index
    %get3A_274 = arith.constant 32 : index
    %get3A_275 = vector.load %arg2[%get3A_272, %get3A_273, %get3A_274] : memref<4x256x128xf32, #tpu.memory_space<vmem>>, vector<1x256x32xf32>
    %get3A_276 = vector.shape_cast %get3A_275 : vector<1x256x32xf32> to vector<256x32xf32>
    %dot_general3A_277 = arith.constant dense<0.000000e+00> : vector<1000x256xf32>
    %dot_general3A_278 = tpu.matmul %get3A_271, %get3A_276, %dot_general3A_277 {dimension_numbers = #tpu.dot_dimension_numbers<[1], [1], [0], [0], [0, 0, 1, 0], [], []>, transpose_lhs_hint = false} : vector<1000x32xf32>, vector<256x32xf32>, vector<1000x256xf32> -> vector<1000x256xf32>
    %get3A_279 = arith.constant 0 : index
    %get3A_280 = arith.constant 0 : index
    %get3A_281 = vector.load %arg4[%get3A_279, %get3A_280] : memref<1000x1xf32, #tpu.memory_space<vmem>>, vector<1000x1xf32>
    %add3A_282 = vector.broadcast %get3A_281 : vector<1000x1xf32> to vector<1000x256xf32>
    %add3A_283 = arith.addf %dot_general3A_278, %add3A_282 : vector<1000x256xf32>
    %swap3A_284 = arith.constant 3 : index
    %swap3A_285 = arith.constant 0 : index
    %swap3A_286 = arith.constant 256 : index
    %swap3A_287 = vector.load %arg5[%swap3A_284, %swap3A_285, %swap3A_286] : memref<4x1000x1024xf32, #tpu.memory_space<vmem>>, vector<1x1000x256xf32>
    %swap3A_288 = vector.shape_cast %swap3A_287 : vector<1x1000x256xf32> to vector<1000x256xf32>
    %swap3A_289 = vector.shape_cast %add3A_283 : vector<1000x256xf32> to vector<1x1000x256xf32>
    tpu.vector_store %arg5[%swap3A_284, %swap3A_285, %swap3A_286], %swap3A_289 {strides = array<i32>} : memref<4x1000x1024xf32, #tpu.memory_space<vmem>>, vector<1x1000x256xf32>,
    %get3A_290 = arith.constant 0 : index
    %get3A_291 = arith.constant 0 : index
    %get3A_292 = vector.load %arg3[%get3A_290, %get3A_291] : memref<1000x32xf32, #tpu.memory_space<vmem>>, vector<1000x32xf32>
    %get3A_293 = arith.constant 3 : index
    %get3A_294 = arith.constant 0 : index
    %get3A_295 = arith.constant 64 : index
    %get3A_296 = vector.load %arg2[%get3A_293, %get3A_294, %get3A_295] : memref<4x256x128xf32, #tpu.memory_space<vmem>>, vector<1x256x32xf32>
    %get3A_297 = vector.shape_cast %get3A_296 : vector<1x256x32xf32> to vector<256x32xf32>
    %dot_general3A_298 = arith.constant dense<0.000000e+00> : vector<1000x256xf32>
    %dot_general3A_299 = tpu.matmul %get3A_292, %get3A_297, %dot_general3A_298 {dimension_numbers = #tpu.dot_dimension_numbers<[1], [1], [0], [0], [0, 0, 1, 0], [], []>, transpose_lhs_hint = false} : vector<1000x32xf32>, vector<256x32xf32>, vector<1000x256xf32> -> vector<1000x256xf32>
    %get3A_300 = arith.constant 0 : index
    %get3A_301 = arith.constant 0 : index
    %get3A_302 = vector.load %arg4[%get3A_300, %get3A_301] : memref<1000x1xf32, #tpu.memory_space<vmem>>, vector<1000x1xf32>
    %add3A_303 = vector.broadcast %get3A_302 : vector<1000x1xf32> to vector<1000x256xf32>
    %add3A_304 = arith.addf %dot_general3A_299, %add3A_303 : vector<1000x256xf32>
    %swap3A_305 = arith.constant 3 : index
    %swap3A_306 = arith.constant 0 : index
    %swap3A_307 = arith.constant 512 : index
    %swap3A_308 = vector.load %arg5[%swap3A_305, %swap3A_306, %swap3A_307] : memref<4x1000x1024xf32, #tpu.memory_space<vmem>>, vector<1x1000x256xf32>
    %swap3A_309 = vector.shape_cast %swap3A_308 : vector<1x1000x256xf32> to vector<1000x256xf32>
    %swap3A_310 = vector.shape_cast %add3A_304 : vector<1000x256xf32> to vector<1x1000x256xf32>
    tpu.vector_store %arg5[%swap3A_305, %swap3A_306, %swap3A_307], %swap3A_310 {strides = array<i32>} : memref<4x1000x1024xf32, #tpu.memory_space<vmem>>, vector<1x1000x256xf32>,
    %get3A_311 = arith.constant 0 : index
    %get3A_312 = arith.constant 0 : index
    %get3A_313 = vector.load %arg3[%get3A_311, %get3A_312] : memref<1000x32xf32, #tpu.memory_space<vmem>>, vector<1000x32xf32>
    %get3A_314 = arith.constant 3 : index
    %get3A_315 = arith.constant 0 : index
    %get3A_316 = arith.constant 96 : index
    %get3A_317 = vector.load %arg2[%get3A_314, %get3A_315, %get3A_316] : memref<4x256x128xf32, #tpu.memory_space<vmem>>, vector<1x256x32xf32>
    %get3A_318 = vector.shape_cast %get3A_317 : vector<1x256x32xf32> to vector<256x32xf32>
    %dot_general3A_319 = arith.constant dense<0.000000e+00> : vector<1000x256xf32>
    %dot_general3A_320 = tpu.matmul %get3A_313, %get3A_318, %dot_general3A_319 {dimension_numbers = #tpu.dot_dimension_numbers<[1], [1], [0], [0], [0, 0, 1, 0], [], []>, transpose_lhs_hint = false} : vector<1000x32xf32>, vector<256x32xf32>, vector<1000x256xf32> -> vector<1000x256xf32>
    %get3A_321 = arith.constant 0 : index
    %get3A_322 = arith.constant 0 : index
    %get3A_323 = vector.load %arg4[%get3A_321, %get3A_322] : memref<1000x1xf32, #tpu.memory_space<vmem>>, vector<1000x1xf32>
    %add3A_324 = vector.broadcast %get3A_323 : vector<1000x1xf32> to vector<1000x256xf32>
    %add3A_325 = arith.addf %dot_general3A_320, %add3A_324 : vector<1000x256xf32>
    %swap3A_326 = arith.constant 3 : index
    %swap3A_327 = arith.constant 0 : index
    %swap3A_328 = arith.constant 768 : index
    %swap3A_329 = vector.load %arg5[%swap3A_326, %swap3A_327, %swap3A_328] : memref<4x1000x1024xf32, #tpu.memory_space<vmem>>, vector<1x1000x256xf32>
    %swap3A_330 = vector.shape_cast %swap3A_329 : vector<1x1000x256xf32> to vector<1000x256xf32>
    %swap3A_331 = vector.shape_cast %add3A_325 : vector<1000x256xf32> to vector<1x1000x256xf32>
    tpu.vector_store %arg5[%swap3A_326, %swap3A_327, %swap3A_328], %swap3A_331 {strides = array<i32>} : memref<4x1000x1024xf32, #tpu.memory_space<vmem>>, vector<1x1000x256xf32>,
    return
  }
  func.func @transform_1(%arg0: i32) -> (i32, i32, i32) {
    %c0_i32 = arith.constant 0 : i32
    %c0_i32_0 = arith.constant 0 : i32
    %c0_i32_1 = arith.constant 0 : i32
    return %arg0, %c0_i32, %c0_i32_0 : i32, i32, i32
  }
  func.func @transform_2(%arg0: i32) -> (i32, i32) {
    %c0_i32 = arith.constant 0 : i32
    %c0_i32_0 = arith.constant 0 : i32
    %c0_i32_1 = arith.constant 0 : i32
    return %c0_i32, %c0_i32_0 : i32, i32
  }
  func.func @transform_3(%arg0: i32) -> (i32, i32) {
    %c0_i32 = arith.constant 0 : i32
    %c0_i32_0 = arith.constant 0 : i32
    %c0_i32_1 = arith.constant 0 : i32
    return %c0_i32, %c0_i32_0 : i32, i32
  }
  func.func @transform_4(%arg0: i32) -> (i32, i32, i32) {
    %add3A = arith.constant 40 : i32
    %add3A_0 = arith.addi %add3A, %arg0 : i32
    %c0_i32 = arith.constant 0 : i32
    %c0_i32_1 = arith.constant 0 : i32
    %c0_i32_2 = arith.constant 0 : i32
    return %add3A_0, %c0_i32, %c0_i32_1 : i32, i32, i32
  }
}

</mosaic_0001>

<sc_bundles>
// kernel: kernel.12.cloned.1.call-start
scs
__scs_entry_jumppad:
0x0: {  	(pc) =	sbr.rel $0x88, $3  }
0x1: {  	(tag) =	ssettag $0x0;
	lr =	simm.s32 $0x1  }
0x2: {  	[smem:$0x3F9D] =	sst lr;
	_ =	strace $0xD0000000  }
0x3: {  	_ = 	snop  }
0x4: {  	_ = 	snop  }
0x5: {  	_ = 	snop  }
0x6: {  	_ = 	snop  }
0x7: {  	_ = 	snop  }
__scs_overlays_trampoline_lowered:
0x8: {  	[smem:$0x3FAC] =	sst s0  }
0x9: {  	[smem:$0x3FAD] =	sst s1  }
0xa: {  	[smem:$0x3FAE] =	sst s2  }
0xb: {  	[smem:$0x3FAF] =	sst s3  }
0xc: {  	[smem:$0x3FB0] =	sst s4  }
0xd: {  	[smem:$0x3FB1] =	sst s5  }
0xe: {  	[smem:$0x3FB2] =	sst s6  }
0xf: {  	[smem:$0x3FB3] =	sst s7  }
0x10: {  	[smem:$0x3FB4] =	sst s8  }
0x11: {  	[smem:$0x3FB5] =	sst s9;
	s0 =	simm.s32 @!p0 $0x0  }
0x12: {  	s1 =	sld [smem:$0x3F9B];
	s0 =	simm.s32 @p0 $0x1  }
0x13: {  	[smem:$0x3FB6] =	sst s0;
	s0 =	simm.s32 @!p1 $0x0  }
0x14: {  	s2 =	sld [smem:$0x3F9A];
	s0 =	simm.s32 @p1 $0x1  }
0x15: {  	[smem:$0x3FB7] =	sst s0;
	s0 =	simm.s32 @!p2 $0x0  }
0x16: {  	s3 =	sld [smem:$0x3FDB];
	s0 =	simm.s32 @p2 $0x1  }
0x17: {  	s4 =	simm.s32 $0x1BF5;
	[smem:$0x3FB9] =	sst s0  }
0x18: {  	s0 =	sld [smem:$0x3F9C];
	_ =	swait.ge [sflag:s4], $0x0  }
0x19: {  	s7 =	sld [smem:$0x3F9D]  }
0x1a: {  	s8 =	sadd.s32 $0xFFFFE003, lr  }
0x1b: {  	s9 =	sadd.s32 $0xFFFFFEF7, lr;
	s5 =	simm.s32 $0xFFFFFFFF;
	p2 =	slt.u32 s8, $0xFFFFF086  }
0x1c: {  	p1 =	slt.u32 s9, $0xF7A;
	s5 =	simm.s32 @!p2 $0x0  }
0x1d: {  	s5 =	simm.s32 @p1 $0x1;
	p0 =	seq.s32 s7, s2  }
0x1e: {  	s7 =	smul.u32 @!p0 $0xF7A, s2;
	p2 =	seq.s32 @!p0 s5, $0x0  }
0x1f: {  	s9 =	smul.u32 $0xF7A, s1;
	s8 =	simm.s32 @!p0 $0x1BF5;
	p2 =	por !p2, p0  }
0x20: {  	[sflag:s8] =	ssyncset.s32 @!p0 $0xFFFFF086;
	s6 =	sadd.s32 @!p0 s3, s7;
	s7 =	simm.s32 @!p0 $0x108  }
0x21: {  	s3 =	sadd.s32 s3, s9;
	s6 =	sadd.s32 @!p0 $0x88, s6;
	s7 =	simm.s32 @p2 $0x1082  }
0x22: {  	[simem:s7], [sflag:s8] =	dma.local @!p0 [hbm:s6], $0xF7A  }
0x23: {  	s9 =	sor.u32 $0xD0000000, s2;
	s6 =	simm.s32 $0x108;
	_ =	swait.ge @!p0 [sflag:s8], $0x0  }
0x24: {  	s3 =	sadd.s32 $0x88, s3;
	s6 =	simm.s32 @!p1 $0x1082;
	[sflag:s4] =	ssyncset.s32 $0xFFFFF086  }
0x25: {  	[simem:s6], [sflag:s4] =	dma.local [hbm:s3], $0xF7A  }
0x26: {  	[smem:$0x3F9D] =	sst s1;
	(tag) =	ssettag s2;
	_ =	strace s9  }
0x27: {  	s1 =	sld [smem:$0x3FAD]  }
0x28: {  	s2 =	sld [smem:$0x3FAE]  }
0x29: {  	s4 =	sld [smem:$0x3FB0]  }
0x2a: {  	p0 =	seq.s32 s5, $0x0;
	s5 =	sld [smem:$0x3FB1]  }
0x2b: {  	s6 =	sld [smem:$0x3FB2]  }
0x2c: {  	s7 =	sld [smem:$0x3FB3]  }
0x2d: {  	s3 =	simm.s32 $0x108;
	s8 =	sld [smem:$0x3FB4]  }
0x2e: {  	s3 =	simm.s32 @!p0 $0x1082;
	s9 =	sld [smem:$0x3FB5]  }
0x2f: {  	lr =	sadd.s32 s0, s3;
	s0 =	sld [smem:$0x3FAC]  }
0x30: {  	s3 =	sld [smem:$0x3FAF]  }
0x31: {  	[smem:$0x3FB8] =	sst s10  }
0x32: {  	s10 =	sld [smem:$0x3FB6];
	_ =	sdelay $0x3  }
0x33: {  	p0 =	seq.s32 s10, $0x1;
	s10 =	sld [smem:$0x3FB8];
	_ =	sdelay $0x3  }
0x34: {  	[smem:$0x3FB8] =	sst s10  }
0x35: {  	s10 =	sld [smem:$0x3FB7];
	_ =	sdelay $0x3  }
0x36: {  	p1 =	seq.s32 s10, $0x1;
	s10 =	sld [smem:$0x3FB8];
	_ =	sdelay $0x3  }
0x37: {  	[smem:$0x3FB8] =	sst s10  }
0x38: {  	s10 =	sld [smem:$0x3FB9]  }
0x39: {  	_ = 	snop;
	(pc) =	sbr.ind lr, $3  }
0x3a: {  	_ = 	snop  }
0x3b: {  	_ = 	snop  }
0x3c: {  	p2 =	seq.s32 s10, $0x1;
	s10 =	sld [smem:$0x3FB8]  }
0x3d: {  	_ =	shalt  }
0x3e: {  	_ =	shalt  }
0x3f: {  	_ =	shalt  }
0x40: {  	_ =	shalt  }
0x41: {  	_ =	shalt  }
0x42: {  	_ =	shalt  }
0x43: {  	_ =	shalt  }
0x44: {  	_ =	shalt  }
0x45: {  	_ =	shalt  }
0x46: {  	_ =	shalt  }
0x47: {  	_ =	shalt  }
0x48: {  	_ =	shalt  }
0x49: {  	_ =	shalt  }
0x4a: {  	_ =	shalt  }
0x4b: {  	_ =	shalt  }
0x4c: {  	_ =	shalt  }
0x4d: {  	_ =	shalt  }
0x4e: {  	_ =	shalt  }
0x4f: {  	_ =	shalt  }
0x50: {  	_ =	shalt  }
0x51: {  	_ =	shalt  }
0x52: {  	_ =	shalt  }
0x53: {  	_ =	shalt  }
0x54: {  	_ =	shalt  }
0x55: {  	_ =	shalt  }
0x56: {  	_ =	shalt  }
0x57: {  	_ =	shalt  }
0x58: {  	_ =	shalt  }
0x59: {  	_ =	shalt  }
0x5a: {  	_ =	shalt  }
0x5b: {  	_ =	shalt  }
0x5c: {  	_ =	shalt  }
0x5d: {  	_ =	shalt  }
0x5e: {  	_ =	shalt  }
0x5f: {  	_ =	shalt  }
0x60: {  	_ =	shalt  }
0x61: {  	_ =	shalt  }
0x62: {  	_ =	shalt  }
0x63: {  	_ =	shalt  }
0x64: {  	_ =	shalt  }
0x65: {  	_ =	shalt  }
0x66: {  	_ =	shalt  }
0x67: {  	_ =	shalt  }
0x68: {  	_ =	shalt  }
0x69: {  	_ =	shalt  }
0x6a: {  	_ =	shalt  }
0x6b: {  	_ =	shalt  }
0x6c: {  	_ =	shalt  }
0x6d: {  	_ =	shalt  }
0x6e: {  	_ =	shalt  }
0x6f: {  	_ =	shalt  }
0x70: {  	_ =	shalt  }
0x71: {  	_ =	shalt  }
0x72: {  	_ =	shalt  }
0x73: {  	_ =	shalt  }
0x74: {  	_ =	shalt  }
0x75: {  	_ =	shalt  }
0x76: {  	_ =	shalt  }
0x77: {  	_ =	shalt  }
0x78: {  	_ =	shalt  }
0x79: {  	_ =	shalt  }
0x7a: {  	_ =	shalt  }
0x7b: {  	_ =	shalt  }
0x7c: {  	_ =	shalt  }
0x7d: {  	_ =	shalt  }
0x7e: {  	_ =	shalt  }
0x7f: {  	_ =	shalt  }
0x80: {  	_ =	shalt  }
0x81: {  	_ =	shalt  }
0x82: {  	_ =	shalt  }
0x83: {  	_ =	shalt  }
0x84: {  	_ =	shalt  }
0x85: {  	_ =	shalt  }
0x86: {  	_ =	shalt  }
0x87: {  	_ =	shalt  }
.Lfunc_end0:
.L_simem_size_0:
called_computation_lowered:
.L_overlay_start_0:
0x88: {  	s2 =	sld [smem:$0x3FD9]  }
0x89: {  	s3 =	sld [smem:$0x3FFE];
	_ =	sdelay $0x1  }
0x8a: {  	s1 =	srdreg.scid  }
0x8b: {  	s0 =	sand.u32 $0x1, s1  }
0x8c: {  	s17 =	sshll.u32 s0, $0xA;
	s2 =	sadd.s32 s3, s2  }
0x8d: {  	s2 =	sadd.s32 s2, s17  }
0x8e: {  	[smem:$0x3FC4] =	sst s2  }
0x8f: {  	_ = 	snop  }
0x90: {  	s2 =	sld [smem:$0x3FD0];
	(tm) =	ssettm $0x1  }
0x91: {  	s18 =	sld [smem:$0x3FFB];
	_ =	sdelay $0x3  }
0x92: {  	_ =	strace s18  }
0x93: {  	s3 =	sld [smem:$0x3FFC];
	_ =	sdelay $0x3  }
0x94: {  	_ =	strace s3  }
0x95: {  	s3 =	sld [smem:$0x3FFD];
	_ =	sdelay $0x3  }
0x96: {  	_ =	strace s3  }
0x97: {  	_ =	strace $0x8FFFFFFF  }
0x98: {  	s19 =	sld [smem:$0x3FDB];
	_ =	sdelay $0x1  }
0x99: {  	s4 =	simm.s32 $_scs_section_size  }
0x9a: {  	s5 =	simm.s32 $_size__tile_overlayer_lowered;
	s6 =	simm.s32 $_tile_overlayer_lowered  }
0x9b: {  	s22 =	simm.s32 $0x1BFF;
	s21 =	sshll.u32 s6, $0x1;
	s3 =	sadd.s32 s4, s19  }
0x9c: {  	s7 =	simm.s32 $0x0;
	s20 =	sshll.u32 s5, $0x1;
	s5 =	sadd.s32 s21, s3  }
0x9d: {  	[timem:s7], [sflag:s22] =	dma.local [hbm:s5], s20  }
0x9e: {  	_ =	swait.ge [sflag:s22], s20  }
0x9f: {  	s4 =	ssub.s32 $0x0, s20;
	[sflag:s22] =	ssyncset.done $0x0  }
0xa0: {  	[sflag:s22] =	ssyncadd.s32 s4;
	_ =	sdelay $0x1  }
0xa1: {  	s23 =	simm.s32 $0x1B8B  }
0xa2: {  	_ =	swait.ge [sflag:s23], $0x1  }
0xa3: {  	[sflag:s23] =	ssyncset.done $0x0  }
0xa4: {  	s25 =	simm.s32 $0x1B8E;
	s24 =	sld [smem:$0x3FFE];
	[sflag:s23] =	ssyncadd.s32 $0xFFFFFFFF  }
0xa5: {  	s26 =	simm.s32 $execute0_lowered;
	[smem:$0x3FD2] =	sst s25  }
0xa6: {  	s5 =	sshll.u32 s26, $0x1;
	_ =	strace $0x80000046;
	[dreg:$0x1] =	wrdreg $0xFFFFFFFF  }
0xa7: {  	s28 =	simm.s32 $_size_execute0_lowered;
	s3 =	sadd.s32 s3, s5;
	[dreg:$0x0] =	wrdreg $0x0  }
0xa8: {  	s5 =	sshll.u32 s28, $0x1;
	[dreg:$0x2] =	wrdreg s3  }
0xa9: {  	[dreg:$0x3] =	wrdreg s5  }
0xaa: {  	[dreg:$0x4] =	wrdreg $0xC0  }
0xab: {  	_ =	task [dreg:s7], $0x5FFFF  }
0xac: {  	[dreg:$0x1] =	wrdreg $0xFFFFFFFF  }
0xad: {  	[dreg:$0x0] =	wrdreg $0x60  }
0xae: {  	[dreg:$0x2] =	wrdreg s24  }
0xaf: {  	[dreg:$0x3] =	wrdreg s2  }
0xb0: {  	[dreg:$0x4] =	wrdreg $0x9  }
0xb1: {  	_ =	task.clear_ibuf [dreg:s7], $0x5FFFF;
	_ =	strace $0x90000046  }
0xb2: {  	s29 =	simm.s32 $0x9;
	_ =	strace $0x80000048  }
0xb3: {  	_ =	swait.ge [sflag:s29], $0x1  }
0xb4: {  	[sflag:s29] =	ssyncadd.s32 $0xFFFFFFFF  }
0xb5: {  	_ =	strace $0x90000048  }
0xb6: {  	_ =	sfence  }
0xb7: {  	s30 =	sld [smem:$0x0];
	_ =	sdelay $0x2  }
0xb8: {  	s31 =	sshll.u32 s1, $0xD;
	s1 =	sshrl.u32 s1, $0x2  }
0xb9: {  	s3 =	sand.u32 $0x4000, s31;
	s1 =	sadd.s32 s1, s30  }
0xba: {  	s0 =	sor.u32 s3, s0;
	s1 =	sshll.u32 s1, $0x11  }
0xbb: {  	s0 =	sor.u32 s1, s0  }
0xbc: {  	s0 =	sadd.s32 $0x8F2B, s0  }
0xbd: {  	[sflag:s0] =	ssyncadd.remote.s32 $0x1  }
0xbe: {  	_ =	sfence.sel $0xFFFF  }
0xbf: {  	[dreg:$0x0] =	wrdreg $0xFFFFFFFF;
	(pc) =	sbr.abs _section_cstart, $3  }
0xc0: {  	[dreg:$0x1] =	wrdreg $0xFFFFFFFF  }
0xc1: {  	_ =	task.clear_ibuf [dreg:s7], $0x2FFFF;
	_ =	strace $0x9FFFFFFF  }
0xc2: {  	(tm) =	ssettm $0x7FFFFFFF  }
0xc3: {  	_ =	shalt  }
tec
execute0_lowered:
.L_overlay_start_1:
0x0: {  	(tag) =	ssettag $0x1  }
0x1: {  	s1 =	srdreg.scid  }
0x2: {  	s0 =	stileid.u32;
	s4 =	rddreg [dreg:$0x0]  }
0x3: {  	s5 =	rddreg [dreg:$0x1];
	s2 =	simm.s32 $0x0;
	s14 =	simm.s32 $0x1  }
0x4: {  	s15 =	simm.s32 $0x2;
	s16 =	simm.s32 $0x3;
	s12 =	smul.u32 $0x2800, s0  }
0x5: {  	s17 =	simm.s32 $0x4;
	s6 =	sand.u32 $0x1, s1;
	s26 =	smul.u32 $0x14000, s0  }
0x6: {  	s18 =	simm.s32 $0x0;
	s25 =	sshll.u32 s0, $0x1;
	s29 =	smul.u32 $0xA000, s6  }
0x7: {  	s1 =	rddreg [dreg:$0x2];
	s3 =	sor.u32 s6, s25;
	s30 =	smul.u32 $0x1400, s6  }
0x8: {  	[smem:$0x7FF] =	sst s2;
	s13 =	sadd.s32 $0x2600, s4;
	s7 =	smul.u32 $0xA0, s3  }
0x9: {  	_ =	strace $0x80000047;
	s9 =	ssub.s32 $0x2, s6;
	s8 =	smul.u32 $0xA000, s3  }
0xa: {  	s10 =	smul.u32 $0x1400, s3;
	s3 =	sadd.s32 $0x1600, s4;
	s11 =	sshrl.u32 s9, $0x1  }
0xb: {  	s31 =	sadd.s32 s12, s13;
	s12 =	simm.s32 $0x500;
	s9 =	ssub.s32 s9, s11  }
0xc: {  	s4 =	sadd.s32 s5, s7;
	s28 =	sshrl.u32 s8, $0x3;
	s5 =	smax.u32 s9, $0x1  }
0xd: {  	s8 =	sadd.s32 s29, s26;
	s10 =	sadd.s32 s10, s13;
	s9 =	sadd.s32 s30, s31  }
0xe: {  	s7 =	sadd.s32 s13, s28;
	s11 =	sshrl.u32 s8, $0x3;
	s8 =	sadd.s32 $0x100, s9  }
0xf: {  	s6 =	sadd.s32 $0x1200, s7;
	s7 =	sadd.s32 $0x1300, s10;
	s9 =	sadd.s32 s11, s13  }
0x10: {  	s10 =	simm.s32 $0x5;
	s11 =	simm.s32 $0x40;
	s13 =	simm.s32 $0xD00  }
.LBB2_1:
0x11: {  	[tilespmem:s2], [sflag:$0x5] =	stream.linear.gather [hbm4b:s4+s2], $0x500, $0x38;
	[tilespmem:$0x1500] =	vst v63  }
0x12: {  	_ =	swait.ge [sflag:s10], $0x500  }
0x13: {  	[sflag:s10] =	ssyncset.done $0x0  }
0x14: {  	[sflag:s10] =	ssyncadd.s32 $0xFFFFFB00  }
0x15: {  	[tilespmem:s12], [sflag:$0x1] =	stream.indirect.gather [hbm4b:s3+s11], $0x20, s2, s11, $0xb8;
	[tilespmem:$0x1500] =	vst v63  }
0x16: {  	_ = 	snop  }
0x17: {  	[tilespmem:s13], [sflag:$0x2] =	stream.indirect.gather [hbm4b:s3+s11], $0x20, s11, s11, $0xb8;
	[tilespmem:$0x1500] =	vst v63  }
0x18: {  	_ =	swait.ge [sflag:s14], $0x800  }
0x19: {  	[sflag:s14] =	ssyncset.done $0x0  }
0x1a: {  	s19 =	sadd.s32 $0x0, s9;
	[sflag:s14] =	ssyncadd.s32 $0xFFFFF800  }
0x1b: {  	[hbm4b:s19+s2] =	stream.linear.scatter [tilespmem:s12], [sflag:$0x3], $0x800, $0x38;
	[tilespmem:$0x1500] =	vst v63  }
0x1c: {  	_ =	swait.ge [sflag:s15], $0x800  }
0x1d: {  	[sflag:s15] =	ssyncset.done $0x0  }
0x1e: {  	s30 =	sadd.s32 $0x0, s8;
	[sflag:s15] =	ssyncadd.s32 $0xFFFFF800  }
0x1f: {  	[hbm4b:s30+s2] =	stream.linear.scatter [tilespmem:s13], [sflag:$0x4], $0x800, $0x38;
	[tilespmem:$0x1500] =	vst v63  }
0x20: {  	_ =	swait.ge [sflag:s16], $0x800  }
0x21: {  	[sflag:s16] =	ssyncset.done $0x0  }
0x22: {  	s31 =	simm.s32 $0x80;
	[sflag:s16] =	ssyncadd.s32 $0xFFFFF800  }
0x23: {  	[tilespmem:s12], [sflag:$0x1] =	stream.indirect.gather [hbm4b:s3+s11], $0x20, s31, s11, $0xb8;
	[tilespmem:$0x1500] =	vst v63  }
0x24: {  	_ =	swait.ge [sflag:s17], $0x800  }
0x25: {  	[sflag:s17] =	ssyncset.done $0x0  }
0x26: {  	s20 =	simm.s32 $0xC0;
	s19 =	simm.s32 $0x200;
	[sflag:s17] =	ssyncadd.s32 $0xFFFFF800  }
.LBB2_2:
0x27: {  	[tilespmem:s13], [sflag:$0x2] =	stream.indirect.gather [hbm4b:s3+s11], $0x20, s20, s11, $0xb8;
	[tilespmem:$0x1500] =	vst v63  }
0x28: {  	s20 =	smov.u32 s19  }
0x29: {  	p0 =	sne.s32 s19, $0x1000;
	s19 =	sadd.s32 $0x200, s19;
	_ =	swait.ge [sflag:s14], $0x800  }
0x2a: {  	[sflag:s14] =	ssyncset.done $0x0  }
0x2b: {  	s21 =	sadd.s32 s20, s9;
	[sflag:s14] =	ssyncadd.s32 $0xFFFFF800  }
0x2c: {  	[hbm4b:s21+s2] =	stream.linear.scatter [tilespmem:s12], [sflag:$0x3], $0x800, $0x38;
	[tilespmem:$0x1500] =	vst v63  }
0x2d: {  	_ =	swait.ge [sflag:s15], $0x800  }
0x2e: {  	[sflag:s15] =	ssyncset.done $0x0  }
0x2f: {  	s21 =	sadd.s32 s20, s8;
	[sflag:s15] =	ssyncadd.s32 $0xFFFFF800  }
0x30: {  	[hbm4b:s21+s2] =	stream.linear.scatter [tilespmem:s13], [sflag:$0x4], $0x800, $0x38;
	[tilespmem:$0x1500] =	vst v63  }
0x31: {  	_ =	swait.ge [sflag:s16], $0x800  }
0x32: {  	s20 =	sshra.s32 s20, $0x2;
	[sflag:s16] =	ssyncset.done $0x0  }
.Ltmp0:
0x33: {  	s21 =	sadd.s32 $0x80, s20;
	[sflag:s16] =	ssyncadd.s32 $0xFFFFF800;
	(pc) =	sbr.rel @p0 .LBB2_2-.Ltmp0, $4  }
0x34: {  	[tilespmem:s12], [sflag:$0x1] =	stream.indirect.gather [hbm4b:s3+s11], $0x20, s21, s11, $0xb8;
	[tilespmem:$0x1500] =	vst v63  }
0x35: {  	_ =	swait.ge [sflag:s17], $0x800  }
0x36: {  	[sflag:s17] =	ssyncset.done $0x0  }
0x37: {  	s20 =	sadd.s32 $0xC0, s20;
	[sflag:s17] =	ssyncadd.s32 $0xFFFFF800  }
0x38: {  	[tilespmem:s13], [sflag:$0x2] =	stream.indirect.gather [hbm4b:s3+s11], $0x20, s20, s11, $0xb8;
	[tilespmem:$0x1500] =	vst v63  }
0x39: {  	_ =	swait.ge [sflag:s14], $0x800  }
0x3a: {  	[sflag:s14] =	ssyncset.done $0x0  }
0x3b: {  	[sflag:s14] =	ssyncadd.s32 $0xFFFFF800  }
0x3c: {  	[hbm4b:s6+s2] =	stream.linear.scatter [tilespmem:s12], [sflag:$0x3], $0x800, $0x38;
	[tilespmem:$0x1500] =	vst v63  }
0x3d: {  	_ =	swait.ge [sflag:s15], $0x800  }
0x3e: {  	[sflag:s15] =	ssyncset.done $0x0  }
0x3f: {  	s18 =	sadd.s32 $0x1, s18;
	[sflag:s15] =	ssyncadd.s32 $0xFFFFF800  }
0x40: {  	[hbm4b:s7+s2] =	stream.linear.scatter [tilespmem:s13], [sflag:$0x4], $0x800, $0x38;
	[tilespmem:$0x1500] =	vst v63  }
0x41: {  	p0 =	sne.s32 s18, s5;
	_ =	swait.ge [sflag:s16], $0x800  }
.Ltmp1:
0x42: {  	[sflag:s16] =	ssyncset.done $0x0;
	(pc) =	sbr.rel @p0 .LBB2_1-.Ltmp1, $4  }
0x43: {  	[sflag:s16] =	ssyncadd.s32 $0xFFFFF800  }
0x44: {  	_ =	swait.ge [sflag:s17], $0x800  }
0x45: {  	[sflag:s17] =	ssyncset.done $0x0  }
0x46: {  	[sflag:s17] =	ssyncadd.s32 $0xFFFFF800  }
0x47: {  	_ =	sfence.sel $0x180000  }
0x48: {  	[bflag:$0x0] =	sbarrier.arrive $0xFFFF  }
0x49: {  	p0 =	sne.s32 s0, $0x0;
	_ =	strace $0x90000047  }
0x4a: {  	s0 =	sadd.s32 @!p0 $0x100000, s1;
	[bflag:$0x2] =	sbarrier.arrive $0xFFFF  }
0x4b: {  	[sflag:s0] =	ssyncadd.tile.s32 @!p0 $0x1;
	_ =	shalt  }
.Lfunc_end2:
_tile_overlayer_lowered:
.L_overlay_start_2:
0x4c: {  	(tag) =	ssettag $0x2  }
0x4d: {  	s0 =	rddreg [dreg:$0x0];
	s2 =	stileid.u32  }
0x4e: {  	s1 =	rddreg [dreg:$0x1];
	p0 =	sne.s32 s2, $0x0  }
0x4f: {  	s3 =	rddreg [dreg:$0x2];
	[bflag:$0x3] =	sbarrier.arrive $0xFFFF;
	s2 =	simm.s32 @!p0 $0x1C05  }
0x50: {  	[timem:s3], [sflag:s2] =	dma.local @!p0 [hbm:s0], s1  }
0x51: {  	s0 =	simm.s32 @!p0 $0x5  }
0x52: {  	_ =	swait.ge @!p0 [sflag:s0], s1  }
0x53: {  	s1 =	ssub.s32 @!p0 $0x0, s1;
	[sflag:s0] =	ssyncset.done @!p0 $0x0  }
0x54: {  	[sflag:s0] =	ssyncadd.s32 @!p0 s1  }
0x55: {  	[bflag:$0x3] =	sbarrier.arrive $0xFFFF  }
0x56: {  	_ =	shalt  }

// kernel: kernel.15.cloned.1.call-start
scs
__scs_entry_jumppad:
0x0: {  	(pc) =	sbr.rel $0x88, $3  }
0x1: {  	(tag) =	ssettag $0x0;
	lr =	simm.s32 $0x1  }
0x2: {  	[smem:$0x3F9D] =	sst lr;
	_ =	strace $0xD0000000  }
0x3: {  	_ = 	snop  }
0x4: {  	_ = 	snop  }
0x5: {  	_ = 	snop  }
0x6: {  	_ = 	snop  }
0x7: {  	_ = 	snop  }
__scs_overlays_trampoline_lowered:
0x8: {  	[smem:$0x3FAC] =	sst s0  }
0x9: {  	[smem:$0x3FAD] =	sst s1  }
0xa: {  	[smem:$0x3FAE] =	sst s2  }
0xb: {  	[smem:$0x3FAF] =	sst s3  }
0xc: {  	[smem:$0x3FB0] =	sst s4  }
0xd: {  	[smem:$0x3FB1] =	sst s5  }
0xe: {  	[smem:$0x3FB2] =	sst s6  }
0xf: {  	[smem:$0x3FB3] =	sst s7  }
0x10: {  	[smem:$0x3FB4] =	sst s8  }
0x11: {  	[smem:$0x3FB5] =	sst s9;
	s0 =	simm.s32 @!p0 $0x0  }
0x12: {  	s1 =	sld [smem:$0x3F9B];
	s0 =	simm.s32 @p0 $0x1  }
0x13: {  	[smem:$0x3FB6] =	sst s0;
	s0 =	simm.s32 @!p1 $0x0  }
0x14: {  	s2 =	sld [smem:$0x3F9A];
	s0 =	simm.s32 @p1 $0x1  }
0x15: {  	[smem:$0x3FB7] =	sst s0;
	s0 =	simm.s32 @!p2 $0x0  }
0x16: {  	s3 =	sld [smem:$0x3FDB];
	s0 =	simm.s32 @p2 $0x1  }
0x17: {  	s4 =	simm.s32 $0x1BF5;
	[smem:$0x3FB9] =	sst s0  }
0x18: {  	s0 =	sld [smem:$0x3F9C];
	_ =	swait.ge [sflag:s4], $0x0  }
0x19: {  	s7 =	sld [smem:$0x3F9D]  }
0x1a: {  	s8 =	sadd.s32 $0xFFFFE003, lr  }
0x1b: {  	s9 =	sadd.s32 $0xFFFFFEF7, lr;
	s5 =	simm.s32 $0xFFFFFFFF;
	p2 =	slt.u32 s8, $0xFFFFF086  }
0x1c: {  	p1 =	slt.u32 s9, $0xF7A;
	s5 =	simm.s32 @!p2 $0x0  }
0x1d: {  	s5 =	simm.s32 @p1 $0x1;
	p0 =	seq.s32 s7, s2  }
0x1e: {  	s7 =	smul.u32 @!p0 $0xF7A, s2;
	p2 =	seq.s32 @!p0 s5, $0x0  }
0x1f: {  	s9 =	smul.u32 $0xF7A, s1;
	s8 =	simm.s32 @!p0 $0x1BF5;
	p2 =	por !p2, p0  }
0x20: {  	[sflag:s8] =	ssyncset.s32 @!p0 $0xFFFFF086;
	s6 =	sadd.s32 @!p0 s3, s7;
	s7 =	simm.s32 @!p0 $0x108  }
0x21: {  	s3 =	sadd.s32 s3, s9;
	s6 =	sadd.s32 @!p0 $0x88, s6;
	s7 =	simm.s32 @p2 $0x1082  }
0x22: {  	[simem:s7], [sflag:s8] =	dma.local @!p0 [hbm:s6], $0xF7A  }
0x23: {  	s9 =	sor.u32 $0xD0000000, s2;
	s6 =	simm.s32 $0x108;
	_ =	swait.ge @!p0 [sflag:s8], $0x0  }
0x24: {  	s3 =	sadd.s32 $0x88, s3;
	s6 =	simm.s32 @!p1 $0x1082;
	[sflag:s4] =	ssyncset.s32 $0xFFFFF086  }
0x25: {  	[simem:s6], [sflag:s4] =	dma.local [hbm:s3], $0xF7A  }
0x26: {  	[smem:$0x3F9D] =	sst s1;
	(tag) =	ssettag s2;
	_ =	strace s9  }
0x27: {  	s1 =	sld [smem:$0x3FAD]  }
0x28: {  	s2 =	sld [smem:$0x3FAE]  }
0x29: {  	s4 =	sld [smem:$0x3FB0]  }
0x2a: {  	p0 =	seq.s32 s5, $0x0;
	s5 =	sld [smem:$0x3FB1]  }
0x2b: {  	s6 =	sld [smem:$0x3FB2]  }
0x2c: {  	s7 =	sld [smem:$0x3FB3]  }
0x2d: {  	s3 =	simm.s32 $0x108;
	s8 =	sld [smem:$0x3FB4]  }
0x2e: {  	s3 =	simm.s32 @!p0 $0x1082;
	s9 =	sld [smem:$0x3FB5]  }
0x2f: {  	lr =	sadd.s32 s0, s3;
	s0 =	sld [smem:$0x3FAC]  }
0x30: {  	s3 =	sld [smem:$0x3FAF]  }
0x31: {  	[smem:$0x3FB8] =	sst s10  }
0x32: {  	s10 =	sld [smem:$0x3FB6];
	_ =	sdelay $0x3  }
0x33: {  	p0 =	seq.s32 s10, $0x1;
	s10 =	sld [smem:$0x3FB8];
	_ =	sdelay $0x3  }
0x34: {  	[smem:$0x3FB8] =	sst s10  }
0x35: {  	s10 =	sld [smem:$0x3FB7];
	_ =	sdelay $0x3  }
0x36: {  	p1 =	seq.s32 s10, $0x1;
	s10 =	sld [smem:$0x3FB8];
	_ =	sdelay $0x3  }
0x37: {  	[smem:$0x3FB8] =	sst s10  }
0x38: {  	s10 =	sld [smem:$0x3FB9]  }
0x39: {  	_ = 	snop;
	(pc) =	sbr.ind lr, $3  }
0x3a: {  	_ = 	snop  }
0x3b: {  	_ = 	snop  }
0x3c: {  	p2 =	seq.s32 s10, $0x1;
	s10 =	sld [smem:$0x3FB8]  }
0x3d: {  	_ =	shalt  }
0x3e: {  	_ =	shalt  }
0x3f: {  	_ =	shalt  }
0x40: {  	_ =	shalt  }
0x41: {  	_ =	shalt  }
0x42: {  	_ =	shalt  }
0x43: {  	_ =	shalt  }
0x44: {  	_ =	shalt  }
0x45: {  	_ =	shalt  }
0x46: {  	_ =	shalt  }
0x47: {  	_ =	shalt  }
0x48: {  	_ =	shalt  }
0x49: {  	_ =	shalt  }
0x4a: {  	_ =	shalt  }
0x4b: {  	_ =	shalt  }
0x4c: {  	_ =	shalt  }
0x4d: {  	_ =	shalt  }
0x4e: {  	_ =	shalt  }
0x4f: {  	_ =	shalt  }
0x50: {  	_ =	shalt  }
0x51: {  	_ =	shalt  }
0x52: {  	_ =	shalt  }
0x53: {  	_ =	shalt  }
0x54: {  	_ =	shalt  }
0x55: {  	_ =	shalt  }
0x56: {  	_ =	shalt  }
0x57: {  	_ =	shalt  }
0x58: {  	_ =	shalt  }
0x59: {  	_ =	shalt  }
0x5a: {  	_ =	shalt  }
0x5b: {  	_ =	shalt  }
0x5c: {  	_ =	shalt  }
0x5d: {  	_ =	shalt  }
0x5e: {  	_ =	shalt  }
0x5f: {  	_ =	shalt  }
0x60: {  	_ =	shalt  }
0x61: {  	_ =	shalt  }
0x62: {  	_ =	shalt  }
0x63: {  	_ =	shalt  }
0x64: {  	_ =	shalt  }
0x65: {  	_ =	shalt  }
0x66: {  	_ =	shalt  }
0x67: {  	_ =	shalt  }
0x68: {  	_ =	shalt  }
0x69: {  	_ =	shalt  }
0x6a: {  	_ =	shalt  }
0x6b: {  	_ =	shalt  }
0x6c: {  	_ =	shalt  }
0x6d: {  	_ =	shalt  }
0x6e: {  	_ =	shalt  }
0x6f: {  	_ =	shalt  }
0x70: {  	_ =	shalt  }
0x71: {  	_ =	shalt  }
0x72: {  	_ =	shalt  }
0x73: {  	_ =	shalt  }
0x74: {  	_ =	shalt  }
0x75: {  	_ =	shalt  }
0x76: {  	_ =	shalt  }
0x77: {  	_ =	shalt  }
0x78: {  	_ =	shalt  }
0x79: {  	_ =	shalt  }
0x7a: {  	_ =	shalt  }
0x7b: {  	_ =	shalt  }
0x7c: {  	_ =	shalt  }
0x7d: {  	_ =	shalt  }
0x7e: {  	_ =	shalt  }
0x7f: {  	_ =	shalt  }
0x80: {  	_ =	shalt  }
0x81: {  	_ =	shalt  }
0x82: {  	_ =	shalt  }
0x83: {  	_ =	shalt  }
0x84: {  	_ =	shalt  }
0x85: {  	_ =	shalt  }
0x86: {  	_ =	shalt  }
0x87: {  	_ =	shalt  }
.Lfunc_end0:
.L_simem_size_0:
called_computation.1_lowered:
.L_overlay_start_0:
0x88: {  	s2 =	sld [smem:$0x3FD9]  }
0x89: {  	s3 =	sld [smem:$0x3FFE];
	_ =	sdelay $0x1  }
0x8a: {  	s1 =	srdreg.scid  }
0x8b: {  	s0 =	sand.u32 $0x1, s1  }
0x8c: {  	s17 =	sshll.u32 s0, $0xA;
	s2 =	sadd.s32 s3, s2  }
0x8d: {  	s2 =	sadd.s32 s2, s17  }
0x8e: {  	[smem:$0x3FC4] =	sst s2  }
0x8f: {  	_ = 	snop  }
0x90: {  	(tm) =	ssettm $0x1  }
0x91: {  	s18 =	sld [smem:$0x3FFB];
	_ =	sdelay $0x3  }
0x92: {  	_ =	strace s18  }
0x93: {  	s2 =	sld [smem:$0x3FFC];
	_ =	sdelay $0x3  }
0x94: {  	_ =	strace s2  }
0x95: {  	s2 =	sld [smem:$0x3FFD];
	_ =	sdelay $0x3  }
0x96: {  	_ =	strace s2  }
0x97: {  	_ =	strace $0x8FFFFFFF  }
0x98: {  	s19 =	sld [smem:$0x3FDB];
	_ =	sdelay $0x1  }
0x99: {  	s20 =	simm.s32 $_scs_section_size  }
0x9a: {  	s4 =	simm.s32 $_size__tile_overlayer_lowered;
	s5 =	simm.s32 $_tile_overlayer_lowered  }
0x9b: {  	s6 =	simm.s32 $0x1BFF;
	s21 =	sshll.u32 s5, $0x1;
	s3 =	sadd.s32 s20, s19  }
0x9c: {  	s22 =	simm.s32 $0x0;
	s4 =	sshll.u32 s4, $0x1;
	s5 =	sadd.s32 s21, s3  }
0x9d: {  	[timem:s22], [sflag:s6] =	dma.local [hbm:s5], s4  }
0x9e: {  	_ =	swait.ge [sflag:s6], s4  }
0x9f: {  	s4 =	ssub.s32 $0x0, s4;
	[sflag:s6] =	ssyncset.done $0x0  }
0xa0: {  	[sflag:s6] =	ssyncadd.s32 s4;
	_ =	sdelay $0x1  }
0xa1: {  	s23 =	simm.s32 $0x1B8B  }
0xa2: {  	_ =	swait.ge [sflag:s23], $0x1  }
0xa3: {  	[sflag:s23] =	ssyncset.done $0x0  }
0xa4: {  	[sflag:s23] =	ssyncadd.s32 $0xFFFFFFFF  }
0xa5: {  	s4 =	sld [smem:$0x0]  }
0xa6: {  	s5 =	sand.u32 $0xFFFFFFFE, s1  }
0xa7: {  	p0 =	sne.s32 s1, s5  }
0xa8: {  	s5 =	sshll.u32 @p0 s5, $0xE  }
0xa9: {  	s5 =	sadd.s32 @p0 $0x11B8D, s5;
	s6 =	sshll.u32 @p0 s4, $0x11  }
0xaa: {  	s5 =	sor.u32 @p0 s6, s5  }
0xab: {  	[sflag:s5] =	ssyncadd.remote.s32 @p0 $0x1;
	_ =	sdelay $0x1  }
0xac: {  	s5 =	simm.s32 @p0 $0x1B8D  }
0xad: {  	_ =	swait.eq @p0 [sflag:s5], $0x1  }
0xae: {  	[sflag:s5] =	ssyncadd.s32 @p0 $0xFFFFFFFF  }
0xaf: {  	s6 =	sshll.u32 @!p0 s1, $0xE  }
0xb0: {  	s6 =	sor.u32 @!p0 $0x4000, s6;
	s5 =	simm.s32 @!p0 $0x1B8D  }
0xb1: {  	s4 =	sshll.u32 @!p0 s4, $0x11;
	s6 =	sadd.s32 @!p0 $0x11B8D, s6;
	_ =	swait.eq @!p0 [sflag:s5], $0x1  }
0xb2: {  	s4 =	sor.u32 @!p0 s4, s6;
	[sflag:s5] =	ssyncadd.s32 @!p0 $0xFFFFFFFF  }
0xb3: {  	s25 =	simm.s32 $0x1B8E;
	s24 =	sld [smem:$0x3FFE];
	[sflag:s4] =	ssyncadd.remote.s32 @!p0 $0x1  }
0xb4: {  	s26 =	simm.s32 $execute0_lowered;
	[smem:$0x3FD2] =	sst s25  }
0xb5: {  	s5 =	sshll.u32 s26, $0x1;
	_ =	strace $0x80000049;
	[dreg:$0x1] =	wrdreg $0xFFFFFFFF  }
0xb6: {  	s28 =	simm.s32 $_size_execute0_lowered;
	s3 =	sadd.s32 s3, s5;
	[dreg:$0x0] =	wrdreg $0x0  }
0xb7: {  	s5 =	sshll.u32 s28, $0x1;
	[dreg:$0x2] =	wrdreg s3  }
0xb8: {  	[dreg:$0x3] =	wrdreg s5  }
0xb9: {  	[dreg:$0x4] =	wrdreg $0xC0  }
0xba: {  	_ =	task [dreg:s22], $0x5FFFF  }
0xbb: {  	[dreg:$0x1] =	wrdreg $0xFFFFFFFF  }
0xbc: {  	[dreg:$0x0] =	wrdreg $0x60  }
0xbd: {  	[dreg:$0x2] =	wrdreg s24  }
0xbe: {  	[dreg:$0x3] =	wrdreg $0xA  }
0xbf: {  	_ =	task.clear_ibuf [dreg:s22], $0x4FFFF;
	_ =	strace $0x90000049  }
0xc0: {  	s29 =	simm.s32 $0xA;
	_ =	strace $0x8000004B  }
0xc1: {  	_ =	swait.ge [sflag:s29], $0x1  }
0xc2: {  	[sflag:s29] =	ssyncadd.s32 $0xFFFFFFFF  }
0xc3: {  	_ =	strace $0x9000004B  }
0xc4: {  	_ =	sfence  }
0xc5: {  	s30 =	sld [smem:$0x0];
	_ =	sdelay $0x2  }
0xc6: {  	s31 =	sshll.u32 s1, $0xD;
	s1 =	sshrl.u32 s1, $0x2  }
0xc7: {  	s4 =	sand.u32 $0x4000, s31;
	s1 =	sadd.s32 s1, s30  }
0xc8: {  	s0 =	sor.u32 s4, s0;
	s1 =	sshll.u32 s1, $0x11  }
0xc9: {  	s0 =	sor.u32 s1, s0  }
0xca: {  	s0 =	sadd.s32 $0x8F2B, s0  }
0xcb: {  	[sflag:s0] =	ssyncadd.remote.s32 $0x1  }
0xcc: {  	_ =	sfence.sel $0xFFFF  }
0xcd: {  	[dreg:$0x0] =	wrdreg $0xFFFFFFFF;
	(pc) =	sbr.abs _section_cstart, $3  }
0xce: {  	[dreg:$0x1] =	wrdreg $0xFFFFFFFF  }
0xcf: {  	_ =	task.clear_ibuf [dreg:s22], $0x2FFFF;
	_ =	strace $0x9FFFFFFF  }
0xd0: {  	(tm) =	ssettm $0x7FFFFFFF  }
0xd1: {  	_ =	shalt  }
tec
execute0_lowered:
.L_overlay_start_1:
0x0: {  	(tag) =	ssettag $0x1  }
0x1: {  	s1 =	srdreg.scid  }
0x2: {  	s0 =	stileid.u32;
	s4 =	rddreg [dreg:$0x0]  }
0x3: {  	s2 =	simm.s32 $0x0;
	s14 =	simm.s32 $0x1;
	s15 =	simm.s32 $0x2  }
0x4: {  	s16 =	simm.s32 $0x3;
	s17 =	simm.s32 $0x4;
	s11 =	smul.u32 $0x2800, s0  }
0x5: {  	s18 =	simm.s32 $0x0;
	s6 =	sand.u32 $0x1, s1;
	s28 =	smul.u32 $0x14000, s0  }
0x6: {  	s3 =	sshll.u32 s0, $0x1;
	s1 =	rddreg [dreg:$0x1];
	s13 =	smul.u32 $0xA000, s6  }
0x7: {  	[smem:$0x7FF] =	sst s2;
	s5 =	sor.u32 s6, s3;
	s30 =	smul.u32 $0x1400, s6  }
0x8: {  	s12 =	sadd.s32 $0x2BA00, s4;
	_ =	strace $0x8000004A;
	s7 =	smul.u32 $0xA0, s5  }
0x9: {  	s3 =	sadd.s32 $0x1600, s4;
	s9 =	ssub.s32 $0x2, s6;
	s8 =	smul.u32 $0xA000, s5  }
0xa: {  	s10 =	smul.u32 $0x1400, s5;
	s26 =	sshrl.u32 s9, $0x1;
	s31 =	sadd.s32 s11, s12  }
0xb: {  	s11 =	simm.s32 $0x40;
	s25 =	sadd.s32 s7, s4;
	s7 =	ssub.s32 s9, s26  }
0xc: {  	s8 =	sshrl.u32 s8, $0x3;
	s9 =	sadd.s32 s13, s28;
	s10 =	sadd.s32 s10, s12  }
0xd: {  	s13 =	simm.s32 $0xD00;
	s4 =	sadd.s32 $0x2A600, s25;
	s5 =	smax.u32 s7, $0x1  }
0xe: {  	s29 =	sadd.s32 s12, s8;
	s8 =	sadd.s32 s30, s31;
	s9 =	sshrl.u32 s9, $0x3  }
0xf: {  	s7 =	sadd.s32 $0x1300, s10;
	s10 =	simm.s32 $0x5;
	s6 =	sadd.s32 $0x1200, s29  }
0x10: {  	s8 =	sadd.s32 $0x100, s8;
	s9 =	sadd.s32 s9, s12;
	s12 =	simm.s32 $0x500  }
.LBB2_1:
0x11: {  	[tilespmem:s2], [sflag:$0x5] =	stream.linear.gather [hbm4b:s4+s2], $0x500, $0x38;
	[tilespmem:$0x1500] =	vst v63  }
0x12: {  	_ =	swait.ge [sflag:s10], $0x500  }
0x13: {  	[sflag:s10] =	ssyncset.done $0x0  }
0x14: {  	[sflag:s10] =	ssyncadd.s32 $0xFFFFFB00  }
0x15: {  	[tilespmem:s12], [sflag:$0x1] =	stream.indirect.gather [hbm4b:s3+s11], $0x20, s2, s11, $0xb8;
	[tilespmem:$0x1500] =	vst v63  }
0x16: {  	_ = 	snop  }
0x17: {  	[tilespmem:s13], [sflag:$0x2] =	stream.indirect.gather [hbm4b:s3+s11], $0x20, s11, s11, $0xb8;
	[tilespmem:$0x1500] =	vst v63  }
0x18: {  	_ =	swait.ge [sflag:s14], $0x800  }
0x19: {  	[sflag:s14] =	ssyncset.done $0x0  }
0x1a: {  	s19 =	sadd.s32 $0x0, s9;
	[sflag:s14] =	ssyncadd.s32 $0xFFFFF800  }
0x1b: {  	[hbm4b:s19+s2] =	stream.linear.scatter [tilespmem:s12], [sflag:$0x3], $0x800, $0x38;
	[tilespmem:$0x1500] =	vst v63  }
0x1c: {  	_ =	swait.ge [sflag:s15], $0x800  }
0x1d: {  	[sflag:s15] =	ssyncset.done $0x0  }
0x1e: {  	s30 =	sadd.s32 $0x0, s8;
	[sflag:s15] =	ssyncadd.s32 $0xFFFFF800  }
0x1f: {  	[hbm4b:s30+s2] =	stream.linear.scatter [tilespmem:s13], [sflag:$0x4], $0x800, $0x38;
	[tilespmem:$0x1500] =	vst v63  }
0x20: {  	_ =	swait.ge [sflag:s16], $0x800  }
0x21: {  	[sflag:s16] =	ssyncset.done $0x0  }
0x22: {  	s31 =	simm.s32 $0x80;
	[sflag:s16] =	ssyncadd.s32 $0xFFFFF800  }
0x23: {  	[tilespmem:s12], [sflag:$0x1] =	stream.indirect.gather [hbm4b:s3+s11], $0x20, s31, s11, $0xb8;
	[tilespmem:$0x1500] =	vst v63  }
0x24: {  	_ =	swait.ge [sflag:s17], $0x800  }
0x25: {  	[sflag:s17] =	ssyncset.done $0x0  }
0x26: {  	s20 =	simm.s32 $0xC0;
	s19 =	simm.s32 $0x200;
	[sflag:s17] =	ssyncadd.s32 $0xFFFFF800  }
.LBB2_2:
0x27: {  	[tilespmem:s13], [sflag:$0x2] =	stream.indirect.gather [hbm4b:s3+s11], $0x20, s20, s11, $0xb8;
	[tilespmem:$0x1500] =	vst v63  }
0x28: {  	s20 =	smov.u32 s19  }
0x29: {  	p0 =	sne.s32 s19, $0x1000;
	s19 =	sadd.s32 $0x200, s19;
	_ =	swait.ge [sflag:s14], $0x800  }
0x2a: {  	[sflag:s14] =	ssyncset.done $0x0  }
0x2b: {  	s21 =	sadd.s32 s20, s9;
	[sflag:s14] =	ssyncadd.s32 $0xFFFFF800  }
0x2c: {  	[hbm4b:s21+s2] =	stream.linear.scatter [tilespmem:s12], [sflag:$0x3], $0x800, $0x38;
	[tilespmem:$0x1500] =	vst v63  }
0x2d: {  	_ =	swait.ge [sflag:s15], $0x800  }
0x2e: {  	[sflag:s15] =	ssyncset.done $0x0  }
0x2f: {  	s21 =	sadd.s32 s20, s8;
	[sflag:s15] =	ssyncadd.s32 $0xFFFFF800  }
0x30: {  	[hbm4b:s21+s2] =	stream.linear.scatter [tilespmem:s13], [sflag:$0x4], $0x800, $0x38;
	[tilespmem:$0x1500] =	vst v63  }
0x31: {  	_ =	swait.ge [sflag:s16], $0x800  }
0x32: {  	s20 =	sshra.s32 s20, $0x2;
	[sflag:s16] =	ssyncset.done $0x0  }
.Ltmp0:
0x33: {  	s21 =	sadd.s32 $0x80, s20;
	[sflag:s16] =	ssyncadd.s32 $0xFFFFF800;
	(pc) =	sbr.rel @p0 .LBB2_2-.Ltmp0, $4  }
0x34: {  	[tilespmem:s12], [sflag:$0x1] =	stream.indirect.gather [hbm4b:s3+s11], $0x20, s21, s11, $0xb8;
	[tilespmem:$0x1500] =	vst v63  }
0x35: {  	_ =	swait.ge [sflag:s17], $0x800  }
0x36: {  	[sflag:s17] =	ssyncset.done $0x0  }
0x37: {  	s20 =	sadd.s32 $0xC0, s20;
	[sflag:s17] =	ssyncadd.s32 $0xFFFFF800  }
0x38: {  	[tilespmem:s13], [sflag:$0x2] =	stream.indirect.gather [hbm4b:s3+s11], $0x20, s20, s11, $0xb8;
	[tilespmem:$0x1500] =	vst v63  }
0x39: {  	_ =	swait.ge [sflag:s14], $0x800  }
0x3a: {  	[sflag:s14] =	ssyncset.done $0x0  }
0x3b: {  	[sflag:s14] =	ssyncadd.s32 $0xFFFFF800  }
0x3c: {  	[hbm4b:s6+s2] =	stream.linear.scatter [tilespmem:s12], [sflag:$0x3], $0x800, $0x38;
	[tilespmem:$0x1500] =	vst v63  }
0x3d: {  	_ =	swait.ge [sflag:s15], $0x800  }
0x3e: {  	[sflag:s15] =	ssyncset.done $0x0  }
0x3f: {  	s18 =	sadd.s32 $0x1, s18;
	[sflag:s15] =	ssyncadd.s32 $0xFFFFF800  }
0x40: {  	[hbm4b:s7+s2] =	stream.linear.scatter [tilespmem:s13], [sflag:$0x4], $0x800, $0x38;
	[tilespmem:$0x1500] =	vst v63  }
0x41: {  	p0 =	sne.s32 s18, s5;
	_ =	swait.ge [sflag:s16], $0x800  }
.Ltmp1:
0x42: {  	[sflag:s16] =	ssyncset.done $0x0;
	(pc) =	sbr.rel @p0 .LBB2_1-.Ltmp1, $4  }
0x43: {  	[sflag:s16] =	ssyncadd.s32 $0xFFFFF800  }
0x44: {  	_ =	swait.ge [sflag:s17], $0x800  }
0x45: {  	[sflag:s17] =	ssyncset.done $0x0  }
0x46: {  	[sflag:s17] =	ssyncadd.s32 $0xFFFFF800  }
0x47: {  	_ =	sfence.sel $0x180000  }
0x48: {  	[bflag:$0x0] =	sbarrier.arrive $0xFFFF  }
0x49: {  	p0 =	sne.s32 s0, $0x0;
	_ =	strace $0x9000004A  }
0x4a: {  	s0 =	sadd.s32 @!p0 $0x100000, s1;
	[bflag:$0x2] =	sbarrier.arrive $0xFFFF  }
0x4b: {  	[sflag:s0] =	ssyncadd.tile.s32 @!p0 $0x1;
	_ =	shalt  }
.Lfunc_end2:
_tile_overlayer_lowered:
.L_overlay_start_2:
0x4c: {  	(tag) =	ssettag $0x2  }
0x4d: {  	s0 =	rddreg [dreg:$0x0];
	s2 =	stileid.u32  }
0x4e: {  	s1 =	rddreg [dreg:$0x1];
	p0 =	sne.s32 s2, $0x0  }
0x4f: {  	s3 =	rddreg [dreg:$0x2];
	[bflag:$0x3] =	sbarrier.arrive $0xFFFF;
	s2 =	simm.s32 @!p0 $0x1C05  }
0x50: {  	[timem:s3], [sflag:s2] =	dma.local @!p0 [hbm:s0], s1  }
0x51: {  	s0 =	simm.s32 @!p0 $0x5  }
0x52: {  	_ =	swait.ge @!p0 [sflag:s0], s1  }
0x53: {  	s1 =	ssub.s32 @!p0 $0x0, s1;
	[sflag:s0] =	ssyncset.done @!p0 $0x0  }
0x54: {  	[sflag:s0] =	ssyncadd.s32 @!p0 s1  }
0x55: {  	[bflag:$0x3] =	sbarrier.arrive $0xFFFF  }
0x56: {  	_ =	shalt  }

// kernel: kernel.18.cloned.1.call-start
scs
__scs_entry_jumppad:
0x0: {  	(pc) =	sbr.rel $0x88, $3  }
0x1: {  	(tag) =	ssettag $0x0;
	lr =	simm.s32 $0x1  }
0x2: {  	[smem:$0x3F9D] =	sst lr;
	_ =	strace $0xD0000000  }
0x3: {  	_ = 	snop  }
0x4: {  	_ = 	snop  }
0x5: {  	_ = 	snop  }
0x6: {  	_ = 	snop  }
0x7: {  	_ = 	snop  }
__scs_overlays_trampoline_lowered:
0x8: {  	[smem:$0x3FAC] =	sst s0  }
0x9: {  	[smem:$0x3FAD] =	sst s1  }
0xa: {  	[smem:$0x3FAE] =	sst s2  }
0xb: {  	[smem:$0x3FAF] =	sst s3  }
0xc: {  	[smem:$0x3FB0] =	sst s4  }
0xd: {  	[smem:$0x3FB1] =	sst s5  }
0xe: {  	[smem:$0x3FB2] =	sst s6  }
0xf: {  	[smem:$0x3FB3] =	sst s7  }
0x10: {  	[smem:$0x3FB4] =	sst s8  }
0x11: {  	[smem:$0x3FB5] =	sst s9;
	s0 =	simm.s32 @!p0 $0x0  }
0x12: {  	s1 =	sld [smem:$0x3F9B];
	s0 =	simm.s32 @p0 $0x1  }
0x13: {  	[smem:$0x3FB6] =	sst s0;
	s0 =	simm.s32 @!p1 $0x0  }
0x14: {  	s2 =	sld [smem:$0x3F9A];
	s0 =	simm.s32 @p1 $0x1  }
0x15: {  	[smem:$0x3FB7] =	sst s0;
	s0 =	simm.s32 @!p2 $0x0  }
0x16: {  	s3 =	sld [smem:$0x3FDB];
	s0 =	simm.s32 @p2 $0x1  }
0x17: {  	s4 =	simm.s32 $0x1BF5;
	[smem:$0x3FB9] =	sst s0  }
0x18: {  	s0 =	sld [smem:$0x3F9C];
	_ =	swait.ge [sflag:s4], $0x0  }
0x19: {  	s7 =	sld [smem:$0x3F9D]  }
0x1a: {  	s8 =	sadd.s32 $0xFFFFE003, lr  }
0x1b: {  	s9 =	sadd.s32 $0xFFFFFEF7, lr;
	s5 =	simm.s32 $0xFFFFFFFF;
	p2 =	slt.u32 s8, $0xFFFFF086  }
0x1c: {  	p1 =	slt.u32 s9, $0xF7A;
	s5 =	simm.s32 @!p2 $0x0  }
0x1d: {  	s5 =	simm.s32 @p1 $0x1;
	p0 =	seq.s32 s7, s2  }
0x1e: {  	s7 =	smul.u32 @!p0 $0xF7A, s2;
	p2 =	seq.s32 @!p0 s5, $0x0  }
0x1f: {  	s9 =	smul.u32 $0xF7A, s1;
	s8 =	simm.s32 @!p0 $0x1BF5;
	p2 =	por !p2, p0  }
0x20: {  	[sflag:s8] =	ssyncset.s32 @!p0 $0xFFFFF086;
	s6 =	sadd.s32 @!p0 s3, s7;
	s7 =	simm.s32 @!p0 $0x108  }
0x21: {  	s3 =	sadd.s32 s3, s9;
	s6 =	sadd.s32 @!p0 $0x88, s6;
	s7 =	simm.s32 @p2 $0x1082  }
0x22: {  	[simem:s7], [sflag:s8] =	dma.local @!p0 [hbm:s6], $0xF7A  }
0x23: {  	s9 =	sor.u32 $0xD0000000, s2;
	s6 =	simm.s32 $0x108;
	_ =	swait.ge @!p0 [sflag:s8], $0x0  }
0x24: {  	s3 =	sadd.s32 $0x88, s3;
	s6 =	simm.s32 @!p1 $0x1082;
	[sflag:s4] =	ssyncset.s32 $0xFFFFF086  }
0x25: {  	[simem:s6], [sflag:s4] =	dma.local [hbm:s3], $0xF7A  }
0x26: {  	[smem:$0x3F9D] =	sst s1;
	(tag) =	ssettag s2;
	_ =	strace s9  }
0x27: {  	s1 =	sld [smem:$0x3FAD]  }
0x28: {  	s2 =	sld [smem:$0x3FAE]  }
0x29: {  	s4 =	sld [smem:$0x3FB0]  }
0x2a: {  	p0 =	seq.s32 s5, $0x0;
	s5 =	sld [smem:$0x3FB1]  }
0x2b: {  	s6 =	sld [smem:$0x3FB2]  }
0x2c: {  	s7 =	sld [smem:$0x3FB3]  }
0x2d: {  	s3 =	simm.s32 $0x108;
	s8 =	sld [smem:$0x3FB4]  }
0x2e: {  	s3 =	simm.s32 @!p0 $0x1082;
	s9 =	sld [smem:$0x3FB5]  }
0x2f: {  	lr =	sadd.s32 s0, s3;
	s0 =	sld [smem:$0x3FAC]  }
0x30: {  	s3 =	sld [smem:$0x3FAF]  }
0x31: {  	[smem:$0x3FB8] =	sst s10  }
0x32: {  	s10 =	sld [smem:$0x3FB6];
	_ =	sdelay $0x3  }
0x33: {  	p0 =	seq.s32 s10, $0x1;
	s10 =	sld [smem:$0x3FB8];
	_ =	sdelay $0x3  }
0x34: {  	[smem:$0x3FB8] =	sst s10  }
0x35: {  	s10 =	sld [smem:$0x3FB7];
	_ =	sdelay $0x3  }
0x36: {  	p1 =	seq.s32 s10, $0x1;
	s10 =	sld [smem:$0x3FB8];
	_ =	sdelay $0x3  }
0x37: {  	[smem:$0x3FB8] =	sst s10  }
0x38: {  	s10 =	sld [smem:$0x3FB9]  }
0x39: {  	_ = 	snop;
	(pc) =	sbr.ind lr, $3  }
0x3a: {  	_ = 	snop  }
0x3b: {  	_ = 	snop  }
0x3c: {  	p2 =	seq.s32 s10, $0x1;
	s10 =	sld [smem:$0x3FB8]  }
0x3d: {  	_ =	shalt  }
0x3e: {  	_ =	shalt  }
0x3f: {  	_ =	shalt  }
0x40: {  	_ =	shalt  }
0x41: {  	_ =	shalt  }
0x42: {  	_ =	shalt  }
0x43: {  	_ =	shalt  }
0x44: {  	_ =	shalt  }
0x45: {  	_ =	shalt  }
0x46: {  	_ =	shalt  }
0x47: {  	_ =	shalt  }
0x48: {  	_ =	shalt  }
0x49: {  	_ =	shalt  }
0x4a: {  	_ =	shalt  }
0x4b: {  	_ =	shalt  }
0x4c: {  	_ =	shalt  }
0x4d: {  	_ =	shalt  }
0x4e: {  	_ =	shalt  }
0x4f: {  	_ =	shalt  }
0x50: {  	_ =	shalt  }
0x51: {  	_ =	shalt  }
0x52: {  	_ =	shalt  }
0x53: {  	_ =	shalt  }
0x54: {  	_ =	shalt  }
0x55: {  	_ =	shalt  }
0x56: {  	_ =	shalt  }
0x57: {  	_ =	shalt  }
0x58: {  	_ =	shalt  }
0x59: {  	_ =	shalt  }
0x5a: {  	_ =	shalt  }
0x5b: {  	_ =	shalt  }
0x5c: {  	_ =	shalt  }
0x5d: {  	_ =	shalt  }
0x5e: {  	_ =	shalt  }
0x5f: {  	_ =	shalt  }
0x60: {  	_ =	shalt  }
0x61: {  	_ =	shalt  }
0x62: {  	_ =	shalt  }
0x63: {  	_ =	shalt  }
0x64: {  	_ =	shalt  }
0x65: {  	_ =	shalt  }
0x66: {  	_ =	shalt  }
0x67: {  	_ =	shalt  }
0x68: {  	_ =	shalt  }
0x69: {  	_ =	shalt  }
0x6a: {  	_ =	shalt  }
0x6b: {  	_ =	shalt  }
0x6c: {  	_ =	shalt  }
0x6d: {  	_ =	shalt  }
0x6e: {  	_ =	shalt  }
0x6f: {  	_ =	shalt  }
0x70: {  	_ =	shalt  }
0x71: {  	_ =	shalt  }
0x72: {  	_ =	shalt  }
0x73: {  	_ =	shalt  }
0x74: {  	_ =	shalt  }
0x75: {  	_ =	shalt  }
0x76: {  	_ =	shalt  }
0x77: {  	_ =	shalt  }
0x78: {  	_ =	shalt  }
0x79: {  	_ =	shalt  }
0x7a: {  	_ =	shalt  }
0x7b: {  	_ =	shalt  }
0x7c: {  	_ =	shalt  }
0x7d: {  	_ =	shalt  }
0x7e: {  	_ =	shalt  }
0x7f: {  	_ =	shalt  }
0x80: {  	_ =	shalt  }
0x81: {  	_ =	shalt  }
0x82: {  	_ =	shalt  }
0x83: {  	_ =	shalt  }
0x84: {  	_ =	shalt  }
0x85: {  	_ =	shalt  }
0x86: {  	_ =	shalt  }
0x87: {  	_ =	shalt  }
.Lfunc_end0:
.L_simem_size_0:
called_computation.2_lowered:
.L_overlay_start_0:
0x88: {  	s2 =	sld [smem:$0x3FD9]  }
0x89: {  	s3 =	sld [smem:$0x3FFE];
	_ =	sdelay $0x1  }
0x8a: {  	s1 =	srdreg.scid  }
0x8b: {  	s0 =	sand.u32 $0x1, s1  }
0x8c: {  	s17 =	sshll.u32 s0, $0xA;
	s2 =	sadd.s32 s3, s2  }
0x8d: {  	s2 =	sadd.s32 s2, s17  }
0x8e: {  	[smem:$0x3FC4] =	sst s2  }
0x8f: {  	_ = 	snop  }
0x90: {  	(tm) =	ssettm $0x1  }
0x91: {  	s18 =	sld [smem:$0x3FFB];
	_ =	sdelay $0x3  }
0x92: {  	_ =	strace s18  }
0x93: {  	s2 =	sld [smem:$0x3FFC];
	_ =	sdelay $0x3  }
0x94: {  	_ =	strace s2  }
0x95: {  	s2 =	sld [smem:$0x3FFD];
	_ =	sdelay $0x3  }
0x96: {  	_ =	strace s2  }
0x97: {  	_ =	strace $0x8FFFFFFF  }
0x98: {  	s19 =	sld [smem:$0x3FDB];
	_ =	sdelay $0x1  }
0x99: {  	s20 =	simm.s32 $_scs_section_size  }
0x9a: {  	s4 =	simm.s32 $_size__tile_overlayer_lowered;
	s5 =	simm.s32 $_tile_overlayer_lowered  }
0x9b: {  	s6 =	simm.s32 $0x1BFF;
	s21 =	sshll.u32 s5, $0x1;
	s3 =	sadd.s32 s20, s19  }
0x9c: {  	s22 =	simm.s32 $0x0;
	s4 =	sshll.u32 s4, $0x1;
	s5 =	sadd.s32 s21, s3  }
0x9d: {  	[timem:s22], [sflag:s6] =	dma.local [hbm:s5], s4  }
0x9e: {  	_ =	swait.ge [sflag:s6], s4  }
0x9f: {  	s4 =	ssub.s32 $0x0, s4;
	[sflag:s6] =	ssyncset.done $0x0  }
0xa0: {  	[sflag:s6] =	ssyncadd.s32 s4;
	_ =	sdelay $0x1  }
0xa1: {  	s23 =	simm.s32 $0x1B8B  }
0xa2: {  	_ =	swait.ge [sflag:s23], $0x1  }
0xa3: {  	[sflag:s23] =	ssyncset.done $0x0  }
0xa4: {  	[sflag:s23] =	ssyncadd.s32 $0xFFFFFFFF  }
0xa5: {  	s4 =	sld [smem:$0x0]  }
0xa6: {  	s5 =	sand.u32 $0xFFFFFFFE, s1  }
0xa7: {  	p0 =	sne.s32 s1, s5  }
0xa8: {  	s5 =	sshll.u32 @p0 s5, $0xE  }
0xa9: {  	s5 =	sadd.s32 @p0 $0x11B8D, s5;
	s6 =	sshll.u32 @p0 s4, $0x11  }
0xaa: {  	s5 =	sor.u32 @p0 s6, s5  }
0xab: {  	[sflag:s5] =	ssyncadd.remote.s32 @p0 $0x1;
	_ =	sdelay $0x1  }
0xac: {  	s5 =	simm.s32 @p0 $0x1B8D  }
0xad: {  	_ =	swait.eq @p0 [sflag:s5], $0x1  }
0xae: {  	[sflag:s5] =	ssyncadd.s32 @p0 $0xFFFFFFFF  }
0xaf: {  	s6 =	sshll.u32 @!p0 s1, $0xE  }
0xb0: {  	s6 =	sor.u32 @!p0 $0x4000, s6;
	s5 =	simm.s32 @!p0 $0x1B8D  }
0xb1: {  	s4 =	sshll.u32 @!p0 s4, $0x11;
	s6 =	sadd.s32 @!p0 $0x11B8D, s6;
	_ =	swait.eq @!p0 [sflag:s5], $0x1  }
0xb2: {  	s4 =	sor.u32 @!p0 s4, s6;
	[sflag:s5] =	ssyncadd.s32 @!p0 $0xFFFFFFFF  }
0xb3: {  	s25 =	simm.s32 $0x1B8E;
	s24 =	sld [smem:$0x3FFE];
	[sflag:s4] =	ssyncadd.remote.s32 @!p0 $0x1  }
0xb4: {  	s26 =	simm.s32 $execute0_lowered;
	[smem:$0x3FD2] =	sst s25  }
0xb5: {  	s5 =	sshll.u32 s26, $0x1;
	_ =	strace $0x8000004C;
	[dreg:$0x1] =	wrdreg $0xFFFFFFFF  }
0xb6: {  	s28 =	simm.s32 $_size_execute0_lowered;
	s3 =	sadd.s32 s3, s5;
	[dreg:$0x0] =	wrdreg $0x0  }
0xb7: {  	s5 =	sshll.u32 s28, $0x1;
	[dreg:$0x2] =	wrdreg s3  }
0xb8: {  	[dreg:$0x3] =	wrdreg s5  }
0xb9: {  	[dreg:$0x4] =	wrdreg $0xC0  }
0xba: {  	_ =	task [dreg:s22], $0x5FFFF  }
0xbb: {  	[dreg:$0x1] =	wrdreg $0xFFFFFFFF  }
0xbc: {  	[dreg:$0x0] =	wrdreg $0x60  }
0xbd: {  	[dreg:$0x2] =	wrdreg s24  }
0xbe: {  	[dreg:$0x3] =	wrdreg $0xB  }
0xbf: {  	_ =	task.clear_ibuf [dreg:s22], $0x4FFFF;
	_ =	strace $0x9000004C  }
0xc0: {  	s29 =	simm.s32 $0xB;
	_ =	strace $0x8000004E  }
0xc1: {  	_ =	swait.ge [sflag:s29], $0x1  }
0xc2: {  	[sflag:s29] =	ssyncadd.s32 $0xFFFFFFFF  }
0xc3: {  	_ =	strace $0x9000004E  }
0xc4: {  	_ =	sfence  }
0xc5: {  	s30 =	sld [smem:$0x0];
	_ =	sdelay $0x2  }
0xc6: {  	s31 =	sshll.u32 s1, $0xD;
	s1 =	sshrl.u32 s1, $0x2  }
0xc7: {  	s4 =	sand.u32 $0x4000, s31;
	s1 =	sadd.s32 s1, s30  }
0xc8: {  	s0 =	sor.u32 s4, s0;
	s1 =	sshll.u32 s1, $0x11  }
0xc9: {  	s0 =	sor.u32 s1, s0  }
0xca: {  	s0 =	sadd.s32 $0x8F2B, s0  }
0xcb: {  	[sflag:s0] =	ssyncadd.remote.s32 $0x1  }
0xcc: {  	_ =	sfence.sel $0xFFFF  }
0xcd: {  	[dreg:$0x0] =	wrdreg $0xFFFFFFFF;
	(pc) =	sbr.abs _section_cstart, $3  }
0xce: {  	[dreg:$0x1] =	wrdreg $0xFFFFFFFF  }
0xcf: {  	_ =	task.clear_ibuf [dreg:s22], $0x2FFFF;
	_ =	strace $0x9FFFFFFF  }
0xd0: {  	(tm) =	ssettm $0x7FFFFFFF  }
0xd1: {  	_ =	shalt  }
tec
execute0_lowered:
.L_overlay_start_1:
0x0: {  	(tag) =	ssettag $0x1  }
0x1: {  	s1 =	srdreg.scid  }
0x2: {  	s0 =	stileid.u32;
	s4 =	rddreg [dreg:$0x0]  }
0x3: {  	s2 =	simm.s32 $0x0;
	s14 =	simm.s32 $0x1;
	s15 =	simm.s32 $0x2  }
0x4: {  	s16 =	simm.s32 $0x3;
	s17 =	simm.s32 $0x4;
	s11 =	smul.u32 $0x2800, s0  }
0x5: {  	s18 =	simm.s32 $0x0;
	s6 =	sand.u32 $0x1, s1;
	s28 =	smul.u32 $0x14000, s0  }
0x6: {  	s3 =	sshll.u32 s0, $0x1;
	s1 =	rddreg [dreg:$0x1];
	s13 =	smul.u32 $0xA000, s6  }
0x7: {  	[smem:$0x7FF] =	sst s2;
	s5 =	sor.u32 s6, s3;
	s30 =	smul.u32 $0x1400, s6  }
0x8: {  	s12 =	sadd.s32 $0x54E00, s4;
	_ =	strace $0x8000004D;
	s7 =	smul.u32 $0xA0, s5  }
0x9: {  	s3 =	sadd.s32 $0x1600, s4;
	s9 =	ssub.s32 $0x2, s6;
	s8 =	smul.u32 $0xA000, s5  }
0xa: {  	s10 =	smul.u32 $0x1400, s5;
	s26 =	sshrl.u32 s9, $0x1;
	s31 =	sadd.s32 s11, s12  }
0xb: {  	s11 =	simm.s32 $0x40;
	s25 =	sadd.s32 s7, s4;
	s7 =	ssub.s32 s9, s26  }
0xc: {  	s8 =	sshrl.u32 s8, $0x3;
	s9 =	sadd.s32 s13, s28;
	s10 =	sadd.s32 s10, s12  }
0xd: {  	s13 =	simm.s32 $0xD00;
	s4 =	sadd.s32 $0x53A00, s25;
	s5 =	smax.u32 s7, $0x1  }
0xe: {  	s29 =	sadd.s32 s12, s8;
	s8 =	sadd.s32 s30, s31;
	s9 =	sshrl.u32 s9, $0x3  }
0xf: {  	s7 =	sadd.s32 $0x1300, s10;
	s10 =	simm.s32 $0x5;
	s6 =	sadd.s32 $0x1200, s29  }
0x10: {  	s8 =	sadd.s32 $0x100, s8;
	s9 =	sadd.s32 s9, s12;
	s12 =	simm.s32 $0x500  }
.LBB2_1:
0x11: {  	[tilespmem:s2], [sflag:$0x5] =	stream.linear.gather [hbm4b:s4+s2], $0x500, $0x38;
	[tilespmem:$0x1500] =	vst v63  }
0x12: {  	_ =	swait.ge [sflag:s10], $0x500  }
0x13: {  	[sflag:s10] =	ssyncset.done $0x0  }
0x14: {  	[sflag:s10] =	ssyncadd.s32 $0xFFFFFB00  }
0x15: {  	[tilespmem:s12], [sflag:$0x1] =	stream.indirect.gather [hbm4b:s3+s11], $0x20, s2, s11, $0xb8;
	[tilespmem:$0x1500] =	vst v63  }
0x16: {  	_ = 	snop  }
0x17: {  	[tilespmem:s13], [sflag:$0x2] =	stream.indirect.gather [hbm4b:s3+s11], $0x20, s11, s11, $0xb8;
	[tilespmem:$0x1500] =	vst v63  }
0x18: {  	_ =	swait.ge [sflag:s14], $0x800  }
0x19: {  	[sflag:s14] =	ssyncset.done $0x0  }
0x1a: {  	s19 =	sadd.s32 $0x0, s9;
	[sflag:s14] =	ssyncadd.s32 $0xFFFFF800  }
0x1b: {  	[hbm4b:s19+s2] =	stream.linear.scatter [tilespmem:s12], [sflag:$0x3], $0x800, $0x38;
	[tilespmem:$0x1500] =	vst v63  }
0x1c: {  	_ =	swait.ge [sflag:s15], $0x800  }
0x1d: {  	[sflag:s15] =	ssyncset.done $0x0  }
0x1e: {  	s30 =	sadd.s32 $0x0, s8;
	[sflag:s15] =	ssyncadd.s32 $0xFFFFF800  }
0x1f: {  	[hbm4b:s30+s2] =	stream.linear.scatter [tilespmem:s13], [sflag:$0x4], $0x800, $0x38;
	[tilespmem:$0x1500] =	vst v63  }
0x20: {  	_ =	swait.ge [sflag:s16], $0x800  }
0x21: {  	[sflag:s16] =	ssyncset.done $0x0  }
0x22: {  	s31 =	simm.s32 $0x80;
	[sflag:s16] =	ssyncadd.s32 $0xFFFFF800  }
0x23: {  	[tilespmem:s12], [sflag:$0x1] =	stream.indirect.gather [hbm4b:s3+s11], $0x20, s31, s11, $0xb8;
	[tilespmem:$0x1500] =	vst v63  }
0x24: {  	_ =	swait.ge [sflag:s17], $0x800  }
0x25: {  	[sflag:s17] =	ssyncset.done $0x0  }
0x26: {  	s20 =	simm.s32 $0xC0;
	s19 =	simm.s32 $0x200;
	[sflag:s17] =	ssyncadd.s32 $0xFFFFF800  }
.LBB2_2:
0x27: {  	[tilespmem:s13], [sflag:$0x2] =	stream.indirect.gather [hbm4b:s3+s11], $0x20, s20, s11, $0xb8;
	[tilespmem:$0x1500] =	vst v63  }
0x28: {  	s20 =	smov.u32 s19  }
0x29: {  	p0 =	sne.s32 s19, $0x1000;
	s19 =	sadd.s32 $0x200, s19;
	_ =	swait.ge [sflag:s14], $0x800  }
0x2a: {  	[sflag:s14] =	ssyncset.done $0x0  }
0x2b: {  	s21 =	sadd.s32 s20, s9;
	[sflag:s14] =	ssyncadd.s32 $0xFFFFF800  }
0x2c: {  	[hbm4b:s21+s2] =	stream.linear.scatter [tilespmem:s12], [sflag:$0x3], $0x800, $0x38;
	[tilespmem:$0x1500] =	vst v63  }
0x2d: {  	_ =	swait.ge [sflag:s15], $0x800  }
0x2e: {  	[sflag:s15] =	ssyncset.done $0x0  }
0x2f: {  	s21 =	sadd.s32 s20, s8;
	[sflag:s15] =	ssyncadd.s32 $0xFFFFF800  }
0x30: {  	[hbm4b:s21+s2] =	stream.linear.scatter [tilespmem:s13], [sflag:$0x4], $0x800, $0x38;
	[tilespmem:$0x1500] =	vst v63  }
0x31: {  	_ =	swait.ge [sflag:s16], $0x800  }
0x32: {  	s20 =	sshra.s32 s20, $0x2;
	[sflag:s16] =	ssyncset.done $0x0  }
.Ltmp0:
0x33: {  	s21 =	sadd.s32 $0x80, s20;
	[sflag:s16] =	ssyncadd.s32 $0xFFFFF800;
	(pc) =	sbr.rel @p0 .LBB2_2-.Ltmp0, $4  }
0x34: {  	[tilespmem:s12], [sflag:$0x1] =	stream.indirect.gather [hbm4b:s3+s11], $0x20, s21, s11, $0xb8;
	[tilespmem:$0x1500] =	vst v63  }
0x35: {  	_ =	swait.ge [sflag:s17], $0x800  }
0x36: {  	[sflag:s17] =	ssyncset.done $0x0  }
0x37: {  	s20 =	sadd.s32 $0xC0, s20;
	[sflag:s17] =	ssyncadd.s32 $0xFFFFF800  }
0x38: {  	[tilespmem:s13], [sflag:$0x2] =	stream.indirect.gather [hbm4b:s3+s11], $0x20, s20, s11, $0xb8;
	[tilespmem:$0x1500] =	vst v63  }
0x39: {  	_ =	swait.ge [sflag:s14], $0x800  }
0x3a: {  	[sflag:s14] =	ssyncset.done $0x0  }
0x3b: {  	[sflag:s14] =	ssyncadd.s32 $0xFFFFF800  }
0x3c: {  	[hbm4b:s6+s2] =	stream.linear.scatter [tilespmem:s12], [sflag:$0x3], $0x800, $0x38;
	[tilespmem:$0x1500] =	vst v63  }
0x3d: {  	_ =	swait.ge [sflag:s15], $0x800  }
0x3e: {  	[sflag:s15] =	ssyncset.done $0x0  }
0x3f: {  	s18 =	sadd.s32 $0x1, s18;
	[sflag:s15] =	ssyncadd.s32 $0xFFFFF800  }
0x40: {  	[hbm4b:s7+s2] =	stream.linear.scatter [tilespmem:s13], [sflag:$0x4], $0x800, $0x38;
	[tilespmem:$0x1500] =	vst v63  }
0x41: {  	p0 =	sne.s32 s18, s5;
	_ =	swait.ge [sflag:s16], $0x800  }
.Ltmp1:
0x42: {  	[sflag:s16] =	ssyncset.done $0x0;
	(pc) =	sbr.rel @p0 .LBB2_1-.Ltmp1, $4  }
0x43: {  	[sflag:s16] =	ssyncadd.s32 $0xFFFFF800  }
0x44: {  	_ =	swait.ge [sflag:s17], $0x800  }
0x45: {  	[sflag:s17] =	ssyncset.done $0x0  }
0x46: {  	[sflag:s17] =	ssyncadd.s32 $0xFFFFF800  }
0x47: {  	_ =	sfence.sel $0x180000  }
0x48: {  	[bflag:$0x0] =	sbarrier.arrive $0xFFFF  }
0x49: {  	p0 =	sne.s32 s0, $0x0;
	_ =	strace $0x9000004D  }
0x4a: {  	s0 =	sadd.s32 @!p0 $0x100000, s1;
	[bflag:$0x2] =	sbarrier.arrive $0xFFFF  }
0x4b: {  	[sflag:s0] =	ssyncadd.tile.s32 @!p0 $0x1;
	_ =	shalt  }
.Lfunc_end2:
_tile_overlayer_lowered:
.L_overlay_start_2:
0x4c: {  	(tag) =	ssettag $0x2  }
0x4d: {  	s0 =	rddreg [dreg:$0x0];
	s2 =	stileid.u32  }
0x4e: {  	s1 =	rddreg [dreg:$0x1];
	p0 =	sne.s32 s2, $0x0  }
0x4f: {  	s3 =	rddreg [dreg:$0x2];
	[bflag:$0x3] =	sbarrier.arrive $0xFFFF;
	s2 =	simm.s32 @!p0 $0x1C05  }
0x50: {  	[timem:s3], [sflag:s2] =	dma.local @!p0 [hbm:s0], s1  }
0x51: {  	s0 =	simm.s32 @!p0 $0x5  }
0x52: {  	_ =	swait.ge @!p0 [sflag:s0], s1  }
0x53: {  	s1 =	ssub.s32 @!p0 $0x0, s1;
	[sflag:s0] =	ssyncset.done @!p0 $0x0  }
0x54: {  	[sflag:s0] =	ssyncadd.s32 @!p0 s1  }
0x55: {  	[bflag:$0x3] =	sbarrier.arrive $0xFFFF  }
0x56: {  	_ =	shalt  }

// kernel: kernel.21.cloned.1.call-start
scs
__scs_entry_jumppad:
0x0: {  	(pc) =	sbr.rel $0x88, $3  }
0x1: {  	(tag) =	ssettag $0x0;
	lr =	simm.s32 $0x1  }
0x2: {  	[smem:$0x3F9D] =	sst lr;
	_ =	strace $0xD0000000  }
0x3: {  	_ = 	snop  }
0x4: {  	_ = 	snop  }
0x5: {  	_ = 	snop  }
0x6: {  	_ = 	snop  }
0x7: {  	_ = 	snop  }
__scs_overlays_trampoline_lowered:
0x8: {  	[smem:$0x3FAC] =	sst s0  }
0x9: {  	[smem:$0x3FAD] =	sst s1  }
0xa: {  	[smem:$0x3FAE] =	sst s2  }
0xb: {  	[smem:$0x3FAF] =	sst s3  }
0xc: {  	[smem:$0x3FB0] =	sst s4  }
0xd: {  	[smem:$0x3FB1] =	sst s5  }
0xe: {  	[smem:$0x3FB2] =	sst s6  }
0xf: {  	[smem:$0x3FB3] =	sst s7  }
0x10: {  	[smem:$0x3FB4] =	sst s8  }
0x11: {  	[smem:$0x3FB5] =	sst s9;
	s0 =	simm.s32 @!p0 $0x0  }
0x12: {  	s1 =	sld [smem:$0x3F9B];
	s0 =	simm.s32 @p0 $0x1  }
0x13: {  	[smem:$0x3FB6] =	sst s0;
	s0 =	simm.s32 @!p1 $0x0  }
0x14: {  	s2 =	sld [smem:$0x3F9A];
	s0 =	simm.s32 @p1 $0x1  }
0x15: {  	[smem:$0x3FB7] =	sst s0;
	s0 =	simm.s32 @!p2 $0x0  }
0x16: {  	s3 =	sld [smem:$0x3FDB];
	s0 =	simm.s32 @p2 $0x1  }
0x17: {  	s4 =	simm.s32 $0x1BF5;
	[smem:$0x3FB9] =	sst s0  }
0x18: {  	s0 =	sld [smem:$0x3F9C];
	_ =	swait.ge [sflag:s4], $0x0  }
0x19: {  	s7 =	sld [smem:$0x3F9D]  }
0x1a: {  	s8 =	sadd.s32 $0xFFFFE003, lr  }
0x1b: {  	s9 =	sadd.s32 $0xFFFFFEF7, lr;
	s5 =	simm.s32 $0xFFFFFFFF;
	p2 =	slt.u32 s8, $0xFFFFF086  }
0x1c: {  	p1 =	slt.u32 s9, $0xF7A;
	s5 =	simm.s32 @!p2 $0x0  }
0x1d: {  	s5 =	simm.s32 @p1 $0x1;
	p0 =	seq.s32 s7, s2  }
0x1e: {  	s7 =	smul.u32 @!p0 $0xF7A, s2;
	p2 =	seq.s32 @!p0 s5, $0x0  }
0x1f: {  	s9 =	smul.u32 $0xF7A, s1;
	s8 =	simm.s32 @!p0 $0x1BF5;
	p2 =	por !p2, p0  }
0x20: {  	[sflag:s8] =	ssyncset.s32 @!p0 $0xFFFFF086;
	s6 =	sadd.s32 @!p0 s3, s7;
	s7 =	simm.s32 @!p0 $0x108  }
0x21: {  	s3 =	sadd.s32 s3, s9;
	s6 =	sadd.s32 @!p0 $0x88, s6;
	s7 =	simm.s32 @p2 $0x1082  }
0x22: {  	[simem:s7], [sflag:s8] =	dma.local @!p0 [hbm:s6], $0xF7A  }
0x23: {  	s9 =	sor.u32 $0xD0000000, s2;
	s6 =	simm.s32 $0x108;
	_ =	swait.ge @!p0 [sflag:s8], $0x0  }
0x24: {  	s3 =	sadd.s32 $0x88, s3;
	s6 =	simm.s32 @!p1 $0x1082;
	[sflag:s4] =	ssyncset.s32 $0xFFFFF086  }
0x25: {  	[simem:s6], [sflag:s4] =	dma.local [hbm:s3], $0xF7A  }
0x26: {  	[smem:$0x3F9D] =	sst s1;
	(tag) =	ssettag s2;
	_ =	strace s9  }
0x27: {  	s1 =	sld [smem:$0x3FAD]  }
0x28: {  	s2 =	sld [smem:$0x3FAE]  }
0x29: {  	s4 =	sld [smem:$0x3FB0]  }
0x2a: {  	p0 =	seq.s32 s5, $0x0;
	s5 =	sld [smem:$0x3FB1]  }
0x2b: {  	s6 =	sld [smem:$0x3FB2]  }
0x2c: {  	s7 =	sld [smem:$0x3FB3]  }
0x2d: {  	s3 =	simm.s32 $0x108;
	s8 =	sld [smem:$0x3FB4]  }
0x2e: {  	s3 =	simm.s32 @!p0 $0x1082;
	s9 =	sld [smem:$0x3FB5]  }
0x2f: {  	lr =	sadd.s32 s0, s3;
	s0 =	sld [smem:$0x3FAC]  }
0x30: {  	s3 =	sld [smem:$0x3FAF]  }
0x31: {  	[smem:$0x3FB8] =	sst s10  }
0x32: {  	s10 =	sld [smem:$0x3FB6];
	_ =	sdelay $0x3  }
0x33: {  	p0 =	seq.s32 s10, $0x1;
	s10 =	sld [smem:$0x3FB8];
	_ =	sdelay $0x3  }
0x34: {  	[smem:$0x3FB8] =	sst s10  }
0x35: {  	s10 =	sld [smem:$0x3FB7];
	_ =	sdelay $0x3  }
0x36: {  	p1 =	seq.s32 s10, $0x1;
	s10 =	sld [smem:$0x3FB8];
	_ =	sdelay $0x3  }
0x37: {  	[smem:$0x3FB8] =	sst s10  }
0x38: {  	s10 =	sld [smem:$0x3FB9]  }
0x39: {  	_ = 	snop;
	(pc) =	sbr.ind lr, $3  }
0x3a: {  	_ = 	snop  }
0x3b: {  	_ = 	snop  }
0x3c: {  	p2 =	seq.s32 s10, $0x1;
	s10 =	sld [smem:$0x3FB8]  }
0x3d: {  	_ =	shalt  }
0x3e: {  	_ =	shalt  }
0x3f: {  	_ =	shalt  }
0x40: {  	_ =	shalt  }
0x41: {  	_ =	shalt  }
0x42: {  	_ =	shalt  }
0x43: {  	_ =	shalt  }
0x44: {  	_ =	shalt  }
0x45: {  	_ =	shalt  }
0x46: {  	_ =	shalt  }
0x47: {  	_ =	shalt  }
0x48: {  	_ =	shalt  }
0x49: {  	_ =	shalt  }
0x4a: {  	_ =	shalt  }
0x4b: {  	_ =	shalt  }
0x4c: {  	_ =	shalt  }
0x4d: {  	_ =	shalt  }
0x4e: {  	_ =	shalt  }
0x4f: {  	_ =	shalt  }
0x50: {  	_ =	shalt  }
0x51: {  	_ =	shalt  }
0x52: {  	_ =	shalt  }
0x53: {  	_ =	shalt  }
0x54: {  	_ =	shalt  }
0x55: {  	_ =	shalt  }
0x56: {  	_ =	shalt  }
0x57: {  	_ =	shalt  }
0x58: {  	_ =	shalt  }
0x59: {  	_ =	shalt  }
0x5a: {  	_ =	shalt  }
0x5b: {  	_ =	shalt  }
0x5c: {  	_ =	shalt  }
0x5d: {  	_ =	shalt  }
0x5e: {  	_ =	shalt  }
0x5f: {  	_ =	shalt  }
0x60: {  	_ =	shalt  }
0x61: {  	_ =	shalt  }
0x62: {  	_ =	shalt  }
0x63: {  	_ =	shalt  }
0x64: {  	_ =	shalt  }
0x65: {  	_ =	shalt  }
0x66: {  	_ =	shalt  }
0x67: {  	_ =	shalt  }
0x68: {  	_ =	shalt  }
0x69: {  	_ =	shalt  }
0x6a: {  	_ =	shalt  }
0x6b: {  	_ =	shalt  }
0x6c: {  	_ =	shalt  }
0x6d: {  	_ =	shalt  }
0x6e: {  	_ =	shalt  }
0x6f: {  	_ =	shalt  }
0x70: {  	_ =	shalt  }
0x71: {  	_ =	shalt  }
0x72: {  	_ =	shalt  }
0x73: {  	_ =	shalt  }
0x74: {  	_ =	shalt  }
0x75: {  	_ =	shalt  }
0x76: {  	_ =	shalt  }
0x77: {  	_ =	shalt  }
0x78: {  	_ =	shalt  }
0x79: {  	_ =	shalt  }
0x7a: {  	_ =	shalt  }
0x7b: {  	_ =	shalt  }
0x7c: {  	_ =	shalt  }
0x7d: {  	_ =	shalt  }
0x7e: {  	_ =	shalt  }
0x7f: {  	_ =	shalt  }
0x80: {  	_ =	shalt  }
0x81: {  	_ =	shalt  }
0x82: {  	_ =	shalt  }
0x83: {  	_ =	shalt  }
0x84: {  	_ =	shalt  }
0x85: {  	_ =	shalt  }
0x86: {  	_ =	shalt  }
0x87: {  	_ =	shalt  }
.Lfunc_end0:
.L_simem_size_0:
called_computation.3_lowered:
.L_overlay_start_0:
0x88: {  	s2 =	sld [smem:$0x3FD9]  }
0x89: {  	s3 =	sld [smem:$0x3FFE];
	_ =	sdelay $0x1  }
0x8a: {  	s1 =	srdreg.scid  }
0x8b: {  	s0 =	sand.u32 $0x1, s1  }
0x8c: {  	s17 =	sshll.u32 s0, $0xA;
	s2 =	sadd.s32 s3, s2  }
0x8d: {  	s2 =	sadd.s32 s2, s17  }
0x8e: {  	[smem:$0x3FC4] =	sst s2  }
0x8f: {  	_ = 	snop  }
0x90: {  	(tm) =	ssettm $0x1  }
0x91: {  	s18 =	sld [smem:$0x3FFB];
	_ =	sdelay $0x3  }
0x92: {  	_ =	strace s18  }
0x93: {  	s2 =	sld [smem:$0x3FFC];
	_ =	sdelay $0x3  }
0x94: {  	_ =	strace s2  }
0x95: {  	s2 =	sld [smem:$0x3FFD];
	_ =	sdelay $0x3  }
0x96: {  	_ =	strace s2  }
0x97: {  	_ =	strace $0x8FFFFFFF  }
0x98: {  	s19 =	sld [smem:$0x3FDB];
	_ =	sdelay $0x1  }
0x99: {  	s20 =	simm.s32 $_scs_section_size  }
0x9a: {  	s4 =	simm.s32 $_size__tile_overlayer_lowered;
	s5 =	simm.s32 $_tile_overlayer_lowered  }
0x9b: {  	s6 =	simm.s32 $0x1BFF;
	s21 =	sshll.u32 s5, $0x1;
	s3 =	sadd.s32 s20, s19  }
0x9c: {  	s22 =	simm.s32 $0x0;
	s4 =	sshll.u32 s4, $0x1;
	s5 =	sadd.s32 s21, s3  }
0x9d: {  	[timem:s22], [sflag:s6] =	dma.local [hbm:s5], s4  }
0x9e: {  	_ =	swait.ge [sflag:s6], s4  }
0x9f: {  	s4 =	ssub.s32 $0x0, s4;
	[sflag:s6] =	ssyncset.done $0x0  }
0xa0: {  	[sflag:s6] =	ssyncadd.s32 s4;
	_ =	sdelay $0x1  }
0xa1: {  	s23 =	simm.s32 $0x1B8B  }
0xa2: {  	_ =	swait.ge [sflag:s23], $0x1  }
0xa3: {  	[sflag:s23] =	ssyncset.done $0x0  }
0xa4: {  	[sflag:s23] =	ssyncadd.s32 $0xFFFFFFFF  }
0xa5: {  	s4 =	sld [smem:$0x0]  }
0xa6: {  	s5 =	sand.u32 $0xFFFFFFFE, s1  }
0xa7: {  	p0 =	sne.s32 s1, s5  }
0xa8: {  	s5 =	sshll.u32 @p0 s5, $0xE  }
0xa9: {  	s5 =	sadd.s32 @p0 $0x11B8D, s5;
	s6 =	sshll.u32 @p0 s4, $0x11  }
0xaa: {  	s5 =	sor.u32 @p0 s6, s5  }
0xab: {  	[sflag:s5] =	ssyncadd.remote.s32 @p0 $0x1;
	_ =	sdelay $0x1  }
0xac: {  	s5 =	simm.s32 @p0 $0x1B8D  }
0xad: {  	_ =	swait.eq @p0 [sflag:s5], $0x1  }
0xae: {  	[sflag:s5] =	ssyncadd.s32 @p0 $0xFFFFFFFF  }
0xaf: {  	s6 =	sshll.u32 @!p0 s1, $0xE  }
0xb0: {  	s6 =	sor.u32 @!p0 $0x4000, s6;
	s5 =	simm.s32 @!p0 $0x1B8D  }
0xb1: {  	s4 =	sshll.u32 @!p0 s4, $0x11;
	s6 =	sadd.s32 @!p0 $0x11B8D, s6;
	_ =	swait.eq @!p0 [sflag:s5], $0x1  }
0xb2: {  	s4 =	sor.u32 @!p0 s4, s6;
	[sflag:s5] =	ssyncadd.s32 @!p0 $0xFFFFFFFF  }
0xb3: {  	s25 =	simm.s32 $0x1B8E;
	s24 =	sld [smem:$0x3FFE];
	[sflag:s4] =	ssyncadd.remote.s32 @!p0 $0x1  }
0xb4: {  	s26 =	simm.s32 $execute0_lowered;
	[smem:$0x3FD2] =	sst s25  }
0xb5: {  	s5 =	sshll.u32 s26, $0x1;
	_ =	strace $0x8000004F;
	[dreg:$0x1] =	wrdreg $0xFFFFFFFF  }
0xb6: {  	s28 =	simm.s32 $_size_execute0_lowered;
	s3 =	sadd.s32 s3, s5;
	[dreg:$0x0] =	wrdreg $0x0  }
0xb7: {  	s5 =	sshll.u32 s28, $0x1;
	[dreg:$0x2] =	wrdreg s3  }
0xb8: {  	[dreg:$0x3] =	wrdreg s5  }
0xb9: {  	[dreg:$0x4] =	wrdreg $0xC0  }
0xba: {  	_ =	task [dreg:s22], $0x5FFFF  }
0xbb: {  	[dreg:$0x1] =	wrdreg $0xFFFFFFFF  }
0xbc: {  	[dreg:$0x0] =	wrdreg $0x60  }
0xbd: {  	[dreg:$0x2] =	wrdreg s24  }
0xbe: {  	[dreg:$0x3] =	wrdreg $0xC  }
0xbf: {  	_ =	task.clear_ibuf [dreg:s22], $0x4FFFF;
	_ =	strace $0x9000004F  }
0xc0: {  	s29 =	simm.s32 $0xC;
	_ =	strace $0x80000051  }
0xc1: {  	_ =	swait.ge [sflag:s29], $0x1  }
0xc2: {  	[sflag:s29] =	ssyncadd.s32 $0xFFFFFFFF  }
0xc3: {  	_ =	strace $0x90000051  }
0xc4: {  	_ =	sfence  }
0xc5: {  	s30 =	sld [smem:$0x0];
	_ =	sdelay $0x2  }
0xc6: {  	s31 =	sshll.u32 s1, $0xD;
	s1 =	sshrl.u32 s1, $0x2  }
0xc7: {  	s4 =	sand.u32 $0x4000, s31;
	s1 =	sadd.s32 s1, s30  }
0xc8: {  	s0 =	sor.u32 s4, s0;
	s1 =	sshll.u32 s1, $0x11  }
0xc9: {  	s0 =	sor.u32 s1, s0  }
0xca: {  	s0 =	sadd.s32 $0x8F2B, s0  }
0xcb: {  	[sflag:s0] =	ssyncadd.remote.s32 $0x1  }
0xcc: {  	_ =	sfence.sel $0xFFFF  }
0xcd: {  	[dreg:$0x0] =	wrdreg $0xFFFFFFFF;
	(pc) =	sbr.abs _section_cstart, $3  }
0xce: {  	[dreg:$0x1] =	wrdreg $0xFFFFFFFF  }
0xcf: {  	_ =	task.clear_ibuf [dreg:s22], $0x2FFFF;
	_ =	strace $0x9FFFFFFF  }
0xd0: {  	(tm) =	ssettm $0x7FFFFFFF  }
0xd1: {  	_ =	shalt  }
tec
execute0_lowered:
.L_overlay_start_1:
0x0: {  	(tag) =	ssettag $0x1  }
0x1: {  	s1 =	srdreg.scid  }
0x2: {  	s0 =	stileid.u32;
	s4 =	rddreg [dreg:$0x0]  }
0x3: {  	s2 =	simm.s32 $0x0;
	s14 =	simm.s32 $0x1;
	s15 =	simm.s32 $0x2  }
0x4: {  	s16 =	simm.s32 $0x3;
	s17 =	simm.s32 $0x4;
	s11 =	smul.u32 $0x2800, s0  }
0x5: {  	s18 =	simm.s32 $0x0;
	s6 =	sand.u32 $0x1, s1;
	s28 =	smul.u32 $0x14000, s0  }
0x6: {  	s3 =	sshll.u32 s0, $0x1;
	s1 =	rddreg [dreg:$0x1];
	s13 =	smul.u32 $0xA000, s6  }
0x7: {  	[smem:$0x7FF] =	sst s2;
	s5 =	sor.u32 s6, s3;
	s30 =	smul.u32 $0x1400, s6  }
0x8: {  	s12 =	sadd.s32 $0x7E200, s4;
	_ =	strace $0x80000050;
	s7 =	smul.u32 $0xA0, s5  }
0x9: {  	s3 =	sadd.s32 $0x1600, s4;
	s9 =	ssub.s32 $0x2, s6;
	s8 =	smul.u32 $0xA000, s5  }
0xa: {  	s10 =	smul.u32 $0x1400, s5;
	s26 =	sshrl.u32 s9, $0x1;
	s31 =	sadd.s32 s11, s12  }
0xb: {  	s11 =	simm.s32 $0x40;
	s25 =	sadd.s32 s7, s4;
	s7 =	ssub.s32 s9, s26  }
0xc: {  	s8 =	sshrl.u32 s8, $0x3;
	s9 =	sadd.s32 s13, s28;
	s10 =	sadd.s32 s10, s12  }
0xd: {  	s13 =	simm.s32 $0xD00;
	s4 =	sadd.s32 $0x7CE00, s25;
	s5 =	smax.u32 s7, $0x1  }
0xe: {  	s29 =	sadd.s32 s12, s8;
	s8 =	sadd.s32 s30, s31;
	s9 =	sshrl.u32 s9, $0x3  }
0xf: {  	s7 =	sadd.s32 $0x1300, s10;
	s10 =	simm.s32 $0x5;
	s6 =	sadd.s32 $0x1200, s29  }
0x10: {  	s8 =	sadd.s32 $0x100, s8;
	s9 =	sadd.s32 s9, s12;
	s12 =	simm.s32 $0x500  }
.LBB2_1:
0x11: {  	[tilespmem:s2], [sflag:$0x5] =	stream.linear.gather [hbm4b:s4+s2], $0x500, $0x38;
	[tilespmem:$0x1500] =	vst v63  }
0x12: {  	_ =	swait.ge [sflag:s10], $0x500  }
0x13: {  	[sflag:s10] =	ssyncset.done $0x0  }
0x14: {  	[sflag:s10] =	ssyncadd.s32 $0xFFFFFB00  }
0x15: {  	[tilespmem:s12], [sflag:$0x1] =	stream.indirect.gather [hbm4b:s3+s11], $0x20, s2, s11, $0xb8;
	[tilespmem:$0x1500] =	vst v63  }
0x16: {  	_ = 	snop  }
0x17: {  	[tilespmem:s13], [sflag:$0x2] =	stream.indirect.gather [hbm4b:s3+s11], $0x20, s11, s11, $0xb8;
	[tilespmem:$0x1500] =	vst v63  }
0x18: {  	_ =	swait.ge [sflag:s14], $0x800  }
0x19: {  	[sflag:s14] =	ssyncset.done $0x0  }
0x1a: {  	s19 =	sadd.s32 $0x0, s9;
	[sflag:s14] =	ssyncadd.s32 $0xFFFFF800  }
0x1b: {  	[hbm4b:s19+s2] =	stream.linear.scatter [tilespmem:s12], [sflag:$0x3], $0x800, $0x38;
	[tilespmem:$0x1500] =	vst v63  }
0x1c: {  	_ =	swait.ge [sflag:s15], $0x800  }
0x1d: {  	[sflag:s15] =	ssyncset.done $0x0  }
0x1e: {  	s30 =	sadd.s32 $0x0, s8;
	[sflag:s15] =	ssyncadd.s32 $0xFFFFF800  }
0x1f: {  	[hbm4b:s30+s2] =	stream.linear.scatter [tilespmem:s13], [sflag:$0x4], $0x800, $0x38;
	[tilespmem:$0x1500] =	vst v63  }
0x20: {  	_ =	swait.ge [sflag:s16], $0x800  }
0x21: {  	[sflag:s16] =	ssyncset.done $0x0  }
0x22: {  	s31 =	simm.s32 $0x80;
	[sflag:s16] =	ssyncadd.s32 $0xFFFFF800  }
0x23: {  	[tilespmem:s12], [sflag:$0x1] =	stream.indirect.gather [hbm4b:s3+s11], $0x20, s31, s11, $0xb8;
	[tilespmem:$0x1500] =	vst v63  }
0x24: {  	_ =	swait.ge [sflag:s17], $0x800  }
0x25: {  	[sflag:s17] =	ssyncset.done $0x0  }
0x26: {  	s20 =	simm.s32 $0xC0;
	s19 =	simm.s32 $0x200;
	[sflag:s17] =	ssyncadd.s32 $0xFFFFF800  }
.LBB2_2:
0x27: {  	[tilespmem:s13], [sflag:$0x2] =	stream.indirect.gather [hbm4b:s3+s11], $0x20, s20, s11, $0xb8;
	[tilespmem:$0x1500] =	vst v63  }
0x28: {  	s20 =	smov.u32 s19  }
0x29: {  	p0 =	sne.s32 s19, $0x1000;
	s19 =	sadd.s32 $0x200, s19;
	_ =	swait.ge [sflag:s14], $0x800  }
0x2a: {  	[sflag:s14] =	ssyncset.done $0x0  }
0x2b: {  	s21 =	sadd.s32 s20, s9;
	[sflag:s14] =	ssyncadd.s32 $0xFFFFF800  }
0x2c: {  	[hbm4b:s21+s2] =	stream.linear.scatter [tilespmem:s12], [sflag:$0x3], $0x800, $0x38;
	[tilespmem:$0x1500] =	vst v63  }
0x2d: {  	_ =	swait.ge [sflag:s15], $0x800  }
0x2e: {  	[sflag:s15] =	ssyncset.done $0x0  }
0x2f: {  	s21 =	sadd.s32 s20, s8;
	[sflag:s15] =	ssyncadd.s32 $0xFFFFF800  }
0x30: {  	[hbm4b:s21+s2] =	stream.linear.scatter [tilespmem:s13], [sflag:$0x4], $0x800, $0x38;
	[tilespmem:$0x1500] =	vst v63  }
0x31: {  	_ =	swait.ge [sflag:s16], $0x800  }
0x32: {  	s20 =	sshra.s32 s20, $0x2;
	[sflag:s16] =	ssyncset.done $0x0  }
.Ltmp0:
0x33: {  	s21 =	sadd.s32 $0x80, s20;
	[sflag:s16] =	ssyncadd.s32 $0xFFFFF800;
	(pc) =	sbr.rel @p0 .LBB2_2-.Ltmp0, $4  }
0x34: {  	[tilespmem:s12], [sflag:$0x1] =	stream.indirect.gather [hbm4b:s3+s11], $0x20, s21, s11, $0xb8;
	[tilespmem:$0x1500] =	vst v63  }
0x35: {  	_ =	swait.ge [sflag:s17], $0x800  }
0x36: {  	[sflag:s17] =	ssyncset.done $0x0  }
0x37: {  	s20 =	sadd.s32 $0xC0, s20;
	[sflag:s17] =	ssyncadd.s32 $0xFFFFF800  }
0x38: {  	[tilespmem:s13], [sflag:$0x2] =	stream.indirect.gather [hbm4b:s3+s11], $0x20, s20, s11, $0xb8;
	[tilespmem:$0x1500] =	vst v63  }
0x39: {  	_ =	swait.ge [sflag:s14], $0x800  }
0x3a: {  	[sflag:s14] =	ssyncset.done $0x0  }
0x3b: {  	[sflag:s14] =	ssyncadd.s32 $0xFFFFF800  }
0x3c: {  	[hbm4b:s6+s2] =	stream.linear.scatter [tilespmem:s12], [sflag:$0x3], $0x800, $0x38;
	[tilespmem:$0x1500] =	vst v63  }
0x3d: {  	_ =	swait.ge [sflag:s15], $0x800  }
0x3e: {  	[sflag:s15] =	ssyncset.done $0x0  }
0x3f: {  	s18 =	sadd.s32 $0x1, s18;
	[sflag:s15] =	ssyncadd.s32 $0xFFFFF800  }
0x40: {  	[hbm4b:s7+s2] =	stream.linear.scatter [tilespmem:s13], [sflag:$0x4], $0x800, $0x38;
	[tilespmem:$0x1500] =	vst v63  }
0x41: {  	p0 =	sne.s32 s18, s5;
	_ =	swait.ge [sflag:s16], $0x800  }
.Ltmp1:
0x42: {  	[sflag:s16] =	ssyncset.done $0x0;
	(pc) =	sbr.rel @p0 .LBB2_1-.Ltmp1, $4  }
0x43: {  	[sflag:s16] =	ssyncadd.s32 $0xFFFFF800  }
0x44: {  	_ =	swait.ge [sflag:s17], $0x800  }
0x45: {  	[sflag:s17] =	ssyncset.done $0x0  }
0x46: {  	[sflag:s17] =	ssyncadd.s32 $0xFFFFF800  }
0x47: {  	_ =	sfence.sel $0x180000  }
0x48: {  	[bflag:$0x0] =	sbarrier.arrive $0xFFFF  }
0x49: {  	p0 =	sne.s32 s0, $0x0;
	_ =	strace $0x90000050  }
0x4a: {  	s0 =	sadd.s32 @!p0 $0x100000, s1;
	[bflag:$0x2] =	sbarrier.arrive $0xFFFF  }
0x4b: {  	[sflag:s0] =	ssyncadd.tile.s32 @!p0 $0x1;
	_ =	shalt  }
.Lfunc_end2:
_tile_overlayer_lowered:
.L_overlay_start_2:
0x4c: {  	(tag) =	ssettag $0x2  }
0x4d: {  	s0 =	rddreg [dreg:$0x0];
	s2 =	stileid.u32  }
0x4e: {  	s1 =	rddreg [dreg:$0x1];
	p0 =	sne.s32 s2, $0x0  }
0x4f: {  	s3 =	rddreg [dreg:$0x2];
	[bflag:$0x3] =	sbarrier.arrive $0xFFFF;
	s2 =	simm.s32 @!p0 $0x1C05  }
0x50: {  	[timem:s3], [sflag:s2] =	dma.local @!p0 [hbm:s0], s1  }
0x51: {  	s0 =	simm.s32 @!p0 $0x5  }
0x52: {  	_ =	swait.ge @!p0 [sflag:s0], s1  }
0x53: {  	s1 =	ssub.s32 @!p0 $0x0, s1;
	[sflag:s0] =	ssyncset.done @!p0 $0x0  }
0x54: {  	[sflag:s0] =	ssyncadd.s32 @!p0 s1  }
0x55: {  	[bflag:$0x3] =	sbarrier.arrive $0xFFFF  }
0x56: {  	_ =	shalt  }

// kernel: kernel.24.cloned.1.call-start
scs
__scs_entry_jumppad:
0x0: {  	(pc) =	sbr.rel $0x88, $3  }
0x1: {  	(tag) =	ssettag $0x0;
	lr =	simm.s32 $0x1  }
0x2: {  	[smem:$0x3F9D] =	sst lr;
	_ =	strace $0xD0000000  }
0x3: {  	_ = 	snop  }
0x4: {  	_ = 	snop  }
0x5: {  	_ = 	snop  }
0x6: {  	_ = 	snop  }
0x7: {  	_ = 	snop  }
__scs_overlays_trampoline_lowered:
0x8: {  	[smem:$0x3FAC] =	sst s0  }
0x9: {  	[smem:$0x3FAD] =	sst s1  }
0xa: {  	[smem:$0x3FAE] =	sst s2  }
0xb: {  	[smem:$0x3FAF] =	sst s3  }
0xc: {  	[smem:$0x3FB0] =	sst s4  }
0xd: {  	[smem:$0x3FB1] =	sst s5  }
0xe: {  	[smem:$0x3FB2] =	sst s6  }
0xf: {  	[smem:$0x3FB3] =	sst s7  }
0x10: {  	[smem:$0x3FB4] =	sst s8  }
0x11: {  	[smem:$0x3FB5] =	sst s9;
	s0 =	simm.s32 @!p0 $0x0  }
0x12: {  	s1 =	sld [smem:$0x3F9B];
	s0 =	simm.s32 @p0 $0x1  }
0x13: {  	[smem:$0x3FB6] =	sst s0;
	s0 =	simm.s32 @!p1 $0x0  }
0x14: {  	s2 =	sld [smem:$0x3F9A];
	s0 =	simm.s32 @p1 $0x1  }
0x15: {  	[smem:$0x3FB7] =	sst s0;
	s0 =	simm.s32 @!p2 $0x0  }
0x16: {  	s3 =	sld [smem:$0x3FDB];
	s0 =	simm.s32 @p2 $0x1  }
0x17: {  	s4 =	simm.s32 $0x1BF5;
	[smem:$0x3FB9] =	sst s0  }
0x18: {  	s0 =	sld [smem:$0x3F9C];
	_ =	swait.ge [sflag:s4], $0x0  }
0x19: {  	s7 =	sld [smem:$0x3F9D]  }
0x1a: {  	s8 =	sadd.s32 $0xFFFFE003, lr  }
0x1b: {  	s9 =	sadd.s32 $0xFFFFFEF7, lr;
	s5 =	simm.s32 $0xFFFFFFFF;
	p2 =	slt.u32 s8, $0xFFFFF086  }
0x1c: {  	p1 =	slt.u32 s9, $0xF7A;
	s5 =	simm.s32 @!p2 $0x0  }
0x1d: {  	s5 =	simm.s32 @p1 $0x1;
	p0 =	seq.s32 s7, s2  }
0x1e: {  	s7 =	smul.u32 @!p0 $0xF7A, s2;
	p2 =	seq.s32 @!p0 s5, $0x0  }
0x1f: {  	s9 =	smul.u32 $0xF7A, s1;
	s8 =	simm.s32 @!p0 $0x1BF5;
	p2 =	por !p2, p0  }
0x20: {  	[sflag:s8] =	ssyncset.s32 @!p0 $0xFFFFF086;
	s6 =	sadd.s32 @!p0 s3, s7;
	s7 =	simm.s32 @!p0 $0x108  }
0x21: {  	s3 =	sadd.s32 s3, s9;
	s6 =	sadd.s32 @!p0 $0x88, s6;
	s7 =	simm.s32 @p2 $0x1082  }
0x22: {  	[simem:s7], [sflag:s8] =	dma.local @!p0 [hbm:s6], $0xF7A  }
0x23: {  	s9 =	sor.u32 $0xD0000000, s2;
	s6 =	simm.s32 $0x108;
	_ =	swait.ge @!p0 [sflag:s8], $0x0  }
0x24: {  	s3 =	sadd.s32 $0x88, s3;
	s6 =	simm.s32 @!p1 $0x1082;
	[sflag:s4] =	ssyncset.s32 $0xFFFFF086  }
0x25: {  	[simem:s6], [sflag:s4] =	dma.local [hbm:s3], $0xF7A  }
0x26: {  	[smem:$0x3F9D] =	sst s1;
	(tag) =	ssettag s2;
	_ =	strace s9  }
0x27: {  	s1 =	sld [smem:$0x3FAD]  }
0x28: {  	s2 =	sld [smem:$0x3FAE]  }
0x29: {  	s4 =	sld [smem:$0x3FB0]  }
0x2a: {  	p0 =	seq.s32 s5, $0x0;
	s5 =	sld [smem:$0x3FB1]  }
0x2b: {  	s6 =	sld [smem:$0x3FB2]  }
0x2c: {  	s7 =	sld [smem:$0x3FB3]  }
0x2d: {  	s3 =	simm.s32 $0x108;
	s8 =	sld [smem:$0x3FB4]  }
0x2e: {  	s3 =	simm.s32 @!p0 $0x1082;
	s9 =	sld [smem:$0x3FB5]  }
0x2f: {  	lr =	sadd.s32 s0, s3;
	s0 =	sld [smem:$0x3FAC]  }
0x30: {  	s3 =	sld [smem:$0x3FAF]  }
0x31: {  	[smem:$0x3FB8] =	sst s10  }
0x32: {  	s10 =	sld [smem:$0x3FB6];
	_ =	sdelay $0x3  }
0x33: {  	p0 =	seq.s32 s10, $0x1;
	s10 =	sld [smem:$0x3FB8];
	_ =	sdelay $0x3  }
0x34: {  	[smem:$0x3FB8] =	sst s10  }
0x35: {  	s10 =	sld [smem:$0x3FB7];
	_ =	sdelay $0x3  }
0x36: {  	p1 =	seq.s32 s10, $0x1;
	s10 =	sld [smem:$0x3FB8];
	_ =	sdelay $0x3  }
0x37: {  	[smem:$0x3FB8] =	sst s10  }
0x38: {  	s10 =	sld [smem:$0x3FB9]  }
0x39: {  	_ = 	snop;
	(pc) =	sbr.ind lr, $3  }
0x3a: {  	_ = 	snop  }
0x3b: {  	_ = 	snop  }
0x3c: {  	p2 =	seq.s32 s10, $0x1;
	s10 =	sld [smem:$0x3FB8]  }
0x3d: {  	_ =	shalt  }
0x3e: {  	_ =	shalt  }
0x3f: {  	_ =	shalt  }
0x40: {  	_ =	shalt  }
0x41: {  	_ =	shalt  }
0x42: {  	_ =	shalt  }
0x43: {  	_ =	shalt  }
0x44: {  	_ =	shalt  }
0x45: {  	_ =	shalt  }
0x46: {  	_ =	shalt  }
0x47: {  	_ =	shalt  }
0x48: {  	_ =	shalt  }
0x49: {  	_ =	shalt  }
0x4a: {  	_ =	shalt  }
0x4b: {  	_ =	shalt  }
0x4c: {  	_ =	shalt  }
0x4d: {  	_ =	shalt  }
0x4e: {  	_ =	shalt  }
0x4f: {  	_ =	shalt  }
0x50: {  	_ =	shalt  }
0x51: {  	_ =	shalt  }
0x52: {  	_ =	shalt  }
0x53: {  	_ =	shalt  }
0x54: {  	_ =	shalt  }
0x55: {  	_ =	shalt  }
0x56: {  	_ =	shalt  }
0x57: {  	_ =	shalt  }
0x58: {  	_ =	shalt  }
0x59: {  	_ =	shalt  }
0x5a: {  	_ =	shalt  }
0x5b: {  	_ =	shalt  }
0x5c: {  	_ =	shalt  }
0x5d: {  	_ =	shalt  }
0x5e: {  	_ =	shalt  }
0x5f: {  	_ =	shalt  }
0x60: {  	_ =	shalt  }
0x61: {  	_ =	shalt  }
0x62: {  	_ =	shalt  }
0x63: {  	_ =	shalt  }
0x64: {  	_ =	shalt  }
0x65: {  	_ =	shalt  }
0x66: {  	_ =	shalt  }
0x67: {  	_ =	shalt  }
0x68: {  	_ =	shalt  }
0x69: {  	_ =	shalt  }
0x6a: {  	_ =	shalt  }
0x6b: {  	_ =	shalt  }
0x6c: {  	_ =	shalt  }
0x6d: {  	_ =	shalt  }
0x6e: {  	_ =	shalt  }
0x6f: {  	_ =	shalt  }
0x70: {  	_ =	shalt  }
0x71: {  	_ =	shalt  }
0x72: {  	_ =	shalt  }
0x73: {  	_ =	shalt  }
0x74: {  	_ =	shalt  }
0x75: {  	_ =	shalt  }
0x76: {  	_ =	shalt  }
0x77: {  	_ =	shalt  }
0x78: {  	_ =	shalt  }
0x79: {  	_ =	shalt  }
0x7a: {  	_ =	shalt  }
0x7b: {  	_ =	shalt  }
0x7c: {  	_ =	shalt  }
0x7d: {  	_ =	shalt  }
0x7e: {  	_ =	shalt  }
0x7f: {  	_ =	shalt  }
0x80: {  	_ =	shalt  }
0x81: {  	_ =	shalt  }
0x82: {  	_ =	shalt  }
0x83: {  	_ =	shalt  }
0x84: {  	_ =	shalt  }
0x85: {  	_ =	shalt  }
0x86: {  	_ =	shalt  }
0x87: {  	_ =	shalt  }
.Lfunc_end0:
.L_simem_size_0:
called_computation.4_lowered:
.L_overlay_start_0:
0x88: {  	s2 =	sld [smem:$0x3FD9]  }
0x89: {  	s3 =	sld [smem:$0x3FFE];
	_ =	sdelay $0x1  }
0x8a: {  	s1 =	srdreg.scid  }
0x8b: {  	s0 =	sand.u32 $0x1, s1  }
0x8c: {  	s17 =	sshll.u32 s0, $0xA;
	s2 =	sadd.s32 s3, s2  }
0x8d: {  	s2 =	sadd.s32 s2, s17  }
0x8e: {  	[smem:$0x3FC4] =	sst s2  }
0x8f: {  	_ = 	snop  }
0x90: {  	(tm) =	ssettm $0x1  }
0x91: {  	s18 =	sld [smem:$0x3FFB];
	_ =	sdelay $0x3  }
0x92: {  	_ =	strace s18  }
0x93: {  	s2 =	sld [smem:$0x3FFC];
	_ =	sdelay $0x3  }
0x94: {  	_ =	strace s2  }
0x95: {  	s2 =	sld [smem:$0x3FFD];
	_ =	sdelay $0x3  }
0x96: {  	_ =	strace s2  }
0x97: {  	_ =	strace $0x8FFFFFFF  }
0x98: {  	s19 =	sld [smem:$0x3FDB];
	_ =	sdelay $0x1  }
0x99: {  	s20 =	simm.s32 $_scs_section_size  }
0x9a: {  	s4 =	simm.s32 $_size__tile_overlayer_lowered;
	s5 =	simm.s32 $_tile_overlayer_lowered  }
0x9b: {  	s6 =	simm.s32 $0x1BFF;
	s21 =	sshll.u32 s5, $0x1;
	s3 =	sadd.s32 s20, s19  }
0x9c: {  	s22 =	simm.s32 $0x0;
	s4 =	sshll.u32 s4, $0x1;
	s5 =	sadd.s32 s21, s3  }
0x9d: {  	[timem:s22], [sflag:s6] =	dma.local [hbm:s5], s4  }
0x9e: {  	_ =	swait.ge [sflag:s6], s4  }
0x9f: {  	s4 =	ssub.s32 $0x0, s4;
	[sflag:s6] =	ssyncset.done $0x0  }
0xa0: {  	[sflag:s6] =	ssyncadd.s32 s4;
	_ =	sdelay $0x1  }
0xa1: {  	s23 =	simm.s32 $0x1B8B  }
0xa2: {  	_ =	swait.ge [sflag:s23], $0x1  }
0xa3: {  	[sflag:s23] =	ssyncset.done $0x0  }
0xa4: {  	[sflag:s23] =	ssyncadd.s32 $0xFFFFFFFF  }
0xa5: {  	s4 =	sld [smem:$0x0]  }
0xa6: {  	s5 =	sand.u32 $0xFFFFFFFE, s1  }
0xa7: {  	p0 =	sne.s32 s1, s5  }
0xa8: {  	s5 =	sshll.u32 @p0 s5, $0xE  }
0xa9: {  	s5 =	sadd.s32 @p0 $0x11B8D, s5;
	s6 =	sshll.u32 @p0 s4, $0x11  }
0xaa: {  	s5 =	sor.u32 @p0 s6, s5  }
0xab: {  	[sflag:s5] =	ssyncadd.remote.s32 @p0 $0x1;
	_ =	sdelay $0x1  }
0xac: {  	s5 =	simm.s32 @p0 $0x1B8D  }
0xad: {  	_ =	swait.eq @p0 [sflag:s5], $0x1  }
0xae: {  	[sflag:s5] =	ssyncadd.s32 @p0 $0xFFFFFFFF  }
0xaf: {  	s6 =	sshll.u32 @!p0 s1, $0xE  }
0xb0: {  	s6 =	sor.u32 @!p0 $0x4000, s6;
	s5 =	simm.s32 @!p0 $0x1B8D  }
0xb1: {  	s4 =	sshll.u32 @!p0 s4, $0x11;
	s6 =	sadd.s32 @!p0 $0x11B8D, s6;
	_ =	swait.eq @!p0 [sflag:s5], $0x1  }
0xb2: {  	s4 =	sor.u32 @!p0 s4, s6;
	[sflag:s5] =	ssyncadd.s32 @!p0 $0xFFFFFFFF  }
0xb3: {  	s25 =	simm.s32 $0x1B8E;
	s24 =	sld [smem:$0x3FFE];
	[sflag:s4] =	ssyncadd.remote.s32 @!p0 $0x1  }
0xb4: {  	s26 =	simm.s32 $execute0_lowered;
	[smem:$0x3FD2] =	sst s25  }
0xb5: {  	s5 =	sshll.u32 s26, $0x1;
	_ =	strace $0x80000052;
	[dreg:$0x1] =	wrdreg $0xFFFFFFFF  }
0xb6: {  	s28 =	simm.s32 $_size_execute0_lowered;
	s3 =	sadd.s32 s3, s5;
	[dreg:$0x0] =	wrdreg $0x0  }
0xb7: {  	s5 =	sshll.u32 s28, $0x1;
	[dreg:$0x2] =	wrdreg s3  }
0xb8: {  	[dreg:$0x3] =	wrdreg s5  }
0xb9: {  	[dreg:$0x4] =	wrdreg $0xC0  }
0xba: {  	_ =	task [dreg:s22], $0x5FFFF  }
0xbb: {  	[dreg:$0x1] =	wrdreg $0xFFFFFFFF  }
0xbc: {  	[dreg:$0x0] =	wrdreg $0x60  }
0xbd: {  	[dreg:$0x2] =	wrdreg s24  }
0xbe: {  	[dreg:$0x3] =	wrdreg $0xD  }
0xbf: {  	_ =	task.clear_ibuf [dreg:s22], $0x4FFFF;
	_ =	strace $0x90000052  }
0xc0: {  	s29 =	simm.s32 $0xD;
	_ =	strace $0x80000054  }
0xc1: {  	_ =	swait.ge [sflag:s29], $0x1  }
0xc2: {  	[sflag:s29] =	ssyncadd.s32 $0xFFFFFFFF  }
0xc3: {  	_ =	strace $0x90000054  }
0xc4: {  	_ =	sfence  }
0xc5: {  	s30 =	sld [smem:$0x0];
	_ =	sdelay $0x2  }
0xc6: {  	s31 =	sshll.u32 s1, $0xD;
	s1 =	sshrl.u32 s1, $0x2  }
0xc7: {  	s4 =	sand.u32 $0x4000, s31;
	s1 =	sadd.s32 s1, s30  }
0xc8: {  	s0 =	sor.u32 s4, s0;
	s1 =	sshll.u32 s1, $0x11  }
0xc9: {  	s0 =	sor.u32 s1, s0  }
0xca: {  	s0 =	sadd.s32 $0x8F2B, s0  }
0xcb: {  	[sflag:s0] =	ssyncadd.remote.s32 $0x1  }
0xcc: {  	_ =	sfence.sel $0xFFFF  }
0xcd: {  	[dreg:$0x0] =	wrdreg $0xFFFFFFFF;
	(pc) =	sbr.abs _section_cstart, $3  }
0xce: {  	[dreg:$0x1] =	wrdreg $0xFFFFFFFF  }
0xcf: {  	_ =	task.clear_ibuf [dreg:s22], $0x2FFFF;
	_ =	strace $0x9FFFFFFF  }
0xd0: {  	(tm) =	ssettm $0x7FFFFFFF  }
0xd1: {  	_ =	shalt  }
tec
execute0_lowered:
.L_overlay_start_1:
0x0: {  	(tag) =	ssettag $0x1  }
0x1: {  	s1 =	srdreg.scid  }
0x2: {  	s0 =	stileid.u32;
	s4 =	rddreg [dreg:$0x0]  }
0x3: {  	s2 =	simm.s32 $0x0;
	s14 =	simm.s32 $0x1;
	s15 =	simm.s32 $0x2  }
0x4: {  	s16 =	simm.s32 $0x3;
	s17 =	simm.s32 $0x4;
	s11 =	smul.u32 $0x2800, s0  }
0x5: {  	s18 =	simm.s32 $0x0;
	s6 =	sand.u32 $0x1, s1;
	s28 =	smul.u32 $0x14000, s0  }
0x6: {  	s3 =	sshll.u32 s0, $0x1;
	s1 =	rddreg [dreg:$0x1];
	s13 =	smul.u32 $0xA000, s6  }
0x7: {  	[smem:$0x7FF] =	sst s2;
	s5 =	sor.u32 s6, s3;
	s30 =	smul.u32 $0x1400, s6  }
0x8: {  	s12 =	sadd.s32 $0xA7600, s4;
	_ =	strace $0x80000053;
	s7 =	smul.u32 $0xA0, s5  }
0x9: {  	s3 =	sadd.s32 $0x1600, s4;
	s9 =	ssub.s32 $0x2, s6;
	s8 =	smul.u32 $0xA000, s5  }
0xa: {  	s10 =	smul.u32 $0x1400, s5;
	s26 =	sshrl.u32 s9, $0x1;
	s31 =	sadd.s32 s11, s12  }
0xb: {  	s11 =	simm.s32 $0x40;
	s25 =	sadd.s32 s7, s4;
	s7 =	ssub.s32 s9, s26  }
0xc: {  	s8 =	sshrl.u32 s8, $0x3;
	s9 =	sadd.s32 s13, s28;
	s10 =	sadd.s32 s10, s12  }
0xd: {  	s13 =	simm.s32 $0xD00;
	s4 =	sadd.s32 $0xA6200, s25;
	s5 =	smax.u32 s7, $0x1  }
0xe: {  	s29 =	sadd.s32 s12, s8;
	s8 =	sadd.s32 s30, s31;
	s9 =	sshrl.u32 s9, $0x3  }
0xf: {  	s7 =	sadd.s32 $0x1300, s10;
	s10 =	simm.s32 $0x5;
	s6 =	sadd.s32 $0x1200, s29  }
0x10: {  	s8 =	sadd.s32 $0x100, s8;
	s9 =	sadd.s32 s9, s12;
	s12 =	simm.s32 $0x500  }
.LBB2_1:
0x11: {  	[tilespmem:s2], [sflag:$0x5] =	stream.linear.gather [hbm4b:s4+s2], $0x500, $0x38;
	[tilespmem:$0x1500] =	vst v63  }
0x12: {  	_ =	swait.ge [sflag:s10], $0x500  }
0x13: {  	[sflag:s10] =	ssyncset.done $0x0  }
0x14: {  	[sflag:s10] =	ssyncadd.s32 $0xFFFFFB00  }
0x15: {  	[tilespmem:s12], [sflag:$0x1] =	stream.indirect.gather [hbm4b:s3+s11], $0x20, s2, s11, $0xb8;
	[tilespmem:$0x1500] =	vst v63  }
0x16: {  	_ = 	snop  }
0x17: {  	[tilespmem:s13], [sflag:$0x2] =	stream.indirect.gather [hbm4b:s3+s11], $0x20, s11, s11, $0xb8;
	[tilespmem:$0x1500] =	vst v63  }
0x18: {  	_ =	swait.ge [sflag:s14], $0x800  }
0x19: {  	[sflag:s14] =	ssyncset.done $0x0  }
0x1a: {  	s19 =	sadd.s32 $0x0, s9;
	[sflag:s14] =	ssyncadd.s32 $0xFFFFF800  }
0x1b: {  	[hbm4b:s19+s2] =	stream.linear.scatter [tilespmem:s12], [sflag:$0x3], $0x800, $0x38;
	[tilespmem:$0x1500] =	vst v63  }
0x1c: {  	_ =	swait.ge [sflag:s15], $0x800  }
0x1d: {  	[sflag:s15] =	ssyncset.done $0x0  }
0x1e: {  	s30 =	sadd.s32 $0x0, s8;
	[sflag:s15] =	ssyncadd.s32 $0xFFFFF800  }
0x1f: {  	[hbm4b:s30+s2] =	stream.linear.scatter [tilespmem:s13], [sflag:$0x4], $0x800, $0x38;
	[tilespmem:$0x1500] =	vst v63  }
0x20: {  	_ =	swait.ge [sflag:s16], $0x800  }
0x21: {  	[sflag:s16] =	ssyncset.done $0x0  }
0x22: {  	s31 =	simm.s32 $0x80;
	[sflag:s16] =	ssyncadd.s32 $0xFFFFF800  }
0x23: {  	[tilespmem:s12], [sflag:$0x1] =	stream.indirect.gather [hbm4b:s3+s11], $0x20, s31, s11, $0xb8;
	[tilespmem:$0x1500] =	vst v63  }
0x24: {  	_ =	swait.ge [sflag:s17], $0x800  }
0x25: {  	[sflag:s17] =	ssyncset.done $0x0  }
0x26: {  	s20 =	simm.s32 $0xC0;
	s19 =	simm.s32 $0x200;
	[sflag:s17] =	ssyncadd.s32 $0xFFFFF800  }
.LBB2_2:
0x27: {  	[tilespmem:s13], [sflag:$0x2] =	stream.indirect.gather [hbm4b:s3+s11], $0x20, s20, s11, $0xb8;
	[tilespmem:$0x1500] =	vst v63  }
0x28: {  	s20 =	smov.u32 s19  }
0x29: {  	p0 =	sne.s32 s19, $0x1000;
	s19 =	sadd.s32 $0x200, s19;
	_ =	swait.ge [sflag:s14], $0x800  }
0x2a: {  	[sflag:s14] =	ssyncset.done $0x0  }
0x2b: {  	s21 =	sadd.s32 s20, s9;
	[sflag:s14] =	ssyncadd.s32 $0xFFFFF800  }
0x2c: {  	[hbm4b:s21+s2] =	stream.linear.scatter [tilespmem:s12], [sflag:$0x3], $0x800, $0x38;
	[tilespmem:$0x1500] =	vst v63  }
0x2d: {  	_ =	swait.ge [sflag:s15], $0x800  }
0x2e: {  	[sflag:s15] =	ssyncset.done $0x0  }
0x2f: {  	s21 =	sadd.s32 s20, s8;
	[sflag:s15] =	ssyncadd.s32 $0xFFFFF800  }
0x30: {  	[hbm4b:s21+s2] =	stream.linear.scatter [tilespmem:s13], [sflag:$0x4], $0x800, $0x38;
	[tilespmem:$0x1500] =	vst v63  }
0x31: {  	_ =	swait.ge [sflag:s16], $0x800  }
0x32: {  	s20 =	sshra.s32 s20, $0x2;
	[sflag:s16] =	ssyncset.done $0x0  }
.Ltmp0:
0x33: {  	s21 =	sadd.s32 $0x80, s20;
	[sflag:s16] =	ssyncadd.s32 $0xFFFFF800;
	(pc) =	sbr.rel @p0 .LBB2_2-.Ltmp0, $4  }
0x34: {  	[tilespmem:s12], [sflag:$0x1] =	stream.indirect.gather [hbm4b:s3+s11], $0x20, s21, s11, $0xb8;
	[tilespmem:$0x1500] =	vst v63  }
0x35: {  	_ =	swait.ge [sflag:s17], $0x800  }
0x36: {  	[sflag:s17] =	ssyncset.done $0x0  }
0x37: {  	s20 =	sadd.s32 $0xC0, s20;
	[sflag:s17] =	ssyncadd.s32 $0xFFFFF800  }
0x38: {  	[tilespmem:s13], [sflag:$0x2] =	stream.indirect.gather [hbm4b:s3+s11], $0x20, s20, s11, $0xb8;
	[tilespmem:$0x1500] =	vst v63  }
0x39: {  	_ =	swait.ge [sflag:s14], $0x800  }
0x3a: {  	[sflag:s14] =	ssyncset.done $0x0  }
0x3b: {  	[sflag:s14] =	ssyncadd.s32 $0xFFFFF800  }
0x3c: {  	[hbm4b:s6+s2] =	stream.linear.scatter [tilespmem:s12], [sflag:$0x3], $0x800, $0x38;
	[tilespmem:$0x1500] =	vst v63  }
0x3d: {  	_ =	swait.ge [sflag:s15], $0x800  }
0x3e: {  	[sflag:s15] =	ssyncset.done $0x0  }
0x3f: {  	s18 =	sadd.s32 $0x1, s18;
	[sflag:s15] =	ssyncadd.s32 $0xFFFFF800  }
0x40: {  	[hbm4b:s7+s2] =	stream.linear.scatter [tilespmem:s13], [sflag:$0x4], $0x800, $0x38;
	[tilespmem:$0x1500] =	vst v63  }
0x41: {  	p0 =	sne.s32 s18, s5;
	_ =	swait.ge [sflag:s16], $0x800  }
.Ltmp1:
0x42: {  	[sflag:s16] =	ssyncset.done $0x0;
	(pc) =	sbr.rel @p0 .LBB2_1-.Ltmp1, $4  }
0x43: {  	[sflag:s16] =	ssyncadd.s32 $0xFFFFF800  }
0x44: {  	_ =	swait.ge [sflag:s17], $0x800  }
0x45: {  	[sflag:s17] =	ssyncset.done $0x0  }
0x46: {  	[sflag:s17] =	ssyncadd.s32 $0xFFFFF800  }
0x47: {  	_ =	sfence.sel $0x180000  }
0x48: {  	[bflag:$0x0] =	sbarrier.arrive $0xFFFF  }
0x49: {  	p0 =	sne.s32 s0, $0x0;
	_ =	strace $0x90000053  }
0x4a: {  	s0 =	sadd.s32 @!p0 $0x100000, s1;
	[bflag:$0x2] =	sbarrier.arrive $0xFFFF  }
0x4b: {  	[sflag:s0] =	ssyncadd.tile.s32 @!p0 $0x1;
	_ =	shalt  }
.Lfunc_end2:
_tile_overlayer_lowered:
.L_overlay_start_2:
0x4c: {  	(tag) =	ssettag $0x2  }
0x4d: {  	s0 =	rddreg [dreg:$0x0];
	s2 =	stileid.u32  }
0x4e: {  	s1 =	rddreg [dreg:$0x1];
	p0 =	sne.s32 s2, $0x0  }
0x4f: {  	s3 =	rddreg [dreg:$0x2];
	[bflag:$0x3] =	sbarrier.arrive $0xFFFF;
	s2 =	simm.s32 @!p0 $0x1C05  }
0x50: {  	[timem:s3], [sflag:s2] =	dma.local @!p0 [hbm:s0], s1  }
0x51: {  	s0 =	simm.s32 @!p0 $0x5  }
0x52: {  	_ =	swait.ge @!p0 [sflag:s0], s1  }
0x53: {  	s1 =	ssub.s32 @!p0 $0x0, s1;
	[sflag:s0] =	ssyncset.done @!p0 $0x0  }
0x54: {  	[sflag:s0] =	ssyncadd.s32 @!p0 s1  }
0x55: {  	[bflag:$0x3] =	sbarrier.arrive $0xFFFF  }
0x56: {  	_ =	shalt  }

</sc_bundles>
